<compile_context>
chip_gen: v7x
topology: tpu7x:2x2x1
jax: 0.10.2.dev20260603
libtpu: 0.0.44.dev20260713+nightly
codegen_flags: <defaults>
</compile_context>

<pallas_src>
import functools

import jax
import jax.numpy as jnp
import numpy as np
from jax import lax
from jax.experimental import pallas as pl
from jax.experimental.pallas import tpu as pltpu
from jax.experimental.pallas import tpu_sc as plsc

N = 4096
K = 128
LANES = 16
NC, NS = 2, 16
NW = NC * NS
ROWS_PER_W = N // NW
G = 8
NGROUPS = ROWS_PER_W // G
STRIDE = N + 2 * LANES
STEPS = N // 2
UNROLL = 8
HBINS = 257

_SIGN = np.uint32(0x80000000)


def _sc_body(s_hbm, tot_hbm, diag_hbm, stag, buf, hist_c, tmp16,
             tot_res, diag_res, sem):
    wid = lax.axis_index("s") * NC + lax.axis_index("c")
    row0 = wid * ROWS_PER_W
    lane_iota = lax.iota(jnp.int32, LANES)
    i8 = lane_iota & 7
    half = lane_iota >> 3
    ones_i = jnp.ones((LANES,), jnp.int32)
    zeros_i = jnp.zeros((LANES,), jnp.int32)
    zeros_f = jnp.zeros((LANES,), jnp.float32)
    hscat = lane_iota * HBINS
    hbase = i8 * HBINS
    hbase2 = (i8 + 8) * HBINS
    idx0 = i8 * (STRIDE + 2) + half

    def do_pair(jj, _):
      for p in range(2):
        g = jj * 2 + p
        base_row = row0 + g * G

        pltpu.make_async_copy(s_hbm.at[pl.ds(base_row, G)], stag.at[p],
                              sem).wait()
        nxt = jnp.minimum(base_row + G, N - G)
        pltpu.async_copy(s_hbm.at[pl.ds(nxt, G)], stag.at[1 - p], sem)

        dval = plsc.load_gather(stag, [jnp.zeros((LANES,), jnp.int32) + p,
                                       i8, i8 + base_row])
        ediag = jnp.exp(dval)

        for l in range(G):
            grow = base_row + l

            @plsc.parallel_loop(0, N // LANES, unroll=UNROLL)
            def _prep(j, l=l, grow=grow, p=p):
                c0 = j * LANES
                col = lane_iota + c0
                v = stag[p, l, pl.ds(c0, LANES)]
                isdiag = col == grow
                b = lax.bitcast_convert_type(v, jnp.uint32)
                u = jnp.where(b >= _SIGN, ~b, b | _SIGN)
                u = jnp.where(isdiag, jnp.uint32(0), u)
                buf[pl.ds(l * STRIDE + c0, LANES)] = lax.bitcast_convert_type(
                    u, jnp.float32)

        for l in range(1, G):
            fu = buf[pl.ds(l * STRIDE, LANES)]
            plsc.store_scatter(buf, [lane_iota + (l * STRIDE + N)], fu,
                               mask=lane_iota < 2 * l)

        prefix = jnp.zeros((LANES,), jnp.uint32)
        k_rem = jnp.full((LANES,), K, jnp.int32)

        for lvl in range(4):
            shift = np.uint32(24 - 8 * lvl)
            upper = np.uint32(0xFFFFFFFF) ^ np.uint32(
                (1 << (32 - 8 * lvl)) - 1)

            @plsc.parallel_loop(0, (LANES * HBINS) // LANES, unroll=8)
            def _zh(i):
                hist_c[pl.ds(i * LANES, LANES)] = zeros_i

            @plsc.parallel_loop(0, STEPS, unroll=UNROLL)
            def _hist(j, prefix=prefix, upper=upper, shift=shift, lvl=lvl):
                idx = idx0 + 2 * j
                u = lax.bitcast_convert_type(
                    plsc.load_gather(buf, [idx]), jnp.uint32)
                byte = lax.shift_right_logical(u, shift) & jnp.uint32(0xFF)
                hidx = hscat + byte.astype(jnp.int32)
                if lvl == 0:
                    plsc.addupdate_scatter(hist_c, [hidx], ones_i)
                else:
                    act = (u & upper) == prefix
                    plsc.addupdate_scatter(hist_c, [hidx], ones_i, mask=act)

            @plsc.parallel_loop(
                0, 256, unroll=4,
                carry=(zeros_i, zeros_i, zeros_i,
                       jnp.zeros((LANES,), jnp.bool_)))
            def _scan(i, carry):
                acc_c, B, gt, done = carry
                b = 255 - i
                h = (plsc.load_gather(hist_c, [hbase + b])
                     + plsc.load_gather(hist_c, [hbase2 + b]))
                acc_c = acc_c + h
                crossed = acc_c >= k_rem
                newly = jnp.logical_and(crossed, jnp.logical_not(done))
                B = jnp.where(newly, b, B)
                gt = jnp.where(newly, acc_c - h, gt)
                done = jnp.logical_or(done, crossed)
                return acc_c, B, gt, done

            _, B, gt, _ = _scan

            prefix = prefix | lax.shift_left(
                B.astype(jnp.uint32), shift)
            k_rem = k_rem - gt

        @plsc.parallel_loop(0, STEPS, unroll=UNROLL, carry=zeros_f)
        def _fsum(j, acc):
            idx = idx0 + 2 * j
            u = lax.bitcast_convert_type(
                plsc.load_gather(buf, [idx]), jnp.uint32)
            m = u > prefix
            bits = jnp.where(u >= _SIGN, u & ~_SIGN, ~u)
            e = jnp.exp(lax.bitcast_convert_type(bits, jnp.float32))
            return acc + jnp.where(m, e, 0.0)

        tmp16[pl.ds(0, LANES)] = _fsum
        s_total = (plsc.load_gather(tmp16, [i8])
                   + plsc.load_gather(tmp16, [i8 + 8]))

        t_bits = jnp.where(prefix >= _SIGN, prefix & ~_SIGN, ~prefix)
        t_val = lax.bitcast_convert_type(t_bits, jnp.float32)
        neg = s_total + k_rem.astype(jnp.float32) * jnp.exp(t_val)
        total = neg + ediag

        out_idx = i8 + g * G
        m8 = lane_iota < 8
        plsc.store_scatter(tot_res, [out_idx], total, mask=m8)
        plsc.store_scatter(diag_res, [out_idx], dval, mask=m8)
      return 0

    pltpu.async_copy(s_hbm.at[pl.ds(row0, G)], stag.at[0], sem)
    lax.fori_loop(0, NGROUPS // 2, do_pair, 0, unroll=False)
    pltpu.make_async_copy(s_hbm.at[pl.ds(N - G, G)], stag.at[1],
                          sem).wait()
    pltpu.sync_copy(tot_res, tot_hbm.at[pl.ds(row0, ROWS_PER_W)])
    pltpu.sync_copy(diag_res, diag_hbm.at[pl.ds(row0, ROWS_PER_W)])


@jax.jit
def _sc_select(s):
    mesh = plsc.VectorSubcoreMesh(core_axis_name="c", subcore_axis_name="s",
                                  num_cores=NC, num_subcores=NS)
    return pl.kernel(
        _sc_body,
        out_type=[
            jax.ShapeDtypeStruct((N,), jnp.float32),
            jax.ShapeDtypeStruct((N,), jnp.float32),
        ],
        mesh=mesh,
        compiler_params=pltpu.CompilerParams(needs_layout_passes=False),
        scratch_types=[
            pltpu.VMEM((2, G, N), jnp.float32),
            pltpu.VMEM((G * STRIDE,), jnp.float32),
            pltpu.VMEM((LANES * HBINS,), jnp.int32),
            pltpu.VMEM((LANES,), jnp.float32),
            pltpu.VMEM((ROWS_PER_W,), jnp.float32),
            pltpu.VMEM((ROWS_PER_W,), jnp.float32),
            pltpu.SemaphoreType.DMA,
        ],
    )(s)


def _finish_body(tot_ref, diag_ref, out_ref):
    out_ref[0, 0] = jnp.mean(jnp.log(tot_ref[...]) - diag_ref[...])


@jax.jit
def _tc_finish(tot, diag):
    return pl.pallas_call(
        _finish_body,
        out_shape=jax.ShapeDtypeStruct((1, 1), jnp.float32),
        out_specs=pl.BlockSpec(memory_space=pltpu.SMEM),
    )(tot, diag)


def kernel(s):
    tot, diag = _sc_select(s)
    out = _tc_finish(tot.reshape(32, ROWS_PER_W), diag.reshape(32, ROWS_PER_W))
    return out[0, 0]

# --- scband reference (transcript-rebuilt; emitter-appended) ---
"""Pipeline reference for scband-triplet-softmax-loss-71133248356681 (READ-ONLY COPY).

The authoritative reference and input builder live on the scoring server;
editing this copy changes nothing except your own understanding.
"""

import jax, jax.numpy as jnp
import numpy as np

N = 4096
N_NEG = 128
MARGIN = 0.2
EPS = 1e-08


def _off_diag_cols(n):
    # For row i, columns [0..i-1, i+1..n-1] in original (row-major nonzero) order,
    # matching torch's p.neg().add(1).nonzero() ordering.
    j = np.arange(n - 1)[None, :]
    i = np.arange(n)[:, None]
    return j + (j >= i)


def setup_inputs(seed: int = 0) -> dict:
    key = jax.random.key(seed)
    s = jax.random.normal(key, (N, N), dtype=jnp.float32)
    return {"s": s}


def reference(s):
    n1, n2 = s.shape
    assert n1 == n2
    n = n1
    assert N_NEG <= n - 1
    s_exp = jnp.exp(s)
    # positive pairs: diagonal elements
    pos_s = jnp.diagonal(s_exp)
    # negative pairs: off-diagonal elements, reshaped to [N, N-1]
    neg_cols = jnp.asarray(_off_diag_cols(n), dtype=jnp.int32)
    neg_s = jnp.take_along_axis(s_exp, neg_cols, axis=1)
    # hardest n_neg negatives per row (sum is order-invariant, matching sorted=False)
    neg_top, _ = jax.lax.top_k(neg_s, N_NEG)
    neg_sum = jnp.sum(neg_top, axis=1)
    loss = -jnp.log(pos_s / (pos_s + neg_sum))
    return jnp.mean(loss)

if __name__ == "__main__":
    import jax
    _d = setup_inputs()
    print(jax.jit(kernel)(*tuple(_d.values())))

</pallas_src>

<mosaic_0001>
#map = affine_map<(d0, d1) -> (0, 0)>
#map1 = affine_map<(d0, d1) -> (0)>
module attributes {stable_mosaic.version = 14 : i64} {
  func.func @_sc_body(%arg0: i32, %arg1: i32, %arg2: memref<4096x4096xf32, #tpu.memory_space<hbm>>, %arg3: memref<4096xf32, #tpu.memory_space<hbm>>, %arg4: memref<4096xf32, #tpu.memory_space<hbm>>, %arg5: memref<2x8x4096xf32, #tpu.memory_space<vmem>>, %arg6: memref<33024xf32, #tpu.memory_space<vmem>>, %arg7: memref<4112xi32, #tpu.memory_space<vmem>>, %arg8: memref<16xf32, #tpu.memory_space<vmem>>, %arg9: memref<128xf32, #tpu.memory_space<vmem>>, %arg10: memref<128xf32, #tpu.memory_space<vmem>>, %arg11: memref<!tpu.dma_semaphore, #tpu.memory_space<semaphore_mem>>) attributes {dimension_semantics = [#tpu.dimension_semantics<core_parallel>, #tpu.dimension_semantics<subcore_parallel>], iteration_bounds = array<i64: 2, 16>, scalar_prefetch = 0 : i64, scratch_operands = 7 : i64, tpu.core_type = #tpu.core_type<sc_vector_subcore>, window_params = [{transform_indices = #map}, {transform_indices = #map1}, {transform_indices = #map1}]} {
    %mul3A = arith.constant 2 : i32
    %mul3A_0 = arith.muli %arg1, %mul3A : i32
    %add3A = arith.addi %mul3A_0, %arg0 : i32
    %mul3A_1 = arith.constant 128 : i32
    %mul3A_2 = arith.muli %add3A, %mul3A_1 : i32
    %iota3A = tpu.iota {dimensions = array<i32: 0>} : vector<16xi32>
    %and3A = arith.constant 7 : i32
    %and3A_3 = vector.broadcast %and3A : i32 to vector<16xi32>
    %and3A_4 = arith.andi %iota3A, %and3A_3 : vector<16xi32>
    %shift_right_arithmetic3A = arith.constant 3 : i32
    %shift_right_arithmetic3A_5 = vector.broadcast %shift_right_arithmetic3A : i32 to vector<16xi32>
    %shift_right_arithmetic3A_6 = arith.shrsi %iota3A, %shift_right_arithmetic3A_5 : vector<16xi32>
    %broadcast_in_dim3A = arith.constant 1 : i32
    %broadcast_in_dim3A_7 = vector.broadcast %broadcast_in_dim3A : i32 to vector<16xi32>
    %broadcast_in_dim3A_8 = arith.constant 0 : i32
    %broadcast_in_dim3A_9 = vector.broadcast %broadcast_in_dim3A_8 : i32 to vector<16xi32>
    %broadcast_in_dim3A_10 = arith.constant 0.000000e+00 : f32
    %broadcast_in_dim3A_11 = vector.broadcast %broadcast_in_dim3A_10 : f32 to vector<16xf32>
    %mul3A_12 = arith.constant 257 : i32
    %mul3A_13 = vector.broadcast %mul3A_12 : i32 to vector<16xi32>
    %mul3A_14 = arith.muli %iota3A, %mul3A_13 : vector<16xi32>
    %mul3A_15 = arith.constant 257 : i32
    %mul3A_16 = vector.broadcast %mul3A_15 : i32 to vector<16xi32>
    %mul3A_17 = arith.muli %and3A_4, %mul3A_16 : vector<16xi32>
    %add3A_18 = arith.constant 8 : i32
    %add3A_19 = vector.broadcast %add3A_18 : i32 to vector<16xi32>
    %add3A_20 = arith.addi %and3A_4, %add3A_19 : vector<16xi32>
    %mul3A_21 = arith.constant 257 : i32
    %mul3A_22 = vector.broadcast %mul3A_21 : i32 to vector<16xi32>
    %mul3A_23 = arith.muli %add3A_20, %mul3A_22 : vector<16xi32>
    %mul3A_24 = arith.constant 4130 : i32
    %mul3A_25 = vector.broadcast %mul3A_24 : i32 to vector<16xi32>
    %mul3A_26 = arith.muli %and3A_4, %mul3A_25 : vector<16xi32>
    %add3A_27 = arith.addi %mul3A_26, %shift_right_arithmetic3A_6 : vector<16xi32>
    %dma_start3A = arith.constant 0 : i32
    %dma_start3A_28 = arith.constant 0 : i32
    %dma_start3A_29 = arith.constant 0 : i32
    %dma_start3A_30 = tpu.memref_slice %arg5[%dma_start3A, %dma_start3A_28, %dma_start3A_29] : memref<2x8x4096xf32, #tpu.memory_space<vmem>> -> memref<1x8x4096xf32, #tpu.memory_space<vmem>>
    %dma_start3A_31 = tpu.memref_squeeze %dma_start3A_30 : memref<1x8x4096xf32, #tpu.memory_space<vmem>> -> memref<8x4096xf32, #tpu.memory_space<vmem>>
    %dma_start3A_32 = arith.constant 0 : i32
    %dma_start3A_33 = tpu.memref_slice %arg2[%mul3A_2, %dma_start3A_32] : memref<4096x4096xf32, #tpu.memory_space<hbm>> -> memref<8x4096xf32, #tpu.memory_space<hbm>>
    %dma_start3A_34 = arith.constant 0 : i32
    %dma_start3A_35 = arith.constant 0 : i32
    %dma_start3A_36 = tpu.memref_slice %arg5[%dma_start3A, %dma_start3A_34, %dma_start3A_35] : memref<2x8x4096xf32, #tpu.memory_space<vmem>> -> memref<1x8x4096xf32, #tpu.memory_space<vmem>>
    %dma_start3A_37 = tpu.memref_squeeze %dma_start3A_36 : memref<1x8x4096xf32, #tpu.memory_space<vmem>> -> memref<8x4096xf32, #tpu.memory_space<vmem>>
    %dma_start3A_38 = arith.constant 0 : i32
    %dma_start3A_39 = tpu.memref_slice %arg2[%mul3A_2, %dma_start3A_38] : memref<4096x4096xf32, #tpu.memory_space<hbm>> -> memref<8x4096xf32, #tpu.memory_space<hbm>>
    tpu.enqueue_dma source(%dma_start3A_39 : memref<8x4096xf32, #tpu.memory_space<hbm>>) target(%dma_start3A_37 : memref<8x4096xf32, #tpu.memory_space<vmem>>) target_semaphore(%arg11 : memref<!tpu.dma_semaphore, #tpu.memory_space<semaphore_mem>>)
    %scan3A = arith.constant 0 : i32
    %scan3A_40 = arith.constant 0 : i32
    %scan3A_41 = arith.constant 8 : i32
    %scan3A_42 = arith.addi %scan3A_40, %scan3A_41 : i32
    %scan3A_43 = arith.constant 1 : i32
    %scan3A_44 = scf.for %scan3A_60 = %scan3A_40 to %scan3A_42 step %scan3A_43 iter_args(%scan3A_61 = %scan3A) -> (i32)  : i32 {
      %mul3A_62 = arith.constant 2 : i32
      %mul3A_63 = arith.muli %scan3A_60, %mul3A_62 : i32
      %add3A_64 = arith.constant 0 : i32
      %add3A_65 = arith.addi %mul3A_63, %add3A_64 : i32
      %mul3A_66 = arith.constant 8 : i32
      %mul3A_67 = arith.muli %add3A_65, %mul3A_66 : i32
      %add3A_68 = arith.addi %mul3A_2, %mul3A_67 : i32
      %dma_wait3A_69 = arith.constant 0 : i32
      %dma_wait3A_70 = arith.constant 0 : i32
      %dma_wait3A_71 = arith.constant 0 : i32
      %dma_wait3A_72 = tpu.memref_slice %arg5[%dma_wait3A_69, %dma_wait3A_70, %dma_wait3A_71] : memref<2x8x4096xf32, #tpu.memory_space<vmem>> -> memref<1x8x4096xf32, #tpu.memory_space<vmem>>
      %dma_wait3A_73 = tpu.memref_squeeze %dma_wait3A_72 : memref<1x8x4096xf32, #tpu.memory_space<vmem>> -> memref<8x4096xf32, #tpu.memory_space<vmem>>
      %dma_wait3A_74 = arith.constant 0 : i32
      %dma_wait3A_75 = tpu.memref_slice %arg2[%add3A_68, %dma_wait3A_74] : memref<4096x4096xf32, #tpu.memory_space<hbm>> -> memref<8x4096xf32, #tpu.memory_space<hbm>>
      %dma_wait3A_76 = arith.constant 0 : i32
      %dma_wait3A_77 = arith.constant 0 : i32
      %dma_wait3A_78 = tpu.memref_slice %arg5[%dma_wait3A_69, %dma_wait3A_76, %dma_wait3A_77] : memref<2x8x4096xf32, #tpu.memory_space<vmem>> -> memref<1x8x4096xf32, #tpu.memory_space<vmem>>
      %dma_wait3A_79 = tpu.memref_squeeze %dma_wait3A_78 : memref<1x8x4096xf32, #tpu.memory_space<vmem>> -> memref<8x4096xf32, #tpu.memory_space<vmem>>
      %dma_wait3A_80 = arith.constant 0 : i32
      %dma_wait3A_81 = tpu.memref_slice %arg2[%add3A_68, %dma_wait3A_80] : memref<4096x4096xf32, #tpu.memory_space<hbm>> -> memref<8x4096xf32, #tpu.memory_space<hbm>>
      tpu.wait_dma2 semaphore(%arg11 : memref<!tpu.dma_semaphore, #tpu.memory_space<semaphore_mem>>) src(%dma_wait3A_81 : memref<8x4096xf32, #tpu.memory_space<hbm>>) dst(%dma_wait3A_79 : memref<8x4096xf32, #tpu.memory_space<vmem>>)
      %add3A_82 = arith.constant 8 : i32
      %add3A_83 = arith.addi %add3A_68, %add3A_82 : i32
      %min3A = arith.constant 4088 : i32
      %min3A_84 = arith.minsi %add3A_83, %min3A : i32
      %dma_start3A_85 = arith.constant 1 : i32
      %dma_start3A_86 = arith.constant 0 : i32
      %dma_start3A_87 = arith.constant 0 : i32
      %dma_start3A_88 = tpu.memref_slice %arg5[%dma_start3A_85, %dma_start3A_86, %dma_start3A_87] : memref<2x8x4096xf32, #tpu.memory_space<vmem>> -> memref<1x8x4096xf32, #tpu.memory_space<vmem>>
      %dma_start3A_89 = tpu.memref_squeeze %dma_start3A_88 : memref<1x8x4096xf32, #tpu.memory_space<vmem>> -> memref<8x4096xf32, #tpu.memory_space<vmem>>
      %dma_start3A_90 = arith.constant 0 : i32
      %dma_start3A_91 = tpu.memref_slice %arg2[%min3A_84, %dma_start3A_90] : memref<4096x4096xf32, #tpu.memory_space<hbm>> -> memref<8x4096xf32, #tpu.memory_space<hbm>>
      %dma_start3A_92 = arith.constant 0 : i32
      %dma_start3A_93 = arith.constant 0 : i32
      %dma_start3A_94 = tpu.memref_slice %arg5[%dma_start3A_85, %dma_start3A_92, %dma_start3A_93] : memref<2x8x4096xf32, #tpu.memory_space<vmem>> -> memref<1x8x4096xf32, #tpu.memory_space<vmem>>
      %dma_start3A_95 = tpu.memref_squeeze %dma_start3A_94 : memref<1x8x4096xf32, #tpu.memory_space<vmem>> -> memref<8x4096xf32, #tpu.memory_space<vmem>>
      %dma_start3A_96 = arith.constant 0 : i32
      %dma_start3A_97 = tpu.memref_slice %arg2[%min3A_84, %dma_start3A_96] : memref<4096x4096xf32, #tpu.memory_space<hbm>> -> memref<8x4096xf32, #tpu.memory_space<hbm>>
      tpu.enqueue_dma source(%dma_start3A_97 : memref<8x4096xf32, #tpu.memory_space<hbm>>) target(%dma_start3A_95 : memref<8x4096xf32, #tpu.memory_space<vmem>>) target_semaphore(%arg11 : memref<!tpu.dma_semaphore, #tpu.memory_space<semaphore_mem>>)
      %broadcast_in_dim3A_98 = arith.constant 0 : i32
      %broadcast_in_dim3A_99 = vector.broadcast %broadcast_in_dim3A_98 : i32 to vector<16xi32>
      %add3A_100 = arith.constant 0 : i32
      %add3A_101 = vector.broadcast %add3A_100 : i32 to vector<16xi32>
      %add3A_102 = arith.addi %broadcast_in_dim3A_99, %add3A_101 : vector<16xi32>
      %add3A_103 = vector.broadcast %add3A_68 : i32 to vector<16xi32>
      %add3A_104 = arith.addi %and3A_4, %add3A_103 : vector<16xi32>
      %gather3A = tpu.vector_load_idx %arg5[%add3A_102, %and3A_4, %add3A_104] : memref<2x8x4096xf32, #tpu.memory_space<vmem>>[vector<16xi32>, vector<16xi32>, vector<16xi32>], vector<16xf32>,
      %exp3A = math.exp %gather3A : vector<16xf32>
      %add3A_105 = arith.constant 0 : i32
      %add3A_106 = arith.addi %add3A_68, %add3A_105 : i32
      %parallel_loop3A = arith.constant 0 : i32
      %parallel_loop3A_107 = arith.constant 256 : i32
      %parallel_loop3A_108 = arith.constant 1 : i32
      scf.for %parallel_loop3A_544 = %parallel_loop3A to %parallel_loop3A_107 step %parallel_loop3A_108  : i32 {
        %parallel_loop3A_545 = arith.constant 16 : i32
        %parallel_loop3A_546 = arith.muli %parallel_loop3A_544, %parallel_loop3A_545 : i32
        %parallel_loop3A_547 = vector.broadcast %parallel_loop3A_546 : i32 to vector<16xi32>
        %parallel_loop3A_548 = arith.addi %iota3A, %parallel_loop3A_547 : vector<16xi32>
        %parallel_loop3A_549 = arith.constant 0 : i32
        %parallel_loop3A_550 = arith.constant 0 : i32
        %parallel_loop3A_551 = arith.index_cast %parallel_loop3A_549 : i32 to index
        %parallel_loop3A_552 = arith.index_cast %parallel_loop3A_550 : i32 to index
        %parallel_loop3A_553 = arith.index_cast %parallel_loop3A_546 : i32 to index
        %parallel_loop3A_554 = tpu.vector_load %arg5[%parallel_loop3A_551, %parallel_loop3A_552, %parallel_loop3A_553] {strides = array<i32>} : memref<2x8x4096xf32, #tpu.memory_space<vmem>>, vector<16xf32>,
        %parallel_loop3A_555 = vector.broadcast %add3A_106 : i32 to vector<16xi32>
        %parallel_loop3A_556 = arith.cmpi eq, %parallel_loop3A_548, %parallel_loop3A_555 : vector<16xi32>
        %parallel_loop3A_557 = tpu.bitcast %parallel_loop3A_554 : vector<16xf32> -> vector<16xi32>
        %parallel_loop3A_558 = arith.constant -2147483648 : i32
        %parallel_loop3A_559 = vector.broadcast %parallel_loop3A_558 : i32 to vector<16xi32>
        %parallel_loop3A_560 = arith.cmpi uge, %parallel_loop3A_557, %parallel_loop3A_559 : vector<16xi32>
        %parallel_loop3A_561 = arith.constant dense<-1> : vector<16xi32>
        %parallel_loop3A_562 = arith.xori %parallel_loop3A_557, %parallel_loop3A_561 : vector<16xi32>
        %parallel_loop3A_563 = arith.constant -2147483648 : i32
        %parallel_loop3A_564 = vector.broadcast %parallel_loop3A_563 : i32 to vector<16xi32>
        %parallel_loop3A_565 = arith.ori %parallel_loop3A_557, %parallel_loop3A_564 : vector<16xi32>
        %parallel_loop3A_566 = arith.select %parallel_loop3A_560, %parallel_loop3A_562, %parallel_loop3A_565 : vector<16xi1>, vector<16xi32>
        %parallel_loop3A_567 = arith.constant 0 : i32
        %parallel_loop3A_568 = vector.broadcast %parallel_loop3A_567 : i32 to vector<16xi32>
        %parallel_loop3A_569 = arith.select %parallel_loop3A_556, %parallel_loop3A_568, %parallel_loop3A_566 : vector<16xi1>, vector<16xi32>
        %parallel_loop3A_570 = tpu.bitcast %parallel_loop3A_569 : vector<16xi32> -> vector<16xf32>
        %parallel_loop3A_571 = arith.constant 0 : i32
        %parallel_loop3A_572 = arith.addi %parallel_loop3A_571, %parallel_loop3A_546 : i32
        %parallel_loop3A_573 = arith.index_cast %parallel_loop3A_572 : i32 to index
        %parallel_loop3A_574 = tpu.vector_load %arg6[%parallel_loop3A_573] {strides = array<i32>} : memref<33024xf32, #tpu.memory_space<vmem>>, vector<16xf32>,
        tpu.vector_store %arg6[%parallel_loop3A_573], %parallel_loop3A_570 {strides = array<i32>} : memref<33024xf32, #tpu.memory_space<vmem>>, vector<16xf32>,
      } {sc.loop_unroll_factor = 8 : i64, sc.parallel_access}
      %add3A_109 = arith.constant 1 : i32
      %add3A_110 = arith.addi %add3A_68, %add3A_109 : i32
      %parallel_loop3A_111 = arith.constant 0 : i32
      %parallel_loop3A_112 = arith.constant 256 : i32
      %parallel_loop3A_113 = arith.constant 1 : i32
      scf.for %parallel_loop3A_544 = %parallel_loop3A_111 to %parallel_loop3A_112 step %parallel_loop3A_113  : i32 {
        %parallel_loop3A_545 = arith.constant 16 : i32
        %parallel_loop3A_546 = arith.muli %parallel_loop3A_544, %parallel_loop3A_545 : i32
        %parallel_loop3A_547 = vector.broadcast %parallel_loop3A_546 : i32 to vector<16xi32>
        %parallel_loop3A_548 = arith.addi %iota3A, %parallel_loop3A_547 : vector<16xi32>
        %parallel_loop3A_549 = arith.constant 0 : i32
        %parallel_loop3A_550 = arith.constant 1 : i32
        %parallel_loop3A_551 = arith.index_cast %parallel_loop3A_549 : i32 to index
        %parallel_loop3A_552 = arith.index_cast %parallel_loop3A_550 : i32 to index
        %parallel_loop3A_553 = arith.index_cast %parallel_loop3A_546 : i32 to index
        %parallel_loop3A_554 = tpu.vector_load %arg5[%parallel_loop3A_551, %parallel_loop3A_552, %parallel_loop3A_553] {strides = array<i32>} : memref<2x8x4096xf32, #tpu.memory_space<vmem>>, vector<16xf32>,
        %parallel_loop3A_555 = vector.broadcast %add3A_110 : i32 to vector<16xi32>
        %parallel_loop3A_556 = arith.cmpi eq, %parallel_loop3A_548, %parallel_loop3A_555 : vector<16xi32>
        %parallel_loop3A_557 = tpu.bitcast %parallel_loop3A_554 : vector<16xf32> -> vector<16xi32>
        %parallel_loop3A_558 = arith.constant -2147483648 : i32
        %parallel_loop3A_559 = vector.broadcast %parallel_loop3A_558 : i32 to vector<16xi32>
        %parallel_loop3A_560 = arith.cmpi uge, %parallel_loop3A_557, %parallel_loop3A_559 : vector<16xi32>
        %parallel_loop3A_561 = arith.constant dense<-1> : vector<16xi32>
        %parallel_loop3A_562 = arith.xori %parallel_loop3A_557, %parallel_loop3A_561 : vector<16xi32>
        %parallel_loop3A_563 = arith.constant -2147483648 : i32
        %parallel_loop3A_564 = vector.broadcast %parallel_loop3A_563 : i32 to vector<16xi32>
        %parallel_loop3A_565 = arith.ori %parallel_loop3A_557, %parallel_loop3A_564 : vector<16xi32>
        %parallel_loop3A_566 = arith.select %parallel_loop3A_560, %parallel_loop3A_562, %parallel_loop3A_565 : vector<16xi1>, vector<16xi32>
        %parallel_loop3A_567 = arith.constant 0 : i32
        %parallel_loop3A_568 = vector.broadcast %parallel_loop3A_567 : i32 to vector<16xi32>
        %parallel_loop3A_569 = arith.select %parallel_loop3A_556, %parallel_loop3A_568, %parallel_loop3A_566 : vector<16xi1>, vector<16xi32>
        %parallel_loop3A_570 = tpu.bitcast %parallel_loop3A_569 : vector<16xi32> -> vector<16xf32>
        %parallel_loop3A_571 = arith.constant 4128 : i32
        %parallel_loop3A_572 = arith.addi %parallel_loop3A_571, %parallel_loop3A_546 : i32
        %parallel_loop3A_573 = arith.index_cast %parallel_loop3A_572 : i32 to index
        %parallel_loop3A_574 = tpu.vector_load %arg6[%parallel_loop3A_573] {strides = array<i32>} : memref<33024xf32, #tpu.memory_space<vmem>>, vector<16xf32>,
        tpu.vector_store %arg6[%parallel_loop3A_573], %parallel_loop3A_570 {strides = array<i32>} : memref<33024xf32, #tpu.memory_space<vmem>>, vector<16xf32>,
      } {sc.loop_unroll_factor = 8 : i64, sc.parallel_access}
      %add3A_114 = arith.constant 2 : i32
      %add3A_115 = arith.addi %add3A_68, %add3A_114 : i32
      %parallel_loop3A_116 = arith.constant 0 : i32
      %parallel_loop3A_117 = arith.constant 256 : i32
      %parallel_loop3A_118 = arith.constant 1 : i32
      scf.for %parallel_loop3A_544 = %parallel_loop3A_116 to %parallel_loop3A_117 step %parallel_loop3A_118  : i32 {
        %parallel_loop3A_545 = arith.constant 16 : i32
        %parallel_loop3A_546 = arith.muli %parallel_loop3A_544, %parallel_loop3A_545 : i32
        %parallel_loop3A_547 = vector.broadcast %parallel_loop3A_546 : i32 to vector<16xi32>
        %parallel_loop3A_548 = arith.addi %iota3A, %parallel_loop3A_547 : vector<16xi32>
        %parallel_loop3A_549 = arith.constant 0 : i32
        %parallel_loop3A_550 = arith.constant 2 : i32
        %parallel_loop3A_551 = arith.index_cast %parallel_loop3A_549 : i32 to index
        %parallel_loop3A_552 = arith.index_cast %parallel_loop3A_550 : i32 to index
        %parallel_loop3A_553 = arith.index_cast %parallel_loop3A_546 : i32 to index
        %parallel_loop3A_554 = tpu.vector_load %arg5[%parallel_loop3A_551, %parallel_loop3A_552, %parallel_loop3A_553] {strides = array<i32>} : memref<2x8x4096xf32, #tpu.memory_space<vmem>>, vector<16xf32>,
        %parallel_loop3A_555 = vector.broadcast %add3A_115 : i32 to vector<16xi32>
        %parallel_loop3A_556 = arith.cmpi eq, %parallel_loop3A_548, %parallel_loop3A_555 : vector<16xi32>
        %parallel_loop3A_557 = tpu.bitcast %parallel_loop3A_554 : vector<16xf32> -> vector<16xi32>
        %parallel_loop3A_558 = arith.constant -2147483648 : i32
        %parallel_loop3A_559 = vector.broadcast %parallel_loop3A_558 : i32 to vector<16xi32>
        %parallel_loop3A_560 = arith.cmpi uge, %parallel_loop3A_557, %parallel_loop3A_559 : vector<16xi32>
        %parallel_loop3A_561 = arith.constant dense<-1> : vector<16xi32>
        %parallel_loop3A_562 = arith.xori %parallel_loop3A_557, %parallel_loop3A_561 : vector<16xi32>
        %parallel_loop3A_563 = arith.constant -2147483648 : i32
        %parallel_loop3A_564 = vector.broadcast %parallel_loop3A_563 : i32 to vector<16xi32>
        %parallel_loop3A_565 = arith.ori %parallel_loop3A_557, %parallel_loop3A_564 : vector<16xi32>
        %parallel_loop3A_566 = arith.select %parallel_loop3A_560, %parallel_loop3A_562, %parallel_loop3A_565 : vector<16xi1>, vector<16xi32>
        %parallel_loop3A_567 = arith.constant 0 : i32
        %parallel_loop3A_568 = vector.broadcast %parallel_loop3A_567 : i32 to vector<16xi32>
        %parallel_loop3A_569 = arith.select %parallel_loop3A_556, %parallel_loop3A_568, %parallel_loop3A_566 : vector<16xi1>, vector<16xi32>
        %parallel_loop3A_570 = tpu.bitcast %parallel_loop3A_569 : vector<16xi32> -> vector<16xf32>
        %parallel_loop3A_571 = arith.constant 8256 : i32
        %parallel_loop3A_572 = arith.addi %parallel_loop3A_571, %parallel_loop3A_546 : i32
        %parallel_loop3A_573 = arith.index_cast %parallel_loop3A_572 : i32 to index
        %parallel_loop3A_574 = tpu.vector_load %arg6[%parallel_loop3A_573] {strides = array<i32>} : memref<33024xf32, #tpu.memory_space<vmem>>, vector<16xf32>,
        tpu.vector_store %arg6[%parallel_loop3A_573], %parallel_loop3A_570 {strides = array<i32>} : memref<33024xf32, #tpu.memory_space<vmem>>, vector<16xf32>,
      } {sc.loop_unroll_factor = 8 : i64, sc.parallel_access}
      %add3A_119 = arith.constant 3 : i32
      %add3A_120 = arith.addi %add3A_68, %add3A_119 : i32
      %parallel_loop3A_121 = arith.constant 0 : i32
      %parallel_loop3A_122 = arith.constant 256 : i32
      %parallel_loop3A_123 = arith.constant 1 : i32
      scf.for %parallel_loop3A_544 = %parallel_loop3A_121 to %parallel_loop3A_122 step %parallel_loop3A_123  : i32 {
        %parallel_loop3A_545 = arith.constant 16 : i32
        %parallel_loop3A_546 = arith.muli %parallel_loop3A_544, %parallel_loop3A_545 : i32
        %parallel_loop3A_547 = vector.broadcast %parallel_loop3A_546 : i32 to vector<16xi32>
        %parallel_loop3A_548 = arith.addi %iota3A, %parallel_loop3A_547 : vector<16xi32>
        %parallel_loop3A_549 = arith.constant 0 : i32
        %parallel_loop3A_550 = arith.constant 3 : i32
        %parallel_loop3A_551 = arith.index_cast %parallel_loop3A_549 : i32 to index
        %parallel_loop3A_552 = arith.index_cast %parallel_loop3A_550 : i32 to index
        %parallel_loop3A_553 = arith.index_cast %parallel_loop3A_546 : i32 to index
        %parallel_loop3A_554 = tpu.vector_load %arg5[%parallel_loop3A_551, %parallel_loop3A_552, %parallel_loop3A_553] {strides = array<i32>} : memref<2x8x4096xf32, #tpu.memory_space<vmem>>, vector<16xf32>,
        %parallel_loop3A_555 = vector.broadcast %add3A_120 : i32 to vector<16xi32>
        %parallel_loop3A_556 = arith.cmpi eq, %parallel_loop3A_548, %parallel_loop3A_555 : vector<16xi32>
        %parallel_loop3A_557 = tpu.bitcast %parallel_loop3A_554 : vector<16xf32> -> vector<16xi32>
        %parallel_loop3A_558 = arith.constant -2147483648 : i32
        %parallel_loop3A_559 = vector.broadcast %parallel_loop3A_558 : i32 to vector<16xi32>
        %parallel_loop3A_560 = arith.cmpi uge, %parallel_loop3A_557, %parallel_loop3A_559 : vector<16xi32>
        %parallel_loop3A_561 = arith.constant dense<-1> : vector<16xi32>
        %parallel_loop3A_562 = arith.xori %parallel_loop3A_557, %parallel_loop3A_561 : vector<16xi32>
        %parallel_loop3A_563 = arith.constant -2147483648 : i32
        %parallel_loop3A_564 = vector.broadcast %parallel_loop3A_563 : i32 to vector<16xi32>
        %parallel_loop3A_565 = arith.ori %parallel_loop3A_557, %parallel_loop3A_564 : vector<16xi32>
        %parallel_loop3A_566 = arith.select %parallel_loop3A_560, %parallel_loop3A_562, %parallel_loop3A_565 : vector<16xi1>, vector<16xi32>
        %parallel_loop3A_567 = arith.constant 0 : i32
        %parallel_loop3A_568 = vector.broadcast %parallel_loop3A_567 : i32 to vector<16xi32>
        %parallel_loop3A_569 = arith.select %parallel_loop3A_556, %parallel_loop3A_568, %parallel_loop3A_566 : vector<16xi1>, vector<16xi32>
        %parallel_loop3A_570 = tpu.bitcast %parallel_loop3A_569 : vector<16xi32> -> vector<16xf32>
        %parallel_loop3A_571 = arith.constant 12384 : i32
        %parallel_loop3A_572 = arith.addi %parallel_loop3A_571, %parallel_loop3A_546 : i32
        %parallel_loop3A_573 = arith.index_cast %parallel_loop3A_572 : i32 to index
        %parallel_loop3A_574 = tpu.vector_load %arg6[%parallel_loop3A_573] {strides = array<i32>} : memref<33024xf32, #tpu.memory_space<vmem>>, vector<16xf32>,
        tpu.vector_store %arg6[%parallel_loop3A_573], %parallel_loop3A_570 {strides = array<i32>} : memref<33024xf32, #tpu.memory_space<vmem>>, vector<16xf32>,
      } {sc.loop_unroll_factor = 8 : i64, sc.parallel_access}
      %add3A_124 = arith.constant 4 : i32
      %add3A_125 = arith.addi %add3A_68, %add3A_124 : i32
      %parallel_loop3A_126 = arith.constant 0 : i32
      %parallel_loop3A_127 = arith.constant 256 : i32
      %parallel_loop3A_128 = arith.constant 1 : i32
      scf.for %parallel_loop3A_544 = %parallel_loop3A_126 to %parallel_loop3A_127 step %parallel_loop3A_128  : i32 {
        %parallel_loop3A_545 = arith.constant 16 : i32
        %parallel_loop3A_546 = arith.muli %parallel_loop3A_544, %parallel_loop3A_545 : i32
        %parallel_loop3A_547 = vector.broadcast %parallel_loop3A_546 : i32 to vector<16xi32>
        %parallel_loop3A_548 = arith.addi %iota3A, %parallel_loop3A_547 : vector<16xi32>
        %parallel_loop3A_549 = arith.constant 0 : i32
        %parallel_loop3A_550 = arith.constant 4 : i32
        %parallel_loop3A_551 = arith.index_cast %parallel_loop3A_549 : i32 to index
        %parallel_loop3A_552 = arith.index_cast %parallel_loop3A_550 : i32 to index
        %parallel_loop3A_553 = arith.index_cast %parallel_loop3A_546 : i32 to index
        %parallel_loop3A_554 = tpu.vector_load %arg5[%parallel_loop3A_551, %parallel_loop3A_552, %parallel_loop3A_553] {strides = array<i32>} : memref<2x8x4096xf32, #tpu.memory_space<vmem>>, vector<16xf32>,
        %parallel_loop3A_555 = vector.broadcast %add3A_125 : i32 to vector<16xi32>
        %parallel_loop3A_556 = arith.cmpi eq, %parallel_loop3A_548, %parallel_loop3A_555 : vector<16xi32>
        %parallel_loop3A_557 = tpu.bitcast %parallel_loop3A_554 : vector<16xf32> -> vector<16xi32>
        %parallel_loop3A_558 = arith.constant -2147483648 : i32
        %parallel_loop3A_559 = vector.broadcast %parallel_loop3A_558 : i32 to vector<16xi32>
        %parallel_loop3A_560 = arith.cmpi uge, %parallel_loop3A_557, %parallel_loop3A_559 : vector<16xi32>
        %parallel_loop3A_561 = arith.constant dense<-1> : vector<16xi32>
        %parallel_loop3A_562 = arith.xori %parallel_loop3A_557, %parallel_loop3A_561 : vector<16xi32>
        %parallel_loop3A_563 = arith.constant -2147483648 : i32
        %parallel_loop3A_564 = vector.broadcast %parallel_loop3A_563 : i32 to vector<16xi32>
        %parallel_loop3A_565 = arith.ori %parallel_loop3A_557, %parallel_loop3A_564 : vector<16xi32>
        %parallel_loop3A_566 = arith.select %parallel_loop3A_560, %parallel_loop3A_562, %parallel_loop3A_565 : vector<16xi1>, vector<16xi32>
        %parallel_loop3A_567 = arith.constant 0 : i32
        %parallel_loop3A_568 = vector.broadcast %parallel_loop3A_567 : i32 to vector<16xi32>
        %parallel_loop3A_569 = arith.select %parallel_loop3A_556, %parallel_loop3A_568, %parallel_loop3A_566 : vector<16xi1>, vector<16xi32>
        %parallel_loop3A_570 = tpu.bitcast %parallel_loop3A_569 : vector<16xi32> -> vector<16xf32>
        %parallel_loop3A_571 = arith.constant 16512 : i32
        %parallel_loop3A_572 = arith.addi %parallel_loop3A_571, %parallel_loop3A_546 : i32
        %parallel_loop3A_573 = arith.index_cast %parallel_loop3A_572 : i32 to index
        %parallel_loop3A_574 = tpu.vector_load %arg6[%parallel_loop3A_573] {strides = array<i32>} : memref<33024xf32, #tpu.memory_space<vmem>>, vector<16xf32>,
        tpu.vector_store %arg6[%parallel_loop3A_573], %parallel_loop3A_570 {strides = array<i32>} : memref<33024xf32, #tpu.memory_space<vmem>>, vector<16xf32>,
      } {sc.loop_unroll_factor = 8 : i64, sc.parallel_access}
      %add3A_129 = arith.constant 5 : i32
      %add3A_130 = arith.addi %add3A_68, %add3A_129 : i32
      %parallel_loop3A_131 = arith.constant 0 : i32
      %parallel_loop3A_132 = arith.constant 256 : i32
      %parallel_loop3A_133 = arith.constant 1 : i32
      scf.for %parallel_loop3A_544 = %parallel_loop3A_131 to %parallel_loop3A_132 step %parallel_loop3A_133  : i32 {
        %parallel_loop3A_545 = arith.constant 16 : i32
        %parallel_loop3A_546 = arith.muli %parallel_loop3A_544, %parallel_loop3A_545 : i32
        %parallel_loop3A_547 = vector.broadcast %parallel_loop3A_546 : i32 to vector<16xi32>
        %parallel_loop3A_548 = arith.addi %iota3A, %parallel_loop3A_547 : vector<16xi32>
        %parallel_loop3A_549 = arith.constant 0 : i32
        %parallel_loop3A_550 = arith.constant 5 : i32
        %parallel_loop3A_551 = arith.index_cast %parallel_loop3A_549 : i32 to index
        %parallel_loop3A_552 = arith.index_cast %parallel_loop3A_550 : i32 to index
        %parallel_loop3A_553 = arith.index_cast %parallel_loop3A_546 : i32 to index
        %parallel_loop3A_554 = tpu.vector_load %arg5[%parallel_loop3A_551, %parallel_loop3A_552, %parallel_loop3A_553] {strides = array<i32>} : memref<2x8x4096xf32, #tpu.memory_space<vmem>>, vector<16xf32>,
        %parallel_loop3A_555 = vector.broadcast %add3A_130 : i32 to vector<16xi32>
        %parallel_loop3A_556 = arith.cmpi eq, %parallel_loop3A_548, %parallel_loop3A_555 : vector<16xi32>
        %parallel_loop3A_557 = tpu.bitcast %parallel_loop3A_554 : vector<16xf32> -> vector<16xi32>
        %parallel_loop3A_558 = arith.constant -2147483648 : i32
        %parallel_loop3A_559 = vector.broadcast %parallel_loop3A_558 : i32 to vector<16xi32>
        %parallel_loop3A_560 = arith.cmpi uge, %parallel_loop3A_557, %parallel_loop3A_559 : vector<16xi32>
        %parallel_loop3A_561 = arith.constant dense<-1> : vector<16xi32>
        %parallel_loop3A_562 = arith.xori %parallel_loop3A_557, %parallel_loop3A_561 : vector<16xi32>
        %parallel_loop3A_563 = arith.constant -2147483648 : i32
        %parallel_loop3A_564 = vector.broadcast %parallel_loop3A_563 : i32 to vector<16xi32>
        %parallel_loop3A_565 = arith.ori %parallel_loop3A_557, %parallel_loop3A_564 : vector<16xi32>
        %parallel_loop3A_566 = arith.select %parallel_loop3A_560, %parallel_loop3A_562, %parallel_loop3A_565 : vector<16xi1>, vector<16xi32>
        %parallel_loop3A_567 = arith.constant 0 : i32
        %parallel_loop3A_568 = vector.broadcast %parallel_loop3A_567 : i32 to vector<16xi32>
        %parallel_loop3A_569 = arith.select %parallel_loop3A_556, %parallel_loop3A_568, %parallel_loop3A_566 : vector<16xi1>, vector<16xi32>
        %parallel_loop3A_570 = tpu.bitcast %parallel_loop3A_569 : vector<16xi32> -> vector<16xf32>
        %parallel_loop3A_571 = arith.constant 20640 : i32
        %parallel_loop3A_572 = arith.addi %parallel_loop3A_571, %parallel_loop3A_546 : i32
        %parallel_loop3A_573 = arith.index_cast %parallel_loop3A_572 : i32 to index
        %parallel_loop3A_574 = tpu.vector_load %arg6[%parallel_loop3A_573] {strides = array<i32>} : memref<33024xf32, #tpu.memory_space<vmem>>, vector<16xf32>,
        tpu.vector_store %arg6[%parallel_loop3A_573], %parallel_loop3A_570 {strides = array<i32>} : memref<33024xf32, #tpu.memory_space<vmem>>, vector<16xf32>,
      } {sc.loop_unroll_factor = 8 : i64, sc.parallel_access}
      %add3A_134 = arith.constant 6 : i32
      %add3A_135 = arith.addi %add3A_68, %add3A_134 : i32
      %parallel_loop3A_136 = arith.constant 0 : i32
      %parallel_loop3A_137 = arith.constant 256 : i32
      %parallel_loop3A_138 = arith.constant 1 : i32
      scf.for %parallel_loop3A_544 = %parallel_loop3A_136 to %parallel_loop3A_137 step %parallel_loop3A_138  : i32 {
        %parallel_loop3A_545 = arith.constant 16 : i32
        %parallel_loop3A_546 = arith.muli %parallel_loop3A_544, %parallel_loop3A_545 : i32
        %parallel_loop3A_547 = vector.broadcast %parallel_loop3A_546 : i32 to vector<16xi32>
        %parallel_loop3A_548 = arith.addi %iota3A, %parallel_loop3A_547 : vector<16xi32>
        %parallel_loop3A_549 = arith.constant 0 : i32
        %parallel_loop3A_550 = arith.constant 6 : i32
        %parallel_loop3A_551 = arith.index_cast %parallel_loop3A_549 : i32 to index
        %parallel_loop3A_552 = arith.index_cast %parallel_loop3A_550 : i32 to index
        %parallel_loop3A_553 = arith.index_cast %parallel_loop3A_546 : i32 to index
        %parallel_loop3A_554 = tpu.vector_load %arg5[%parallel_loop3A_551, %parallel_loop3A_552, %parallel_loop3A_553] {strides = array<i32>} : memref<2x8x4096xf32, #tpu.memory_space<vmem>>, vector<16xf32>,
        %parallel_loop3A_555 = vector.broadcast %add3A_135 : i32 to vector<16xi32>
        %parallel_loop3A_556 = arith.cmpi eq, %parallel_loop3A_548, %parallel_loop3A_555 : vector<16xi32>
        %parallel_loop3A_557 = tpu.bitcast %parallel_loop3A_554 : vector<16xf32> -> vector<16xi32>
        %parallel_loop3A_558 = arith.constant -2147483648 : i32
        %parallel_loop3A_559 = vector.broadcast %parallel_loop3A_558 : i32 to vector<16xi32>
        %parallel_loop3A_560 = arith.cmpi uge, %parallel_loop3A_557, %parallel_loop3A_559 : vector<16xi32>
        %parallel_loop3A_561 = arith.constant dense<-1> : vector<16xi32>
        %parallel_loop3A_562 = arith.xori %parallel_loop3A_557, %parallel_loop3A_561 : vector<16xi32>
        %parallel_loop3A_563 = arith.constant -2147483648 : i32
        %parallel_loop3A_564 = vector.broadcast %parallel_loop3A_563 : i32 to vector<16xi32>
        %parallel_loop3A_565 = arith.ori %parallel_loop3A_557, %parallel_loop3A_564 : vector<16xi32>
        %parallel_loop3A_566 = arith.select %parallel_loop3A_560, %parallel_loop3A_562, %parallel_loop3A_565 : vector<16xi1>, vector<16xi32>
        %parallel_loop3A_567 = arith.constant 0 : i32
        %parallel_loop3A_568 = vector.broadcast %parallel_loop3A_567 : i32 to vector<16xi32>
        %parallel_loop3A_569 = arith.select %parallel_loop3A_556, %parallel_loop3A_568, %parallel_loop3A_566 : vector<16xi1>, vector<16xi32>
        %parallel_loop3A_570 = tpu.bitcast %parallel_loop3A_569 : vector<16xi32> -> vector<16xf32>
        %parallel_loop3A_571 = arith.constant 24768 : i32
        %parallel_loop3A_572 = arith.addi %parallel_loop3A_571, %parallel_loop3A_546 : i32
        %parallel_loop3A_573 = arith.index_cast %parallel_loop3A_572 : i32 to index
        %parallel_loop3A_574 = tpu.vector_load %arg6[%parallel_loop3A_573] {strides = array<i32>} : memref<33024xf32, #tpu.memory_space<vmem>>, vector<16xf32>,
        tpu.vector_store %arg6[%parallel_loop3A_573], %parallel_loop3A_570 {strides = array<i32>} : memref<33024xf32, #tpu.memory_space<vmem>>, vector<16xf32>,
      } {sc.loop_unroll_factor = 8 : i64, sc.parallel_access}
      %add3A_139 = arith.constant 7 : i32
      %add3A_140 = arith.addi %add3A_68, %add3A_139 : i32
      %parallel_loop3A_141 = arith.constant 0 : i32
      %parallel_loop3A_142 = arith.constant 256 : i32
      %parallel_loop3A_143 = arith.constant 1 : i32
      scf.for %parallel_loop3A_544 = %parallel_loop3A_141 to %parallel_loop3A_142 step %parallel_loop3A_143  : i32 {
        %parallel_loop3A_545 = arith.constant 16 : i32
        %parallel_loop3A_546 = arith.muli %parallel_loop3A_544, %parallel_loop3A_545 : i32
        %parallel_loop3A_547 = vector.broadcast %parallel_loop3A_546 : i32 to vector<16xi32>
        %parallel_loop3A_548 = arith.addi %iota3A, %parallel_loop3A_547 : vector<16xi32>
        %parallel_loop3A_549 = arith.constant 0 : i32
        %parallel_loop3A_550 = arith.constant 7 : i32
        %parallel_loop3A_551 = arith.index_cast %parallel_loop3A_549 : i32 to index
        %parallel_loop3A_552 = arith.index_cast %parallel_loop3A_550 : i32 to index
        %parallel_loop3A_553 = arith.index_cast %parallel_loop3A_546 : i32 to index
        %parallel_loop3A_554 = tpu.vector_load %arg5[%parallel_loop3A_551, %parallel_loop3A_552, %parallel_loop3A_553] {strides = array<i32>} : memref<2x8x4096xf32, #tpu.memory_space<vmem>>, vector<16xf32>,
        %parallel_loop3A_555 = vector.broadcast %add3A_140 : i32 to vector<16xi32>
        %parallel_loop3A_556 = arith.cmpi eq, %parallel_loop3A_548, %parallel_loop3A_555 : vector<16xi32>
        %parallel_loop3A_557 = tpu.bitcast %parallel_loop3A_554 : vector<16xf32> -> vector<16xi32>
        %parallel_loop3A_558 = arith.constant -2147483648 : i32
        %parallel_loop3A_559 = vector.broadcast %parallel_loop3A_558 : i32 to vector<16xi32>
        %parallel_loop3A_560 = arith.cmpi uge, %parallel_loop3A_557, %parallel_loop3A_559 : vector<16xi32>
        %parallel_loop3A_561 = arith.constant dense<-1> : vector<16xi32>
        %parallel_loop3A_562 = arith.xori %parallel_loop3A_557, %parallel_loop3A_561 : vector<16xi32>
        %parallel_loop3A_563 = arith.constant -2147483648 : i32
        %parallel_loop3A_564 = vector.broadcast %parallel_loop3A_563 : i32 to vector<16xi32>
        %parallel_loop3A_565 = arith.ori %parallel_loop3A_557, %parallel_loop3A_564 : vector<16xi32>
        %parallel_loop3A_566 = arith.select %parallel_loop3A_560, %parallel_loop3A_562, %parallel_loop3A_565 : vector<16xi1>, vector<16xi32>
        %parallel_loop3A_567 = arith.constant 0 : i32
        %parallel_loop3A_568 = vector.broadcast %parallel_loop3A_567 : i32 to vector<16xi32>
        %parallel_loop3A_569 = arith.select %parallel_loop3A_556, %parallel_loop3A_568, %parallel_loop3A_566 : vector<16xi1>, vector<16xi32>
        %parallel_loop3A_570 = tpu.bitcast %parallel_loop3A_569 : vector<16xi32> -> vector<16xf32>
        %parallel_loop3A_571 = arith.constant 28896 : i32
        %parallel_loop3A_572 = arith.addi %parallel_loop3A_571, %parallel_loop3A_546 : i32
        %parallel_loop3A_573 = arith.index_cast %parallel_loop3A_572 : i32 to index
        %parallel_loop3A_574 = tpu.vector_load %arg6[%parallel_loop3A_573] {strides = array<i32>} : memref<33024xf32, #tpu.memory_space<vmem>>, vector<16xf32>,
        tpu.vector_store %arg6[%parallel_loop3A_573], %parallel_loop3A_570 {strides = array<i32>} : memref<33024xf32, #tpu.memory_space<vmem>>, vector<16xf32>,
      } {sc.loop_unroll_factor = 8 : i64, sc.parallel_access}
      %get3A = arith.constant 4128 : index
      %get3A_144 = tpu.vector_load %arg6[%get3A] {strides = array<i32>} : memref<33024xf32, #tpu.memory_space<vmem>>, vector<16xf32>,
      %add3A_145 = arith.constant 8224 : i32
      %add3A_146 = vector.broadcast %add3A_145 : i32 to vector<16xi32>
      %add3A_147 = arith.addi %iota3A, %add3A_146 : vector<16xi32>
      %lt3A = arith.constant 2 : i32
      %lt3A_148 = vector.broadcast %lt3A : i32 to vector<16xi32>
      %lt3A_149 = arith.cmpi slt, %iota3A, %lt3A_148 : vector<16xi32>
      tpu.vector_store_idx %arg6[%add3A_147], %get3A_144 masked %lt3A_149 : memref<33024xf32, #tpu.memory_space<vmem>>[vector<16xi32>], vector<16xf32>, vector<16xi1>
      %get3A_150 = arith.constant 8256 : index
      %get3A_151 = tpu.vector_load %arg6[%get3A_150] {strides = array<i32>} : memref<33024xf32, #tpu.memory_space<vmem>>, vector<16xf32>,
      %add3A_152 = arith.constant 12352 : i32
      %add3A_153 = vector.broadcast %add3A_152 : i32 to vector<16xi32>
      %add3A_154 = arith.addi %iota3A, %add3A_153 : vector<16xi32>
      %lt3A_155 = arith.constant 4 : i32
      %lt3A_156 = vector.broadcast %lt3A_155 : i32 to vector<16xi32>
      %lt3A_157 = arith.cmpi slt, %iota3A, %lt3A_156 : vector<16xi32>
      tpu.vector_store_idx %arg6[%add3A_154], %get3A_151 masked %lt3A_157 : memref<33024xf32, #tpu.memory_space<vmem>>[vector<16xi32>], vector<16xf32>, vector<16xi1>
      %get3A_158 = arith.constant 12384 : index
      %get3A_159 = tpu.vector_load %arg6[%get3A_158] {strides = array<i32>} : memref<33024xf32, #tpu.memory_space<vmem>>, vector<16xf32>,
      %add3A_160 = arith.constant 16480 : i32
      %add3A_161 = vector.broadcast %add3A_160 : i32 to vector<16xi32>
      %add3A_162 = arith.addi %iota3A, %add3A_161 : vector<16xi32>
      %lt3A_163 = arith.constant 6 : i32
      %lt3A_164 = vector.broadcast %lt3A_163 : i32 to vector<16xi32>
      %lt3A_165 = arith.cmpi slt, %iota3A, %lt3A_164 : vector<16xi32>
      tpu.vector_store_idx %arg6[%add3A_162], %get3A_159 masked %lt3A_165 : memref<33024xf32, #tpu.memory_space<vmem>>[vector<16xi32>], vector<16xf32>, vector<16xi1>
      %get3A_166 = arith.constant 16512 : index
      %get3A_167 = tpu.vector_load %arg6[%get3A_166] {strides = array<i32>} : memref<33024xf32, #tpu.memory_space<vmem>>, vector<16xf32>,
      %add3A_168 = arith.constant 20608 : i32
      %add3A_169 = vector.broadcast %add3A_168 : i32 to vector<16xi32>
      %add3A_170 = arith.addi %iota3A, %add3A_169 : vector<16xi32>
      %lt3A_171 = arith.constant 8 : i32
      %lt3A_172 = vector.broadcast %lt3A_171 : i32 to vector<16xi32>
      %lt3A_173 = arith.cmpi slt, %iota3A, %lt3A_172 : vector<16xi32>
      tpu.vector_store_idx %arg6[%add3A_170], %get3A_167 masked %lt3A_173 : memref<33024xf32, #tpu.memory_space<vmem>>[vector<16xi32>], vector<16xf32>, vector<16xi1>
      %get3A_174 = arith.constant 20640 : index
      %get3A_175 = tpu.vector_load %arg6[%get3A_174] {strides = array<i32>} : memref<33024xf32, #tpu.memory_space<vmem>>, vector<16xf32>,
      %add3A_176 = arith.constant 24736 : i32
      %add3A_177 = vector.broadcast %add3A_176 : i32 to vector<16xi32>
      %add3A_178 = arith.addi %iota3A, %add3A_177 : vector<16xi32>
      %lt3A_179 = arith.constant 10 : i32
      %lt3A_180 = vector.broadcast %lt3A_179 : i32 to vector<16xi32>
      %lt3A_181 = arith.cmpi slt, %iota3A, %lt3A_180 : vector<16xi32>
      tpu.vector_store_idx %arg6[%add3A_178], %get3A_175 masked %lt3A_181 : memref<33024xf32, #tpu.memory_space<vmem>>[vector<16xi32>], vector<16xf32>, vector<16xi1>
      %get3A_182 = arith.constant 24768 : index
      %get3A_183 = tpu.vector_load %arg6[%get3A_182] {strides = array<i32>} : memref<33024xf32, #tpu.memory_space<vmem>>, vector<16xf32>,
      %add3A_184 = arith.constant 28864 : i32
      %add3A_185 = vector.broadcast %add3A_184 : i32 to vector<16xi32>
      %add3A_186 = arith.addi %iota3A, %add3A_185 : vector<16xi32>
      %lt3A_187 = arith.constant 12 : i32
      %lt3A_188 = vector.broadcast %lt3A_187 : i32 to vector<16xi32>
      %lt3A_189 = arith.cmpi slt, %iota3A, %lt3A_188 : vector<16xi32>
      tpu.vector_store_idx %arg6[%add3A_186], %get3A_183 masked %lt3A_189 : memref<33024xf32, #tpu.memory_space<vmem>>[vector<16xi32>], vector<16xf32>, vector<16xi1>
      %get3A_190 = arith.constant 28896 : index
      %get3A_191 = tpu.vector_load %arg6[%get3A_190] {strides = array<i32>} : memref<33024xf32, #tpu.memory_space<vmem>>, vector<16xf32>,
      %add3A_192 = arith.constant 32992 : i32
      %add3A_193 = vector.broadcast %add3A_192 : i32 to vector<16xi32>
      %add3A_194 = arith.addi %iota3A, %add3A_193 : vector<16xi32>
      %lt3A_195 = arith.constant 14 : i32
      %lt3A_196 = vector.broadcast %lt3A_195 : i32 to vector<16xi32>
      %lt3A_197 = arith.cmpi slt, %iota3A, %lt3A_196 : vector<16xi32>
      tpu.vector_store_idx %arg6[%add3A_194], %get3A_191 masked %lt3A_197 : memref<33024xf32, #tpu.memory_space<vmem>>[vector<16xi32>], vector<16xf32>, vector<16xi1>
      %broadcast_in_dim3A_198 = arith.constant 0 : i32
      %broadcast_in_dim3A_199 = vector.broadcast %broadcast_in_dim3A_198 : i32 to vector<16xi32>
      %broadcast_in_dim3A_200 = arith.constant 128 : i32
      %broadcast_in_dim3A_201 = vector.broadcast %broadcast_in_dim3A_200 : i32 to vector<16xi32>
      %parallel_loop3A_202 = arith.constant 0 : i32
      %parallel_loop3A_203 = arith.constant 257 : i32
      %parallel_loop3A_204 = arith.constant 1 : i32
      scf.for %parallel_loop3A_544 = %parallel_loop3A_202 to %parallel_loop3A_203 step %parallel_loop3A_204  : i32 {
        %parallel_loop3A_545 = arith.constant 16 : i32
        %parallel_loop3A_546 = arith.muli %parallel_loop3A_544, %parallel_loop3A_545 : i32
        %parallel_loop3A_547 = arith.index_cast %parallel_loop3A_546 : i32 to index
        %parallel_loop3A_548 = tpu.vector_load %arg7[%parallel_loop3A_547] {strides = array<i32>} : memref<4112xi32, #tpu.memory_space<vmem>>, vector<16xi32>,
        tpu.vector_store %arg7[%parallel_loop3A_547], %broadcast_in_dim3A_9 {strides = array<i32>} : memref<4112xi32, #tpu.memory_space<vmem>>, vector<16xi32>,
      } {sc.loop_unroll_factor = 8 : i64, sc.parallel_access}
      %parallel_loop3A_205 = arith.constant 0 : i32
      %parallel_loop3A_206 = arith.constant 2048 : i32
      %parallel_loop3A_207 = arith.constant 1 : i32
      scf.for %parallel_loop3A_544 = %parallel_loop3A_205 to %parallel_loop3A_206 step %parallel_loop3A_207  : i32 {
        %parallel_loop3A_545 = arith.constant 2 : i32
        %parallel_loop3A_546 = arith.muli %parallel_loop3A_545, %parallel_loop3A_544 : i32
        %parallel_loop3A_547 = vector.broadcast %parallel_loop3A_546 : i32 to vector<16xi32>
        %parallel_loop3A_548 = arith.addi %add3A_27, %parallel_loop3A_547 : vector<16xi32>
        %parallel_loop3A_549 = tpu.vector_load_idx %arg6[%parallel_loop3A_548] : memref<33024xf32, #tpu.memory_space<vmem>>[vector<16xi32>], vector<16xf32>,
        %parallel_loop3A_550 = tpu.bitcast %parallel_loop3A_549 : vector<16xf32> -> vector<16xi32>
        %parallel_loop3A_551 = arith.constant 24 : i32
        %parallel_loop3A_552 = vector.broadcast %parallel_loop3A_551 : i32 to vector<16xi32>
        %parallel_loop3A_553 = arith.shrui %parallel_loop3A_550, %parallel_loop3A_552 : vector<16xi32>
        %parallel_loop3A_554 = arith.constant 255 : i32
        %parallel_loop3A_555 = vector.broadcast %parallel_loop3A_554 : i32 to vector<16xi32>
        %parallel_loop3A_556 = arith.andi %parallel_loop3A_553, %parallel_loop3A_555 : vector<16xi32>
        %parallel_loop3A_557 = arith.addi %mul3A_14, %parallel_loop3A_556 : vector<16xi32>
        tpu.vector_store_idx %arg7[%parallel_loop3A_557], %broadcast_in_dim3A_7 {add = true} : memref<4112xi32, #tpu.memory_space<vmem>>[vector<16xi32>], vector<16xi32>,
      } {sc.loop_unroll_factor = 8 : i64, sc.parallel_access}
      %broadcast_in_dim3A_208 = arith.constant false
      %broadcast_in_dim3A_209 = vector.broadcast %broadcast_in_dim3A_208 : i1 to vector<16xi1>
      %parallel_loop3A_210 = arith.constant 0 : i32
      %parallel_loop3A_211 = arith.constant 256 : i32
      %parallel_loop3A_212 = arith.constant 1 : i32
      %parallel_loop3A_213:4 = scf.for %parallel_loop3A_544 = %parallel_loop3A_210 to %parallel_loop3A_211 step %parallel_loop3A_212 iter_args(%parallel_loop3A_545 = %broadcast_in_dim3A_9, %parallel_loop3A_546 = %broadcast_in_dim3A_9, %parallel_loop3A_547 = %broadcast_in_dim3A_9, %parallel_loop3A_548 = %broadcast_in_dim3A_209) -> (vector<16xi32>, vector<16xi32>, vector<16xi32>, vector<16xi1>)  : i32 {
        %parallel_loop3A_549 = arith.constant 255 : i32
        %parallel_loop3A_550 = arith.subi %parallel_loop3A_549, %parallel_loop3A_544 : i32
        %parallel_loop3A_551 = vector.broadcast %parallel_loop3A_550 : i32 to vector<16xi32>
        %parallel_loop3A_552 = arith.addi %mul3A_17, %parallel_loop3A_551 : vector<16xi32>
        %parallel_loop3A_553 = tpu.vector_load_idx %arg7[%parallel_loop3A_552] : memref<4112xi32, #tpu.memory_space<vmem>>[vector<16xi32>], vector<16xi32>,
        %parallel_loop3A_554 = vector.broadcast %parallel_loop3A_550 : i32 to vector<16xi32>
        %parallel_loop3A_555 = arith.addi %mul3A_23, %parallel_loop3A_554 : vector<16xi32>
        %parallel_loop3A_556 = tpu.vector_load_idx %arg7[%parallel_loop3A_555] : memref<4112xi32, #tpu.memory_space<vmem>>[vector<16xi32>], vector<16xi32>,
        %parallel_loop3A_557 = arith.addi %parallel_loop3A_553, %parallel_loop3A_556 : vector<16xi32>
        %parallel_loop3A_558 = arith.addi %parallel_loop3A_545, %parallel_loop3A_557 : vector<16xi32>
        %parallel_loop3A_559 = arith.cmpi sge, %parallel_loop3A_558, %broadcast_in_dim3A_201 : vector<16xi32>
        %parallel_loop3A_560 = arith.constant dense<true> : vector<16xi1>
        %parallel_loop3A_561 = arith.xori %parallel_loop3A_548, %parallel_loop3A_560 : vector<16xi1>
        %parallel_loop3A_562 = arith.andi %parallel_loop3A_559, %parallel_loop3A_561 : vector<16xi1>
        %parallel_loop3A_563 = vector.broadcast %parallel_loop3A_550 : i32 to vector<16xi32>
        %parallel_loop3A_564 = arith.select %parallel_loop3A_562, %parallel_loop3A_563, %parallel_loop3A_546 : vector<16xi1>, vector<16xi32>
        %parallel_loop3A_565 = arith.subi %parallel_loop3A_558, %parallel_loop3A_557 : vector<16xi32>
        %parallel_loop3A_566 = arith.select %parallel_loop3A_562, %parallel_loop3A_565, %parallel_loop3A_547 : vector<16xi1>, vector<16xi32>
        %parallel_loop3A_567 = arith.ori %parallel_loop3A_548, %parallel_loop3A_559 : vector<16xi1>
        scf.yield %parallel_loop3A_558, %parallel_loop3A_564, %parallel_loop3A_566, %parallel_loop3A_567 : vector<16xi32>, vector<16xi32>, vector<16xi32>, vector<16xi1>
      } {sc.loop_unroll_factor = 4 : i64, sc.parallel_access}
      %shift_left3A = arith.constant 24 : i32
      %shift_left3A_214 = vector.broadcast %shift_left3A : i32 to vector<16xi32>
      %shift_left3A_215 = arith.shli %parallel_loop3A_213#1, %shift_left3A_214 : vector<16xi32>
      %or3A = arith.ori %broadcast_in_dim3A_199, %shift_left3A_215 : vector<16xi32>
      %sub3A = arith.subi %broadcast_in_dim3A_201, %parallel_loop3A_213#2 : vector<16xi32>
      %parallel_loop3A_216 = arith.constant 0 : i32
      %parallel_loop3A_217 = arith.constant 257 : i32
      %parallel_loop3A_218 = arith.constant 1 : i32
      scf.for %parallel_loop3A_544 = %parallel_loop3A_216 to %parallel_loop3A_217 step %parallel_loop3A_218  : i32 {
        %parallel_loop3A_545 = arith.constant 16 : i32
        %parallel_loop3A_546 = arith.muli %parallel_loop3A_544, %parallel_loop3A_545 : i32
        %parallel_loop3A_547 = arith.index_cast %parallel_loop3A_546 : i32 to index
        %parallel_loop3A_548 = tpu.vector_load %arg7[%parallel_loop3A_547] {strides = array<i32>} : memref<4112xi32, #tpu.memory_space<vmem>>, vector<16xi32>,
        tpu.vector_store %arg7[%parallel_loop3A_547], %broadcast_in_dim3A_9 {strides = array<i32>} : memref<4112xi32, #tpu.memory_space<vmem>>, vector<16xi32>,
      } {sc.loop_unroll_factor = 8 : i64, sc.parallel_access}
      %parallel_loop3A_219 = arith.constant 0 : i32
      %parallel_loop3A_220 = arith.constant 2048 : i32
      %parallel_loop3A_221 = arith.constant 1 : i32
      scf.for %parallel_loop3A_544 = %parallel_loop3A_219 to %parallel_loop3A_220 step %parallel_loop3A_221  : i32 {
        %parallel_loop3A_545 = arith.constant 2 : i32
        %parallel_loop3A_546 = arith.muli %parallel_loop3A_545, %parallel_loop3A_544 : i32
        %parallel_loop3A_547 = vector.broadcast %parallel_loop3A_546 : i32 to vector<16xi32>
        %parallel_loop3A_548 = arith.addi %add3A_27, %parallel_loop3A_547 : vector<16xi32>
        %parallel_loop3A_549 = tpu.vector_load_idx %arg6[%parallel_loop3A_548] : memref<33024xf32, #tpu.memory_space<vmem>>[vector<16xi32>], vector<16xf32>,
        %parallel_loop3A_550 = tpu.bitcast %parallel_loop3A_549 : vector<16xf32> -> vector<16xi32>
        %parallel_loop3A_551 = arith.constant 16 : i32
        %parallel_loop3A_552 = vector.broadcast %parallel_loop3A_551 : i32 to vector<16xi32>
        %parallel_loop3A_553 = arith.shrui %parallel_loop3A_550, %parallel_loop3A_552 : vector<16xi32>
        %parallel_loop3A_554 = arith.constant 255 : i32
        %parallel_loop3A_555 = vector.broadcast %parallel_loop3A_554 : i32 to vector<16xi32>
        %parallel_loop3A_556 = arith.andi %parallel_loop3A_553, %parallel_loop3A_555 : vector<16xi32>
        %parallel_loop3A_557 = arith.addi %mul3A_14, %parallel_loop3A_556 : vector<16xi32>
        %parallel_loop3A_558 = arith.constant -16777216 : i32
        %parallel_loop3A_559 = vector.broadcast %parallel_loop3A_558 : i32 to vector<16xi32>
        %parallel_loop3A_560 = arith.andi %parallel_loop3A_550, %parallel_loop3A_559 : vector<16xi32>
        %parallel_loop3A_561 = arith.cmpi eq, %parallel_loop3A_560, %or3A : vector<16xi32>
        tpu.vector_store_idx %arg7[%parallel_loop3A_557], %broadcast_in_dim3A_7 masked %parallel_loop3A_561 {add = true} : memref<4112xi32, #tpu.memory_space<vmem>>[vector<16xi32>], vector<16xi32>, vector<16xi1>
      } {sc.loop_unroll_factor = 8 : i64, sc.parallel_access}
      %broadcast_in_dim3A_222 = arith.constant false
      %broadcast_in_dim3A_223 = vector.broadcast %broadcast_in_dim3A_222 : i1 to vector<16xi1>
      %parallel_loop3A_224 = arith.constant 0 : i32
      %parallel_loop3A_225 = arith.constant 256 : i32
      %parallel_loop3A_226 = arith.constant 1 : i32
      %parallel_loop3A_227:4 = scf.for %parallel_loop3A_544 = %parallel_loop3A_224 to %parallel_loop3A_225 step %parallel_loop3A_226 iter_args(%parallel_loop3A_545 = %broadcast_in_dim3A_9, %parallel_loop3A_546 = %broadcast_in_dim3A_9, %parallel_loop3A_547 = %broadcast_in_dim3A_9, %parallel_loop3A_548 = %broadcast_in_dim3A_223) -> (vector<16xi32>, vector<16xi32>, vector<16xi32>, vector<16xi1>)  : i32 {
        %parallel_loop3A_549 = arith.constant 255 : i32
        %parallel_loop3A_550 = arith.subi %parallel_loop3A_549, %parallel_loop3A_544 : i32
        %parallel_loop3A_551 = vector.broadcast %parallel_loop3A_550 : i32 to vector<16xi32>
        %parallel_loop3A_552 = arith.addi %mul3A_17, %parallel_loop3A_551 : vector<16xi32>
        %parallel_loop3A_553 = tpu.vector_load_idx %arg7[%parallel_loop3A_552] : memref<4112xi32, #tpu.memory_space<vmem>>[vector<16xi32>], vector<16xi32>,
        %parallel_loop3A_554 = vector.broadcast %parallel_loop3A_550 : i32 to vector<16xi32>
        %parallel_loop3A_555 = arith.addi %mul3A_23, %parallel_loop3A_554 : vector<16xi32>
        %parallel_loop3A_556 = tpu.vector_load_idx %arg7[%parallel_loop3A_555] : memref<4112xi32, #tpu.memory_space<vmem>>[vector<16xi32>], vector<16xi32>,
        %parallel_loop3A_557 = arith.addi %parallel_loop3A_553, %parallel_loop3A_556 : vector<16xi32>
        %parallel_loop3A_558 = arith.addi %parallel_loop3A_545, %parallel_loop3A_557 : vector<16xi32>
        %parallel_loop3A_559 = arith.cmpi sge, %parallel_loop3A_558, %sub3A : vector<16xi32>
        %parallel_loop3A_560 = arith.constant dense<true> : vector<16xi1>
        %parallel_loop3A_561 = arith.xori %parallel_loop3A_548, %parallel_loop3A_560 : vector<16xi1>
        %parallel_loop3A_562 = arith.andi %parallel_loop3A_559, %parallel_loop3A_561 : vector<16xi1>
        %parallel_loop3A_563 = vector.broadcast %parallel_loop3A_550 : i32 to vector<16xi32>
        %parallel_loop3A_564 = arith.select %parallel_loop3A_562, %parallel_loop3A_563, %parallel_loop3A_546 : vector<16xi1>, vector<16xi32>
        %parallel_loop3A_565 = arith.subi %parallel_loop3A_558, %parallel_loop3A_557 : vector<16xi32>
        %parallel_loop3A_566 = arith.select %parallel_loop3A_562, %parallel_loop3A_565, %parallel_loop3A_547 : vector<16xi1>, vector<16xi32>
        %parallel_loop3A_567 = arith.ori %parallel_loop3A_548, %parallel_loop3A_559 : vector<16xi1>
        scf.yield %parallel_loop3A_558, %parallel_loop3A_564, %parallel_loop3A_566, %parallel_loop3A_567 : vector<16xi32>, vector<16xi32>, vector<16xi32>, vector<16xi1>
      } {sc.loop_unroll_factor = 4 : i64, sc.parallel_access}
      %shift_left3A_228 = arith.constant 16 : i32
      %shift_left3A_229 = vector.broadcast %shift_left3A_228 : i32 to vector<16xi32>
      %shift_left3A_230 = arith.shli %parallel_loop3A_227#1, %shift_left3A_229 : vector<16xi32>
      %or3A_231 = arith.ori %or3A, %shift_left3A_230 : vector<16xi32>
      %sub3A_232 = arith.subi %sub3A, %parallel_loop3A_227#2 : vector<16xi32>
      %parallel_loop3A_233 = arith.constant 0 : i32
      %parallel_loop3A_234 = arith.constant 257 : i32
      %parallel_loop3A_235 = arith.constant 1 : i32
      scf.for %parallel_loop3A_544 = %parallel_loop3A_233 to %parallel_loop3A_234 step %parallel_loop3A_235  : i32 {
        %parallel_loop3A_545 = arith.constant 16 : i32
        %parallel_loop3A_546 = arith.muli %parallel_loop3A_544, %parallel_loop3A_545 : i32
        %parallel_loop3A_547 = arith.index_cast %parallel_loop3A_546 : i32 to index
        %parallel_loop3A_548 = tpu.vector_load %arg7[%parallel_loop3A_547] {strides = array<i32>} : memref<4112xi32, #tpu.memory_space<vmem>>, vector<16xi32>,
        tpu.vector_store %arg7[%parallel_loop3A_547], %broadcast_in_dim3A_9 {strides = array<i32>} : memref<4112xi32, #tpu.memory_space<vmem>>, vector<16xi32>,
      } {sc.loop_unroll_factor = 8 : i64, sc.parallel_access}
      %parallel_loop3A_236 = arith.constant 0 : i32
      %parallel_loop3A_237 = arith.constant 2048 : i32
      %parallel_loop3A_238 = arith.constant 1 : i32
      scf.for %parallel_loop3A_544 = %parallel_loop3A_236 to %parallel_loop3A_237 step %parallel_loop3A_238  : i32 {
        %parallel_loop3A_545 = arith.constant 2 : i32
        %parallel_loop3A_546 = arith.muli %parallel_loop3A_545, %parallel_loop3A_544 : i32
        %parallel_loop3A_547 = vector.broadcast %parallel_loop3A_546 : i32 to vector<16xi32>
        %parallel_loop3A_548 = arith.addi %add3A_27, %parallel_loop3A_547 : vector<16xi32>
        %parallel_loop3A_549 = tpu.vector_load_idx %arg6[%parallel_loop3A_548] : memref<33024xf32, #tpu.memory_space<vmem>>[vector<16xi32>], vector<16xf32>,
        %parallel_loop3A_550 = tpu.bitcast %parallel_loop3A_549 : vector<16xf32> -> vector<16xi32>
        %parallel_loop3A_551 = arith.constant 8 : i32
        %parallel_loop3A_552 = vector.broadcast %parallel_loop3A_551 : i32 to vector<16xi32>
        %parallel_loop3A_553 = arith.shrui %parallel_loop3A_550, %parallel_loop3A_552 : vector<16xi32>
        %parallel_loop3A_554 = arith.constant 255 : i32
        %parallel_loop3A_555 = vector.broadcast %parallel_loop3A_554 : i32 to vector<16xi32>
        %parallel_loop3A_556 = arith.andi %parallel_loop3A_553, %parallel_loop3A_555 : vector<16xi32>
        %parallel_loop3A_557 = arith.addi %mul3A_14, %parallel_loop3A_556 : vector<16xi32>
        %parallel_loop3A_558 = arith.constant -65536 : i32
        %parallel_loop3A_559 = vector.broadcast %parallel_loop3A_558 : i32 to vector<16xi32>
        %parallel_loop3A_560 = arith.andi %parallel_loop3A_550, %parallel_loop3A_559 : vector<16xi32>
        %parallel_loop3A_561 = arith.cmpi eq, %parallel_loop3A_560, %or3A_231 : vector<16xi32>
        tpu.vector_store_idx %arg7[%parallel_loop3A_557], %broadcast_in_dim3A_7 masked %parallel_loop3A_561 {add = true} : memref<4112xi32, #tpu.memory_space<vmem>>[vector<16xi32>], vector<16xi32>, vector<16xi1>
      } {sc.loop_unroll_factor = 8 : i64, sc.parallel_access}
      %broadcast_in_dim3A_239 = arith.constant false
      %broadcast_in_dim3A_240 = vector.broadcast %broadcast_in_dim3A_239 : i1 to vector<16xi1>
      %parallel_loop3A_241 = arith.constant 0 : i32
      %parallel_loop3A_242 = arith.constant 256 : i32
      %parallel_loop3A_243 = arith.constant 1 : i32
      %parallel_loop3A_244:4 = scf.for %parallel_loop3A_544 = %parallel_loop3A_241 to %parallel_loop3A_242 step %parallel_loop3A_243 iter_args(%parallel_loop3A_545 = %broadcast_in_dim3A_9, %parallel_loop3A_546 = %broadcast_in_dim3A_9, %parallel_loop3A_547 = %broadcast_in_dim3A_9, %parallel_loop3A_548 = %broadcast_in_dim3A_240) -> (vector<16xi32>, vector<16xi32>, vector<16xi32>, vector<16xi1>)  : i32 {
        %parallel_loop3A_549 = arith.constant 255 : i32
        %parallel_loop3A_550 = arith.subi %parallel_loop3A_549, %parallel_loop3A_544 : i32
        %parallel_loop3A_551 = vector.broadcast %parallel_loop3A_550 : i32 to vector<16xi32>
        %parallel_loop3A_552 = arith.addi %mul3A_17, %parallel_loop3A_551 : vector<16xi32>
        %parallel_loop3A_553 = tpu.vector_load_idx %arg7[%parallel_loop3A_552] : memref<4112xi32, #tpu.memory_space<vmem>>[vector<16xi32>], vector<16xi32>,
        %parallel_loop3A_554 = vector.broadcast %parallel_loop3A_550 : i32 to vector<16xi32>
        %parallel_loop3A_555 = arith.addi %mul3A_23, %parallel_loop3A_554 : vector<16xi32>
        %parallel_loop3A_556 = tpu.vector_load_idx %arg7[%parallel_loop3A_555] : memref<4112xi32, #tpu.memory_space<vmem>>[vector<16xi32>], vector<16xi32>,
        %parallel_loop3A_557 = arith.addi %parallel_loop3A_553, %parallel_loop3A_556 : vector<16xi32>
        %parallel_loop3A_558 = arith.addi %parallel_loop3A_545, %parallel_loop3A_557 : vector<16xi32>
        %parallel_loop3A_559 = arith.cmpi sge, %parallel_loop3A_558, %sub3A_232 : vector<16xi32>
        %parallel_loop3A_560 = arith.constant dense<true> : vector<16xi1>
        %parallel_loop3A_561 = arith.xori %parallel_loop3A_548, %parallel_loop3A_560 : vector<16xi1>
        %parallel_loop3A_562 = arith.andi %parallel_loop3A_559, %parallel_loop3A_561 : vector<16xi1>
        %parallel_loop3A_563 = vector.broadcast %parallel_loop3A_550 : i32 to vector<16xi32>
        %parallel_loop3A_564 = arith.select %parallel_loop3A_562, %parallel_loop3A_563, %parallel_loop3A_546 : vector<16xi1>, vector<16xi32>
        %parallel_loop3A_565 = arith.subi %parallel_loop3A_558, %parallel_loop3A_557 : vector<16xi32>
        %parallel_loop3A_566 = arith.select %parallel_loop3A_562, %parallel_loop3A_565, %parallel_loop3A_547 : vector<16xi1>, vector<16xi32>
        %parallel_loop3A_567 = arith.ori %parallel_loop3A_548, %parallel_loop3A_559 : vector<16xi1>
        scf.yield %parallel_loop3A_558, %parallel_loop3A_564, %parallel_loop3A_566, %parallel_loop3A_567 : vector<16xi32>, vector<16xi32>, vector<16xi32>, vector<16xi1>
      } {sc.loop_unroll_factor = 4 : i64, sc.parallel_access}
      %shift_left3A_245 = arith.constant 8 : i32
      %shift_left3A_246 = vector.broadcast %shift_left3A_245 : i32 to vector<16xi32>
      %shift_left3A_247 = arith.shli %parallel_loop3A_244#1, %shift_left3A_246 : vector<16xi32>
      %or3A_248 = arith.ori %or3A_231, %shift_left3A_247 : vector<16xi32>
      %sub3A_249 = arith.subi %sub3A_232, %parallel_loop3A_244#2 : vector<16xi32>
      %parallel_loop3A_250 = arith.constant 0 : i32
      %parallel_loop3A_251 = arith.constant 257 : i32
      %parallel_loop3A_252 = arith.constant 1 : i32
      scf.for %parallel_loop3A_544 = %parallel_loop3A_250 to %parallel_loop3A_251 step %parallel_loop3A_252  : i32 {
        %parallel_loop3A_545 = arith.constant 16 : i32
        %parallel_loop3A_546 = arith.muli %parallel_loop3A_544, %parallel_loop3A_545 : i32
        %parallel_loop3A_547 = arith.index_cast %parallel_loop3A_546 : i32 to index
        %parallel_loop3A_548 = tpu.vector_load %arg7[%parallel_loop3A_547] {strides = array<i32>} : memref<4112xi32, #tpu.memory_space<vmem>>, vector<16xi32>,
        tpu.vector_store %arg7[%parallel_loop3A_547], %broadcast_in_dim3A_9 {strides = array<i32>} : memref<4112xi32, #tpu.memory_space<vmem>>, vector<16xi32>,
      } {sc.loop_unroll_factor = 8 : i64, sc.parallel_access}
      %parallel_loop3A_253 = arith.constant 0 : i32
      %parallel_loop3A_254 = arith.constant 2048 : i32
      %parallel_loop3A_255 = arith.constant 1 : i32
      scf.for %parallel_loop3A_544 = %parallel_loop3A_253 to %parallel_loop3A_254 step %parallel_loop3A_255  : i32 {
        %parallel_loop3A_545 = arith.constant 2 : i32
        %parallel_loop3A_546 = arith.muli %parallel_loop3A_545, %parallel_loop3A_544 : i32
        %parallel_loop3A_547 = vector.broadcast %parallel_loop3A_546 : i32 to vector<16xi32>
        %parallel_loop3A_548 = arith.addi %add3A_27, %parallel_loop3A_547 : vector<16xi32>
        %parallel_loop3A_549 = tpu.vector_load_idx %arg6[%parallel_loop3A_548] : memref<33024xf32, #tpu.memory_space<vmem>>[vector<16xi32>], vector<16xf32>,
        %parallel_loop3A_550 = tpu.bitcast %parallel_loop3A_549 : vector<16xf32> -> vector<16xi32>
        %parallel_loop3A_551 = arith.constant 0 : i32
        %parallel_loop3A_552 = vector.broadcast %parallel_loop3A_551 : i32 to vector<16xi32>
        %parallel_loop3A_553 = arith.shrui %parallel_loop3A_550, %parallel_loop3A_552 : vector<16xi32>
        %parallel_loop3A_554 = arith.constant 255 : i32
        %parallel_loop3A_555 = vector.broadcast %parallel_loop3A_554 : i32 to vector<16xi32>
        %parallel_loop3A_556 = arith.andi %parallel_loop3A_553, %parallel_loop3A_555 : vector<16xi32>
        %parallel_loop3A_557 = arith.addi %mul3A_14, %parallel_loop3A_556 : vector<16xi32>
        %parallel_loop3A_558 = arith.constant -256 : i32
        %parallel_loop3A_559 = vector.broadcast %parallel_loop3A_558 : i32 to vector<16xi32>
        %parallel_loop3A_560 = arith.andi %parallel_loop3A_550, %parallel_loop3A_559 : vector<16xi32>
        %parallel_loop3A_561 = arith.cmpi eq, %parallel_loop3A_560, %or3A_248 : vector<16xi32>
        tpu.vector_store_idx %arg7[%parallel_loop3A_557], %broadcast_in_dim3A_7 masked %parallel_loop3A_561 {add = true} : memref<4112xi32, #tpu.memory_space<vmem>>[vector<16xi32>], vector<16xi32>, vector<16xi1>
      } {sc.loop_unroll_factor = 8 : i64, sc.parallel_access}
      %broadcast_in_dim3A_256 = arith.constant false
      %broadcast_in_dim3A_257 = vector.broadcast %broadcast_in_dim3A_256 : i1 to vector<16xi1>
      %parallel_loop3A_258 = arith.constant 0 : i32
      %parallel_loop3A_259 = arith.constant 256 : i32
      %parallel_loop3A_260 = arith.constant 1 : i32
      %parallel_loop3A_261:4 = scf.for %parallel_loop3A_544 = %parallel_loop3A_258 to %parallel_loop3A_259 step %parallel_loop3A_260 iter_args(%parallel_loop3A_545 = %broadcast_in_dim3A_9, %parallel_loop3A_546 = %broadcast_in_dim3A_9, %parallel_loop3A_547 = %broadcast_in_dim3A_9, %parallel_loop3A_548 = %broadcast_in_dim3A_257) -> (vector<16xi32>, vector<16xi32>, vector<16xi32>, vector<16xi1>)  : i32 {
        %parallel_loop3A_549 = arith.constant 255 : i32
        %parallel_loop3A_550 = arith.subi %parallel_loop3A_549, %parallel_loop3A_544 : i32
        %parallel_loop3A_551 = vector.broadcast %parallel_loop3A_550 : i32 to vector<16xi32>
        %parallel_loop3A_552 = arith.addi %mul3A_17, %parallel_loop3A_551 : vector<16xi32>
        %parallel_loop3A_553 = tpu.vector_load_idx %arg7[%parallel_loop3A_552] : memref<4112xi32, #tpu.memory_space<vmem>>[vector<16xi32>], vector<16xi32>,
        %parallel_loop3A_554 = vector.broadcast %parallel_loop3A_550 : i32 to vector<16xi32>
        %parallel_loop3A_555 = arith.addi %mul3A_23, %parallel_loop3A_554 : vector<16xi32>
        %parallel_loop3A_556 = tpu.vector_load_idx %arg7[%parallel_loop3A_555] : memref<4112xi32, #tpu.memory_space<vmem>>[vector<16xi32>], vector<16xi32>,
        %parallel_loop3A_557 = arith.addi %parallel_loop3A_553, %parallel_loop3A_556 : vector<16xi32>
        %parallel_loop3A_558 = arith.addi %parallel_loop3A_545, %parallel_loop3A_557 : vector<16xi32>
        %parallel_loop3A_559 = arith.cmpi sge, %parallel_loop3A_558, %sub3A_249 : vector<16xi32>
        %parallel_loop3A_560 = arith.constant dense<true> : vector<16xi1>
        %parallel_loop3A_561 = arith.xori %parallel_loop3A_548, %parallel_loop3A_560 : vector<16xi1>
        %parallel_loop3A_562 = arith.andi %parallel_loop3A_559, %parallel_loop3A_561 : vector<16xi1>
        %parallel_loop3A_563 = vector.broadcast %parallel_loop3A_550 : i32 to vector<16xi32>
        %parallel_loop3A_564 = arith.select %parallel_loop3A_562, %parallel_loop3A_563, %parallel_loop3A_546 : vector<16xi1>, vector<16xi32>
        %parallel_loop3A_565 = arith.subi %parallel_loop3A_558, %parallel_loop3A_557 : vector<16xi32>
        %parallel_loop3A_566 = arith.select %parallel_loop3A_562, %parallel_loop3A_565, %parallel_loop3A_547 : vector<16xi1>, vector<16xi32>
        %parallel_loop3A_567 = arith.ori %parallel_loop3A_548, %parallel_loop3A_559 : vector<16xi1>
        scf.yield %parallel_loop3A_558, %parallel_loop3A_564, %parallel_loop3A_566, %parallel_loop3A_567 : vector<16xi32>, vector<16xi32>, vector<16xi32>, vector<16xi1>
      } {sc.loop_unroll_factor = 4 : i64, sc.parallel_access}
      %shift_left3A_262 = arith.constant 0 : i32
      %shift_left3A_263 = vector.broadcast %shift_left3A_262 : i32 to vector<16xi32>
      %shift_left3A_264 = arith.shli %parallel_loop3A_261#1, %shift_left3A_263 : vector<16xi32>
      %or3A_265 = arith.ori %or3A_248, %shift_left3A_264 : vector<16xi32>
      %sub3A_266 = arith.subi %sub3A_249, %parallel_loop3A_261#2 : vector<16xi32>
      %parallel_loop3A_267 = arith.constant 0 : i32
      %parallel_loop3A_268 = arith.constant 2048 : i32
      %parallel_loop3A_269 = arith.constant 1 : i32
      %parallel_loop3A_270 = scf.for %parallel_loop3A_544 = %parallel_loop3A_267 to %parallel_loop3A_268 step %parallel_loop3A_269 iter_args(%parallel_loop3A_545 = %broadcast_in_dim3A_11) -> (vector<16xf32>)  : i32 {
        %parallel_loop3A_546 = arith.constant 2 : i32
        %parallel_loop3A_547 = arith.muli %parallel_loop3A_546, %parallel_loop3A_544 : i32
        %parallel_loop3A_548 = vector.broadcast %parallel_loop3A_547 : i32 to vector<16xi32>
        %parallel_loop3A_549 = arith.addi %add3A_27, %parallel_loop3A_548 : vector<16xi32>
        %parallel_loop3A_550 = tpu.vector_load_idx %arg6[%parallel_loop3A_549] : memref<33024xf32, #tpu.memory_space<vmem>>[vector<16xi32>], vector<16xf32>,
        %parallel_loop3A_551 = tpu.bitcast %parallel_loop3A_550 : vector<16xf32> -> vector<16xi32>
        %parallel_loop3A_552 = arith.cmpi ugt, %parallel_loop3A_551, %or3A_265 : vector<16xi32>
        %parallel_loop3A_553 = arith.constant -2147483648 : i32
        %parallel_loop3A_554 = vector.broadcast %parallel_loop3A_553 : i32 to vector<16xi32>
        %parallel_loop3A_555 = arith.cmpi uge, %parallel_loop3A_551, %parallel_loop3A_554 : vector<16xi32>
        %parallel_loop3A_556 = arith.constant 2147483647 : i32
        %parallel_loop3A_557 = vector.broadcast %parallel_loop3A_556 : i32 to vector<16xi32>
        %parallel_loop3A_558 = arith.andi %parallel_loop3A_551, %parallel_loop3A_557 : vector<16xi32>
        %parallel_loop3A_559 = arith.constant dense<-1> : vector<16xi32>
        %parallel_loop3A_560 = arith.xori %parallel_loop3A_551, %parallel_loop3A_559 : vector<16xi32>
        %parallel_loop3A_561 = arith.select %parallel_loop3A_555, %parallel_loop3A_558, %parallel_loop3A_560 : vector<16xi1>, vector<16xi32>
        %parallel_loop3A_562 = tpu.bitcast %parallel_loop3A_561 : vector<16xi32> -> vector<16xf32>
        %parallel_loop3A_563 = math.exp %parallel_loop3A_562 : vector<16xf32>
        %parallel_loop3A_564 = arith.constant 0.000000e+00 : f32
        %parallel_loop3A_565 = vector.broadcast %parallel_loop3A_564 : f32 to vector<16xf32>
        %parallel_loop3A_566 = arith.select %parallel_loop3A_552, %parallel_loop3A_563, %parallel_loop3A_565 : vector<16xi1>, vector<16xf32>
        %parallel_loop3A_567 = arith.addf %parallel_loop3A_545, %parallel_loop3A_566 : vector<16xf32>
        scf.yield %parallel_loop3A_567 : vector<16xf32>
      } {sc.loop_unroll_factor = 8 : i64, sc.parallel_access}
      %swap3A = arith.constant 0 : index
      %swap3A_271 = tpu.vector_load %arg8[%swap3A] {strides = array<i32>} : memref<16xf32, #tpu.memory_space<vmem>>, vector<16xf32>,
      tpu.vector_store %arg8[%swap3A], %parallel_loop3A_270 {strides = array<i32>} : memref<16xf32, #tpu.memory_space<vmem>>, vector<16xf32>,
      %gather3A_272 = tpu.vector_load_idx %arg8[%and3A_4] : memref<16xf32, #tpu.memory_space<vmem>>[vector<16xi32>], vector<16xf32>,
      %add3A_273 = arith.constant 8 : i32
      %add3A_274 = vector.broadcast %add3A_273 : i32 to vector<16xi32>
      %add3A_275 = arith.addi %and3A_4, %add3A_274 : vector<16xi32>
      %gather3A_276 = tpu.vector_load_idx %arg8[%add3A_275] : memref<16xf32, #tpu.memory_space<vmem>>[vector<16xi32>], vector<16xf32>,
      %add3A_277 = arith.addf %gather3A_272, %gather3A_276 : vector<16xf32>
      %ge3A = arith.constant -2147483648 : i32
      %ge3A_278 = vector.broadcast %ge3A : i32 to vector<16xi32>
      %ge3A_279 = arith.cmpi uge, %or3A_265, %ge3A_278 : vector<16xi32>
      %and3A_280 = arith.constant 2147483647 : i32
      %and3A_281 = vector.broadcast %and3A_280 : i32 to vector<16xi32>
      %and3A_282 = arith.andi %or3A_265, %and3A_281 : vector<16xi32>
      %not3A = arith.constant dense<-1> : vector<16xi32>
      %not3A_283 = arith.xori %or3A_265, %not3A : vector<16xi32>
      %select_n3A = arith.select %ge3A_279, %and3A_282, %not3A_283 : vector<16xi1>, vector<16xi32>
      %bitcast_convert_type3A = tpu.bitcast %select_n3A : vector<16xi32> -> vector<16xf32>
      %convert_element_type3A = arith.sitofp %sub3A_266 : vector<16xi32> to vector<16xf32>
      %exp3A_284 = math.exp %bitcast_convert_type3A : vector<16xf32>
      %mul3A_285 = arith.mulf %convert_element_type3A, %exp3A_284 : vector<16xf32>
      %add3A_286 = arith.addf %add3A_277, %mul3A_285 : vector<16xf32>
      %add3A_287 = arith.addf %add3A_286, %exp3A : vector<16xf32>
      %mul3A_288 = arith.constant 8 : i32
      %mul3A_289 = arith.muli %add3A_65, %mul3A_288 : i32
      %add3A_290 = vector.broadcast %mul3A_289 : i32 to vector<16xi32>
      %add3A_291 = arith.addi %and3A_4, %add3A_290 : vector<16xi32>
      %lt3A_292 = arith.constant 8 : i32
      %lt3A_293 = vector.broadcast %lt3A_292 : i32 to vector<16xi32>
      %lt3A_294 = arith.cmpi slt, %iota3A, %lt3A_293 : vector<16xi32>
      tpu.vector_store_idx %arg9[%add3A_291], %add3A_287 masked %lt3A_294 : memref<128xf32, #tpu.memory_space<vmem>>[vector<16xi32>], vector<16xf32>, vector<16xi1>
      tpu.vector_store_idx %arg10[%add3A_291], %gather3A masked %lt3A_294 : memref<128xf32, #tpu.memory_space<vmem>>[vector<16xi32>], vector<16xf32>, vector<16xi1>
      %mul3A_295 = arith.constant 2 : i32
      %mul3A_296 = arith.muli %scan3A_60, %mul3A_295 : i32
      %add3A_297 = arith.constant 1 : i32
      %add3A_298 = arith.addi %mul3A_296, %add3A_297 : i32
      %mul3A_299 = arith.constant 8 : i32
      %mul3A_300 = arith.muli %add3A_298, %mul3A_299 : i32
      %add3A_301 = arith.addi %mul3A_2, %mul3A_300 : i32
      %dma_wait3A_302 = arith.constant 1 : i32
      %dma_wait3A_303 = arith.constant 0 : i32
      %dma_wait3A_304 = arith.constant 0 : i32
      %dma_wait3A_305 = tpu.memref_slice %arg5[%dma_wait3A_302, %dma_wait3A_303, %dma_wait3A_304] : memref<2x8x4096xf32, #tpu.memory_space<vmem>> -> memref<1x8x4096xf32, #tpu.memory_space<vmem>>
      %dma_wait3A_306 = tpu.memref_squeeze %dma_wait3A_305 : memref<1x8x4096xf32, #tpu.memory_space<vmem>> -> memref<8x4096xf32, #tpu.memory_space<vmem>>
      %dma_wait3A_307 = arith.constant 0 : i32
      %dma_wait3A_308 = tpu.memref_slice %arg2[%add3A_301, %dma_wait3A_307] : memref<4096x4096xf32, #tpu.memory_space<hbm>> -> memref<8x4096xf32, #tpu.memory_space<hbm>>
      %dma_wait3A_309 = arith.constant 0 : i32
      %dma_wait3A_310 = arith.constant 0 : i32
      %dma_wait3A_311 = tpu.memref_slice %arg5[%dma_wait3A_302, %dma_wait3A_309, %dma_wait3A_310] : memref<2x8x4096xf32, #tpu.memory_space<vmem>> -> memref<1x8x4096xf32, #tpu.memory_space<vmem>>
      %dma_wait3A_312 = tpu.memref_squeeze %dma_wait3A_311 : memref<1x8x4096xf32, #tpu.memory_space<vmem>> -> memref<8x4096xf32, #tpu.memory_space<vmem>>
      %dma_wait3A_313 = arith.constant 0 : i32
      %dma_wait3A_314 = tpu.memref_slice %arg2[%add3A_301, %dma_wait3A_313] : memref<4096x4096xf32, #tpu.memory_space<hbm>> -> memref<8x4096xf32, #tpu.memory_space<hbm>>
      tpu.wait_dma2 semaphore(%arg11 : memref<!tpu.dma_semaphore, #tpu.memory_space<semaphore_mem>>) src(%dma_wait3A_314 : memref<8x4096xf32, #tpu.memory_space<hbm>>) dst(%dma_wait3A_312 : memref<8x4096xf32, #tpu.memory_space<vmem>>)
      %add3A_315 = arith.constant 8 : i32
      %add3A_316 = arith.addi %add3A_301, %add3A_315 : i32
      %min3A_317 = arith.constant 4088 : i32
      %min3A_318 = arith.minsi %add3A_316, %min3A_317 : i32
      %dma_start3A_319 = arith.constant 0 : i32
      %dma_start3A_320 = arith.constant 0 : i32
      %dma_start3A_321 = arith.constant 0 : i32
      %dma_start3A_322 = tpu.memref_slice %arg5[%dma_start3A_319, %dma_start3A_320, %dma_start3A_321] : memref<2x8x4096xf32, #tpu.memory_space<vmem>> -> memref<1x8x4096xf32, #tpu.memory_space<vmem>>
      %dma_start3A_323 = tpu.memref_squeeze %dma_start3A_322 : memref<1x8x4096xf32, #tpu.memory_space<vmem>> -> memref<8x4096xf32, #tpu.memory_space<vmem>>
      %dma_start3A_324 = arith.constant 0 : i32
      %dma_start3A_325 = tpu.memref_slice %arg2[%min3A_318, %dma_start3A_324] : memref<4096x4096xf32, #tpu.memory_space<hbm>> -> memref<8x4096xf32, #tpu.memory_space<hbm>>
      %dma_start3A_326 = arith.constant 0 : i32
      %dma_start3A_327 = arith.constant 0 : i32
      %dma_start3A_328 = tpu.memref_slice %arg5[%dma_start3A_319, %dma_start3A_326, %dma_start3A_327] : memref<2x8x4096xf32, #tpu.memory_space<vmem>> -> memref<1x8x4096xf32, #tpu.memory_space<vmem>>
      %dma_start3A_329 = tpu.memref_squeeze %dma_start3A_328 : memref<1x8x4096xf32, #tpu.memory_space<vmem>> -> memref<8x4096xf32, #tpu.memory_space<vmem>>
      %dma_start3A_330 = arith.constant 0 : i32
      %dma_start3A_331 = tpu.memref_slice %arg2[%min3A_318, %dma_start3A_330] : memref<4096x4096xf32, #tpu.memory_space<hbm>> -> memref<8x4096xf32, #tpu.memory_space<hbm>>
      tpu.enqueue_dma source(%dma_start3A_331 : memref<8x4096xf32, #tpu.memory_space<hbm>>) target(%dma_start3A_329 : memref<8x4096xf32, #tpu.memory_space<vmem>>) target_semaphore(%arg11 : memref<!tpu.dma_semaphore, #tpu.memory_space<semaphore_mem>>)
      %broadcast_in_dim3A_332 = arith.constant 0 : i32
      %broadcast_in_dim3A_333 = vector.broadcast %broadcast_in_dim3A_332 : i32 to vector<16xi32>
      %add3A_334 = arith.constant 1 : i32
      %add3A_335 = vector.broadcast %add3A_334 : i32 to vector<16xi32>
      %add3A_336 = arith.addi %broadcast_in_dim3A_333, %add3A_335 : vector<16xi32>
      %add3A_337 = vector.broadcast %add3A_301 : i32 to vector<16xi32>
      %add3A_338 = arith.addi %and3A_4, %add3A_337 : vector<16xi32>
      %gather3A_339 = tpu.vector_load_idx %arg5[%add3A_336, %and3A_4, %add3A_338] : memref<2x8x4096xf32, #tpu.memory_space<vmem>>[vector<16xi32>, vector<16xi32>, vector<16xi32>], vector<16xf32>,
      %exp3A_340 = math.exp %gather3A_339 : vector<16xf32>
      %add3A_341 = arith.constant 0 : i32
      %add3A_342 = arith.addi %add3A_301, %add3A_341 : i32
      %parallel_loop3A_343 = arith.constant 0 : i32
      %parallel_loop3A_344 = arith.constant 256 : i32
      %parallel_loop3A_345 = arith.constant 1 : i32
      scf.for %parallel_loop3A_544 = %parallel_loop3A_343 to %parallel_loop3A_344 step %parallel_loop3A_345  : i32 {
        %parallel_loop3A_545 = arith.constant 16 : i32
        %parallel_loop3A_546 = arith.muli %parallel_loop3A_544, %parallel_loop3A_545 : i32
        %parallel_loop3A_547 = vector.broadcast %parallel_loop3A_546 : i32 to vector<16xi32>
        %parallel_loop3A_548 = arith.addi %iota3A, %parallel_loop3A_547 : vector<16xi32>
        %parallel_loop3A_549 = arith.constant 1 : i32
        %parallel_loop3A_550 = arith.constant 0 : i32
        %parallel_loop3A_551 = arith.index_cast %parallel_loop3A_549 : i32 to index
        %parallel_loop3A_552 = arith.index_cast %parallel_loop3A_550 : i32 to index
        %parallel_loop3A_553 = arith.index_cast %parallel_loop3A_546 : i32 to index
        %parallel_loop3A_554 = tpu.vector_load %arg5[%parallel_loop3A_551, %parallel_loop3A_552, %parallel_loop3A_553] {strides = array<i32>} : memref<2x8x4096xf32, #tpu.memory_space<vmem>>, vector<16xf32>,
        %parallel_loop3A_555 = vector.broadcast %add3A_342 : i32 to vector<16xi32>
        %parallel_loop3A_556 = arith.cmpi eq, %parallel_loop3A_548, %parallel_loop3A_555 : vector<16xi32>
        %parallel_loop3A_557 = tpu.bitcast %parallel_loop3A_554 : vector<16xf32> -> vector<16xi32>
        %parallel_loop3A_558 = arith.constant -2147483648 : i32
        %parallel_loop3A_559 = vector.broadcast %parallel_loop3A_558 : i32 to vector<16xi32>
        %parallel_loop3A_560 = arith.cmpi uge, %parallel_loop3A_557, %parallel_loop3A_559 : vector<16xi32>
        %parallel_loop3A_561 = arith.constant dense<-1> : vector<16xi32>
        %parallel_loop3A_562 = arith.xori %parallel_loop3A_557, %parallel_loop3A_561 : vector<16xi32>
        %parallel_loop3A_563 = arith.constant -2147483648 : i32
        %parallel_loop3A_564 = vector.broadcast %parallel_loop3A_563 : i32 to vector<16xi32>
        %parallel_loop3A_565 = arith.ori %parallel_loop3A_557, %parallel_loop3A_564 : vector<16xi32>
        %parallel_loop3A_566 = arith.select %parallel_loop3A_560, %parallel_loop3A_562, %parallel_loop3A_565 : vector<16xi1>, vector<16xi32>
        %parallel_loop3A_567 = arith.constant 0 : i32
        %parallel_loop3A_568 = vector.broadcast %parallel_loop3A_567 : i32 to vector<16xi32>
        %parallel_loop3A_569 = arith.select %parallel_loop3A_556, %parallel_loop3A_568, %parallel_loop3A_566 : vector<16xi1>, vector<16xi32>
        %parallel_loop3A_570 = tpu.bitcast %parallel_loop3A_569 : vector<16xi32> -> vector<16xf32>
        %parallel_loop3A_571 = arith.constant 0 : i32
        %parallel_loop3A_572 = arith.addi %parallel_loop3A_571, %parallel_loop3A_546 : i32
        %parallel_loop3A_573 = arith.index_cast %parallel_loop3A_572 : i32 to index
        %parallel_loop3A_574 = tpu.vector_load %arg6[%parallel_loop3A_573] {strides = array<i32>} : memref<33024xf32, #tpu.memory_space<vmem>>, vector<16xf32>,
        tpu.vector_store %arg6[%parallel_loop3A_573], %parallel_loop3A_570 {strides = array<i32>} : memref<33024xf32, #tpu.memory_space<vmem>>, vector<16xf32>,
      } {sc.loop_unroll_factor = 8 : i64, sc.parallel_access}
      %add3A_346 = arith.constant 1 : i32
      %add3A_347 = arith.addi %add3A_301, %add3A_346 : i32
      %parallel_loop3A_348 = arith.constant 0 : i32
      %parallel_loop3A_349 = arith.constant 256 : i32
      %parallel_loop3A_350 = arith.constant 1 : i32
      scf.for %parallel_loop3A_544 = %parallel_loop3A_348 to %parallel_loop3A_349 step %parallel_loop3A_350  : i32 {
        %parallel_loop3A_545 = arith.constant 16 : i32
        %parallel_loop3A_546 = arith.muli %parallel_loop3A_544, %parallel_loop3A_545 : i32
        %parallel_loop3A_547 = vector.broadcast %parallel_loop3A_546 : i32 to vector<16xi32>
        %parallel_loop3A_548 = arith.addi %iota3A, %parallel_loop3A_547 : vector<16xi32>
        %parallel_loop3A_549 = arith.constant 1 : i32
        %parallel_loop3A_550 = arith.constant 1 : i32
        %parallel_loop3A_551 = arith.index_cast %parallel_loop3A_549 : i32 to index
        %parallel_loop3A_552 = arith.index_cast %parallel_loop3A_550 : i32 to index
        %parallel_loop3A_553 = arith.index_cast %parallel_loop3A_546 : i32 to index
        %parallel_loop3A_554 = tpu.vector_load %arg5[%parallel_loop3A_551, %parallel_loop3A_552, %parallel_loop3A_553] {strides = array<i32>} : memref<2x8x4096xf32, #tpu.memory_space<vmem>>, vector<16xf32>,
        %parallel_loop3A_555 = vector.broadcast %add3A_347 : i32 to vector<16xi32>
        %parallel_loop3A_556 = arith.cmpi eq, %parallel_loop3A_548, %parallel_loop3A_555 : vector<16xi32>
        %parallel_loop3A_557 = tpu.bitcast %parallel_loop3A_554 : vector<16xf32> -> vector<16xi32>
        %parallel_loop3A_558 = arith.constant -2147483648 : i32
        %parallel_loop3A_559 = vector.broadcast %parallel_loop3A_558 : i32 to vector<16xi32>
        %parallel_loop3A_560 = arith.cmpi uge, %parallel_loop3A_557, %parallel_loop3A_559 : vector<16xi32>
        %parallel_loop3A_561 = arith.constant dense<-1> : vector<16xi32>
        %parallel_loop3A_562 = arith.xori %parallel_loop3A_557, %parallel_loop3A_561 : vector<16xi32>
        %parallel_loop3A_563 = arith.constant -2147483648 : i32
        %parallel_loop3A_564 = vector.broadcast %parallel_loop3A_563 : i32 to vector<16xi32>
        %parallel_loop3A_565 = arith.ori %parallel_loop3A_557, %parallel_loop3A_564 : vector<16xi32>
        %parallel_loop3A_566 = arith.select %parallel_loop3A_560, %parallel_loop3A_562, %parallel_loop3A_565 : vector<16xi1>, vector<16xi32>
        %parallel_loop3A_567 = arith.constant 0 : i32
        %parallel_loop3A_568 = vector.broadcast %parallel_loop3A_567 : i32 to vector<16xi32>
        %parallel_loop3A_569 = arith.select %parallel_loop3A_556, %parallel_loop3A_568, %parallel_loop3A_566 : vector<16xi1>, vector<16xi32>
        %parallel_loop3A_570 = tpu.bitcast %parallel_loop3A_569 : vector<16xi32> -> vector<16xf32>
        %parallel_loop3A_571 = arith.constant 4128 : i32
        %parallel_loop3A_572 = arith.addi %parallel_loop3A_571, %parallel_loop3A_546 : i32
        %parallel_loop3A_573 = arith.index_cast %parallel_loop3A_572 : i32 to index
        %parallel_loop3A_574 = tpu.vector_load %arg6[%parallel_loop3A_573] {strides = array<i32>} : memref<33024xf32, #tpu.memory_space<vmem>>, vector<16xf32>,
        tpu.vector_store %arg6[%parallel_loop3A_573], %parallel_loop3A_570 {strides = array<i32>} : memref<33024xf32, #tpu.memory_space<vmem>>, vector<16xf32>,
      } {sc.loop_unroll_factor = 8 : i64, sc.parallel_access}
      %add3A_351 = arith.constant 2 : i32
      %add3A_352 = arith.addi %add3A_301, %add3A_351 : i32
      %parallel_loop3A_353 = arith.constant 0 : i32
      %parallel_loop3A_354 = arith.constant 256 : i32
      %parallel_loop3A_355 = arith.constant 1 : i32
      scf.for %parallel_loop3A_544 = %parallel_loop3A_353 to %parallel_loop3A_354 step %parallel_loop3A_355  : i32 {
        %parallel_loop3A_545 = arith.constant 16 : i32
        %parallel_loop3A_546 = arith.muli %parallel_loop3A_544, %parallel_loop3A_545 : i32
        %parallel_loop3A_547 = vector.broadcast %parallel_loop3A_546 : i32 to vector<16xi32>
        %parallel_loop3A_548 = arith.addi %iota3A, %parallel_loop3A_547 : vector<16xi32>
        %parallel_loop3A_549 = arith.constant 1 : i32
        %parallel_loop3A_550 = arith.constant 2 : i32
        %parallel_loop3A_551 = arith.index_cast %parallel_loop3A_549 : i32 to index
        %parallel_loop3A_552 = arith.index_cast %parallel_loop3A_550 : i32 to index
        %parallel_loop3A_553 = arith.index_cast %parallel_loop3A_546 : i32 to index
        %parallel_loop3A_554 = tpu.vector_load %arg5[%parallel_loop3A_551, %parallel_loop3A_552, %parallel_loop3A_553] {strides = array<i32>} : memref<2x8x4096xf32, #tpu.memory_space<vmem>>, vector<16xf32>,
        %parallel_loop3A_555 = vector.broadcast %add3A_352 : i32 to vector<16xi32>
        %parallel_loop3A_556 = arith.cmpi eq, %parallel_loop3A_548, %parallel_loop3A_555 : vector<16xi32>
        %parallel_loop3A_557 = tpu.bitcast %parallel_loop3A_554 : vector<16xf32> -> vector<16xi32>
        %parallel_loop3A_558 = arith.constant -2147483648 : i32
        %parallel_loop3A_559 = vector.broadcast %parallel_loop3A_558 : i32 to vector<16xi32>
        %parallel_loop3A_560 = arith.cmpi uge, %parallel_loop3A_557, %parallel_loop3A_559 : vector<16xi32>
        %parallel_loop3A_561 = arith.constant dense<-1> : vector<16xi32>
        %parallel_loop3A_562 = arith.xori %parallel_loop3A_557, %parallel_loop3A_561 : vector<16xi32>
        %parallel_loop3A_563 = arith.constant -2147483648 : i32
        %parallel_loop3A_564 = vector.broadcast %parallel_loop3A_563 : i32 to vector<16xi32>
        %parallel_loop3A_565 = arith.ori %parallel_loop3A_557, %parallel_loop3A_564 : vector<16xi32>
        %parallel_loop3A_566 = arith.select %parallel_loop3A_560, %parallel_loop3A_562, %parallel_loop3A_565 : vector<16xi1>, vector<16xi32>
        %parallel_loop3A_567 = arith.constant 0 : i32
        %parallel_loop3A_568 = vector.broadcast %parallel_loop3A_567 : i32 to vector<16xi32>
        %parallel_loop3A_569 = arith.select %parallel_loop3A_556, %parallel_loop3A_568, %parallel_loop3A_566 : vector<16xi1>, vector<16xi32>
        %parallel_loop3A_570 = tpu.bitcast %parallel_loop3A_569 : vector<16xi32> -> vector<16xf32>
        %parallel_loop3A_571 = arith.constant 8256 : i32
        %parallel_loop3A_572 = arith.addi %parallel_loop3A_571, %parallel_loop3A_546 : i32
        %parallel_loop3A_573 = arith.index_cast %parallel_loop3A_572 : i32 to index
        %parallel_loop3A_574 = tpu.vector_load %arg6[%parallel_loop3A_573] {strides = array<i32>} : memref<33024xf32, #tpu.memory_space<vmem>>, vector<16xf32>,
        tpu.vector_store %arg6[%parallel_loop3A_573], %parallel_loop3A_570 {strides = array<i32>} : memref<33024xf32, #tpu.memory_space<vmem>>, vector<16xf32>,
      } {sc.loop_unroll_factor = 8 : i64, sc.parallel_access}
      %add3A_356 = arith.constant 3 : i32
      %add3A_357 = arith.addi %add3A_301, %add3A_356 : i32
      %parallel_loop3A_358 = arith.constant 0 : i32
      %parallel_loop3A_359 = arith.constant 256 : i32
      %parallel_loop3A_360 = arith.constant 1 : i32
      scf.for %parallel_loop3A_544 = %parallel_loop3A_358 to %parallel_loop3A_359 step %parallel_loop3A_360  : i32 {
        %parallel_loop3A_545 = arith.constant 16 : i32
        %parallel_loop3A_546 = arith.muli %parallel_loop3A_544, %parallel_loop3A_545 : i32
        %parallel_loop3A_547 = vector.broadcast %parallel_loop3A_546 : i32 to vector<16xi32>
        %parallel_loop3A_548 = arith.addi %iota3A, %parallel_loop3A_547 : vector<16xi32>
        %parallel_loop3A_549 = arith.constant 1 : i32
        %parallel_loop3A_550 = arith.constant 3 : i32
        %parallel_loop3A_551 = arith.index_cast %parallel_loop3A_549 : i32 to index
        %parallel_loop3A_552 = arith.index_cast %parallel_loop3A_550 : i32 to index
        %parallel_loop3A_553 = arith.index_cast %parallel_loop3A_546 : i32 to index
        %parallel_loop3A_554 = tpu.vector_load %arg5[%parallel_loop3A_551, %parallel_loop3A_552, %parallel_loop3A_553] {strides = array<i32>} : memref<2x8x4096xf32, #tpu.memory_space<vmem>>, vector<16xf32>,
        %parallel_loop3A_555 = vector.broadcast %add3A_357 : i32 to vector<16xi32>
        %parallel_loop3A_556 = arith.cmpi eq, %parallel_loop3A_548, %parallel_loop3A_555 : vector<16xi32>
        %parallel_loop3A_557 = tpu.bitcast %parallel_loop3A_554 : vector<16xf32> -> vector<16xi32>
        %parallel_loop3A_558 = arith.constant -2147483648 : i32
        %parallel_loop3A_559 = vector.broadcast %parallel_loop3A_558 : i32 to vector<16xi32>
        %parallel_loop3A_560 = arith.cmpi uge, %parallel_loop3A_557, %parallel_loop3A_559 : vector<16xi32>
        %parallel_loop3A_561 = arith.constant dense<-1> : vector<16xi32>
        %parallel_loop3A_562 = arith.xori %parallel_loop3A_557, %parallel_loop3A_561 : vector<16xi32>
        %parallel_loop3A_563 = arith.constant -2147483648 : i32
        %parallel_loop3A_564 = vector.broadcast %parallel_loop3A_563 : i32 to vector<16xi32>
        %parallel_loop3A_565 = arith.ori %parallel_loop3A_557, %parallel_loop3A_564 : vector<16xi32>
        %parallel_loop3A_566 = arith.select %parallel_loop3A_560, %parallel_loop3A_562, %parallel_loop3A_565 : vector<16xi1>, vector<16xi32>
        %parallel_loop3A_567 = arith.constant 0 : i32
        %parallel_loop3A_568 = vector.broadcast %parallel_loop3A_567 : i32 to vector<16xi32>
        %parallel_loop3A_569 = arith.select %parallel_loop3A_556, %parallel_loop3A_568, %parallel_loop3A_566 : vector<16xi1>, vector<16xi32>
        %parallel_loop3A_570 = tpu.bitcast %parallel_loop3A_569 : vector<16xi32> -> vector<16xf32>
        %parallel_loop3A_571 = arith.constant 12384 : i32
        %parallel_loop3A_572 = arith.addi %parallel_loop3A_571, %parallel_loop3A_546 : i32
        %parallel_loop3A_573 = arith.index_cast %parallel_loop3A_572 : i32 to index
        %parallel_loop3A_574 = tpu.vector_load %arg6[%parallel_loop3A_573] {strides = array<i32>} : memref<33024xf32, #tpu.memory_space<vmem>>, vector<16xf32>,
        tpu.vector_store %arg6[%parallel_loop3A_573], %parallel_loop3A_570 {strides = array<i32>} : memref<33024xf32, #tpu.memory_space<vmem>>, vector<16xf32>,
      } {sc.loop_unroll_factor = 8 : i64, sc.parallel_access}
      %add3A_361 = arith.constant 4 : i32
      %add3A_362 = arith.addi %add3A_301, %add3A_361 : i32
      %parallel_loop3A_363 = arith.constant 0 : i32
      %parallel_loop3A_364 = arith.constant 256 : i32
      %parallel_loop3A_365 = arith.constant 1 : i32
      scf.for %parallel_loop3A_544 = %parallel_loop3A_363 to %parallel_loop3A_364 step %parallel_loop3A_365  : i32 {
        %parallel_loop3A_545 = arith.constant 16 : i32
        %parallel_loop3A_546 = arith.muli %parallel_loop3A_544, %parallel_loop3A_545 : i32
        %parallel_loop3A_547 = vector.broadcast %parallel_loop3A_546 : i32 to vector<16xi32>
        %parallel_loop3A_548 = arith.addi %iota3A, %parallel_loop3A_547 : vector<16xi32>
        %parallel_loop3A_549 = arith.constant 1 : i32
        %parallel_loop3A_550 = arith.constant 4 : i32
        %parallel_loop3A_551 = arith.index_cast %parallel_loop3A_549 : i32 to index
        %parallel_loop3A_552 = arith.index_cast %parallel_loop3A_550 : i32 to index
        %parallel_loop3A_553 = arith.index_cast %parallel_loop3A_546 : i32 to index
        %parallel_loop3A_554 = tpu.vector_load %arg5[%parallel_loop3A_551, %parallel_loop3A_552, %parallel_loop3A_553] {strides = array<i32>} : memref<2x8x4096xf32, #tpu.memory_space<vmem>>, vector<16xf32>,
        %parallel_loop3A_555 = vector.broadcast %add3A_362 : i32 to vector<16xi32>
        %parallel_loop3A_556 = arith.cmpi eq, %parallel_loop3A_548, %parallel_loop3A_555 : vector<16xi32>
        %parallel_loop3A_557 = tpu.bitcast %parallel_loop3A_554 : vector<16xf32> -> vector<16xi32>
        %parallel_loop3A_558 = arith.constant -2147483648 : i32
        %parallel_loop3A_559 = vector.broadcast %parallel_loop3A_558 : i32 to vector<16xi32>
        %parallel_loop3A_560 = arith.cmpi uge, %parallel_loop3A_557, %parallel_loop3A_559 : vector<16xi32>
        %parallel_loop3A_561 = arith.constant dense<-1> : vector<16xi32>
        %parallel_loop3A_562 = arith.xori %parallel_loop3A_557, %parallel_loop3A_561 : vector<16xi32>
        %parallel_loop3A_563 = arith.constant -2147483648 : i32
        %parallel_loop3A_564 = vector.broadcast %parallel_loop3A_563 : i32 to vector<16xi32>
        %parallel_loop3A_565 = arith.ori %parallel_loop3A_557, %parallel_loop3A_564 : vector<16xi32>
        %parallel_loop3A_566 = arith.select %parallel_loop3A_560, %parallel_loop3A_562, %parallel_loop3A_565 : vector<16xi1>, vector<16xi32>
        %parallel_loop3A_567 = arith.constant 0 : i32
        %parallel_loop3A_568 = vector.broadcast %parallel_loop3A_567 : i32 to vector<16xi32>
        %parallel_loop3A_569 = arith.select %parallel_loop3A_556, %parallel_loop3A_568, %parallel_loop3A_566 : vector<16xi1>, vector<16xi32>
        %parallel_loop3A_570 = tpu.bitcast %parallel_loop3A_569 : vector<16xi32> -> vector<16xf32>
        %parallel_loop3A_571 = arith.constant 16512 : i32
        %parallel_loop3A_572 = arith.addi %parallel_loop3A_571, %parallel_loop3A_546 : i32
        %parallel_loop3A_573 = arith.index_cast %parallel_loop3A_572 : i32 to index
        %parallel_loop3A_574 = tpu.vector_load %arg6[%parallel_loop3A_573] {strides = array<i32>} : memref<33024xf32, #tpu.memory_space<vmem>>, vector<16xf32>,
        tpu.vector_store %arg6[%parallel_loop3A_573], %parallel_loop3A_570 {strides = array<i32>} : memref<33024xf32, #tpu.memory_space<vmem>>, vector<16xf32>,
      } {sc.loop_unroll_factor = 8 : i64, sc.parallel_access}
      %add3A_366 = arith.constant 5 : i32
      %add3A_367 = arith.addi %add3A_301, %add3A_366 : i32
      %parallel_loop3A_368 = arith.constant 0 : i32
      %parallel_loop3A_369 = arith.constant 256 : i32
      %parallel_loop3A_370 = arith.constant 1 : i32
      scf.for %parallel_loop3A_544 = %parallel_loop3A_368 to %parallel_loop3A_369 step %parallel_loop3A_370  : i32 {
        %parallel_loop3A_545 = arith.constant 16 : i32
        %parallel_loop3A_546 = arith.muli %parallel_loop3A_544, %parallel_loop3A_545 : i32
        %parallel_loop3A_547 = vector.broadcast %parallel_loop3A_546 : i32 to vector<16xi32>
        %parallel_loop3A_548 = arith.addi %iota3A, %parallel_loop3A_547 : vector<16xi32>
        %parallel_loop3A_549 = arith.constant 1 : i32
        %parallel_loop3A_550 = arith.constant 5 : i32
        %parallel_loop3A_551 = arith.index_cast %parallel_loop3A_549 : i32 to index
        %parallel_loop3A_552 = arith.index_cast %parallel_loop3A_550 : i32 to index
        %parallel_loop3A_553 = arith.index_cast %parallel_loop3A_546 : i32 to index
        %parallel_loop3A_554 = tpu.vector_load %arg5[%parallel_loop3A_551, %parallel_loop3A_552, %parallel_loop3A_553] {strides = array<i32>} : memref<2x8x4096xf32, #tpu.memory_space<vmem>>, vector<16xf32>,
        %parallel_loop3A_555 = vector.broadcast %add3A_367 : i32 to vector<16xi32>
        %parallel_loop3A_556 = arith.cmpi eq, %parallel_loop3A_548, %parallel_loop3A_555 : vector<16xi32>
        %parallel_loop3A_557 = tpu.bitcast %parallel_loop3A_554 : vector<16xf32> -> vector<16xi32>
        %parallel_loop3A_558 = arith.constant -2147483648 : i32
        %parallel_loop3A_559 = vector.broadcast %parallel_loop3A_558 : i32 to vector<16xi32>
        %parallel_loop3A_560 = arith.cmpi uge, %parallel_loop3A_557, %parallel_loop3A_559 : vector<16xi32>
        %parallel_loop3A_561 = arith.constant dense<-1> : vector<16xi32>
        %parallel_loop3A_562 = arith.xori %parallel_loop3A_557, %parallel_loop3A_561 : vector<16xi32>
        %parallel_loop3A_563 = arith.constant -2147483648 : i32
        %parallel_loop3A_564 = vector.broadcast %parallel_loop3A_563 : i32 to vector<16xi32>
        %parallel_loop3A_565 = arith.ori %parallel_loop3A_557, %parallel_loop3A_564 : vector<16xi32>
        %parallel_loop3A_566 = arith.select %parallel_loop3A_560, %parallel_loop3A_562, %parallel_loop3A_565 : vector<16xi1>, vector<16xi32>
        %parallel_loop3A_567 = arith.constant 0 : i32
        %parallel_loop3A_568 = vector.broadcast %parallel_loop3A_567 : i32 to vector<16xi32>
        %parallel_loop3A_569 = arith.select %parallel_loop3A_556, %parallel_loop3A_568, %parallel_loop3A_566 : vector<16xi1>, vector<16xi32>
        %parallel_loop3A_570 = tpu.bitcast %parallel_loop3A_569 : vector<16xi32> -> vector<16xf32>
        %parallel_loop3A_571 = arith.constant 20640 : i32
        %parallel_loop3A_572 = arith.addi %parallel_loop3A_571, %parallel_loop3A_546 : i32
        %parallel_loop3A_573 = arith.index_cast %parallel_loop3A_572 : i32 to index
        %parallel_loop3A_574 = tpu.vector_load %arg6[%parallel_loop3A_573] {strides = array<i32>} : memref<33024xf32, #tpu.memory_space<vmem>>, vector<16xf32>,
        tpu.vector_store %arg6[%parallel_loop3A_573], %parallel_loop3A_570 {strides = array<i32>} : memref<33024xf32, #tpu.memory_space<vmem>>, vector<16xf32>,
      } {sc.loop_unroll_factor = 8 : i64, sc.parallel_access}
      %add3A_371 = arith.constant 6 : i32
      %add3A_372 = arith.addi %add3A_301, %add3A_371 : i32
      %parallel_loop3A_373 = arith.constant 0 : i32
      %parallel_loop3A_374 = arith.constant 256 : i32
      %parallel_loop3A_375 = arith.constant 1 : i32
      scf.for %parallel_loop3A_544 = %parallel_loop3A_373 to %parallel_loop3A_374 step %parallel_loop3A_375  : i32 {
        %parallel_loop3A_545 = arith.constant 16 : i32
        %parallel_loop3A_546 = arith.muli %parallel_loop3A_544, %parallel_loop3A_545 : i32
        %parallel_loop3A_547 = vector.broadcast %parallel_loop3A_546 : i32 to vector<16xi32>
        %parallel_loop3A_548 = arith.addi %iota3A, %parallel_loop3A_547 : vector<16xi32>
        %parallel_loop3A_549 = arith.constant 1 : i32
        %parallel_loop3A_550 = arith.constant 6 : i32
        %parallel_loop3A_551 = arith.index_cast %parallel_loop3A_549 : i32 to index
        %parallel_loop3A_552 = arith.index_cast %parallel_loop3A_550 : i32 to index
        %parallel_loop3A_553 = arith.index_cast %parallel_loop3A_546 : i32 to index
        %parallel_loop3A_554 = tpu.vector_load %arg5[%parallel_loop3A_551, %parallel_loop3A_552, %parallel_loop3A_553] {strides = array<i32>} : memref<2x8x4096xf32, #tpu.memory_space<vmem>>, vector<16xf32>,
        %parallel_loop3A_555 = vector.broadcast %add3A_372 : i32 to vector<16xi32>
        %parallel_loop3A_556 = arith.cmpi eq, %parallel_loop3A_548, %parallel_loop3A_555 : vector<16xi32>
        %parallel_loop3A_557 = tpu.bitcast %parallel_loop3A_554 : vector<16xf32> -> vector<16xi32>
        %parallel_loop3A_558 = arith.constant -2147483648 : i32
        %parallel_loop3A_559 = vector.broadcast %parallel_loop3A_558 : i32 to vector<16xi32>
        %parallel_loop3A_560 = arith.cmpi uge, %parallel_loop3A_557, %parallel_loop3A_559 : vector<16xi32>
        %parallel_loop3A_561 = arith.constant dense<-1> : vector<16xi32>
        %parallel_loop3A_562 = arith.xori %parallel_loop3A_557, %parallel_loop3A_561 : vector<16xi32>
        %parallel_loop3A_563 = arith.constant -2147483648 : i32
        %parallel_loop3A_564 = vector.broadcast %parallel_loop3A_563 : i32 to vector<16xi32>
        %parallel_loop3A_565 = arith.ori %parallel_loop3A_557, %parallel_loop3A_564 : vector<16xi32>
        %parallel_loop3A_566 = arith.select %parallel_loop3A_560, %parallel_loop3A_562, %parallel_loop3A_565 : vector<16xi1>, vector<16xi32>
        %parallel_loop3A_567 = arith.constant 0 : i32
        %parallel_loop3A_568 = vector.broadcast %parallel_loop3A_567 : i32 to vector<16xi32>
        %parallel_loop3A_569 = arith.select %parallel_loop3A_556, %parallel_loop3A_568, %parallel_loop3A_566 : vector<16xi1>, vector<16xi32>
        %parallel_loop3A_570 = tpu.bitcast %parallel_loop3A_569 : vector<16xi32> -> vector<16xf32>
        %parallel_loop3A_571 = arith.constant 24768 : i32
        %parallel_loop3A_572 = arith.addi %parallel_loop3A_571, %parallel_loop3A_546 : i32
        %parallel_loop3A_573 = arith.index_cast %parallel_loop3A_572 : i32 to index
        %parallel_loop3A_574 = tpu.vector_load %arg6[%parallel_loop3A_573] {strides = array<i32>} : memref<33024xf32, #tpu.memory_space<vmem>>, vector<16xf32>,
        tpu.vector_store %arg6[%parallel_loop3A_573], %parallel_loop3A_570 {strides = array<i32>} : memref<33024xf32, #tpu.memory_space<vmem>>, vector<16xf32>,
      } {sc.loop_unroll_factor = 8 : i64, sc.parallel_access}
      %add3A_376 = arith.constant 7 : i32
      %add3A_377 = arith.addi %add3A_301, %add3A_376 : i32
      %parallel_loop3A_378 = arith.constant 0 : i32
      %parallel_loop3A_379 = arith.constant 256 : i32
      %parallel_loop3A_380 = arith.constant 1 : i32
      scf.for %parallel_loop3A_544 = %parallel_loop3A_378 to %parallel_loop3A_379 step %parallel_loop3A_380  : i32 {
        %parallel_loop3A_545 = arith.constant 16 : i32
        %parallel_loop3A_546 = arith.muli %parallel_loop3A_544, %parallel_loop3A_545 : i32
        %parallel_loop3A_547 = vector.broadcast %parallel_loop3A_546 : i32 to vector<16xi32>
        %parallel_loop3A_548 = arith.addi %iota3A, %parallel_loop3A_547 : vector<16xi32>
        %parallel_loop3A_549 = arith.constant 1 : i32
        %parallel_loop3A_550 = arith.constant 7 : i32
        %parallel_loop3A_551 = arith.index_cast %parallel_loop3A_549 : i32 to index
        %parallel_loop3A_552 = arith.index_cast %parallel_loop3A_550 : i32 to index
        %parallel_loop3A_553 = arith.index_cast %parallel_loop3A_546 : i32 to index
        %parallel_loop3A_554 = tpu.vector_load %arg5[%parallel_loop3A_551, %parallel_loop3A_552, %parallel_loop3A_553] {strides = array<i32>} : memref<2x8x4096xf32, #tpu.memory_space<vmem>>, vector<16xf32>,
        %parallel_loop3A_555 = vector.broadcast %add3A_377 : i32 to vector<16xi32>
        %parallel_loop3A_556 = arith.cmpi eq, %parallel_loop3A_548, %parallel_loop3A_555 : vector<16xi32>
        %parallel_loop3A_557 = tpu.bitcast %parallel_loop3A_554 : vector<16xf32> -> vector<16xi32>
        %parallel_loop3A_558 = arith.constant -2147483648 : i32
        %parallel_loop3A_559 = vector.broadcast %parallel_loop3A_558 : i32 to vector<16xi32>
        %parallel_loop3A_560 = arith.cmpi uge, %parallel_loop3A_557, %parallel_loop3A_559 : vector<16xi32>
        %parallel_loop3A_561 = arith.constant dense<-1> : vector<16xi32>
        %parallel_loop3A_562 = arith.xori %parallel_loop3A_557, %parallel_loop3A_561 : vector<16xi32>
        %parallel_loop3A_563 = arith.constant -2147483648 : i32
        %parallel_loop3A_564 = vector.broadcast %parallel_loop3A_563 : i32 to vector<16xi32>
        %parallel_loop3A_565 = arith.ori %parallel_loop3A_557, %parallel_loop3A_564 : vector<16xi32>
        %parallel_loop3A_566 = arith.select %parallel_loop3A_560, %parallel_loop3A_562, %parallel_loop3A_565 : vector<16xi1>, vector<16xi32>
        %parallel_loop3A_567 = arith.constant 0 : i32
        %parallel_loop3A_568 = vector.broadcast %parallel_loop3A_567 : i32 to vector<16xi32>
        %parallel_loop3A_569 = arith.select %parallel_loop3A_556, %parallel_loop3A_568, %parallel_loop3A_566 : vector<16xi1>, vector<16xi32>
        %parallel_loop3A_570 = tpu.bitcast %parallel_loop3A_569 : vector<16xi32> -> vector<16xf32>
        %parallel_loop3A_571 = arith.constant 28896 : i32
        %parallel_loop3A_572 = arith.addi %parallel_loop3A_571, %parallel_loop3A_546 : i32
        %parallel_loop3A_573 = arith.index_cast %parallel_loop3A_572 : i32 to index
        %parallel_loop3A_574 = tpu.vector_load %arg6[%parallel_loop3A_573] {strides = array<i32>} : memref<33024xf32, #tpu.memory_space<vmem>>, vector<16xf32>,
        tpu.vector_store %arg6[%parallel_loop3A_573], %parallel_loop3A_570 {strides = array<i32>} : memref<33024xf32, #tpu.memory_space<vmem>>, vector<16xf32>,
      } {sc.loop_unroll_factor = 8 : i64, sc.parallel_access}
      %get3A_381 = arith.constant 4128 : index
      %get3A_382 = tpu.vector_load %arg6[%get3A_381] {strides = array<i32>} : memref<33024xf32, #tpu.memory_space<vmem>>, vector<16xf32>,
      %add3A_383 = arith.constant 8224 : i32
      %add3A_384 = vector.broadcast %add3A_383 : i32 to vector<16xi32>
      %add3A_385 = arith.addi %iota3A, %add3A_384 : vector<16xi32>
      %lt3A_386 = arith.constant 2 : i32
      %lt3A_387 = vector.broadcast %lt3A_386 : i32 to vector<16xi32>
      %lt3A_388 = arith.cmpi slt, %iota3A, %lt3A_387 : vector<16xi32>
      tpu.vector_store_idx %arg6[%add3A_385], %get3A_382 masked %lt3A_388 : memref<33024xf32, #tpu.memory_space<vmem>>[vector<16xi32>], vector<16xf32>, vector<16xi1>
      %get3A_389 = arith.constant 8256 : index
      %get3A_390 = tpu.vector_load %arg6[%get3A_389] {strides = array<i32>} : memref<33024xf32, #tpu.memory_space<vmem>>, vector<16xf32>,
      %add3A_391 = arith.constant 12352 : i32
      %add3A_392 = vector.broadcast %add3A_391 : i32 to vector<16xi32>
      %add3A_393 = arith.addi %iota3A, %add3A_392 : vector<16xi32>
      %lt3A_394 = arith.constant 4 : i32
      %lt3A_395 = vector.broadcast %lt3A_394 : i32 to vector<16xi32>
      %lt3A_396 = arith.cmpi slt, %iota3A, %lt3A_395 : vector<16xi32>
      tpu.vector_store_idx %arg6[%add3A_393], %get3A_390 masked %lt3A_396 : memref<33024xf32, #tpu.memory_space<vmem>>[vector<16xi32>], vector<16xf32>, vector<16xi1>
      %get3A_397 = arith.constant 12384 : index
      %get3A_398 = tpu.vector_load %arg6[%get3A_397] {strides = array<i32>} : memref<33024xf32, #tpu.memory_space<vmem>>, vector<16xf32>,
      %add3A_399 = arith.constant 16480 : i32
      %add3A_400 = vector.broadcast %add3A_399 : i32 to vector<16xi32>
      %add3A_401 = arith.addi %iota3A, %add3A_400 : vector<16xi32>
      %lt3A_402 = arith.constant 6 : i32
      %lt3A_403 = vector.broadcast %lt3A_402 : i32 to vector<16xi32>
      %lt3A_404 = arith.cmpi slt, %iota3A, %lt3A_403 : vector<16xi32>
      tpu.vector_store_idx %arg6[%add3A_401], %get3A_398 masked %lt3A_404 : memref<33024xf32, #tpu.memory_space<vmem>>[vector<16xi32>], vector<16xf32>, vector<16xi1>
      %get3A_405 = arith.constant 16512 : index
      %get3A_406 = tpu.vector_load %arg6[%get3A_405] {strides = array<i32>} : memref<33024xf32, #tpu.memory_space<vmem>>, vector<16xf32>,
      %add3A_407 = arith.constant 20608 : i32
      %add3A_408 = vector.broadcast %add3A_407 : i32 to vector<16xi32>
      %add3A_409 = arith.addi %iota3A, %add3A_408 : vector<16xi32>
      %lt3A_410 = arith.constant 8 : i32
      %lt3A_411 = vector.broadcast %lt3A_410 : i32 to vector<16xi32>
      %lt3A_412 = arith.cmpi slt, %iota3A, %lt3A_411 : vector<16xi32>
      tpu.vector_store_idx %arg6[%add3A_409], %get3A_406 masked %lt3A_412 : memref<33024xf32, #tpu.memory_space<vmem>>[vector<16xi32>], vector<16xf32>, vector<16xi1>
      %get3A_413 = arith.constant 20640 : index
      %get3A_414 = tpu.vector_load %arg6[%get3A_413] {strides = array<i32>} : memref<33024xf32, #tpu.memory_space<vmem>>, vector<16xf32>,
      %add3A_415 = arith.constant 24736 : i32
      %add3A_416 = vector.broadcast %add3A_415 : i32 to vector<16xi32>
      %add3A_417 = arith.addi %iota3A, %add3A_416 : vector<16xi32>
      %lt3A_418 = arith.constant 10 : i32
      %lt3A_419 = vector.broadcast %lt3A_418 : i32 to vector<16xi32>
      %lt3A_420 = arith.cmpi slt, %iota3A, %lt3A_419 : vector<16xi32>
      tpu.vector_store_idx %arg6[%add3A_417], %get3A_414 masked %lt3A_420 : memref<33024xf32, #tpu.memory_space<vmem>>[vector<16xi32>], vector<16xf32>, vector<16xi1>
      %get3A_421 = arith.constant 24768 : index
      %get3A_422 = tpu.vector_load %arg6[%get3A_421] {strides = array<i32>} : memref<33024xf32, #tpu.memory_space<vmem>>, vector<16xf32>,
      %add3A_423 = arith.constant 28864 : i32
      %add3A_424 = vector.broadcast %add3A_423 : i32 to vector<16xi32>
      %add3A_425 = arith.addi %iota3A, %add3A_424 : vector<16xi32>
      %lt3A_426 = arith.constant 12 : i32
      %lt3A_427 = vector.broadcast %lt3A_426 : i32 to vector<16xi32>
      %lt3A_428 = arith.cmpi slt, %iota3A, %lt3A_427 : vector<16xi32>
      tpu.vector_store_idx %arg6[%add3A_425], %get3A_422 masked %lt3A_428 : memref<33024xf32, #tpu.memory_space<vmem>>[vector<16xi32>], vector<16xf32>, vector<16xi1>
      %get3A_429 = arith.constant 28896 : index
      %get3A_430 = tpu.vector_load %arg6[%get3A_429] {strides = array<i32>} : memref<33024xf32, #tpu.memory_space<vmem>>, vector<16xf32>,
      %add3A_431 = arith.constant 32992 : i32
      %add3A_432 = vector.broadcast %add3A_431 : i32 to vector<16xi32>
      %add3A_433 = arith.addi %iota3A, %add3A_432 : vector<16xi32>
      %lt3A_434 = arith.constant 14 : i32
      %lt3A_435 = vector.broadcast %lt3A_434 : i32 to vector<16xi32>
      %lt3A_436 = arith.cmpi slt, %iota3A, %lt3A_435 : vector<16xi32>
      tpu.vector_store_idx %arg6[%add3A_433], %get3A_430 masked %lt3A_436 : memref<33024xf32, #tpu.memory_space<vmem>>[vector<16xi32>], vector<16xf32>, vector<16xi1>
      %broadcast_in_dim3A_437 = arith.constant 0 : i32
      %broadcast_in_dim3A_438 = vector.broadcast %broadcast_in_dim3A_437 : i32 to vector<16xi32>
      %broadcast_in_dim3A_439 = arith.constant 128 : i32
      %broadcast_in_dim3A_440 = vector.broadcast %broadcast_in_dim3A_439 : i32 to vector<16xi32>
      %parallel_loop3A_441 = arith.constant 0 : i32
      %parallel_loop3A_442 = arith.constant 257 : i32
      %parallel_loop3A_443 = arith.constant 1 : i32
      scf.for %parallel_loop3A_544 = %parallel_loop3A_441 to %parallel_loop3A_442 step %parallel_loop3A_443  : i32 {
        %parallel_loop3A_545 = arith.constant 16 : i32
        %parallel_loop3A_546 = arith.muli %parallel_loop3A_544, %parallel_loop3A_545 : i32
        %parallel_loop3A_547 = arith.index_cast %parallel_loop3A_546 : i32 to index
        %parallel_loop3A_548 = tpu.vector_load %arg7[%parallel_loop3A_547] {strides = array<i32>} : memref<4112xi32, #tpu.memory_space<vmem>>, vector<16xi32>,
        tpu.vector_store %arg7[%parallel_loop3A_547], %broadcast_in_dim3A_9 {strides = array<i32>} : memref<4112xi32, #tpu.memory_space<vmem>>, vector<16xi32>,
      } {sc.loop_unroll_factor = 8 : i64, sc.parallel_access}
      %parallel_loop3A_444 = arith.constant 0 : i32
      %parallel_loop3A_445 = arith.constant 2048 : i32
      %parallel_loop3A_446 = arith.constant 1 : i32
      scf.for %parallel_loop3A_544 = %parallel_loop3A_444 to %parallel_loop3A_445 step %parallel_loop3A_446  : i32 {
        %parallel_loop3A_545 = arith.constant 2 : i32
        %parallel_loop3A_546 = arith.muli %parallel_loop3A_545, %parallel_loop3A_544 : i32
        %parallel_loop3A_547 = vector.broadcast %parallel_loop3A_546 : i32 to vector<16xi32>
        %parallel_loop3A_548 = arith.addi %add3A_27, %parallel_loop3A_547 : vector<16xi32>
        %parallel_loop3A_549 = tpu.vector_load_idx %arg6[%parallel_loop3A_548] : memref<33024xf32, #tpu.memory_space<vmem>>[vector<16xi32>], vector<16xf32>,
        %parallel_loop3A_550 = tpu.bitcast %parallel_loop3A_549 : vector<16xf32> -> vector<16xi32>
        %parallel_loop3A_551 = arith.constant 24 : i32
        %parallel_loop3A_552 = vector.broadcast %parallel_loop3A_551 : i32 to vector<16xi32>
        %parallel_loop3A_553 = arith.shrui %parallel_loop3A_550, %parallel_loop3A_552 : vector<16xi32>
        %parallel_loop3A_554 = arith.constant 255 : i32
        %parallel_loop3A_555 = vector.broadcast %parallel_loop3A_554 : i32 to vector<16xi32>
        %parallel_loop3A_556 = arith.andi %parallel_loop3A_553, %parallel_loop3A_555 : vector<16xi32>
        %parallel_loop3A_557 = arith.addi %mul3A_14, %parallel_loop3A_556 : vector<16xi32>
        tpu.vector_store_idx %arg7[%parallel_loop3A_557], %broadcast_in_dim3A_7 {add = true} : memref<4112xi32, #tpu.memory_space<vmem>>[vector<16xi32>], vector<16xi32>,
      } {sc.loop_unroll_factor = 8 : i64, sc.parallel_access}
      %broadcast_in_dim3A_447 = arith.constant false
      %broadcast_in_dim3A_448 = vector.broadcast %broadcast_in_dim3A_447 : i1 to vector<16xi1>
      %parallel_loop3A_449 = arith.constant 0 : i32
      %parallel_loop3A_450 = arith.constant 256 : i32
      %parallel_loop3A_451 = arith.constant 1 : i32
      %parallel_loop3A_452:4 = scf.for %parallel_loop3A_544 = %parallel_loop3A_449 to %parallel_loop3A_450 step %parallel_loop3A_451 iter_args(%parallel_loop3A_545 = %broadcast_in_dim3A_9, %parallel_loop3A_546 = %broadcast_in_dim3A_9, %parallel_loop3A_547 = %broadcast_in_dim3A_9, %parallel_loop3A_548 = %broadcast_in_dim3A_448) -> (vector<16xi32>, vector<16xi32>, vector<16xi32>, vector<16xi1>)  : i32 {
        %parallel_loop3A_549 = arith.constant 255 : i32
        %parallel_loop3A_550 = arith.subi %parallel_loop3A_549, %parallel_loop3A_544 : i32
        %parallel_loop3A_551 = vector.broadcast %parallel_loop3A_550 : i32 to vector<16xi32>
        %parallel_loop3A_552 = arith.addi %mul3A_17, %parallel_loop3A_551 : vector<16xi32>
        %parallel_loop3A_553 = tpu.vector_load_idx %arg7[%parallel_loop3A_552] : memref<4112xi32, #tpu.memory_space<vmem>>[vector<16xi32>], vector<16xi32>,
        %parallel_loop3A_554 = vector.broadcast %parallel_loop3A_550 : i32 to vector<16xi32>
        %parallel_loop3A_555 = arith.addi %mul3A_23, %parallel_loop3A_554 : vector<16xi32>
        %parallel_loop3A_556 = tpu.vector_load_idx %arg7[%parallel_loop3A_555] : memref<4112xi32, #tpu.memory_space<vmem>>[vector<16xi32>], vector<16xi32>,
        %parallel_loop3A_557 = arith.addi %parallel_loop3A_553, %parallel_loop3A_556 : vector<16xi32>
        %parallel_loop3A_558 = arith.addi %parallel_loop3A_545, %parallel_loop3A_557 : vector<16xi32>
        %parallel_loop3A_559 = arith.cmpi sge, %parallel_loop3A_558, %broadcast_in_dim3A_440 : vector<16xi32>
        %parallel_loop3A_560 = arith.constant dense<true> : vector<16xi1>
        %parallel_loop3A_561 = arith.xori %parallel_loop3A_548, %parallel_loop3A_560 : vector<16xi1>
        %parallel_loop3A_562 = arith.andi %parallel_loop3A_559, %parallel_loop3A_561 : vector<16xi1>
        %parallel_loop3A_563 = vector.broadcast %parallel_loop3A_550 : i32 to vector<16xi32>
        %parallel_loop3A_564 = arith.select %parallel_loop3A_562, %parallel_loop3A_563, %parallel_loop3A_546 : vector<16xi1>, vector<16xi32>
        %parallel_loop3A_565 = arith.subi %parallel_loop3A_558, %parallel_loop3A_557 : vector<16xi32>
        %parallel_loop3A_566 = arith.select %parallel_loop3A_562, %parallel_loop3A_565, %parallel_loop3A_547 : vector<16xi1>, vector<16xi32>
        %parallel_loop3A_567 = arith.ori %parallel_loop3A_548, %parallel_loop3A_559 : vector<16xi1>
        scf.yield %parallel_loop3A_558, %parallel_loop3A_564, %parallel_loop3A_566, %parallel_loop3A_567 : vector<16xi32>, vector<16xi32>, vector<16xi32>, vector<16xi1>
      } {sc.loop_unroll_factor = 4 : i64, sc.parallel_access}
      %shift_left3A_453 = arith.constant 24 : i32
      %shift_left3A_454 = vector.broadcast %shift_left3A_453 : i32 to vector<16xi32>
      %shift_left3A_455 = arith.shli %parallel_loop3A_452#1, %shift_left3A_454 : vector<16xi32>
      %or3A_456 = arith.ori %broadcast_in_dim3A_438, %shift_left3A_455 : vector<16xi32>
      %sub3A_457 = arith.subi %broadcast_in_dim3A_440, %parallel_loop3A_452#2 : vector<16xi32>
      %parallel_loop3A_458 = arith.constant 0 : i32
      %parallel_loop3A_459 = arith.constant 257 : i32
      %parallel_loop3A_460 = arith.constant 1 : i32
      scf.for %parallel_loop3A_544 = %parallel_loop3A_458 to %parallel_loop3A_459 step %parallel_loop3A_460  : i32 {
        %parallel_loop3A_545 = arith.constant 16 : i32
        %parallel_loop3A_546 = arith.muli %parallel_loop3A_544, %parallel_loop3A_545 : i32
        %parallel_loop3A_547 = arith.index_cast %parallel_loop3A_546 : i32 to index
        %parallel_loop3A_548 = tpu.vector_load %arg7[%parallel_loop3A_547] {strides = array<i32>} : memref<4112xi32, #tpu.memory_space<vmem>>, vector<16xi32>,
        tpu.vector_store %arg7[%parallel_loop3A_547], %broadcast_in_dim3A_9 {strides = array<i32>} : memref<4112xi32, #tpu.memory_space<vmem>>, vector<16xi32>,
      } {sc.loop_unroll_factor = 8 : i64, sc.parallel_access}
      %parallel_loop3A_461 = arith.constant 0 : i32
      %parallel_loop3A_462 = arith.constant 2048 : i32
      %parallel_loop3A_463 = arith.constant 1 : i32
      scf.for %parallel_loop3A_544 = %parallel_loop3A_461 to %parallel_loop3A_462 step %parallel_loop3A_463  : i32 {
        %parallel_loop3A_545 = arith.constant 2 : i32
        %parallel_loop3A_546 = arith.muli %parallel_loop3A_545, %parallel_loop3A_544 : i32
        %parallel_loop3A_547 = vector.broadcast %parallel_loop3A_546 : i32 to vector<16xi32>
        %parallel_loop3A_548 = arith.addi %add3A_27, %parallel_loop3A_547 : vector<16xi32>
        %parallel_loop3A_549 = tpu.vector_load_idx %arg6[%parallel_loop3A_548] : memref<33024xf32, #tpu.memory_space<vmem>>[vector<16xi32>], vector<16xf32>,
        %parallel_loop3A_550 = tpu.bitcast %parallel_loop3A_549 : vector<16xf32> -> vector<16xi32>
        %parallel_loop3A_551 = arith.constant 16 : i32
        %parallel_loop3A_552 = vector.broadcast %parallel_loop3A_551 : i32 to vector<16xi32>
        %parallel_loop3A_553 = arith.shrui %parallel_loop3A_550, %parallel_loop3A_552 : vector<16xi32>
        %parallel_loop3A_554 = arith.constant 255 : i32
        %parallel_loop3A_555 = vector.broadcast %parallel_loop3A_554 : i32 to vector<16xi32>
        %parallel_loop3A_556 = arith.andi %parallel_loop3A_553, %parallel_loop3A_555 : vector<16xi32>
        %parallel_loop3A_557 = arith.addi %mul3A_14, %parallel_loop3A_556 : vector<16xi32>
        %parallel_loop3A_558 = arith.constant -16777216 : i32
        %parallel_loop3A_559 = vector.broadcast %parallel_loop3A_558 : i32 to vector<16xi32>
        %parallel_loop3A_560 = arith.andi %parallel_loop3A_550, %parallel_loop3A_559 : vector<16xi32>
        %parallel_loop3A_561 = arith.cmpi eq, %parallel_loop3A_560, %or3A_456 : vector<16xi32>
        tpu.vector_store_idx %arg7[%parallel_loop3A_557], %broadcast_in_dim3A_7 masked %parallel_loop3A_561 {add = true} : memref<4112xi32, #tpu.memory_space<vmem>>[vector<16xi32>], vector<16xi32>, vector<16xi1>
      } {sc.loop_unroll_factor = 8 : i64, sc.parallel_access}
      %broadcast_in_dim3A_464 = arith.constant false
      %broadcast_in_dim3A_465 = vector.broadcast %broadcast_in_dim3A_464 : i1 to vector<16xi1>
      %parallel_loop3A_466 = arith.constant 0 : i32
      %parallel_loop3A_467 = arith.constant 256 : i32
      %parallel_loop3A_468 = arith.constant 1 : i32
      %parallel_loop3A_469:4 = scf.for %parallel_loop3A_544 = %parallel_loop3A_466 to %parallel_loop3A_467 step %parallel_loop3A_468 iter_args(%parallel_loop3A_545 = %broadcast_in_dim3A_9, %parallel_loop3A_546 = %broadcast_in_dim3A_9, %parallel_loop3A_547 = %broadcast_in_dim3A_9, %parallel_loop3A_548 = %broadcast_in_dim3A_465) -> (vector<16xi32>, vector<16xi32>, vector<16xi32>, vector<16xi1>)  : i32 {
        %parallel_loop3A_549 = arith.constant 255 : i32
        %parallel_loop3A_550 = arith.subi %parallel_loop3A_549, %parallel_loop3A_544 : i32
        %parallel_loop3A_551 = vector.broadcast %parallel_loop3A_550 : i32 to vector<16xi32>
        %parallel_loop3A_552 = arith.addi %mul3A_17, %parallel_loop3A_551 : vector<16xi32>
        %parallel_loop3A_553 = tpu.vector_load_idx %arg7[%parallel_loop3A_552] : memref<4112xi32, #tpu.memory_space<vmem>>[vector<16xi32>], vector<16xi32>,
        %parallel_loop3A_554 = vector.broadcast %parallel_loop3A_550 : i32 to vector<16xi32>
        %parallel_loop3A_555 = arith.addi %mul3A_23, %parallel_loop3A_554 : vector<16xi32>
        %parallel_loop3A_556 = tpu.vector_load_idx %arg7[%parallel_loop3A_555] : memref<4112xi32, #tpu.memory_space<vmem>>[vector<16xi32>], vector<16xi32>,
        %parallel_loop3A_557 = arith.addi %parallel_loop3A_553, %parallel_loop3A_556 : vector<16xi32>
        %parallel_loop3A_558 = arith.addi %parallel_loop3A_545, %parallel_loop3A_557 : vector<16xi32>
        %parallel_loop3A_559 = arith.cmpi sge, %parallel_loop3A_558, %sub3A_457 : vector<16xi32>
        %parallel_loop3A_560 = arith.constant dense<true> : vector<16xi1>
        %parallel_loop3A_561 = arith.xori %parallel_loop3A_548, %parallel_loop3A_560 : vector<16xi1>
        %parallel_loop3A_562 = arith.andi %parallel_loop3A_559, %parallel_loop3A_561 : vector<16xi1>
        %parallel_loop3A_563 = vector.broadcast %parallel_loop3A_550 : i32 to vector<16xi32>
        %parallel_loop3A_564 = arith.select %parallel_loop3A_562, %parallel_loop3A_563, %parallel_loop3A_546 : vector<16xi1>, vector<16xi32>
        %parallel_loop3A_565 = arith.subi %parallel_loop3A_558, %parallel_loop3A_557 : vector<16xi32>
        %parallel_loop3A_566 = arith.select %parallel_loop3A_562, %parallel_loop3A_565, %parallel_loop3A_547 : vector<16xi1>, vector<16xi32>
        %parallel_loop3A_567 = arith.ori %parallel_loop3A_548, %parallel_loop3A_559 : vector<16xi1>
        scf.yield %parallel_loop3A_558, %parallel_loop3A_564, %parallel_loop3A_566, %parallel_loop3A_567 : vector<16xi32>, vector<16xi32>, vector<16xi32>, vector<16xi1>
      } {sc.loop_unroll_factor = 4 : i64, sc.parallel_access}
      %shift_left3A_470 = arith.constant 16 : i32
      %shift_left3A_471 = vector.broadcast %shift_left3A_470 : i32 to vector<16xi32>
      %shift_left3A_472 = arith.shli %parallel_loop3A_469#1, %shift_left3A_471 : vector<16xi32>
      %or3A_473 = arith.ori %or3A_456, %shift_left3A_472 : vector<16xi32>
      %sub3A_474 = arith.subi %sub3A_457, %parallel_loop3A_469#2 : vector<16xi32>
      %parallel_loop3A_475 = arith.constant 0 : i32
      %parallel_loop3A_476 = arith.constant 257 : i32
      %parallel_loop3A_477 = arith.constant 1 : i32
      scf.for %parallel_loop3A_544 = %parallel_loop3A_475 to %parallel_loop3A_476 step %parallel_loop3A_477  : i32 {
        %parallel_loop3A_545 = arith.constant 16 : i32
        %parallel_loop3A_546 = arith.muli %parallel_loop3A_544, %parallel_loop3A_545 : i32
        %parallel_loop3A_547 = arith.index_cast %parallel_loop3A_546 : i32 to index
        %parallel_loop3A_548 = tpu.vector_load %arg7[%parallel_loop3A_547] {strides = array<i32>} : memref<4112xi32, #tpu.memory_space<vmem>>, vector<16xi32>,
        tpu.vector_store %arg7[%parallel_loop3A_547], %broadcast_in_dim3A_9 {strides = array<i32>} : memref<4112xi32, #tpu.memory_space<vmem>>, vector<16xi32>,
      } {sc.loop_unroll_factor = 8 : i64, sc.parallel_access}
      %parallel_loop3A_478 = arith.constant 0 : i32
      %parallel_loop3A_479 = arith.constant 2048 : i32
      %parallel_loop3A_480 = arith.constant 1 : i32
      scf.for %parallel_loop3A_544 = %parallel_loop3A_478 to %parallel_loop3A_479 step %parallel_loop3A_480  : i32 {
        %parallel_loop3A_545 = arith.constant 2 : i32
        %parallel_loop3A_546 = arith.muli %parallel_loop3A_545, %parallel_loop3A_544 : i32
        %parallel_loop3A_547 = vector.broadcast %parallel_loop3A_546 : i32 to vector<16xi32>
        %parallel_loop3A_548 = arith.addi %add3A_27, %parallel_loop3A_547 : vector<16xi32>
        %parallel_loop3A_549 = tpu.vector_load_idx %arg6[%parallel_loop3A_548] : memref<33024xf32, #tpu.memory_space<vmem>>[vector<16xi32>], vector<16xf32>,
        %parallel_loop3A_550 = tpu.bitcast %parallel_loop3A_549 : vector<16xf32> -> vector<16xi32>
        %parallel_loop3A_551 = arith.constant 8 : i32
        %parallel_loop3A_552 = vector.broadcast %parallel_loop3A_551 : i32 to vector<16xi32>
        %parallel_loop3A_553 = arith.shrui %parallel_loop3A_550, %parallel_loop3A_552 : vector<16xi32>
        %parallel_loop3A_554 = arith.constant 255 : i32
        %parallel_loop3A_555 = vector.broadcast %parallel_loop3A_554 : i32 to vector<16xi32>
        %parallel_loop3A_556 = arith.andi %parallel_loop3A_553, %parallel_loop3A_555 : vector<16xi32>
        %parallel_loop3A_557 = arith.addi %mul3A_14, %parallel_loop3A_556 : vector<16xi32>
        %parallel_loop3A_558 = arith.constant -65536 : i32
        %parallel_loop3A_559 = vector.broadcast %parallel_loop3A_558 : i32 to vector<16xi32>
        %parallel_loop3A_560 = arith.andi %parallel_loop3A_550, %parallel_loop3A_559 : vector<16xi32>
        %parallel_loop3A_561 = arith.cmpi eq, %parallel_loop3A_560, %or3A_473 : vector<16xi32>
        tpu.vector_store_idx %arg7[%parallel_loop3A_557], %broadcast_in_dim3A_7 masked %parallel_loop3A_561 {add = true} : memref<4112xi32, #tpu.memory_space<vmem>>[vector<16xi32>], vector<16xi32>, vector<16xi1>
      } {sc.loop_unroll_factor = 8 : i64, sc.parallel_access}
      %broadcast_in_dim3A_481 = arith.constant false
      %broadcast_in_dim3A_482 = vector.broadcast %broadcast_in_dim3A_481 : i1 to vector<16xi1>
      %parallel_loop3A_483 = arith.constant 0 : i32
      %parallel_loop3A_484 = arith.constant 256 : i32
      %parallel_loop3A_485 = arith.constant 1 : i32
      %parallel_loop3A_486:4 = scf.for %parallel_loop3A_544 = %parallel_loop3A_483 to %parallel_loop3A_484 step %parallel_loop3A_485 iter_args(%parallel_loop3A_545 = %broadcast_in_dim3A_9, %parallel_loop3A_546 = %broadcast_in_dim3A_9, %parallel_loop3A_547 = %broadcast_in_dim3A_9, %parallel_loop3A_548 = %broadcast_in_dim3A_482) -> (vector<16xi32>, vector<16xi32>, vector<16xi32>, vector<16xi1>)  : i32 {
        %parallel_loop3A_549 = arith.constant 255 : i32
        %parallel_loop3A_550 = arith.subi %parallel_loop3A_549, %parallel_loop3A_544 : i32
        %parallel_loop3A_551 = vector.broadcast %parallel_loop3A_550 : i32 to vector<16xi32>
        %parallel_loop3A_552 = arith.addi %mul3A_17, %parallel_loop3A_551 : vector<16xi32>
        %parallel_loop3A_553 = tpu.vector_load_idx %arg7[%parallel_loop3A_552] : memref<4112xi32, #tpu.memory_space<vmem>>[vector<16xi32>], vector<16xi32>,
        %parallel_loop3A_554 = vector.broadcast %parallel_loop3A_550 : i32 to vector<16xi32>
        %parallel_loop3A_555 = arith.addi %mul3A_23, %parallel_loop3A_554 : vector<16xi32>
        %parallel_loop3A_556 = tpu.vector_load_idx %arg7[%parallel_loop3A_555] : memref<4112xi32, #tpu.memory_space<vmem>>[vector<16xi32>], vector<16xi32>,
        %parallel_loop3A_557 = arith.addi %parallel_loop3A_553, %parallel_loop3A_556 : vector<16xi32>
        %parallel_loop3A_558 = arith.addi %parallel_loop3A_545, %parallel_loop3A_557 : vector<16xi32>
        %parallel_loop3A_559 = arith.cmpi sge, %parallel_loop3A_558, %sub3A_474 : vector<16xi32>
        %parallel_loop3A_560 = arith.constant dense<true> : vector<16xi1>
        %parallel_loop3A_561 = arith.xori %parallel_loop3A_548, %parallel_loop3A_560 : vector<16xi1>
        %parallel_loop3A_562 = arith.andi %parallel_loop3A_559, %parallel_loop3A_561 : vector<16xi1>
        %parallel_loop3A_563 = vector.broadcast %parallel_loop3A_550 : i32 to vector<16xi32>
        %parallel_loop3A_564 = arith.select %parallel_loop3A_562, %parallel_loop3A_563, %parallel_loop3A_546 : vector<16xi1>, vector<16xi32>
        %parallel_loop3A_565 = arith.subi %parallel_loop3A_558, %parallel_loop3A_557 : vector<16xi32>
        %parallel_loop3A_566 = arith.select %parallel_loop3A_562, %parallel_loop3A_565, %parallel_loop3A_547 : vector<16xi1>, vector<16xi32>
        %parallel_loop3A_567 = arith.ori %parallel_loop3A_548, %parallel_loop3A_559 : vector<16xi1>
        scf.yield %parallel_loop3A_558, %parallel_loop3A_564, %parallel_loop3A_566, %parallel_loop3A_567 : vector<16xi32>, vector<16xi32>, vector<16xi32>, vector<16xi1>
      } {sc.loop_unroll_factor = 4 : i64, sc.parallel_access}
      %shift_left3A_487 = arith.constant 8 : i32
      %shift_left3A_488 = vector.broadcast %shift_left3A_487 : i32 to vector<16xi32>
      %shift_left3A_489 = arith.shli %parallel_loop3A_486#1, %shift_left3A_488 : vector<16xi32>
      %or3A_490 = arith.ori %or3A_473, %shift_left3A_489 : vector<16xi32>
      %sub3A_491 = arith.subi %sub3A_474, %parallel_loop3A_486#2 : vector<16xi32>
      %parallel_loop3A_492 = arith.constant 0 : i32
      %parallel_loop3A_493 = arith.constant 257 : i32
      %parallel_loop3A_494 = arith.constant 1 : i32
      scf.for %parallel_loop3A_544 = %parallel_loop3A_492 to %parallel_loop3A_493 step %parallel_loop3A_494  : i32 {
        %parallel_loop3A_545 = arith.constant 16 : i32
        %parallel_loop3A_546 = arith.muli %parallel_loop3A_544, %parallel_loop3A_545 : i32
        %parallel_loop3A_547 = arith.index_cast %parallel_loop3A_546 : i32 to index
        %parallel_loop3A_548 = tpu.vector_load %arg7[%parallel_loop3A_547] {strides = array<i32>} : memref<4112xi32, #tpu.memory_space<vmem>>, vector<16xi32>,
        tpu.vector_store %arg7[%parallel_loop3A_547], %broadcast_in_dim3A_9 {strides = array<i32>} : memref<4112xi32, #tpu.memory_space<vmem>>, vector<16xi32>,
      } {sc.loop_unroll_factor = 8 : i64, sc.parallel_access}
      %parallel_loop3A_495 = arith.constant 0 : i32
      %parallel_loop3A_496 = arith.constant 2048 : i32
      %parallel_loop3A_497 = arith.constant 1 : i32
      scf.for %parallel_loop3A_544 = %parallel_loop3A_495 to %parallel_loop3A_496 step %parallel_loop3A_497  : i32 {
        %parallel_loop3A_545 = arith.constant 2 : i32
        %parallel_loop3A_546 = arith.muli %parallel_loop3A_545, %parallel_loop3A_544 : i32
        %parallel_loop3A_547 = vector.broadcast %parallel_loop3A_546 : i32 to vector<16xi32>
        %parallel_loop3A_548 = arith.addi %add3A_27, %parallel_loop3A_547 : vector<16xi32>
        %parallel_loop3A_549 = tpu.vector_load_idx %arg6[%parallel_loop3A_548] : memref<33024xf32, #tpu.memory_space<vmem>>[vector<16xi32>], vector<16xf32>,
        %parallel_loop3A_550 = tpu.bitcast %parallel_loop3A_549 : vector<16xf32> -> vector<16xi32>
        %parallel_loop3A_551 = arith.constant 0 : i32
        %parallel_loop3A_552 = vector.broadcast %parallel_loop3A_551 : i32 to vector<16xi32>
        %parallel_loop3A_553 = arith.shrui %parallel_loop3A_550, %parallel_loop3A_552 : vector<16xi32>
        %parallel_loop3A_554 = arith.constant 255 : i32
        %parallel_loop3A_555 = vector.broadcast %parallel_loop3A_554 : i32 to vector<16xi32>
        %parallel_loop3A_556 = arith.andi %parallel_loop3A_553, %parallel_loop3A_555 : vector<16xi32>
        %parallel_loop3A_557 = arith.addi %mul3A_14, %parallel_loop3A_556 : vector<16xi32>
        %parallel_loop3A_558 = arith.constant -256 : i32
        %parallel_loop3A_559 = vector.broadcast %parallel_loop3A_558 : i32 to vector<16xi32>
        %parallel_loop3A_560 = arith.andi %parallel_loop3A_550, %parallel_loop3A_559 : vector<16xi32>
        %parallel_loop3A_561 = arith.cmpi eq, %parallel_loop3A_560, %or3A_490 : vector<16xi32>
        tpu.vector_store_idx %arg7[%parallel_loop3A_557], %broadcast_in_dim3A_7 masked %parallel_loop3A_561 {add = true} : memref<4112xi32, #tpu.memory_space<vmem>>[vector<16xi32>], vector<16xi32>, vector<16xi1>
      } {sc.loop_unroll_factor = 8 : i64, sc.parallel_access}
      %broadcast_in_dim3A_498 = arith.constant false
      %broadcast_in_dim3A_499 = vector.broadcast %broadcast_in_dim3A_498 : i1 to vector<16xi1>
      %parallel_loop3A_500 = arith.constant 0 : i32
      %parallel_loop3A_501 = arith.constant 256 : i32
      %parallel_loop3A_502 = arith.constant 1 : i32
      %parallel_loop3A_503:4 = scf.for %parallel_loop3A_544 = %parallel_loop3A_500 to %parallel_loop3A_501 step %parallel_loop3A_502 iter_args(%parallel_loop3A_545 = %broadcast_in_dim3A_9, %parallel_loop3A_546 = %broadcast_in_dim3A_9, %parallel_loop3A_547 = %broadcast_in_dim3A_9, %parallel_loop3A_548 = %broadcast_in_dim3A_499) -> (vector<16xi32>, vector<16xi32>, vector<16xi32>, vector<16xi1>)  : i32 {
        %parallel_loop3A_549 = arith.constant 255 : i32
        %parallel_loop3A_550 = arith.subi %parallel_loop3A_549, %parallel_loop3A_544 : i32
        %parallel_loop3A_551 = vector.broadcast %parallel_loop3A_550 : i32 to vector<16xi32>
        %parallel_loop3A_552 = arith.addi %mul3A_17, %parallel_loop3A_551 : vector<16xi32>
        %parallel_loop3A_553 = tpu.vector_load_idx %arg7[%parallel_loop3A_552] : memref<4112xi32, #tpu.memory_space<vmem>>[vector<16xi32>], vector<16xi32>,
        %parallel_loop3A_554 = vector.broadcast %parallel_loop3A_550 : i32 to vector<16xi32>
        %parallel_loop3A_555 = arith.addi %mul3A_23, %parallel_loop3A_554 : vector<16xi32>
        %parallel_loop3A_556 = tpu.vector_load_idx %arg7[%parallel_loop3A_555] : memref<4112xi32, #tpu.memory_space<vmem>>[vector<16xi32>], vector<16xi32>,
        %parallel_loop3A_557 = arith.addi %parallel_loop3A_553, %parallel_loop3A_556 : vector<16xi32>
        %parallel_loop3A_558 = arith.addi %parallel_loop3A_545, %parallel_loop3A_557 : vector<16xi32>
        %parallel_loop3A_559 = arith.cmpi sge, %parallel_loop3A_558, %sub3A_491 : vector<16xi32>
        %parallel_loop3A_560 = arith.constant dense<true> : vector<16xi1>
        %parallel_loop3A_561 = arith.xori %parallel_loop3A_548, %parallel_loop3A_560 : vector<16xi1>
        %parallel_loop3A_562 = arith.andi %parallel_loop3A_559, %parallel_loop3A_561 : vector<16xi1>
        %parallel_loop3A_563 = vector.broadcast %parallel_loop3A_550 : i32 to vector<16xi32>
        %parallel_loop3A_564 = arith.select %parallel_loop3A_562, %parallel_loop3A_563, %parallel_loop3A_546 : vector<16xi1>, vector<16xi32>
        %parallel_loop3A_565 = arith.subi %parallel_loop3A_558, %parallel_loop3A_557 : vector<16xi32>
        %parallel_loop3A_566 = arith.select %parallel_loop3A_562, %parallel_loop3A_565, %parallel_loop3A_547 : vector<16xi1>, vector<16xi32>
        %parallel_loop3A_567 = arith.ori %parallel_loop3A_548, %parallel_loop3A_559 : vector<16xi1>
        scf.yield %parallel_loop3A_558, %parallel_loop3A_564, %parallel_loop3A_566, %parallel_loop3A_567 : vector<16xi32>, vector<16xi32>, vector<16xi32>, vector<16xi1>
      } {sc.loop_unroll_factor = 4 : i64, sc.parallel_access}
      %shift_left3A_504 = arith.constant 0 : i32
      %shift_left3A_505 = vector.broadcast %shift_left3A_504 : i32 to vector<16xi32>
      %shift_left3A_506 = arith.shli %parallel_loop3A_503#1, %shift_left3A_505 : vector<16xi32>
      %or3A_507 = arith.ori %or3A_490, %shift_left3A_506 : vector<16xi32>
      %sub3A_508 = arith.subi %sub3A_491, %parallel_loop3A_503#2 : vector<16xi32>
      %parallel_loop3A_509 = arith.constant 0 : i32
      %parallel_loop3A_510 = arith.constant 2048 : i32
      %parallel_loop3A_511 = arith.constant 1 : i32
      %parallel_loop3A_512 = scf.for %parallel_loop3A_544 = %parallel_loop3A_509 to %parallel_loop3A_510 step %parallel_loop3A_511 iter_args(%parallel_loop3A_545 = %broadcast_in_dim3A_11) -> (vector<16xf32>)  : i32 {
        %parallel_loop3A_546 = arith.constant 2 : i32
        %parallel_loop3A_547 = arith.muli %parallel_loop3A_546, %parallel_loop3A_544 : i32
        %parallel_loop3A_548 = vector.broadcast %parallel_loop3A_547 : i32 to vector<16xi32>
        %parallel_loop3A_549 = arith.addi %add3A_27, %parallel_loop3A_548 : vector<16xi32>
        %parallel_loop3A_550 = tpu.vector_load_idx %arg6[%parallel_loop3A_549] : memref<33024xf32, #tpu.memory_space<vmem>>[vector<16xi32>], vector<16xf32>,
        %parallel_loop3A_551 = tpu.bitcast %parallel_loop3A_550 : vector<16xf32> -> vector<16xi32>
        %parallel_loop3A_552 = arith.cmpi ugt, %parallel_loop3A_551, %or3A_507 : vector<16xi32>
        %parallel_loop3A_553 = arith.constant -2147483648 : i32
        %parallel_loop3A_554 = vector.broadcast %parallel_loop3A_553 : i32 to vector<16xi32>
        %parallel_loop3A_555 = arith.cmpi uge, %parallel_loop3A_551, %parallel_loop3A_554 : vector<16xi32>
        %parallel_loop3A_556 = arith.constant 2147483647 : i32
        %parallel_loop3A_557 = vector.broadcast %parallel_loop3A_556 : i32 to vector<16xi32>
        %parallel_loop3A_558 = arith.andi %parallel_loop3A_551, %parallel_loop3A_557 : vector<16xi32>
        %parallel_loop3A_559 = arith.constant dense<-1> : vector<16xi32>
        %parallel_loop3A_560 = arith.xori %parallel_loop3A_551, %parallel_loop3A_559 : vector<16xi32>
        %parallel_loop3A_561 = arith.select %parallel_loop3A_555, %parallel_loop3A_558, %parallel_loop3A_560 : vector<16xi1>, vector<16xi32>
        %parallel_loop3A_562 = tpu.bitcast %parallel_loop3A_561 : vector<16xi32> -> vector<16xf32>
        %parallel_loop3A_563 = math.exp %parallel_loop3A_562 : vector<16xf32>
        %parallel_loop3A_564 = arith.constant 0.000000e+00 : f32
        %parallel_loop3A_565 = vector.broadcast %parallel_loop3A_564 : f32 to vector<16xf32>
        %parallel_loop3A_566 = arith.select %parallel_loop3A_552, %parallel_loop3A_563, %parallel_loop3A_565 : vector<16xi1>, vector<16xf32>
        %parallel_loop3A_567 = arith.addf %parallel_loop3A_545, %parallel_loop3A_566 : vector<16xf32>
        scf.yield %parallel_loop3A_567 : vector<16xf32>
      } {sc.loop_unroll_factor = 8 : i64, sc.parallel_access}
      %swap3A_513 = arith.constant 0 : index
      %swap3A_514 = tpu.vector_load %arg8[%swap3A_513] {strides = array<i32>} : memref<16xf32, #tpu.memory_space<vmem>>, vector<16xf32>,
      tpu.vector_store %arg8[%swap3A_513], %parallel_loop3A_512 {strides = array<i32>} : memref<16xf32, #tpu.memory_space<vmem>>, vector<16xf32>,
      %gather3A_515 = tpu.vector_load_idx %arg8[%and3A_4] : memref<16xf32, #tpu.memory_space<vmem>>[vector<16xi32>], vector<16xf32>,
      %add3A_516 = arith.constant 8 : i32
      %add3A_517 = vector.broadcast %add3A_516 : i32 to vector<16xi32>
      %add3A_518 = arith.addi %and3A_4, %add3A_517 : vector<16xi32>
      %gather3A_519 = tpu.vector_load_idx %arg8[%add3A_518] : memref<16xf32, #tpu.memory_space<vmem>>[vector<16xi32>], vector<16xf32>,
      %add3A_520 = arith.addf %gather3A_515, %gather3A_519 : vector<16xf32>
      %ge3A_521 = arith.constant -2147483648 : i32
      %ge3A_522 = vector.broadcast %ge3A_521 : i32 to vector<16xi32>
      %ge3A_523 = arith.cmpi uge, %or3A_507, %ge3A_522 : vector<16xi32>
      %and3A_524 = arith.constant 2147483647 : i32
      %and3A_525 = vector.broadcast %and3A_524 : i32 to vector<16xi32>
      %and3A_526 = arith.andi %or3A_507, %and3A_525 : vector<16xi32>
      %not3A_527 = arith.constant dense<-1> : vector<16xi32>
      %not3A_528 = arith.xori %or3A_507, %not3A_527 : vector<16xi32>
      %select_n3A_529 = arith.select %ge3A_523, %and3A_526, %not3A_528 : vector<16xi1>, vector<16xi32>
      %bitcast_convert_type3A_530 = tpu.bitcast %select_n3A_529 : vector<16xi32> -> vector<16xf32>
      %convert_element_type3A_531 = arith.sitofp %sub3A_508 : vector<16xi32> to vector<16xf32>
      %exp3A_532 = math.exp %bitcast_convert_type3A_530 : vector<16xf32>
      %mul3A_533 = arith.mulf %convert_element_type3A_531, %exp3A_532 : vector<16xf32>
      %add3A_534 = arith.addf %add3A_520, %mul3A_533 : vector<16xf32>
      %add3A_535 = arith.addf %add3A_534, %exp3A_340 : vector<16xf32>
      %mul3A_536 = arith.constant 8 : i32
      %mul3A_537 = arith.muli %add3A_298, %mul3A_536 : i32
      %add3A_538 = vector.broadcast %mul3A_537 : i32 to vector<16xi32>
      %add3A_539 = arith.addi %and3A_4, %add3A_538 : vector<16xi32>
      %lt3A_540 = arith.constant 8 : i32
      %lt3A_541 = vector.broadcast %lt3A_540 : i32 to vector<16xi32>
      %lt3A_542 = arith.cmpi slt, %iota3A, %lt3A_541 : vector<16xi32>
      tpu.vector_store_idx %arg9[%add3A_539], %add3A_535 masked %lt3A_542 : memref<128xf32, #tpu.memory_space<vmem>>[vector<16xi32>], vector<16xf32>, vector<16xi1>
      tpu.vector_store_idx %arg10[%add3A_539], %gather3A_339 masked %lt3A_542 : memref<128xf32, #tpu.memory_space<vmem>>[vector<16xi32>], vector<16xf32>, vector<16xi1>
      %scan3A_543 = arith.constant 0 : i32
      scf.yield %scan3A_543 : i32
    }
    %scan3A_45 = arith.constant 8 : i32
    %dma_wait3A = arith.constant 1 : i32
    %dma_wait3A_46 = arith.constant 0 : i32
    %dma_wait3A_47 = arith.constant 0 : i32
    %dma_wait3A_48 = tpu.memref_slice %arg5[%dma_wait3A, %dma_wait3A_46, %dma_wait3A_47] : memref<2x8x4096xf32, #tpu.memory_space<vmem>> -> memref<1x8x4096xf32, #tpu.memory_space<vmem>>
    %dma_wait3A_49 = tpu.memref_squeeze %dma_wait3A_48 : memref<1x8x4096xf32, #tpu.memory_space<vmem>> -> memref<8x4096xf32, #tpu.memory_space<vmem>>
    %dma_wait3A_50 = arith.constant 4088 : i32
    %dma_wait3A_51 = arith.constant 0 : i32
    %dma_wait3A_52 = tpu.memref_slice %arg2[%dma_wait3A_50, %dma_wait3A_51] : memref<4096x4096xf32, #tpu.memory_space<hbm>> -> memref<8x4096xf32, #tpu.memory_space<hbm>>
    %dma_wait3A_53 = arith.constant 0 : i32
    %dma_wait3A_54 = arith.constant 0 : i32
    %dma_wait3A_55 = tpu.memref_slice %arg5[%dma_wait3A, %dma_wait3A_53, %dma_wait3A_54] : memref<2x8x4096xf32, #tpu.memory_space<vmem>> -> memref<1x8x4096xf32, #tpu.memory_space<vmem>>
    %dma_wait3A_56 = tpu.memref_squeeze %dma_wait3A_55 : memref<1x8x4096xf32, #tpu.memory_space<vmem>> -> memref<8x4096xf32, #tpu.memory_space<vmem>>
    %dma_wait3A_57 = arith.constant 4088 : i32
    %dma_wait3A_58 = arith.constant 0 : i32
    %dma_wait3A_59 = tpu.memref_slice %arg2[%dma_wait3A_57, %dma_wait3A_58] : memref<4096x4096xf32, #tpu.memory_space<hbm>> -> memref<8x4096xf32, #tpu.memory_space<hbm>>
    tpu.wait_dma2 semaphore(%arg11 : memref<!tpu.dma_semaphore, #tpu.memory_space<semaphore_mem>>) src(%dma_wait3A_59 : memref<8x4096xf32, #tpu.memory_space<hbm>>) dst(%dma_wait3A_56 : memref<8x4096xf32, #tpu.memory_space<vmem>>)
    "tpu.region"() ({
      %run_scoped3A = tpu.sem_alloc : memref<!tpu.dma_semaphore, #tpu.memory_space<semaphore_mem>>
      %dma_start3A_60 = tpu.memref_slice %arg3[%mul3A_2] : memref<4096xf32, #tpu.memory_space<hbm>> -> memref<128xf32, #tpu.memory_space<hbm>>
      %dma_start3A_61 = tpu.memref_slice %arg3[%mul3A_2] : memref<4096xf32, #tpu.memory_space<hbm>> -> memref<128xf32, #tpu.memory_space<hbm>>
      tpu.enqueue_dma source(%arg9 : memref<128xf32, #tpu.memory_space<vmem>>) target(%dma_start3A_61 : memref<128xf32, #tpu.memory_space<hbm>>) target_semaphore(%run_scoped3A : memref<!tpu.dma_semaphore, #tpu.memory_space<semaphore_mem>>)
      %dma_wait3A_62 = tpu.memref_slice %arg3[%mul3A_2] : memref<4096xf32, #tpu.memory_space<hbm>> -> memref<128xf32, #tpu.memory_space<hbm>>
      %dma_wait3A_63 = tpu.memref_slice %arg3[%mul3A_2] : memref<4096xf32, #tpu.memory_space<hbm>> -> memref<128xf32, #tpu.memory_space<hbm>>
      tpu.wait_dma2 semaphore(%run_scoped3A : memref<!tpu.dma_semaphore, #tpu.memory_space<semaphore_mem>>) src(%arg9 : memref<128xf32, #tpu.memory_space<vmem>>) dst(%dma_wait3A_63 : memref<128xf32, #tpu.memory_space<hbm>>)
      tpu.yield
    }) : () -> ()
    "tpu.region"() ({
      %run_scoped3A = tpu.sem_alloc : memref<!tpu.dma_semaphore, #tpu.memory_space<semaphore_mem>>
      %dma_start3A_60 = tpu.memref_slice %arg4[%mul3A_2] : memref<4096xf32, #tpu.memory_space<hbm>> -> memref<128xf32, #tpu.memory_space<hbm>>
      %dma_start3A_61 = tpu.memref_slice %arg4[%mul3A_2] : memref<4096xf32, #tpu.memory_space<hbm>> -> memref<128xf32, #tpu.memory_space<hbm>>
      tpu.enqueue_dma source(%arg10 : memref<128xf32, #tpu.memory_space<vmem>>) target(%dma_start3A_61 : memref<128xf32, #tpu.memory_space<hbm>>) target_semaphore(%run_scoped3A : memref<!tpu.dma_semaphore, #tpu.memory_space<semaphore_mem>>)
      %dma_wait3A_62 = tpu.memref_slice %arg4[%mul3A_2] : memref<4096xf32, #tpu.memory_space<hbm>> -> memref<128xf32, #tpu.memory_space<hbm>>
      %dma_wait3A_63 = tpu.memref_slice %arg4[%mul3A_2] : memref<4096xf32, #tpu.memory_space<hbm>> -> memref<128xf32, #tpu.memory_space<hbm>>
      tpu.wait_dma2 semaphore(%run_scoped3A : memref<!tpu.dma_semaphore, #tpu.memory_space<semaphore_mem>>) src(%arg10 : memref<128xf32, #tpu.memory_space<vmem>>) dst(%dma_wait3A_63 : memref<128xf32, #tpu.memory_space<hbm>>)
      tpu.yield
    }) : () -> ()
    return
  }
}

</mosaic_0001>

<sc_bundles>
// kernel: _sc_select.3.cloned.1.call-start
scs
__scs_entry_jumppad:
0x0: {  	(pc) =	sbr.rel $0x88, $3  }
0x1: {  	(tag) =	ssettag $0x0;
	lr =	simm.s32 $0x1  }
0x2: {  	[smem:$0x3FA0] =	sst lr;
	_ =	strace $0xD0000000  }
0x3: {  	_ = 	snop  }
0x4: {  	_ = 	snop  }
0x5: {  	_ = 	snop  }
0x6: {  	_ = 	snop  }
0x7: {  	_ = 	snop  }
__scs_overlays_trampoline_lowered:
0x8: {  	[smem:$0x3FAF] =	sst s0  }
0x9: {  	[smem:$0x3FB0] =	sst s1  }
0xa: {  	[smem:$0x3FB1] =	sst s2  }
0xb: {  	[smem:$0x3FB2] =	sst s3  }
0xc: {  	[smem:$0x3FB3] =	sst s4  }
0xd: {  	[smem:$0x3FB4] =	sst s5  }
0xe: {  	[smem:$0x3FB5] =	sst s6  }
0xf: {  	[smem:$0x3FB6] =	sst s7  }
0x10: {  	[smem:$0x3FB7] =	sst s8  }
0x11: {  	[smem:$0x3FB8] =	sst s9;
	s0 =	simm.s32 @!p0 $0x0  }
0x12: {  	s1 =	sld [smem:$0x3F9E];
	s0 =	simm.s32 @p0 $0x1  }
0x13: {  	[smem:$0x3FB9] =	sst s0;
	s0 =	simm.s32 @!p1 $0x0  }
0x14: {  	s2 =	sld [smem:$0x3F9D];
	s0 =	simm.s32 @p1 $0x1  }
0x15: {  	[smem:$0x3FBA] =	sst s0;
	s0 =	simm.s32 @!p2 $0x0  }
0x16: {  	s3 =	sld [smem:$0x3FDB];
	s0 =	simm.s32 @p2 $0x1  }
0x17: {  	s4 =	simm.s32 $0x1BF5;
	[smem:$0x3FBC] =	sst s0  }
0x18: {  	s0 =	sld [smem:$0x3F9F];
	_ =	swait.ge [sflag:s4], $0x0  }
0x19: {  	s7 =	sld [smem:$0x3FA0]  }
0x1a: {  	s8 =	sadd.s32 $0xFFFFE003, lr  }
0x1b: {  	s9 =	sadd.s32 $0xFFFFFEF7, lr;
	s5 =	simm.s32 $0xFFFFFFFF;
	p2 =	slt.u32 s8, $0xFFFFF086  }
0x1c: {  	p1 =	slt.u32 s9, $0xF7A;
	s5 =	simm.s32 @!p2 $0x0  }
0x1d: {  	s5 =	simm.s32 @p1 $0x1;
	p0 =	seq.s32 s7, s2  }
0x1e: {  	s7 =	smul.u32 @!p0 $0xF7A, s2;
	p2 =	seq.s32 @!p0 s5, $0x0  }
0x1f: {  	s9 =	smul.u32 $0xF7A, s1;
	s8 =	simm.s32 @!p0 $0x1BF5;
	p2 =	por !p2, p0  }
0x20: {  	[sflag:s8] =	ssyncset.s32 @!p0 $0xFFFFF086;
	s6 =	sadd.s32 @!p0 s3, s7;
	s7 =	simm.s32 @!p0 $0x108  }
0x21: {  	s3 =	sadd.s32 s3, s9;
	s6 =	sadd.s32 @!p0 $0x88, s6;
	s7 =	simm.s32 @p2 $0x1082  }
0x22: {  	[simem:s7], [sflag:s8] =	dma.local @!p0 [hbm:s6], $0xF7A  }
0x23: {  	s9 =	sor.u32 $0xD0000000, s2;
	s6 =	simm.s32 $0x108;
	_ =	swait.ge @!p0 [sflag:s8], $0x0  }
0x24: {  	s3 =	sadd.s32 $0x88, s3;
	s6 =	simm.s32 @!p1 $0x1082;
	[sflag:s4] =	ssyncset.s32 $0xFFFFF086  }
0x25: {  	[simem:s6], [sflag:s4] =	dma.local [hbm:s3], $0xF7A  }
0x26: {  	[smem:$0x3FA0] =	sst s1;
	(tag) =	ssettag s2;
	_ =	strace s9  }
0x27: {  	s1 =	sld [smem:$0x3FB0]  }
0x28: {  	s2 =	sld [smem:$0x3FB1]  }
0x29: {  	s4 =	sld [smem:$0x3FB3]  }
0x2a: {  	p0 =	seq.s32 s5, $0x0;
	s5 =	sld [smem:$0x3FB4]  }
0x2b: {  	s6 =	sld [smem:$0x3FB5]  }
0x2c: {  	s7 =	sld [smem:$0x3FB6]  }
0x2d: {  	s3 =	simm.s32 $0x108;
	s8 =	sld [smem:$0x3FB7]  }
0x2e: {  	s3 =	simm.s32 @!p0 $0x1082;
	s9 =	sld [smem:$0x3FB8]  }
0x2f: {  	lr =	sadd.s32 s0, s3;
	s0 =	sld [smem:$0x3FAF]  }
0x30: {  	s3 =	sld [smem:$0x3FB2]  }
0x31: {  	[smem:$0x3FBB] =	sst s10  }
0x32: {  	s10 =	sld [smem:$0x3FB9];
	_ =	sdelay $0x3  }
0x33: {  	p0 =	seq.s32 s10, $0x1;
	s10 =	sld [smem:$0x3FBB];
	_ =	sdelay $0x3  }
0x34: {  	[smem:$0x3FBB] =	sst s10  }
0x35: {  	s10 =	sld [smem:$0x3FBA];
	_ =	sdelay $0x3  }
0x36: {  	p1 =	seq.s32 s10, $0x1;
	s10 =	sld [smem:$0x3FBB];
	_ =	sdelay $0x3  }
0x37: {  	[smem:$0x3FBB] =	sst s10  }
0x38: {  	s10 =	sld [smem:$0x3FBC]  }
0x39: {  	_ = 	snop;
	(pc) =	sbr.ind lr, $3  }
0x3a: {  	_ = 	snop  }
0x3b: {  	_ = 	snop  }
0x3c: {  	p2 =	seq.s32 s10, $0x1;
	s10 =	sld [smem:$0x3FBB]  }
0x3d: {  	_ =	shalt  }
0x3e: {  	_ =	shalt  }
0x3f: {  	_ =	shalt  }
0x40: {  	_ =	shalt  }
0x41: {  	_ =	shalt  }
0x42: {  	_ =	shalt  }
0x43: {  	_ =	shalt  }
0x44: {  	_ =	shalt  }
0x45: {  	_ =	shalt  }
0x46: {  	_ =	shalt  }
0x47: {  	_ =	shalt  }
0x48: {  	_ =	shalt  }
0x49: {  	_ =	shalt  }
0x4a: {  	_ =	shalt  }
0x4b: {  	_ =	shalt  }
0x4c: {  	_ =	shalt  }
0x4d: {  	_ =	shalt  }
0x4e: {  	_ =	shalt  }
0x4f: {  	_ =	shalt  }
0x50: {  	_ =	shalt  }
0x51: {  	_ =	shalt  }
0x52: {  	_ =	shalt  }
0x53: {  	_ =	shalt  }
0x54: {  	_ =	shalt  }
0x55: {  	_ =	shalt  }
0x56: {  	_ =	shalt  }
0x57: {  	_ =	shalt  }
0x58: {  	_ =	shalt  }
0x59: {  	_ =	shalt  }
0x5a: {  	_ =	shalt  }
0x5b: {  	_ =	shalt  }
0x5c: {  	_ =	shalt  }
0x5d: {  	_ =	shalt  }
0x5e: {  	_ =	shalt  }
0x5f: {  	_ =	shalt  }
0x60: {  	_ =	shalt  }
0x61: {  	_ =	shalt  }
0x62: {  	_ =	shalt  }
0x63: {  	_ =	shalt  }
0x64: {  	_ =	shalt  }
0x65: {  	_ =	shalt  }
0x66: {  	_ =	shalt  }
0x67: {  	_ =	shalt  }
0x68: {  	_ =	shalt  }
0x69: {  	_ =	shalt  }
0x6a: {  	_ =	shalt  }
0x6b: {  	_ =	shalt  }
0x6c: {  	_ =	shalt  }
0x6d: {  	_ =	shalt  }
0x6e: {  	_ =	shalt  }
0x6f: {  	_ =	shalt  }
0x70: {  	_ =	shalt  }
0x71: {  	_ =	shalt  }
0x72: {  	_ =	shalt  }
0x73: {  	_ =	shalt  }
0x74: {  	_ =	shalt  }
0x75: {  	_ =	shalt  }
0x76: {  	_ =	shalt  }
0x77: {  	_ =	shalt  }
0x78: {  	_ =	shalt  }
0x79: {  	_ =	shalt  }
0x7a: {  	_ =	shalt  }
0x7b: {  	_ =	shalt  }
0x7c: {  	_ =	shalt  }
0x7d: {  	_ =	shalt  }
0x7e: {  	_ =	shalt  }
0x7f: {  	_ =	shalt  }
0x80: {  	_ =	shalt  }
0x81: {  	_ =	shalt  }
0x82: {  	_ =	shalt  }
0x83: {  	_ =	shalt  }
0x84: {  	_ =	shalt  }
0x85: {  	_ =	shalt  }
0x86: {  	_ =	shalt  }
0x87: {  	_ =	shalt  }
.Lfunc_end0:
.L_simem_size_0:
called_computation_lowered:
.L_overlay_start_0:
0x88: {  	s2 =	sld [smem:$0x3FD9]  }
0x89: {  	s3 =	sld [smem:$0x3FFE];
	_ =	sdelay $0x1  }
0x8a: {  	s1 =	srdreg.scid  }
0x8b: {  	s0 =	sand.u32 $0x1, s1  }
0x8c: {  	s15 =	sshll.u32 s0, $0xA;
	s2 =	sadd.s32 s3, s2  }
0x8d: {  	s2 =	sadd.s32 s2, s15  }
0x8e: {  	[smem:$0x3FC7] =	sst s2  }
0x8f: {  	_ = 	snop  }
0x90: {  	s2 =	sld [smem:$0x3FD0];
	_ =	sdelay $0x2  }
0x91: {  	s4 =	simm.s32 $0xA;
	s5 =	simm.s32 $0x10;
	s16 =	sld [smem:$0x3FC9]  }
0x92: {  	[smem:s5], [sflag:s4] =	dma.local [hbm:s2], $0x1  }
0x93: {  	_ =	swait.eq [sflag:s4], $0x1  }
0x94: {  	[sflag:s4] =	ssyncset.done $0x0  }
0x95: {  	s17 =	sld [smem:$0x10];
	[sflag:s4] =	ssyncadd.s32 $0xFFFFFFFF  }
0x96: {  	s18 =	sld [smem:$0x11];
	(tm) =	ssettm $0x1  }
0x97: {  	s19 =	sld [smem:$0x3FFB];
	_ =	sdelay $0x3  }
0x98: {  	_ =	strace s19  }
0x99: {  	s5 =	sld [smem:$0x3FFC];
	_ =	sdelay $0x3  }
0x9a: {  	_ =	strace s5  }
0x9b: {  	s5 =	sld [smem:$0x3FFD];
	_ =	sdelay $0x3  }
0x9c: {  	_ =	strace s5  }
0x9d: {  	_ =	strace $0x8FFFFFFF  }
0x9e: {  	s20 =	sld [smem:$0x3FDB];
	_ =	sdelay $0x1  }
0x9f: {  	s6 =	simm.s32 $_scs_section_size  }
0xa0: {  	s7 =	simm.s32 $_size__tile_overlayer_lowered;
	s8 =	simm.s32 $_tile_overlayer_lowered  }
0xa1: {  	s23 =	simm.s32 $0x1BFF;
	s22 =	sshll.u32 s8, $0x1;
	s5 =	sadd.s32 s6, s20  }
0xa2: {  	s9 =	simm.s32 $0x0;
	s21 =	sshll.u32 s7, $0x1;
	s7 =	sadd.s32 s22, s5  }
0xa3: {  	[timem:s9], [sflag:s23] =	dma.local [hbm:s7], s21  }
0xa4: {  	_ =	swait.ge [sflag:s23], s21  }
0xa5: {  	s6 =	ssub.s32 $0x0, s21;
	[sflag:s23] =	ssyncset.done $0x0  }
0xa6: {  	[sflag:s23] =	ssyncadd.s32 s6;
	_ =	sdelay $0x1  }
0xa7: {  	s24 =	simm.s32 $0x1B8B  }
0xa8: {  	_ =	swait.ge [sflag:s24], $0x1  }
0xa9: {  	[sflag:s24] =	ssyncset.done $0x0  }
0xaa: {  	s25 =	simm.s32 $0x1B8E;
	[sflag:s24] =	ssyncadd.s32 $0xFFFFFFFF  }
0xab: {  	s26 =	simm.s32 $execute0_lowered;
	[smem:$0x3FD2] =	sst s25  }
0xac: {  	s6 =	sshll.u32 s26, $0x1;
	_ =	strace $0x80000046;
	[dreg:$0x1] =	wrdreg $0xFFFFFFFF  }
0xad: {  	s28 =	simm.s32 $_size_execute0_lowered;
	s5 =	sadd.s32 s5, s6;
	[dreg:$0x0] =	wrdreg $0x0  }
0xae: {  	s6 =	sshll.u32 s28, $0x1;
	[dreg:$0x2] =	wrdreg s5  }
0xaf: {  	[dreg:$0x3] =	wrdreg s6  }
0xb0: {  	[dreg:$0x4] =	wrdreg $0xC0  }
0xb1: {  	_ =	task [dreg:s9], $0x5FFFF  }
0xb2: {  	[dreg:$0x1] =	wrdreg $0xFFFFFFFF  }
0xb3: {  	[dreg:$0x0] =	wrdreg $0x60  }
0xb4: {  	[dreg:$0x2] =	wrdreg s16  }
0xb5: {  	[dreg:$0x3] =	wrdreg s17  }
0xb6: {  	[dreg:$0x4] =	wrdreg s18  }
0xb7: {  	[dreg:$0x5] =	wrdreg $0x9  }
0xb8: {  	_ =	task.clear_ibuf [dreg:s9], $0x6FFFF;
	_ =	strace $0x90000046  }
0xb9: {  	s29 =	simm.s32 $0x9;
	_ =	strace $0x80000048  }
0xba: {  	_ =	swait.ge [sflag:s29], $0x1  }
0xbb: {  	[sflag:s29] =	ssyncadd.s32 $0xFFFFFFFF  }
0xbc: {  	_ =	strace $0x90000048  }
0xbd: {  	_ =	sfence  }
0xbe: {  	s30 =	sld [smem:$0x0];
	_ =	sdelay $0x2  }
0xbf: {  	s31 =	sshll.u32 s1, $0xD;
	s1 =	sshrl.u32 s1, $0x2  }
0xc0: {  	s3 =	sand.u32 $0x4000, s31;
	s1 =	sadd.s32 s1, s30  }
0xc1: {  	s0 =	sor.u32 s3, s0;
	s1 =	sshll.u32 s1, $0x11  }
0xc2: {  	s0 =	sor.u32 s1, s0  }
0xc3: {  	s0 =	sadd.s32 $0x8F2B, s0  }
0xc4: {  	[sflag:s0] =	ssyncadd.remote.s32 $0x1  }
0xc5: {  	_ =	sfence.sel $0xFFFF  }
0xc6: {  	[dreg:$0x0] =	wrdreg $0xFFFFFFFF;
	(pc) =	sbr.abs _section_cstart, $3  }
0xc7: {  	[dreg:$0x1] =	wrdreg $0xFFFFFFFF  }
0xc8: {  	_ =	task.clear_ibuf [dreg:s9], $0x2FFFF;
	_ =	strace $0x9FFFFFFF  }
0xc9: {  	(tm) =	ssettm $0x7FFFFFFF  }
tec
execute0_lowered:
.L_overlay_start_1:
0x0: {  	(tag) =	ssettag $0x1  }
0x1: {  	v0 =	vimm.s32 $0x70EF;
	vm0 =	vcmask $0x300  }
0x2: {  	v0 =	vsel vm0, $0x0, v0;
	vm0 =	vcmask $0x704  }
0x3: {  	v0 =	vsel vm0, $0x1022, v0;
	vm0 =	vcmask $0xB08  }
0x4: {  	v0 =	vsel vm0, $0x2044, v0;
	vm0 =	vcmask $0xF0C  }
0x5: {  	s0 =	rddreg [dreg:$0x0];
	v0 =	vsel vm0, $0x3066, v0;
	vm0 =	vcmask $0x1310  }
0x6: {  	s6 =	rddreg [dreg:$0x1];
	v0 =	vsel vm0, $0x4088, v0;
	vm0 =	vcmask $0x1714  }
0x7: {  	s7 =	rddreg [dreg:$0x2];
	s3 =	srdreg.scid;
	v0 =	vsel vm0, $0x50AA, v0;
	vm0 =	vcmask $0x1B18  }
0x8: {  	s2 =	simm.s32 $0x0;
	s1 =	stileid.u32;
	s9 =	simm.s32 $0x1;
	v0 =	vsel vm0, $0x60CC, v0;
	vm0 =	vcmask $0x1F1C  }
0x9: {  	s10 =	simm.s32 $0x8000;
	s11 =	simm.s32 $0x10000;
	s12 =	simm.s32 $0x18100;
	v0 =	vsel vm0, $0x70EE, v0;
	vm0 =	vcmask $0x2320  }
0xa: {  	s13 =	simm.s32 $0x19180;
	s14 =	simm.s32 $0x19200;
	s15 =	simm.s32 $0x19280;
	v0 =	vsel vm0, $0x1, v0;
	vm0 =	vcmask $0x2724  }
0xb: {  	s16 =	simm.s32 $0x2;
	s3 =	sand.u32 $0x1, s3;
	s5 =	sshll.u32 s1, $0x8;
	v1 =	vsel vm0, $0x1023, v0;
	vm0 =	vcmask $0x2B28  }
0xc: {  	v5 =	vimm.s32 $0x1;
	[smem:$0x7FF] =	sst s2;
	s4 =	ssub.s32 $0x2, s3;
	s3 =	sshll.u32 s3, $0x7;
	v2 =	vsel vm0, $0x2045, v1;
	vm0 =	vcmask $0x2F2C  }
0xd: {  	s17 =	simm.s32 $0x0;
	_ =	strace $0x80000047;
	s3 =	sor.u32 s3, s5;
	v0 =	vlaneseq.u32;
	v3 =	vsel vm0, $0x3067, v2;
	vm0 =	vcmask $0x3330  }
0xe: {  	s8 =	sshrl.u32 s4, $0x1;
	s5 =	sadd.s32 $0x1000, s0;
	s30 =	sshll.u32 s3, $0x9;
	v1 =	vand.u32 $0x7, v0;
	v4 =	vsel vm0, $0x4089, v3;
	vm0 =	vcmask $0x3734  }
0xf: {  	s8 =	ssub.s32 s4, s8;
	s31 =	sshrl.u32 s3, $0x3;
	s4 =	sadd.s32 s0, s30;
	v2 =	vmul.u32 $0x80, v1;
	v4 =	vsel vm0, $0x50AB, v4;
	vm0 =	vcmask $0x3B38  }
0x10: {  	s6 =	sadd.s32 s6, s31;
	s7 =	sadd.s32 s7, s31;
	s8 =	smax.u32 s8, $0x1;
	v3 =	vimm.s32 $0x0;
	v4 =	vsel vm0, $0x60CD, v4;
	vm0 =	vmxor vm0, vm0  }
.LBB2_1:
0x11: {  	[tilespmem:s2], [sflag:$0x1] =	stream.linear.gather [hbm4b:s4+s2], $0x8000, $0x38;
	[tilespmem:$0x19300] =	vst v63  }
0x12: {  	s18 =	simm.s32 $0x0  }
.LBB2_2:
0x13: {  	s19 =	sshll.u32 s18, $0x4  }
0x14: {  	_ =	swait.ge [sflag:s9], $0x8000;
	s20 =	sor.u32 s3, s19  }
0x15: {  	s21 =	simm.s32 $0x0;
	[sflag:s9] =	ssyncset.done $0x0;
	s0 =	sshll.u32 s20, $0x9  }
0x16: {  	s26 =	simm.s32 $0x40;
	[sflag:s9] =	ssyncadd.s32 $0xFFFF8000;
	s0 =	sadd.s32 s0, s5  }
0x17: {  	[tilespmem:s10], [sflag:$0x1] =	stream.linear.gather [hbm4b:s0+s21], $0x8000, $0x38;
	[tilespmem:$0x19300] =	vst v63  }
0x18: {  	v9 =	vld [tilespmem:s26+$0x30]  }
0x19: {  	s22 =	simm.s32 $0x10;
	v10 =	vld [tilespmem:s26+$0xFFFFFFC0]  }
0x1a: {  	s23 =	simm.s32 $0x20;
	v14 =	vor.u32 s22, v0;
	v6 =	vmov s20;
	v11 =	vld [tilespmem:s26+$0xFFFFFFD0]  }
0x1b: {  	s24 =	simm.s32 $0x70;
	v18 =	vor.u32 s23, v0;
	v7 =	vor.u32 s20, v0;
	v8 =	vshll.u32 v6, $0x3;
	v12 =	vld [tilespmem:s26+$0xFFFFFFE0]  }
0x1c: {  	s28 =	simm.s32 $0x30;
	s29 =	simm.s32 $0x40;
	v13 =	vor.u32 s24, v0;
	v7 =	vand.u32 $0x77, v7;
	v8 =	vand.u32 $0x7FFFFC00, v8;
	v15 =	vld [tilespmem:s26+$0xFFFFFFF0]  }
0x1d: {  	v30 =	vor.u32 s28, v0;
	v31 =	vor.u32 s29, v0;
	v7 =	vor.u32 v7, v8;
	v17 =	vld [tilespmem:s26+$0x0]  }
0x1e: {  	vm3 =	veq.s32 v13, v6;
	v13 =	vld [tilespmem:s26+$0x10];
	v8 =	vor.u32 v2, v7;
	v7 =	vor.u32 s21, v0  }
0x1f: {  	vm1 =	vlt.s32 v9, $0x0;
	v16 =	vxor.u32 $0xFFFFFFFF, v9;
	v9 =	vor.u32 $0x80000000, v9  }
0x20: {  	vm2 =	vlt.s32 v10, $0x0;
	v20 =	vxor.u32 $0xFFFFFFFF, v11;
	v21 =	vxor.u32 $0xFFFFFFFF, v12  }
0x21: {  	vm4 =	vlt.s32 v15, $0x0;
	v22 =	vxor.u32 $0xFFFFFFFF, v15;
	v23 =	vor.u32 $0x80000000, v15  }
0x22: {  	vm5 =	vlt.s32 v17, $0x0;
	v24 =	vxor.u32 $0xFFFFFFFF, v17;
	v25 =	vor.u32 $0x80000000, v17  }
0x23: {  	vm6 =	vlt.s32 v13, $0x0;
	v26 =	vxor.u32 $0xFFFFFFFF, v13;
	v27 =	vor.u32 $0x80000000, v13  }
0x24: {  	v9 =	vsel vm1, v16, v9;
	v16 =	vxor.u32 $0xFFFFFFFF, v10;
	v10 =	vor.u32 $0x80000000, v10  }
0x25: {  	vm1 =	vlt.s32 v11, $0x0;
	v11 =	vor.u32 $0x80000000, v11;
	v19 =	vsel vm3, $0x0, v9;
	v9 =	vld [tilespmem:s26+$0x20]  }
0x26: {  	s31 =	simm.s32 $0x60;
	vm3 =	vlt.s32 v12, $0x0;
	v12 =	vor.u32 $0x80000000, v12;
	v13 =	vsel vm2, v16, v10  }
0x27: {  	v15 =	vsel vm1, v20, v11;
	v11 =	vor.u32 s31, v0;
	v10 =	vsel vm5, v24, v25  }
0x28: {  	vm1 =	veq.s32 v14, v6;
	v14 =	vsel vm6, v26, v27;
	vm2 =	veq.s32 v31, v6  }
0x29: {  	v17 =	vsel vm3, v21, v12;
	v12 =	vsel vm4, v22, v23;
	vm4 =	veq.s32 v18, v6  }
0x2a: {  	s30 =	simm.s32 $0x50;
	s22 =	simm.s32 $0x10040;
	vm7 =	vlt.s32 v9, $0x0;
	v28 =	vxor.u32 $0xFFFFFFFF, v9;
	v29 =	vor.u32 $0x80000000, v9  }
0x2b: {  	s25 =	simm.s32 $0x440;
	s24 =	simm.s32 $0x0;
	s23 =	simm.s32 $0x10040;
	v16 =	vld.idx.msk [tilespmem:v8+s21+$0x0], $0xffff;
	[tilespmem:s22+$0x30] =	vst v19;
	vm3 =	veq.s32 v30, v6;
	v9 =	vor.u32 s30, v0;
	v8 =	vsel vm7, v28, v29  }
.LBB2_3:
0x2c: {  	v18 =	vld [tilespmem:s25+$0x30];
	s24 =	sadd.s32 $0x8, s24;
	vm5 =	veq.s32 v7, v6;
	vm6 =	veq.s32 v9, v6;
	vm7 =	veq.s32 v11, v6  }
0x2d: {  	v11 =	vsel vm1, $0x0, v15;
	v9 =	vld [tilespmem:s25+$0xFFFFFFC0];
	p0 =	slt.u32 s24, $0xF8;
	v7 =	vsel vm5, $0x0, v13;
	v13 =	vsel vm4, $0x0, v17  }
0x2e: {  	v12 =	vsel vm3, $0x0, v12;
	v10 =	vsel vm2, $0x0, v10;
	s21 =	sadd.s32 $0x80, s21;
	v14 =	vsel vm6, $0x0, v14;
	v15 =	vld [tilespmem:s25+$0xFFFFFFD0];
	[tilespmem:s22+$0xFFFFFFC0] =	vst v7  }
0x2f: {  	s0 =	sadd.s32 $0x10, s21;
	s26 =	sadd.s32 $0x20, s21;
	s28 =	sadd.s32 $0x70, s21;
	v8 =	vsel vm7, $0x0, v8;
	v7 =	vor.u32 s21, v0;
	v17 =	vld [tilespmem:s25+$0xFFFFFFE0];
	[tilespmem:s22+$0xFFFFFFD0] =	vst v11  }
0x30: {  	s29 =	sadd.s32 $0x50, s21;
	v19 =	vor.u32 s0, v0;
	v20 =	vor.u32 s26, v0;
	s0 =	sadd.s32 $0x30, s21;
	s26 =	sadd.s32 $0x40, s21;
	v21 =	vor.u32 s28, v0;
	v11 =	vld [tilespmem:s25+$0xFFFFFFF0]  }
0x31: {  	s28 =	sadd.s32 $0x60, s21;
	v22 =	vld [tilespmem:s25+$0x0];
	vm2 =	vlt.s32 v18, $0x0;
	v23 =	vxor.u32 $0xFFFFFFFF, v18;
	v18 =	vor.u32 $0x80000000, v18;
	[tilespmem:s22+$0xFFFFFFE0] =	vst v13  }
0x32: {  	vm3 =	veq.s32 v21, v6;
	vm1 =	vlt.s32 v9, $0x0;
	v13 =	vld [tilespmem:s25+$0x10];
	v18 =	vsel vm2, v23, v18;
	[tilespmem:s22+$0xFFFFFFF0] =	vst v12  }
0x33: {  	v12 =	vxor.u32 $0xFFFFFFFF, v9;
	v21 =	vor.u32 $0x80000000, v9;
	s22 =	sadd.s32 $0x80, s22;
	v9 =	vld [tilespmem:s25+$0x20];
	v18 =	vsel vm3, $0x0, v18;
	[tilespmem:s23+$0x0] =	vst v10  }
0x34: {  	vm2 =	vlt.s32 v15, $0x0;
	v10 =	vxor.u32 $0xFFFFFFFF, v15;
	v15 =	vor.u32 $0x80000000, v15;
	[tilespmem:s22+$0x30] =	vst v18  }
0x35: {  	vm3 =	vlt.s32 v17, $0x0;
	v18 =	vxor.u32 $0xFFFFFFFF, v17;
	v17 =	vor.u32 $0x80000000, v17;
	[tilespmem:s23+$0x10] =	vst v14  }
0x36: {  	vm4 =	vlt.s32 v11, $0x0;
	v14 =	vxor.u32 $0xFFFFFFFF, v11;
	v23 =	vor.u32 $0x80000000, v11;
	[tilespmem:s23+$0x20] =	vst v8;
	s23 =	smov.u32 s22  }
0x37: {  	vm5 =	vlt.s32 v22, $0x0;
	v8 =	vxor.u32 $0xFFFFFFFF, v22;
	v22 =	vor.u32 $0x80000000, v22  }
0x38: {  	vm6 =	vlt.s32 v13, $0x0;
	v24 =	vxor.u32 $0xFFFFFFFF, v13;
	v25 =	vor.u32 $0x80000000, v13  }
0x39: {  	vm7 =	vlt.s32 v9, $0x0;
	v26 =	vxor.u32 $0xFFFFFFFF, v9;
	v27 =	vor.u32 $0x80000000, v9  }
.Ltmp0:
0x3a: {  	v28 =	vor.u32 s0, v0;
	v29 =	vor.u32 s26, v0;
	v9 =	vor.u32 s29, v0;
	(pc) =	sbr.rel @p0 .LBB2_3-.Ltmp0, $4  }
0x3b: {  	v15 =	vsel vm2, v10, v15;
	v11 =	vor.u32 s28, v0;
	v13 =	vsel vm1, v12, v21  }
0x3c: {  	v17 =	vsel vm3, v18, v17;
	v12 =	vsel vm4, v14, v23;
	v10 =	vsel vm5, v8, v22  }
0x3d: {  	vm1 =	veq.s32 v19, v6;
	v14 =	vsel vm6, v24, v25;
	v8 =	vsel vm7, v26, v27  }
0x3e: {  	s25 =	sadd.s32 $0x400, s25;
	vm2 =	veq.s32 v29, v6;
	vm3 =	veq.s32 v28, v6;
	vm4 =	veq.s32 v20, v6  }
0x3f: {  	vm5 =	veq.s32 v7, v6;
	v12 =	vsel vm3, $0x0, v12  }
0x40: {  	v7 =	vsel vm5, $0x0, v13;
	[tilespmem:s22+$0xFFFFFFF0] =	vst v12  }
0x41: {  	v13 =	vsel vm1, $0x0, v15;
	[tilespmem:s22+$0xFFFFFFC0] =	vst v7  }
0x42: {  	v7 =	vsel vm4, $0x0, v17;
	[tilespmem:s22+$0xFFFFFFD0] =	vst v13  }
0x43: {  	vm1 =	veq.s32 v9, v6;
	[tilespmem:s22+$0xFFFFFFE0] =	vst v7;
	v7 =	vsel vm2, $0x0, v10  }
0x44: {  	vm2 =	veq.s32 v11, v6;
	v6 =	vsel vm1, $0x0, v14;
	[tilespmem:s23+$0x0] =	vst v7  }
0x45: {  	v7 =	vsel vm2, $0x0, v8;
	[tilespmem:s23+$0x10] =	vst v6  }
0x46: {  	s0 =	simm.s32 $0xF0;
	[tilespmem:s23+$0x20] =	vst v7  }
0x47: {  	v8 =	vld [tilespmem:s0+$0x0]  }
0x48: {  	v9 =	vld [tilespmem:s0+$0xFFFFFF90]  }
0x49: {  	v10 =	vld [tilespmem:s0+$0xFFFFFFA0]  }
0x4a: {  	s24 =	sor.u32 $0x1, s20;
	s26 =	simm.s32 $0x20;
	v11 =	vld [tilespmem:s0+$0xFFFFFFB0]  }
0x4b: {  	s28 =	simm.s32 $0x30;
	s29 =	simm.s32 $0x40;
	v18 =	vor.u32 s26, v0;
	v6 =	vmov s24;
	s24 =	simm.s32 $0x70;
	v14 =	vld [tilespmem:s0+$0xFFFFFFC0]  }
0x4c: {  	s21 =	simm.s32 $0x0;
	s25 =	simm.s32 $0x10;
	v30 =	vor.u32 s28, v0;
	v31 =	vor.u32 s29, v0;
	v12 =	vor.u32 s24, v0;
	v17 =	vld [tilespmem:s0+$0xFFFFFFD0]  }
0x4d: {  	v13 =	vor.u32 s25, v0;
	v7 =	vor.u32 s21, v0;
	vm3 =	veq.s32 v12, v6;
	v12 =	vld [tilespmem:s0+$0xFFFFFFE0]  }
0x4e: {  	vm1 =	vlt.s32 v8, $0x0;
	v15 =	vxor.u32 $0xFFFFFFFF, v8;
	v8 =	vor.u32 $0x80000000, v8  }
0x4f: {  	vm2 =	vlt.s32 v9, $0x0;
	v20 =	vxor.u32 $0xFFFFFFFF, v10;
	v21 =	vxor.u32 $0xFFFFFFFF, v11  }
0x50: {  	v22 =	vor.u32 $0x80000000, v11;
	vm4 =	vlt.s32 v14, $0x0;
	v23 =	vxor.u32 $0xFFFFFFFF, v14  }
0x51: {  	v24 =	vor.u32 $0x80000000, v14;
	vm5 =	vlt.s32 v17, $0x0;
	v25 =	vxor.u32 $0xFFFFFFFF, v17  }
0x52: {  	v26 =	vor.u32 $0x80000000, v17;
	vm6 =	vlt.s32 v12, $0x0;
	v27 =	vxor.u32 $0xFFFFFFFF, v12  }
0x53: {  	v28 =	vor.u32 $0x80000000, v12;
	v8 =	vsel vm1, v15, v8;
	v15 =	vxor.u32 $0xFFFFFFFF, v9  }
0x54: {  	v9 =	vor.u32 $0x80000000, v9;
	vm1 =	vlt.s32 v10, $0x0;
	v19 =	vsel vm3, $0x0, v8;
	v8 =	vld [tilespmem:s0+$0xFFFFFFF0]  }
0x55: {  	s30 =	simm.s32 $0x50;
	v10 =	vor.u32 $0x80000000, v10;
	v12 =	vsel vm4, v23, v24;
	vm4 =	veq.s32 v18, v6  }
0x56: {  	s31 =	simm.s32 $0x60;
	vm3 =	vlt.s32 v11, $0x0;
	v14 =	vsel vm2, v15, v9;
	v9 =	vor.u32 s30, v0  }
0x57: {  	v15 =	vsel vm1, v20, v10;
	v11 =	vor.u32 s31, v0;
	v10 =	vsel vm5, v25, v26  }
0x58: {  	vm1 =	veq.s32 v13, v6;
	v13 =	vsel vm6, v27, v28;
	vm2 =	veq.s32 v31, v6  }
0x59: {  	s22 =	simm.s32 $0x11090;
	vm7 =	vlt.s32 v8, $0x0;
	v29 =	vxor.u32 $0xFFFFFFFF, v8;
	v8 =	vor.u32 $0x80000000, v8  }
0x5a: {  	s25 =	simm.s32 $0x4F0;
	s24 =	simm.s32 $0x0;
	s23 =	simm.s32 $0x11090;
	v17 =	vsel vm3, v21, v22;
	[tilespmem:s22+$0x0] =	vst v19;
	vm3 =	veq.s32 v30, v6;
	v8 =	vsel vm7, v29, v8  }
.LBB2_5:
0x5b: {  	v18 =	vld [tilespmem:s25+$0x0];
	s24 =	sadd.s32 $0x8, s24;
	vm5 =	veq.s32 v7, v6;
	vm6 =	veq.s32 v9, v6;
	vm7 =	veq.s32 v11, v6  }
0x5c: {  	v11 =	vsel vm1, $0x0, v15;
	v9 =	vld [tilespmem:s25+$0xFFFFFF90];
	p0 =	slt.u32 s24, $0xF8;
	v7 =	vsel vm5, $0x0, v14;
	v14 =	vsel vm4, $0x0, v17  }
0x5d: {  	v12 =	vsel vm3, $0x0, v12;
	v10 =	vsel vm2, $0x0, v10;
	s21 =	sadd.s32 $0x80, s21;
	v13 =	vsel vm6, $0x0, v13;
	v15 =	vld [tilespmem:s25+$0xFFFFFFA0];
	[tilespmem:s22+$0xFFFFFF90] =	vst v7  }
0x5e: {  	s0 =	sadd.s32 $0x10, s21;
	s26 =	sadd.s32 $0x20, s21;
	s28 =	sadd.s32 $0x70, s21;
	v8 =	vsel vm7, $0x0, v8;
	v7 =	vor.u32 s21, v0;
	v17 =	vld [tilespmem:s25+$0xFFFFFFB0];
	[tilespmem:s22+$0xFFFFFFA0] =	vst v11  }
0x5f: {  	s29 =	sadd.s32 $0x50, s21;
	v19 =	vor.u32 s0, v0;
	v20 =	vor.u32 s26, v0;
	s0 =	sadd.s32 $0x30, s21;
	s26 =	sadd.s32 $0x40, s21;
	v21 =	vor.u32 s28, v0;
	v11 =	vld [tilespmem:s25+$0xFFFFFFC0]  }
0x60: {  	s28 =	sadd.s32 $0x60, s21;
	v22 =	vld [tilespmem:s25+$0xFFFFFFD0];
	vm2 =	vlt.s32 v18, $0x0;
	v23 =	vxor.u32 $0xFFFFFFFF, v18;
	v18 =	vor.u32 $0x80000000, v18;
	[tilespmem:s22+$0xFFFFFFB0] =	vst v14  }
0x61: {  	vm3 =	veq.s32 v21, v6;
	vm1 =	vlt.s32 v9, $0x0;
	v14 =	vld [tilespmem:s25+$0xFFFFFFE0];
	v18 =	vsel vm2, v23, v18;
	[tilespmem:s22+$0xFFFFFFC0] =	vst v12  }
0x62: {  	v12 =	vxor.u32 $0xFFFFFFFF, v9;
	v21 =	vor.u32 $0x80000000, v9;
	s22 =	sadd.s32 $0x80, s22;
	v9 =	vld [tilespmem:s25+$0xFFFFFFF0];
	v18 =	vsel vm3, $0x0, v18;
	[tilespmem:s23+$0xFFFFFFD0] =	vst v10  }
0x63: {  	vm2 =	vlt.s32 v15, $0x0;
	v10 =	vxor.u32 $0xFFFFFFFF, v15;
	v15 =	vor.u32 $0x80000000, v15;
	[tilespmem:s22+$0x0] =	vst v18  }
0x64: {  	vm3 =	vlt.s32 v17, $0x0;
	v18 =	vxor.u32 $0xFFFFFFFF, v17;
	v17 =	vor.u32 $0x80000000, v17;
	[tilespmem:s23+$0xFFFFFFE0] =	vst v13  }
0x65: {  	vm4 =	vlt.s32 v11, $0x0;
	v13 =	vxor.u32 $0xFFFFFFFF, v11;
	v23 =	vor.u32 $0x80000000, v11;
	[tilespmem:s23+$0xFFFFFFF0] =	vst v8;
	s23 =	smov.u32 s22  }
0x66: {  	vm5 =	vlt.s32 v22, $0x0;
	v8 =	vxor.u32 $0xFFFFFFFF, v22;
	v22 =	vor.u32 $0x80000000, v22  }
0x67: {  	vm6 =	vlt.s32 v14, $0x0;
	v24 =	vxor.u32 $0xFFFFFFFF, v14;
	v25 =	vor.u32 $0x80000000, v14  }
0x68: {  	vm7 =	vlt.s32 v9, $0x0;
	v26 =	vxor.u32 $0xFFFFFFFF, v9;
	v27 =	vor.u32 $0x80000000, v9  }
.Ltmp1:
0x69: {  	v28 =	vor.u32 s0, v0;
	v29 =	vor.u32 s26, v0;
	v9 =	vor.u32 s29, v0;
	(pc) =	sbr.rel @p0 .LBB2_5-.Ltmp1, $4  }
0x6a: {  	v15 =	vsel vm2, v10, v15;
	v11 =	vor.u32 s28, v0;
	v14 =	vsel vm1, v12, v21  }
0x6b: {  	v17 =	vsel vm3, v18, v17;
	v12 =	vsel vm4, v13, v23;
	v10 =	vsel vm5, v8, v22  }
0x6c: {  	vm1 =	veq.s32 v19, v6;
	v13 =	vsel vm6, v24, v25;
	v8 =	vsel vm7, v26, v27  }
0x6d: {  	s25 =	sadd.s32 $0x400, s25;
	vm2 =	veq.s32 v29, v6;
	vm3 =	veq.s32 v28, v6;
	vm4 =	veq.s32 v20, v6  }
0x6e: {  	vm5 =	veq.s32 v7, v6;
	v12 =	vsel vm3, $0x0, v12  }
0x6f: {  	v7 =	vsel vm5, $0x0, v14;
	[tilespmem:s22+$0xFFFFFFC0] =	vst v12  }
0x70: {  	v14 =	vsel vm1, $0x0, v15;
	[tilespmem:s22+$0xFFFFFF90] =	vst v7  }
0x71: {  	v7 =	vsel vm4, $0x0, v17;
	[tilespmem:s22+$0xFFFFFFA0] =	vst v14  }
0x72: {  	vm1 =	veq.s32 v9, v6;
	[tilespmem:s22+$0xFFFFFFB0] =	vst v7;
	v7 =	vsel vm2, $0x0, v10  }
0x73: {  	vm2 =	veq.s32 v11, v6;
	v6 =	vsel vm1, $0x0, v13;
	[tilespmem:s23+$0xFFFFFFD0] =	vst v7  }
0x74: {  	v7 =	vsel vm2, $0x0, v8;
	[tilespmem:s23+$0xFFFFFFE0] =	vst v6  }
0x75: {  	s0 =	simm.s32 $0x170;
	[tilespmem:s23+$0xFFFFFFF0] =	vst v7  }
0x76: {  	v8 =	vld [tilespmem:s0+$0x0]  }
0x77: {  	v9 =	vld [tilespmem:s0+$0xFFFFFF90]  }
0x78: {  	v10 =	vld [tilespmem:s0+$0xFFFFFFA0]  }
0x79: {  	s24 =	sor.u32 $0x2, s20;
	s26 =	simm.s32 $0x20;
	v11 =	vld [tilespmem:s0+$0xFFFFFFB0]  }
0x7a: {  	s28 =	simm.s32 $0x30;
	s29 =	simm.s32 $0x40;
	v18 =	vor.u32 s26, v0;
	v6 =	vmov s24;
	s24 =	simm.s32 $0x70;
	v14 =	vld [tilespmem:s0+$0xFFFFFFC0]  }
0x7b: {  	s21 =	simm.s32 $0x0;
	s25 =	simm.s32 $0x10;
	v30 =	vor.u32 s28, v0;
	v31 =	vor.u32 s29, v0;
	v12 =	vor.u32 s24, v0;
	v17 =	vld [tilespmem:s0+$0xFFFFFFD0]  }
0x7c: {  	v13 =	vor.u32 s25, v0;
	v7 =	vor.u32 s21, v0;
	vm3 =	veq.s32 v12, v6;
	v12 =	vld [tilespmem:s0+$0xFFFFFFE0]  }
0x7d: {  	vm1 =	vlt.s32 v8, $0x0;
	v15 =	vxor.u32 $0xFFFFFFFF, v8;
	v8 =	vor.u32 $0x80000000, v8  }
0x7e: {  	vm2 =	vlt.s32 v9, $0x0;
	v20 =	vxor.u32 $0xFFFFFFFF, v10;
	v21 =	vxor.u32 $0xFFFFFFFF, v11  }
0x7f: {  	v22 =	vor.u32 $0x80000000, v11;
	vm4 =	vlt.s32 v14, $0x0;
	v23 =	vxor.u32 $0xFFFFFFFF, v14  }
0x80: {  	v24 =	vor.u32 $0x80000000, v14;
	vm5 =	vlt.s32 v17, $0x0;
	v25 =	vxor.u32 $0xFFFFFFFF, v17  }
0x81: {  	v26 =	vor.u32 $0x80000000, v17;
	vm6 =	vlt.s32 v12, $0x0;
	v27 =	vxor.u32 $0xFFFFFFFF, v12  }
0x82: {  	v28 =	vor.u32 $0x80000000, v12;
	v8 =	vsel vm1, v15, v8;
	v15 =	vxor.u32 $0xFFFFFFFF, v9  }
0x83: {  	v9 =	vor.u32 $0x80000000, v9;
	vm1 =	vlt.s32 v10, $0x0;
	v19 =	vsel vm3, $0x0, v8;
	v8 =	vld [tilespmem:s0+$0xFFFFFFF0]  }
0x84: {  	s30 =	simm.s32 $0x50;
	v10 =	vor.u32 $0x80000000, v10;
	v12 =	vsel vm4, v23, v24;
	vm4 =	veq.s32 v18, v6  }
0x85: {  	s31 =	simm.s32 $0x60;
	vm3 =	vlt.s32 v11, $0x0;
	v14 =	vsel vm2, v15, v9;
	v9 =	vor.u32 s30, v0  }
0x86: {  	v15 =	vsel vm1, v20, v10;
	v11 =	vor.u32 s31, v0;
	v10 =	vsel vm5, v25, v26  }
0x87: {  	vm1 =	veq.s32 v13, v6;
	v13 =	vsel vm6, v27, v28;
	vm2 =	veq.s32 v31, v6  }
0x88: {  	s22 =	simm.s32 $0x120B0;
	vm7 =	vlt.s32 v8, $0x0;
	v29 =	vxor.u32 $0xFFFFFFFF, v8;
	v8 =	vor.u32 $0x80000000, v8  }
0x89: {  	s25 =	simm.s32 $0x570;
	s24 =	simm.s32 $0x0;
	s23 =	simm.s32 $0x120B0;
	v17 =	vsel vm3, v21, v22;
	[tilespmem:s22+$0x0] =	vst v19;
	vm3 =	veq.s32 v30, v6;
	v8 =	vsel vm7, v29, v8  }
.LBB2_7:
0x8a: {  	v18 =	vld [tilespmem:s25+$0x0];
	s24 =	sadd.s32 $0x8, s24;
	vm5 =	veq.s32 v7, v6;
	vm6 =	veq.s32 v9, v6;
	vm7 =	veq.s32 v11, v6  }
0x8b: {  	v11 =	vsel vm1, $0x0, v15;
	v9 =	vld [tilespmem:s25+$0xFFFFFF90];
	p0 =	slt.u32 s24, $0xF8;
	v7 =	vsel vm5, $0x0, v14;
	v14 =	vsel vm4, $0x0, v17  }
0x8c: {  	v12 =	vsel vm3, $0x0, v12;
	v10 =	vsel vm2, $0x0, v10;
	s21 =	sadd.s32 $0x80, s21;
	v13 =	vsel vm6, $0x0, v13;
	v15 =	vld [tilespmem:s25+$0xFFFFFFA0];
	[tilespmem:s22+$0xFFFFFF90] =	vst v7  }
0x8d: {  	s0 =	sadd.s32 $0x10, s21;
	s26 =	sadd.s32 $0x20, s21;
	s28 =	sadd.s32 $0x70, s21;
	v8 =	vsel vm7, $0x0, v8;
	v7 =	vor.u32 s21, v0;
	v17 =	vld [tilespmem:s25+$0xFFFFFFB0];
	[tilespmem:s22+$0xFFFFFFA0] =	vst v11  }
0x8e: {  	s29 =	sadd.s32 $0x50, s21;
	v19 =	vor.u32 s0, v0;
	v20 =	vor.u32 s26, v0;
	s0 =	sadd.s32 $0x30, s21;
	s26 =	sadd.s32 $0x40, s21;
	v21 =	vor.u32 s28, v0;
	v11 =	vld [tilespmem:s25+$0xFFFFFFC0]  }
0x8f: {  	s28 =	sadd.s32 $0x60, s21;
	v22 =	vld [tilespmem:s25+$0xFFFFFFD0];
	vm2 =	vlt.s32 v18, $0x0;
	v23 =	vxor.u32 $0xFFFFFFFF, v18;
	v18 =	vor.u32 $0x80000000, v18;
	[tilespmem:s22+$0xFFFFFFB0] =	vst v14  }
0x90: {  	vm3 =	veq.s32 v21, v6;
	vm1 =	vlt.s32 v9, $0x0;
	v14 =	vld [tilespmem:s25+$0xFFFFFFE0];
	v18 =	vsel vm2, v23, v18;
	[tilespmem:s22+$0xFFFFFFC0] =	vst v12  }
0x91: {  	v12 =	vxor.u32 $0xFFFFFFFF, v9;
	v21 =	vor.u32 $0x80000000, v9;
	s22 =	sadd.s32 $0x80, s22;
	v9 =	vld [tilespmem:s25+$0xFFFFFFF0];
	v18 =	vsel vm3, $0x0, v18;
	[tilespmem:s23+$0xFFFFFFD0] =	vst v10  }
0x92: {  	vm2 =	vlt.s32 v15, $0x0;
	v10 =	vxor.u32 $0xFFFFFFFF, v15;
	v15 =	vor.u32 $0x80000000, v15;
	[tilespmem:s22+$0x0] =	vst v18  }
0x93: {  	vm3 =	vlt.s32 v17, $0x0;
	v18 =	vxor.u32 $0xFFFFFFFF, v17;
	v17 =	vor.u32 $0x80000000, v17;
	[tilespmem:s23+$0xFFFFFFE0] =	vst v13  }
0x94: {  	vm4 =	vlt.s32 v11, $0x0;
	v13 =	vxor.u32 $0xFFFFFFFF, v11;
	v23 =	vor.u32 $0x80000000, v11;
	[tilespmem:s23+$0xFFFFFFF0] =	vst v8;
	s23 =	smov.u32 s22  }
0x95: {  	vm5 =	vlt.s32 v22, $0x0;
	v8 =	vxor.u32 $0xFFFFFFFF, v22;
	v22 =	vor.u32 $0x80000000, v22  }
0x96: {  	vm6 =	vlt.s32 v14, $0x0;
	v24 =	vxor.u32 $0xFFFFFFFF, v14;
	v25 =	vor.u32 $0x80000000, v14  }
0x97: {  	vm7 =	vlt.s32 v9, $0x0;
	v26 =	vxor.u32 $0xFFFFFFFF, v9;
	v27 =	vor.u32 $0x80000000, v9  }
.Ltmp2:
0x98: {  	v28 =	vor.u32 s0, v0;
	v29 =	vor.u32 s26, v0;
	v9 =	vor.u32 s29, v0;
	(pc) =	sbr.rel @p0 .LBB2_7-.Ltmp2, $4  }
0x99: {  	v15 =	vsel vm2, v10, v15;
	v11 =	vor.u32 s28, v0;
	v14 =	vsel vm1, v12, v21  }
0x9a: {  	v17 =	vsel vm3, v18, v17;
	v12 =	vsel vm4, v13, v23;
	v10 =	vsel vm5, v8, v22  }
0x9b: {  	vm1 =	veq.s32 v19, v6;
	v13 =	vsel vm6, v24, v25;
	v8 =	vsel vm7, v26, v27  }
0x9c: {  	s25 =	sadd.s32 $0x400, s25;
	vm2 =	veq.s32 v29, v6;
	vm3 =	veq.s32 v28, v6;
	vm4 =	veq.s32 v20, v6  }
0x9d: {  	vm5 =	veq.s32 v7, v6;
	v12 =	vsel vm3, $0x0, v12  }
0x9e: {  	v7 =	vsel vm5, $0x0, v14;
	[tilespmem:s22+$0xFFFFFFC0] =	vst v12  }
0x9f: {  	v14 =	vsel vm1, $0x0, v15;
	[tilespmem:s22+$0xFFFFFF90] =	vst v7  }
0xa0: {  	v7 =	vsel vm4, $0x0, v17;
	[tilespmem:s22+$0xFFFFFFA0] =	vst v14  }
0xa1: {  	vm1 =	veq.s32 v9, v6;
	[tilespmem:s22+$0xFFFFFFB0] =	vst v7;
	v7 =	vsel vm2, $0x0, v10  }
0xa2: {  	vm2 =	veq.s32 v11, v6;
	v6 =	vsel vm1, $0x0, v13;
	[tilespmem:s23+$0xFFFFFFD0] =	vst v7  }
0xa3: {  	v7 =	vsel vm2, $0x0, v8;
	[tilespmem:s23+$0xFFFFFFE0] =	vst v6  }
0xa4: {  	s0 =	simm.s32 $0x1F0;
	[tilespmem:s23+$0xFFFFFFF0] =	vst v7  }
0xa5: {  	v8 =	vld [tilespmem:s0+$0x0]  }
0xa6: {  	v9 =	vld [tilespmem:s0+$0xFFFFFF90]  }
0xa7: {  	v10 =	vld [tilespmem:s0+$0xFFFFFFA0]  }
0xa8: {  	s24 =	sor.u32 $0x3, s20;
	s26 =	simm.s32 $0x20;
	v11 =	vld [tilespmem:s0+$0xFFFFFFB0]  }
0xa9: {  	s28 =	simm.s32 $0x30;
	s29 =	simm.s32 $0x40;
	v18 =	vor.u32 s26, v0;
	v6 =	vmov s24;
	s24 =	simm.s32 $0x70;
	v14 =	vld [tilespmem:s0+$0xFFFFFFC0]  }
0xaa: {  	s21 =	simm.s32 $0x0;
	s25 =	simm.s32 $0x10;
	v30 =	vor.u32 s28, v0;
	v31 =	vor.u32 s29, v0;
	v12 =	vor.u32 s24, v0;
	v17 =	vld [tilespmem:s0+$0xFFFFFFD0]  }
0xab: {  	v13 =	vor.u32 s25, v0;
	v7 =	vor.u32 s21, v0;
	vm3 =	veq.s32 v12, v6;
	v12 =	vld [tilespmem:s0+$0xFFFFFFE0]  }
0xac: {  	vm1 =	vlt.s32 v8, $0x0;
	v15 =	vxor.u32 $0xFFFFFFFF, v8;
	v8 =	vor.u32 $0x80000000, v8  }
0xad: {  	vm2 =	vlt.s32 v9, $0x0;
	v20 =	vxor.u32 $0xFFFFFFFF, v10;
	v21 =	vxor.u32 $0xFFFFFFFF, v11  }
0xae: {  	v22 =	vor.u32 $0x80000000, v11;
	vm4 =	vlt.s32 v14, $0x0;
	v23 =	vxor.u32 $0xFFFFFFFF, v14  }
0xaf: {  	v24 =	vor.u32 $0x80000000, v14;
	vm5 =	vlt.s32 v17, $0x0;
	v25 =	vxor.u32 $0xFFFFFFFF, v17  }
0xb0: {  	v26 =	vor.u32 $0x80000000, v17;
	vm6 =	vlt.s32 v12, $0x0;
	v27 =	vxor.u32 $0xFFFFFFFF, v12  }
0xb1: {  	v28 =	vor.u32 $0x80000000, v12;
	v8 =	vsel vm1, v15, v8;
	v15 =	vxor.u32 $0xFFFFFFFF, v9  }
0xb2: {  	v9 =	vor.u32 $0x80000000, v9;
	vm1 =	vlt.s32 v10, $0x0;
	v19 =	vsel vm3, $0x0, v8;
	v8 =	vld [tilespmem:s0+$0xFFFFFFF0]  }
0xb3: {  	s30 =	simm.s32 $0x50;
	v10 =	vor.u32 $0x80000000, v10;
	v12 =	vsel vm4, v23, v24;
	vm4 =	veq.s32 v18, v6  }
0xb4: {  	s31 =	simm.s32 $0x60;
	vm3 =	vlt.s32 v11, $0x0;
	v14 =	vsel vm2, v15, v9;
	v9 =	vor.u32 s30, v0  }
0xb5: {  	v15 =	vsel vm1, v20, v10;
	v11 =	vor.u32 s31, v0;
	v10 =	vsel vm5, v25, v26  }
0xb6: {  	vm1 =	veq.s32 v13, v6;
	v13 =	vsel vm6, v27, v28;
	vm2 =	veq.s32 v31, v6  }
0xb7: {  	s22 =	simm.s32 $0x130D0;
	vm7 =	vlt.s32 v8, $0x0;
	v29 =	vxor.u32 $0xFFFFFFFF, v8;
	v8 =	vor.u32 $0x80000000, v8  }
0xb8: {  	s25 =	simm.s32 $0x5F0;
	s24 =	simm.s32 $0x0;
	s23 =	simm.s32 $0x130D0;
	v17 =	vsel vm3, v21, v22;
	[tilespmem:s22+$0x0] =	vst v19;
	vm3 =	veq.s32 v30, v6;
	v8 =	vsel vm7, v29, v8  }
.LBB2_9:
0xb9: {  	v18 =	vld [tilespmem:s25+$0x0];
	s24 =	sadd.s32 $0x8, s24;
	vm5 =	veq.s32 v7, v6;
	vm6 =	veq.s32 v9, v6;
	vm7 =	veq.s32 v11, v6  }
0xba: {  	v11 =	vsel vm1, $0x0, v15;
	v9 =	vld [tilespmem:s25+$0xFFFFFF90];
	p0 =	slt.u32 s24, $0xF8;
	v7 =	vsel vm5, $0x0, v14;
	v14 =	vsel vm4, $0x0, v17  }
0xbb: {  	v12 =	vsel vm3, $0x0, v12;
	v10 =	vsel vm2, $0x0, v10;
	s21 =	sadd.s32 $0x80, s21;
	v13 =	vsel vm6, $0x0, v13;
	v15 =	vld [tilespmem:s25+$0xFFFFFFA0];
	[tilespmem:s22+$0xFFFFFF90] =	vst v7  }
0xbc: {  	s0 =	sadd.s32 $0x10, s21;
	s26 =	sadd.s32 $0x20, s21;
	s28 =	sadd.s32 $0x70, s21;
	v8 =	vsel vm7, $0x0, v8;
	v7 =	vor.u32 s21, v0;
	v17 =	vld [tilespmem:s25+$0xFFFFFFB0];
	[tilespmem:s22+$0xFFFFFFA0] =	vst v11  }
0xbd: {  	s29 =	sadd.s32 $0x50, s21;
	v19 =	vor.u32 s0, v0;
	v20 =	vor.u32 s26, v0;
	s0 =	sadd.s32 $0x30, s21;
	s26 =	sadd.s32 $0x40, s21;
	v21 =	vor.u32 s28, v0;
	v11 =	vld [tilespmem:s25+$0xFFFFFFC0]  }
0xbe: {  	s28 =	sadd.s32 $0x60, s21;
	v22 =	vld [tilespmem:s25+$0xFFFFFFD0];
	vm2 =	vlt.s32 v18, $0x0;
	v23 =	vxor.u32 $0xFFFFFFFF, v18;
	v18 =	vor.u32 $0x80000000, v18;
	[tilespmem:s22+$0xFFFFFFB0] =	vst v14  }
0xbf: {  	vm3 =	veq.s32 v21, v6;
	vm1 =	vlt.s32 v9, $0x0;
	v14 =	vld [tilespmem:s25+$0xFFFFFFE0];
	v18 =	vsel vm2, v23, v18;
	[tilespmem:s22+$0xFFFFFFC0] =	vst v12  }
0xc0: {  	v12 =	vxor.u32 $0xFFFFFFFF, v9;
	v21 =	vor.u32 $0x80000000, v9;
	s22 =	sadd.s32 $0x80, s22;
	v9 =	vld [tilespmem:s25+$0xFFFFFFF0];
	v18 =	vsel vm3, $0x0, v18;
	[tilespmem:s23+$0xFFFFFFD0] =	vst v10  }
0xc1: {  	vm2 =	vlt.s32 v15, $0x0;
	v10 =	vxor.u32 $0xFFFFFFFF, v15;
	v15 =	vor.u32 $0x80000000, v15;
	[tilespmem:s22+$0x0] =	vst v18  }
0xc2: {  	vm3 =	vlt.s32 v17, $0x0;
	v18 =	vxor.u32 $0xFFFFFFFF, v17;
	v17 =	vor.u32 $0x80000000, v17;
	[tilespmem:s23+$0xFFFFFFE0] =	vst v13  }
0xc3: {  	vm4 =	vlt.s32 v11, $0x0;
	v13 =	vxor.u32 $0xFFFFFFFF, v11;
	v23 =	vor.u32 $0x80000000, v11;
	[tilespmem:s23+$0xFFFFFFF0] =	vst v8;
	s23 =	smov.u32 s22  }
0xc4: {  	vm5 =	vlt.s32 v22, $0x0;
	v8 =	vxor.u32 $0xFFFFFFFF, v22;
	v22 =	vor.u32 $0x80000000, v22  }
0xc5: {  	vm6 =	vlt.s32 v14, $0x0;
	v24 =	vxor.u32 $0xFFFFFFFF, v14;
	v25 =	vor.u32 $0x80000000, v14  }
0xc6: {  	vm7 =	vlt.s32 v9, $0x0;
	v26 =	vxor.u32 $0xFFFFFFFF, v9;
	v27 =	vor.u32 $0x80000000, v9  }
.Ltmp3:
0xc7: {  	v28 =	vor.u32 s0, v0;
	v29 =	vor.u32 s26, v0;
	v9 =	vor.u32 s29, v0;
	(pc) =	sbr.rel @p0 .LBB2_9-.Ltmp3, $4  }
0xc8: {  	v15 =	vsel vm2, v10, v15;
	v11 =	vor.u32 s28, v0;
	v14 =	vsel vm1, v12, v21  }
0xc9: {  	v17 =	vsel vm3, v18, v17;
	v12 =	vsel vm4, v13, v23;
	v10 =	vsel vm5, v8, v22  }
0xca: {  	vm1 =	veq.s32 v19, v6;
	v13 =	vsel vm6, v24, v25;
	v8 =	vsel vm7, v26, v27  }
0xcb: {  	s25 =	sadd.s32 $0x400, s25;
	vm2 =	veq.s32 v29, v6;
	vm3 =	veq.s32 v28, v6;
	vm4 =	veq.s32 v20, v6  }
0xcc: {  	vm5 =	veq.s32 v7, v6;
	v12 =	vsel vm3, $0x0, v12  }
0xcd: {  	v7 =	vsel vm5, $0x0, v14;
	[tilespmem:s22+$0xFFFFFFC0] =	vst v12  }
0xce: {  	v14 =	vsel vm1, $0x0, v15;
	[tilespmem:s22+$0xFFFFFF90] =	vst v7  }
0xcf: {  	v7 =	vsel vm4, $0x0, v17;
	[tilespmem:s22+$0xFFFFFFA0] =	vst v14  }
0xd0: {  	vm1 =	veq.s32 v9, v6;
	[tilespmem:s22+$0xFFFFFFB0] =	vst v7;
	v7 =	vsel vm2, $0x0, v10  }
0xd1: {  	vm2 =	veq.s32 v11, v6;
	v6 =	vsel vm1, $0x0, v13;
	[tilespmem:s23+$0xFFFFFFD0] =	vst v7  }
0xd2: {  	v7 =	vsel vm2, $0x0, v8;
	[tilespmem:s23+$0xFFFFFFE0] =	vst v6  }
0xd3: {  	s0 =	simm.s32 $0x270;
	[tilespmem:s23+$0xFFFFFFF0] =	vst v7  }
0xd4: {  	v7 =	vld [tilespmem:s0+$0x0]  }
0xd5: {  	v8 =	vld [tilespmem:s0+$0xFFFFFF90]  }
0xd6: {  	v9 =	vld [tilespmem:s0+$0xFFFFFFA0]  }
0xd7: {  	s26 =	simm.s32 $0x10;
	s29 =	simm.s32 $0x0;
	v10 =	vld [tilespmem:s0+$0xFFFFFFB0]  }
0xd8: {  	s25 =	sor.u32 $0x4, s20;
	s21 =	simm.s32 $0x70;
	s24 =	simm.s32 $0x30;
	v29 =	vor.u32 s29, v0;
	v15 =	vor.u32 s26, v0;
	v12 =	vld [tilespmem:s0+$0xFFFFFFC0]  }
0xd9: {  	v17 =	vor.u32 s24, v0;
	v11 =	vor.u32 s21, v0;
	v6 =	vmov s25;
	v14 =	vld [tilespmem:s0+$0xFFFFFFD0]  }
0xda: {  	vm3 =	veq.s32 v11, v6;
	v11 =	vld [tilespmem:s0+$0xFFFFFFE0];
	vm2 =	vlt.s32 v7, $0x0;
	v13 =	vxor.u32 $0xFFFFFFFF, v7  }
0xdb: {  	v7 =	vor.u32 $0x80000000, v7;
	vm1 =	vlt.s32 v8, $0x0;
	v18 =	vxor.u32 $0xFFFFFFFF, v8  }
0xdc: {  	v8 =	vor.u32 $0x80000000, v8;
	v19 =	vxor.u32 $0xFFFFFFFF, v9;
	v20 =	vor.u32 $0x80000000, v9  }
0xdd: {  	v21 =	vxor.u32 $0xFFFFFFFF, v10;
	v22 =	vor.u32 $0x80000000, v10;
	vm14 =	vlt.s32 v12, $0x0  }
0xde: {  	v23 =	vxor.u32 $0xFFFFFFFF, v12;
	v12 =	vor.u32 $0x80000000, v12;
	vm15 =	vlt.s32 v14, $0x0  }
0xdf: {  	v24 =	vxor.u32 $0xFFFFFFFF, v14;
	v14 =	vor.u32 $0x80000000, v14;
	vm6 =	vlt.s32 v11, $0x0  }
0xe0: {  	s25 =	simm.s32 $0x40;
	v25 =	vxor.u32 $0xFFFFFFFF, v11;
	v26 =	vor.u32 $0x80000000, v11;
	v7 =	vsel vm2, v13, v7;
	v13 =	vld [tilespmem:s0+$0xFFFFFFF0]  }
0xe1: {  	s30 =	simm.s32 $0x50;
	vm2 =	vlt.s32 v9, $0x0;
	v9 =	vor.u32 s25, v0;
	v18 =	vsel vm1, v18, v8  }
0xe2: {  	v8 =	vor.u32 s30, v0;
	v12 =	vsel vm14, v23, v12;
	v11 =	vsel vm15, v24, v14  }
0xe3: {  	s31 =	simm.s32 $0x60;
	vm1 =	veq.s32 v29, v6;
	v14 =	vsel vm6, v25, v26;
	v7 =	vsel vm3, $0x0, v7  }
0xe4: {  	vm3 =	vlt.s32 v10, $0x0;
	v19 =	vsel vm2, v19, v20;
	v10 =	vor.u32 s31, v0  }
0xe5: {  	s28 =	simm.s32 $0x20;
	s22 =	simm.s32 $0x140F0;
	vm7 =	vlt.s32 v13, $0x0;
	v27 =	vxor.u32 $0xFFFFFFFF, v13;
	v28 =	vor.u32 $0x80000000, v13  }
0xe6: {  	s24 =	simm.s32 $0x0;
	s23 =	simm.s32 $0x140F0;
	s25 =	simm.s32 $0x670;
	v20 =	vsel vm3, v21, v22;
	[tilespmem:s22+$0x0] =	vst v7;
	v13 =	vor.u32 s28, v0;
	v7 =	vsel vm7, v27, v28  }
.LBB2_11:
0xe7: {  	v21 =	vld [tilespmem:s25+$0x0];
	s24 =	sadd.s32 $0x8, s24;
	vm2 =	veq.s32 v15, v6;
	vm3 =	veq.s32 v13, v6;
	vm4 =	veq.s32 v17, v6  }
0xe8: {  	vm5 =	veq.s32 v9, v6;
	vm6 =	veq.s32 v8, v6;
	vm7 =	veq.s32 v10, v6;
	v13 =	vld [tilespmem:s25+$0xFFFFFF90];
	p0 =	slt.u32 s24, $0xF8  }
0xe9: {  	v9 =	vsel vm1, $0x0, v18;
	v10 =	vsel vm2, $0x0, v19;
	v15 =	vsel vm3, $0x0, v20;
	v8 =	vld [tilespmem:s25+$0xFFFFFFA0]  }
0xea: {  	s21 =	sadd.s32 $0x80, s21;
	v11 =	vsel vm5, $0x0, v11;
	v17 =	vld [tilespmem:s25+$0xFFFFFFB0];
	[tilespmem:s22+$0xFFFFFF90] =	vst v9;
	v9 =	vsel vm4, $0x0, v12;
	v12 =	vsel vm6, $0x0, v14  }
0xeb: {  	s0 =	sadd.s32 $0xFFFFFFA0, s21;
	s26 =	sadd.s32 $0xFFFFFFB0, s21;
	s28 =	sadd.s32 $0xFFFFFFC0, s21;
	v18 =	vor.u32 s21, v0;
	v7 =	vsel vm7, $0x0, v7;
	v14 =	vld [tilespmem:s25+$0xFFFFFFC0];
	[tilespmem:s22+$0xFFFFFFA0] =	vst v10  }
0xec: {  	s29 =	sadd.s32 $0xFFFFFFD0, s21;
	s30 =	sadd.s32 $0xFFFFFFE0, s21;
	s31 =	sadd.s32 $0xFFFFFFF0, s21;
	v10 =	vld [tilespmem:s25+$0xFFFFFFD0];
	vm2 =	vlt.s32 v21, $0x0;
	v19 =	vxor.u32 $0xFFFFFFFF, v21;
	v20 =	vor.u32 $0x80000000, v21;
	[tilespmem:s22+$0xFFFFFFB0] =	vst v15  }
0xed: {  	s1 =	sadd.s32 $0xFFFFFF90, s21;
	vm3 =	veq.s32 v18, v6;
	vm1 =	vlt.s32 v13, $0x0;
	v15 =	vld [tilespmem:s25+$0xFFFFFFE0];
	v18 =	vsel vm2, v19, v20;
	[tilespmem:s22+$0xFFFFFFC0] =	vst v9  }
0xee: {  	v19 =	vxor.u32 $0xFFFFFFFF, v13;
	v20 =	vor.u32 $0x80000000, v13;
	s22 =	sadd.s32 $0x80, s22;
	v9 =	vld [tilespmem:s25+$0xFFFFFFF0];
	v13 =	vsel vm3, $0x0, v18;
	[tilespmem:s23+$0xFFFFFFD0] =	vst v11  }
0xef: {  	vm2 =	vlt.s32 v8, $0x0;
	v11 =	vxor.u32 $0xFFFFFFFF, v8;
	v21 =	vor.u32 $0x80000000, v8;
	[tilespmem:s22+$0x0] =	vst v13  }
0xf0: {  	vm3 =	vlt.s32 v17, $0x0;
	v22 =	vxor.u32 $0xFFFFFFFF, v17;
	v23 =	vor.u32 $0x80000000, v17;
	[tilespmem:s23+$0xFFFFFFE0] =	vst v12  }
0xf1: {  	vm4 =	vlt.s32 v14, $0x0;
	v12 =	vxor.u32 $0xFFFFFFFF, v14;
	v14 =	vor.u32 $0x80000000, v14;
	[tilespmem:s23+$0xFFFFFFF0] =	vst v7;
	s23 =	smov.u32 s22  }
0xf2: {  	vm5 =	vlt.s32 v10, $0x0;
	v7 =	vxor.u32 $0xFFFFFFFF, v10;
	v24 =	vor.u32 $0x80000000, v10  }
0xf3: {  	vm6 =	vlt.s32 v15, $0x0;
	v25 =	vxor.u32 $0xFFFFFFFF, v15;
	v26 =	vor.u32 $0x80000000, v15  }
0xf4: {  	vm7 =	vlt.s32 v9, $0x0;
	v27 =	vxor.u32 $0xFFFFFFFF, v9;
	v28 =	vor.u32 $0x80000000, v9  }
.Ltmp4:
0xf5: {  	v29 =	vor.u32 s1, v0;
	v13 =	vor.u32 s26, v0;
	v15 =	vor.u32 s0, v0;
	(pc) =	sbr.rel @p0 .LBB2_11-.Ltmp4, $4  }
0xf6: {  	v8 =	vor.u32 s30, v0;
	v17 =	vor.u32 s28, v0;
	v9 =	vor.u32 s29, v0  }
0xf7: {  	v18 =	vsel vm1, v19, v20;
	v19 =	vsel vm2, v11, v21;
	v10 =	vor.u32 s31, v0  }
0xf8: {  	v20 =	vsel vm3, v22, v23;
	v12 =	vsel vm4, v12, v14;
	v11 =	vsel vm5, v7, v24  }
0xf9: {  	vm1 =	veq.s32 v29, v6;
	s25 =	sadd.s32 $0x400, s25;
	v14 =	vsel vm6, v25, v26;
	v7 =	vsel vm7, v27, v28  }
0xfa: {  	vm2 =	veq.s32 v15, v6;
	v15 =	vsel vm1, $0x0, v18  }
0xfb: {  	vm1 =	veq.s32 v13, v6;
	v13 =	vsel vm2, $0x0, v19;
	[tilespmem:s22+$0xFFFFFF90] =	vst v15  }
0xfc: {  	vm2 =	veq.s32 v17, v6;
	v15 =	vsel vm1, $0x0, v20;
	[tilespmem:s22+$0xFFFFFFA0] =	vst v13  }
0xfd: {  	vm1 =	veq.s32 v9, v6;
	v9 =	vsel vm2, $0x0, v12;
	[tilespmem:s22+$0xFFFFFFB0] =	vst v15  }
0xfe: {  	vm2 =	veq.s32 v8, v6;
	v8 =	vsel vm1, $0x0, v11;
	[tilespmem:s22+$0xFFFFFFC0] =	vst v9  }
0xff: {  	vm1 =	veq.s32 v10, v6;
	v6 =	vsel vm2, $0x0, v14;
	[tilespmem:s23+$0xFFFFFFD0] =	vst v8  }
0x100: {  	v7 =	vsel vm1, $0x0, v7;
	[tilespmem:s23+$0xFFFFFFE0] =	vst v6  }
0x101: {  	s0 =	simm.s32 $0x2F0;
	[tilespmem:s23+$0xFFFFFFF0] =	vst v7  }
0x102: {  	v7 =	vld [tilespmem:s0+$0x0]  }
0x103: {  	v8 =	vld [tilespmem:s0+$0xFFFFFF90]  }
0x104: {  	v9 =	vld [tilespmem:s0+$0xFFFFFFA0]  }
0x105: {  	s28 =	simm.s32 $0x0;
	s29 =	simm.s32 $0x30;
	v10 =	vld [tilespmem:s0+$0xFFFFFFB0]  }
0x106: {  	s1 =	sor.u32 $0x5, s20;
	s21 =	simm.s32 $0x70;
	s25 =	simm.s32 $0x10;
	v29 =	vor.u32 s28, v0;
	v17 =	vor.u32 s29, v0;
	v12 =	vld [tilespmem:s0+$0xFFFFFFC0]  }
0x107: {  	v11 =	vor.u32 s21, v0;
	v15 =	vor.u32 s25, v0;
	v6 =	vmov s1;
	v14 =	vld [tilespmem:s0+$0xFFFFFFD0]  }
0x108: {  	vm3 =	veq.s32 v11, v6;
	v11 =	vld [tilespmem:s0+$0xFFFFFFE0];
	vm2 =	vlt.s32 v7, $0x0;
	v13 =	vxor.u32 $0xFFFFFFFF, v7  }
0x109: {  	v7 =	vor.u32 $0x80000000, v7;
	vm1 =	vlt.s32 v8, $0x0;
	v18 =	vxor.u32 $0xFFFFFFFF, v8  }
0x10a: {  	v8 =	vor.u32 $0x80000000, v8;
	v19 =	vxor.u32 $0xFFFFFFFF, v9;
	v20 =	vor.u32 $0x80000000, v9  }
0x10b: {  	v21 =	vxor.u32 $0xFFFFFFFF, v10;
	v22 =	vor.u32 $0x80000000, v10;
	vm4 =	vlt.s32 v12, $0x0  }
0x10c: {  	v23 =	vxor.u32 $0xFFFFFFFF, v12;
	v12 =	vor.u32 $0x80000000, v12;
	vm5 =	vlt.s32 v14, $0x0  }
0x10d: {  	v24 =	vxor.u32 $0xFFFFFFFF, v14;
	v14 =	vor.u32 $0x80000000, v14;
	vm6 =	vlt.s32 v11, $0x0  }
0x10e: {  	s24 =	simm.s32 $0x40;
	v25 =	vxor.u32 $0xFFFFFFFF, v11;
	v26 =	vor.u32 $0x80000000, v11;
	v7 =	vsel vm2, v13, v7;
	v13 =	vld [tilespmem:s0+$0xFFFFFFF0]  }
0x10f: {  	s30 =	simm.s32 $0x50;
	vm2 =	vlt.s32 v9, $0x0;
	v9 =	vor.u32 s24, v0;
	v18 =	vsel vm1, v18, v8  }
0x110: {  	v8 =	vor.u32 s30, v0;
	v12 =	vsel vm4, v23, v12;
	v11 =	vsel vm5, v24, v14  }
0x111: {  	s31 =	simm.s32 $0x60;
	vm1 =	veq.s32 v29, v6;
	v14 =	vsel vm6, v25, v26;
	v7 =	vsel vm3, $0x0, v7  }
0x112: {  	vm3 =	vlt.s32 v10, $0x0;
	v19 =	vsel vm2, v19, v20;
	v10 =	vor.u32 s31, v0  }
0x113: {  	s26 =	simm.s32 $0x20;
	s22 =	simm.s32 $0x15110;
	vm7 =	vlt.s32 v13, $0x0;
	v27 =	vxor.u32 $0xFFFFFFFF, v13;
	v28 =	vor.u32 $0x80000000, v13  }
0x114: {  	s25 =	simm.s32 $0x6F0;
	s23 =	simm.s32 $0x15110;
	s24 =	simm.s32 $0x0;
	v20 =	vsel vm3, v21, v22;
	[tilespmem:s22+$0x0] =	vst v7;
	v13 =	vor.u32 s26, v0;
	v7 =	vsel vm7, v27, v28  }
.LBB2_13:
0x115: {  	v21 =	vld [tilespmem:s25+$0x0];
	s24 =	sadd.s32 $0x8, s24;
	vm2 =	veq.s32 v15, v6;
	vm3 =	veq.s32 v13, v6;
	vm4 =	veq.s32 v17, v6  }
0x116: {  	vm5 =	veq.s32 v9, v6;
	vm6 =	veq.s32 v8, v6;
	vm7 =	veq.s32 v10, v6;
	v13 =	vld [tilespmem:s25+$0xFFFFFF90];
	p0 =	slt.u32 s24, $0xF8  }
0x117: {  	v9 =	vsel vm1, $0x0, v18;
	v10 =	vsel vm2, $0x0, v19;
	v15 =	vsel vm3, $0x0, v20;
	v8 =	vld [tilespmem:s25+$0xFFFFFFA0]  }
0x118: {  	s21 =	sadd.s32 $0x80, s21;
	v11 =	vsel vm5, $0x0, v11;
	v17 =	vld [tilespmem:s25+$0xFFFFFFB0];
	[tilespmem:s22+$0xFFFFFF90] =	vst v9;
	v9 =	vsel vm4, $0x0, v12;
	v12 =	vsel vm6, $0x0, v14  }
0x119: {  	s0 =	sadd.s32 $0xFFFFFFA0, s21;
	s1 =	sadd.s32 $0xFFFFFFB0, s21;
	s26 =	sadd.s32 $0xFFFFFFC0, s21;
	v18 =	vor.u32 s21, v0;
	v7 =	vsel vm7, $0x0, v7;
	v14 =	vld [tilespmem:s25+$0xFFFFFFC0];
	[tilespmem:s22+$0xFFFFFFA0] =	vst v10  }
0x11a: {  	s28 =	sadd.s32 $0xFFFFFFD0, s21;
	s29 =	sadd.s32 $0xFFFFFFE0, s21;
	s30 =	sadd.s32 $0xFFFFFFF0, s21;
	v10 =	vld [tilespmem:s25+$0xFFFFFFD0];
	vm2 =	vlt.s32 v21, $0x0;
	v19 =	vxor.u32 $0xFFFFFFFF, v21;
	v20 =	vor.u32 $0x80000000, v21;
	[tilespmem:s22+$0xFFFFFFB0] =	vst v15  }
0x11b: {  	s31 =	sadd.s32 $0xFFFFFF90, s21;
	vm3 =	veq.s32 v18, v6;
	vm1 =	vlt.s32 v13, $0x0;
	v15 =	vld [tilespmem:s25+$0xFFFFFFE0];
	v18 =	vsel vm2, v19, v20;
	[tilespmem:s22+$0xFFFFFFC0] =	vst v9  }
0x11c: {  	v19 =	vxor.u32 $0xFFFFFFFF, v13;
	v20 =	vor.u32 $0x80000000, v13;
	s22 =	sadd.s32 $0x80, s22;
	v9 =	vld [tilespmem:s25+$0xFFFFFFF0];
	v13 =	vsel vm3, $0x0, v18;
	[tilespmem:s23+$0xFFFFFFD0] =	vst v11  }
0x11d: {  	vm2 =	vlt.s32 v8, $0x0;
	v11 =	vxor.u32 $0xFFFFFFFF, v8;
	v21 =	vor.u32 $0x80000000, v8;
	[tilespmem:s22+$0x0] =	vst v13  }
0x11e: {  	vm3 =	vlt.s32 v17, $0x0;
	v22 =	vxor.u32 $0xFFFFFFFF, v17;
	v23 =	vor.u32 $0x80000000, v17;
	[tilespmem:s23+$0xFFFFFFE0] =	vst v12  }
0x11f: {  	vm4 =	vlt.s32 v14, $0x0;
	v12 =	vxor.u32 $0xFFFFFFFF, v14;
	v14 =	vor.u32 $0x80000000, v14;
	[tilespmem:s23+$0xFFFFFFF0] =	vst v7;
	s23 =	smov.u32 s22  }
0x120: {  	vm5 =	vlt.s32 v10, $0x0;
	v7 =	vxor.u32 $0xFFFFFFFF, v10;
	v24 =	vor.u32 $0x80000000, v10  }
0x121: {  	vm6 =	vlt.s32 v15, $0x0;
	v25 =	vxor.u32 $0xFFFFFFFF, v15;
	v26 =	vor.u32 $0x80000000, v15  }
0x122: {  	vm7 =	vlt.s32 v9, $0x0;
	v27 =	vxor.u32 $0xFFFFFFFF, v9;
	v28 =	vor.u32 $0x80000000, v9  }
.Ltmp5:
0x123: {  	v29 =	vor.u32 s31, v0;
	v13 =	vor.u32 s1, v0;
	v15 =	vor.u32 s0, v0;
	(pc) =	sbr.rel @p0 .LBB2_13-.Ltmp5, $4  }
0x124: {  	v8 =	vor.u32 s29, v0;
	v17 =	vor.u32 s26, v0;
	v9 =	vor.u32 s28, v0  }
0x125: {  	v18 =	vsel vm1, v19, v20;
	v19 =	vsel vm2, v11, v21;
	v10 =	vor.u32 s30, v0  }
0x126: {  	v20 =	vsel vm3, v22, v23;
	v12 =	vsel vm4, v12, v14;
	v11 =	vsel vm5, v7, v24  }
0x127: {  	vm1 =	veq.s32 v29, v6;
	s25 =	sadd.s32 $0x400, s25;
	v14 =	vsel vm6, v25, v26;
	v7 =	vsel vm7, v27, v28  }
0x128: {  	vm2 =	veq.s32 v15, v6;
	v15 =	vsel vm1, $0x0, v18  }
0x129: {  	vm1 =	veq.s32 v13, v6;
	v13 =	vsel vm2, $0x0, v19;
	[tilespmem:s22+$0xFFFFFF90] =	vst v15  }
0x12a: {  	vm2 =	veq.s32 v17, v6;
	v15 =	vsel vm1, $0x0, v20;
	[tilespmem:s22+$0xFFFFFFA0] =	vst v13  }
0x12b: {  	vm1 =	veq.s32 v9, v6;
	v9 =	vsel vm2, $0x0, v12;
	[tilespmem:s22+$0xFFFFFFB0] =	vst v15  }
0x12c: {  	vm2 =	veq.s32 v8, v6;
	v8 =	vsel vm1, $0x0, v11;
	[tilespmem:s22+$0xFFFFFFC0] =	vst v9  }
0x12d: {  	vm1 =	veq.s32 v10, v6;
	v6 =	vsel vm2, $0x0, v14;
	[tilespmem:s23+$0xFFFFFFD0] =	vst v8  }
0x12e: {  	v7 =	vsel vm1, $0x0, v7;
	[tilespmem:s23+$0xFFFFFFE0] =	vst v6  }
0x12f: {  	s0 =	simm.s32 $0x370;
	[tilespmem:s23+$0xFFFFFFF0] =	vst v7  }
0x130: {  	v7 =	vld [tilespmem:s0+$0x0]  }
0x131: {  	v8 =	vld [tilespmem:s0+$0xFFFFFF90]  }
0x132: {  	v9 =	vld [tilespmem:s0+$0xFFFFFFA0]  }
0x133: {  	s28 =	simm.s32 $0x0;
	s29 =	simm.s32 $0x30;
	v10 =	vld [tilespmem:s0+$0xFFFFFFB0]  }
0x134: {  	s1 =	sor.u32 $0x6, s20;
	s21 =	simm.s32 $0x70;
	s25 =	simm.s32 $0x10;
	v29 =	vor.u32 s28, v0;
	v17 =	vor.u32 s29, v0;
	v12 =	vld [tilespmem:s0+$0xFFFFFFC0]  }
0x135: {  	v11 =	vor.u32 s21, v0;
	v15 =	vor.u32 s25, v0;
	v6 =	vmov s1;
	v14 =	vld [tilespmem:s0+$0xFFFFFFD0]  }
0x136: {  	vm3 =	veq.s32 v11, v6;
	v11 =	vld [tilespmem:s0+$0xFFFFFFE0];
	vm2 =	vlt.s32 v7, $0x0;
	v13 =	vxor.u32 $0xFFFFFFFF, v7  }
0x137: {  	v7 =	vor.u32 $0x80000000, v7;
	vm1 =	vlt.s32 v8, $0x0;
	v18 =	vxor.u32 $0xFFFFFFFF, v8  }
0x138: {  	v8 =	vor.u32 $0x80000000, v8;
	v19 =	vxor.u32 $0xFFFFFFFF, v9;
	v20 =	vor.u32 $0x80000000, v9  }
0x139: {  	v21 =	vxor.u32 $0xFFFFFFFF, v10;
	v22 =	vor.u32 $0x80000000, v10;
	vm4 =	vlt.s32 v12, $0x0  }
0x13a: {  	v23 =	vxor.u32 $0xFFFFFFFF, v12;
	v12 =	vor.u32 $0x80000000, v12;
	vm5 =	vlt.s32 v14, $0x0  }
0x13b: {  	v24 =	vxor.u32 $0xFFFFFFFF, v14;
	v14 =	vor.u32 $0x80000000, v14;
	vm6 =	vlt.s32 v11, $0x0  }
0x13c: {  	s24 =	simm.s32 $0x40;
	v25 =	vxor.u32 $0xFFFFFFFF, v11;
	v26 =	vor.u32 $0x80000000, v11;
	v7 =	vsel vm2, v13, v7;
	v13 =	vld [tilespmem:s0+$0xFFFFFFF0]  }
0x13d: {  	s30 =	simm.s32 $0x50;
	vm2 =	vlt.s32 v9, $0x0;
	v9 =	vor.u32 s24, v0;
	v18 =	vsel vm1, v18, v8  }
0x13e: {  	v8 =	vor.u32 s30, v0;
	v12 =	vsel vm4, v23, v12;
	v11 =	vsel vm5, v24, v14  }
0x13f: {  	s31 =	simm.s32 $0x60;
	vm1 =	veq.s32 v29, v6;
	v14 =	vsel vm6, v25, v26;
	v7 =	vsel vm3, $0x0, v7  }
0x140: {  	vm3 =	vlt.s32 v10, $0x0;
	v19 =	vsel vm2, v19, v20;
	v10 =	vor.u32 s31, v0  }
0x141: {  	s26 =	simm.s32 $0x20;
	s22 =	simm.s32 $0x16130;
	vm7 =	vlt.s32 v13, $0x0;
	v27 =	vxor.u32 $0xFFFFFFFF, v13;
	v28 =	vor.u32 $0x80000000, v13  }
0x142: {  	s25 =	simm.s32 $0x770;
	s23 =	simm.s32 $0x16130;
	s24 =	simm.s32 $0x0;
	v20 =	vsel vm3, v21, v22;
	[tilespmem:s22+$0x0] =	vst v7;
	v13 =	vor.u32 s26, v0;
	v7 =	vsel vm7, v27, v28  }
.LBB2_15:
0x143: {  	v21 =	vld [tilespmem:s25+$0x0];
	s24 =	sadd.s32 $0x8, s24;
	vm2 =	veq.s32 v15, v6;
	vm3 =	veq.s32 v13, v6;
	vm4 =	veq.s32 v17, v6  }
0x144: {  	vm5 =	veq.s32 v9, v6;
	vm6 =	veq.s32 v8, v6;
	vm7 =	veq.s32 v10, v6;
	v13 =	vld [tilespmem:s25+$0xFFFFFF90];
	p0 =	slt.u32 s24, $0xF8  }
0x145: {  	v9 =	vsel vm1, $0x0, v18;
	v10 =	vsel vm2, $0x0, v19;
	v15 =	vsel vm3, $0x0, v20;
	v8 =	vld [tilespmem:s25+$0xFFFFFFA0]  }
0x146: {  	s21 =	sadd.s32 $0x80, s21;
	v11 =	vsel vm5, $0x0, v11;
	v17 =	vld [tilespmem:s25+$0xFFFFFFB0];
	[tilespmem:s22+$0xFFFFFF90] =	vst v9;
	v9 =	vsel vm4, $0x0, v12;
	v12 =	vsel vm6, $0x0, v14  }
0x147: {  	s0 =	sadd.s32 $0xFFFFFFA0, s21;
	s1 =	sadd.s32 $0xFFFFFFB0, s21;
	s26 =	sadd.s32 $0xFFFFFFC0, s21;
	v18 =	vor.u32 s21, v0;
	v7 =	vsel vm7, $0x0, v7;
	v14 =	vld [tilespmem:s25+$0xFFFFFFC0];
	[tilespmem:s22+$0xFFFFFFA0] =	vst v10  }
0x148: {  	s28 =	sadd.s32 $0xFFFFFFD0, s21;
	s29 =	sadd.s32 $0xFFFFFFE0, s21;
	s30 =	sadd.s32 $0xFFFFFFF0, s21;
	v10 =	vld [tilespmem:s25+$0xFFFFFFD0];
	vm2 =	vlt.s32 v21, $0x0;
	v19 =	vxor.u32 $0xFFFFFFFF, v21;
	v20 =	vor.u32 $0x80000000, v21;
	[tilespmem:s22+$0xFFFFFFB0] =	vst v15  }
0x149: {  	s31 =	sadd.s32 $0xFFFFFF90, s21;
	vm3 =	veq.s32 v18, v6;
	vm1 =	vlt.s32 v13, $0x0;
	v15 =	vld [tilespmem:s25+$0xFFFFFFE0];
	v18 =	vsel vm2, v19, v20;
	[tilespmem:s22+$0xFFFFFFC0] =	vst v9  }
0x14a: {  	v19 =	vxor.u32 $0xFFFFFFFF, v13;
	v20 =	vor.u32 $0x80000000, v13;
	s22 =	sadd.s32 $0x80, s22;
	v9 =	vld [tilespmem:s25+$0xFFFFFFF0];
	v13 =	vsel vm3, $0x0, v18;
	[tilespmem:s23+$0xFFFFFFD0] =	vst v11  }
0x14b: {  	vm2 =	vlt.s32 v8, $0x0;
	v11 =	vxor.u32 $0xFFFFFFFF, v8;
	v21 =	vor.u32 $0x80000000, v8;
	[tilespmem:s22+$0x0] =	vst v13  }
0x14c: {  	vm3 =	vlt.s32 v17, $0x0;
	v22 =	vxor.u32 $0xFFFFFFFF, v17;
	v23 =	vor.u32 $0x80000000, v17;
	[tilespmem:s23+$0xFFFFFFE0] =	vst v12  }
0x14d: {  	vm4 =	vlt.s32 v14, $0x0;
	v12 =	vxor.u32 $0xFFFFFFFF, v14;
	v14 =	vor.u32 $0x80000000, v14;
	[tilespmem:s23+$0xFFFFFFF0] =	vst v7;
	s23 =	smov.u32 s22  }
0x14e: {  	vm5 =	vlt.s32 v10, $0x0;
	v7 =	vxor.u32 $0xFFFFFFFF, v10;
	v24 =	vor.u32 $0x80000000, v10  }
0x14f: {  	vm6 =	vlt.s32 v15, $0x0;
	v25 =	vxor.u32 $0xFFFFFFFF, v15;
	v26 =	vor.u32 $0x80000000, v15  }
0x150: {  	vm7 =	vlt.s32 v9, $0x0;
	v27 =	vxor.u32 $0xFFFFFFFF, v9;
	v28 =	vor.u32 $0x80000000, v9  }
.Ltmp6:
0x151: {  	v29 =	vor.u32 s31, v0;
	v13 =	vor.u32 s1, v0;
	v15 =	vor.u32 s0, v0;
	(pc) =	sbr.rel @p0 .LBB2_15-.Ltmp6, $4  }
0x152: {  	v8 =	vor.u32 s29, v0;
	v17 =	vor.u32 s26, v0;
	v9 =	vor.u32 s28, v0  }
0x153: {  	v18 =	vsel vm1, v19, v20;
	v19 =	vsel vm2, v11, v21;
	v10 =	vor.u32 s30, v0  }
0x154: {  	v20 =	vsel vm3, v22, v23;
	v12 =	vsel vm4, v12, v14;
	v11 =	vsel vm5, v7, v24  }
0x155: {  	vm1 =	veq.s32 v29, v6;
	s25 =	sadd.s32 $0x400, s25;
	v14 =	vsel vm6, v25, v26;
	v7 =	vsel vm7, v27, v28  }
0x156: {  	vm2 =	veq.s32 v15, v6;
	v15 =	vsel vm1, $0x0, v18  }
0x157: {  	vm1 =	veq.s32 v13, v6;
	v13 =	vsel vm2, $0x0, v19;
	[tilespmem:s22+$0xFFFFFF90] =	vst v15  }
0x158: {  	vm2 =	veq.s32 v17, v6;
	v15 =	vsel vm1, $0x0, v20;
	[tilespmem:s22+$0xFFFFFFA0] =	vst v13  }
0x159: {  	vm1 =	veq.s32 v9, v6;
	v9 =	vsel vm2, $0x0, v12;
	[tilespmem:s22+$0xFFFFFFB0] =	vst v15  }
0x15a: {  	vm2 =	veq.s32 v8, v6;
	v8 =	vsel vm1, $0x0, v11;
	[tilespmem:s22+$0xFFFFFFC0] =	vst v9  }
0x15b: {  	vm1 =	veq.s32 v10, v6;
	v6 =	vsel vm2, $0x0, v14;
	[tilespmem:s23+$0xFFFFFFD0] =	vst v8  }
0x15c: {  	v7 =	vsel vm1, $0x0, v7;
	[tilespmem:s23+$0xFFFFFFE0] =	vst v6  }
0x15d: {  	s0 =	simm.s32 $0x3F0;
	[tilespmem:s23+$0xFFFFFFF0] =	vst v7  }
0x15e: {  	v7 =	vld [tilespmem:s0+$0x0]  }
0x15f: {  	v8 =	vld [tilespmem:s0+$0xFFFFFF90]  }
0x160: {  	v9 =	vld [tilespmem:s0+$0xFFFFFFA0]  }
0x161: {  	s21 =	simm.s32 $0x0;
	s28 =	simm.s32 $0x30;
	v10 =	vld [tilespmem:s0+$0xFFFFFFB0]  }
0x162: {  	s1 =	sor.u32 $0x7, s20;
	s20 =	simm.s32 $0x70;
	s25 =	simm.s32 $0x10;
	v29 =	vor.u32 s21, v0;
	v17 =	vor.u32 s28, v0;
	v12 =	vld [tilespmem:s0+$0xFFFFFFC0]  }
0x163: {  	v11 =	vor.u32 s20, v0;
	v15 =	vor.u32 s25, v0;
	v6 =	vmov s1;
	v14 =	vld [tilespmem:s0+$0xFFFFFFD0]  }
0x164: {  	vm3 =	veq.s32 v11, v6;
	v11 =	vld [tilespmem:s0+$0xFFFFFFE0];
	vm2 =	vlt.s32 v7, $0x0;
	v13 =	vxor.u32 $0xFFFFFFFF, v7  }
0x165: {  	v7 =	vor.u32 $0x80000000, v7;
	vm1 =	vlt.s32 v8, $0x0;
	v18 =	vxor.u32 $0xFFFFFFFF, v8  }
0x166: {  	v8 =	vor.u32 $0x80000000, v8;
	v19 =	vxor.u32 $0xFFFFFFFF, v9;
	v20 =	vor.u32 $0x80000000, v9  }
0x167: {  	v21 =	vxor.u32 $0xFFFFFFFF, v10;
	v22 =	vor.u32 $0x80000000, v10;
	vm4 =	vlt.s32 v12, $0x0  }
0x168: {  	v23 =	vxor.u32 $0xFFFFFFFF, v12;
	v12 =	vor.u32 $0x80000000, v12;
	vm5 =	vlt.s32 v14, $0x0  }
0x169: {  	v24 =	vxor.u32 $0xFFFFFFFF, v14;
	v14 =	vor.u32 $0x80000000, v14;
	vm6 =	vlt.s32 v11, $0x0  }
0x16a: {  	s29 =	simm.s32 $0x40;
	v25 =	vxor.u32 $0xFFFFFFFF, v11;
	v26 =	vor.u32 $0x80000000, v11;
	v7 =	vsel vm2, v13, v7;
	v13 =	vld [tilespmem:s0+$0xFFFFFFF0]  }
0x16b: {  	s30 =	simm.s32 $0x50;
	vm2 =	vlt.s32 v9, $0x0;
	v9 =	vor.u32 s29, v0;
	v18 =	vsel vm1, v18, v8  }
0x16c: {  	v8 =	vor.u32 s30, v0;
	v12 =	vsel vm4, v23, v12;
	v11 =	vsel vm5, v24, v14  }
0x16d: {  	s31 =	simm.s32 $0x60;
	vm1 =	veq.s32 v29, v6;
	v14 =	vsel vm6, v25, v26;
	v7 =	vsel vm3, $0x0, v7  }
0x16e: {  	vm3 =	vlt.s32 v10, $0x0;
	v19 =	vsel vm2, v19, v20;
	v10 =	vor.u32 s31, v0  }
0x16f: {  	s26 =	simm.s32 $0x20;
	s21 =	simm.s32 $0x17150;
	vm7 =	vlt.s32 v13, $0x0;
	v27 =	vxor.u32 $0xFFFFFFFF, v13;
	v28 =	vor.u32 $0x80000000, v13  }
0x170: {  	s24 =	simm.s32 $0x7F0;
	s22 =	simm.s32 $0x17150;
	s23 =	simm.s32 $0x0;
	v20 =	vsel vm3, v21, v22;
	[tilespmem:s21+$0x0] =	vst v7;
	v13 =	vor.u32 s26, v0;
	v7 =	vsel vm7, v27, v28  }
.LBB2_17:
0x171: {  	v21 =	vld [tilespmem:s24+$0x0];
	s23 =	sadd.s32 $0x8, s23;
	vm2 =	veq.s32 v15, v6;
	vm3 =	veq.s32 v13, v6;
	vm4 =	veq.s32 v17, v6  }
0x172: {  	vm5 =	veq.s32 v9, v6;
	vm6 =	veq.s32 v8, v6;
	vm7 =	veq.s32 v10, v6;
	v13 =	vld [tilespmem:s24+$0xFFFFFF90];
	p0 =	slt.u32 s23, $0xF8  }
0x173: {  	v9 =	vsel vm1, $0x0, v18;
	v10 =	vsel vm2, $0x0, v19;
	v15 =	vsel vm3, $0x0, v20;
	v8 =	vld [tilespmem:s24+$0xFFFFFFA0]  }
0x174: {  	s20 =	sadd.s32 $0x80, s20;
	v11 =	vsel vm5, $0x0, v11;
	v17 =	vld [tilespmem:s24+$0xFFFFFFB0];
	[tilespmem:s21+$0xFFFFFF90] =	vst v9;
	v9 =	vsel vm4, $0x0, v12;
	v12 =	vsel vm6, $0x0, v14  }
0x175: {  	s0 =	sadd.s32 $0xFFFFFFA0, s20;
	s1 =	sadd.s32 $0xFFFFFFB0, s20;
	s25 =	sadd.s32 $0xFFFFFFC0, s20;
	v18 =	vor.u32 s20, v0;
	v7 =	vsel vm7, $0x0, v7;
	v14 =	vld [tilespmem:s24+$0xFFFFFFC0];
	[tilespmem:s21+$0xFFFFFFA0] =	vst v10  }
0x176: {  	s26 =	sadd.s32 $0xFFFFFFD0, s20;
	s28 =	sadd.s32 $0xFFFFFFE0, s20;
	s29 =	sadd.s32 $0xFFFFFFF0, s20;
	v10 =	vld [tilespmem:s24+$0xFFFFFFD0];
	vm2 =	vlt.s32 v21, $0x0;
	v19 =	vxor.u32 $0xFFFFFFFF, v21;
	v20 =	vor.u32 $0x80000000, v21;
	[tilespmem:s21+$0xFFFFFFB0] =	vst v15  }
0x177: {  	s30 =	sadd.s32 $0xFFFFFF90, s20;
	vm3 =	veq.s32 v18, v6;
	vm1 =	vlt.s32 v13, $0x0;
	v15 =	vld [tilespmem:s24+$0xFFFFFFE0];
	v18 =	vsel vm2, v19, v20;
	[tilespmem:s21+$0xFFFFFFC0] =	vst v9  }
0x178: {  	v19 =	vxor.u32 $0xFFFFFFFF, v13;
	v20 =	vor.u32 $0x80000000, v13;
	s21 =	sadd.s32 $0x80, s21;
	v9 =	vld [tilespmem:s24+$0xFFFFFFF0];
	v13 =	vsel vm3, $0x0, v18;
	[tilespmem:s22+$0xFFFFFFD0] =	vst v11  }
0x179: {  	vm2 =	vlt.s32 v8, $0x0;
	v11 =	vxor.u32 $0xFFFFFFFF, v8;
	v21 =	vor.u32 $0x80000000, v8;
	[tilespmem:s21+$0x0] =	vst v13  }
0x17a: {  	vm3 =	vlt.s32 v17, $0x0;
	v22 =	vxor.u32 $0xFFFFFFFF, v17;
	v23 =	vor.u32 $0x80000000, v17;
	[tilespmem:s22+$0xFFFFFFE0] =	vst v12  }
0x17b: {  	vm4 =	vlt.s32 v14, $0x0;
	v12 =	vxor.u32 $0xFFFFFFFF, v14;
	v14 =	vor.u32 $0x80000000, v14;
	[tilespmem:s22+$0xFFFFFFF0] =	vst v7;
	s22 =	smov.u32 s21  }
0x17c: {  	vm5 =	vlt.s32 v10, $0x0;
	v7 =	vxor.u32 $0xFFFFFFFF, v10;
	v24 =	vor.u32 $0x80000000, v10  }
0x17d: {  	vm6 =	vlt.s32 v15, $0x0;
	v25 =	vxor.u32 $0xFFFFFFFF, v15;
	v26 =	vor.u32 $0x80000000, v15  }
0x17e: {  	vm7 =	vlt.s32 v9, $0x0;
	v27 =	vxor.u32 $0xFFFFFFFF, v9;
	v28 =	vor.u32 $0x80000000, v9  }
.Ltmp7:
0x17f: {  	v29 =	vor.u32 s30, v0;
	v13 =	vor.u32 s1, v0;
	v15 =	vor.u32 s0, v0;
	(pc) =	sbr.rel @p0 .LBB2_17-.Ltmp7, $4  }
0x180: {  	v8 =	vor.u32 s28, v0;
	v17 =	vor.u32 s25, v0;
	v9 =	vor.u32 s26, v0  }
0x181: {  	v18 =	vsel vm1, v19, v20;
	v19 =	vsel vm2, v11, v21;
	v10 =	vor.u32 s29, v0  }
0x182: {  	v20 =	vsel vm3, v22, v23;
	v12 =	vsel vm4, v12, v14;
	v11 =	vsel vm5, v7, v24  }
0x183: {  	vm1 =	veq.s32 v29, v6;
	s24 =	sadd.s32 $0x400, s24;
	v14 =	vsel vm6, v25, v26;
	v7 =	vsel vm7, v27, v28  }
0x184: {  	vm2 =	veq.s32 v15, v6;
	v15 =	vsel vm1, $0x0, v18  }
0x185: {  	vm1 =	veq.s32 v13, v6;
	v13 =	vsel vm2, $0x0, v19;
	[tilespmem:s21+$0xFFFFFF90] =	vst v15  }
0x186: {  	vm2 =	veq.s32 v17, v6;
	v15 =	vsel vm1, $0x0, v20;
	[tilespmem:s21+$0xFFFFFFA0] =	vst v13  }
0x187: {  	vm1 =	veq.s32 v9, v6;
	v9 =	vsel vm2, $0x0, v12;
	[tilespmem:s21+$0xFFFFFFB0] =	vst v15  }
0x188: {  	vm2 =	veq.s32 v8, v6;
	v8 =	vsel vm1, $0x0, v11;
	[tilespmem:s21+$0xFFFFFFC0] =	vst v9  }
0x189: {  	vm1 =	veq.s32 v10, v6;
	v6 =	vsel vm2, $0x0, v14;
	[tilespmem:s22+$0xFFFFFFD0] =	vst v8  }
0x18a: {  	v7 =	vsel vm1, $0x0, v7;
	[tilespmem:s22+$0xFFFFFFE0] =	vst v6  }
0x18b: {  	[tilespmem:s22+$0xFFFFFFF0] =	vst v7  }
0x18c: {  	v9 =	vor.u32 $0x2020, v0;
	v6 =	vld [tilespmem:$0x11020];
	_ =	sdelay $0x4  }
0x18d: {  	[tilespmem:v9+s11+$0x0] =	vst.idx.msk $0x3, v6  }
0x18e: {  	v10 =	vor.u32 $0x3040, v0;
	v6 =	vld [tilespmem:$0x12040];
	_ =	sdelay $0x4  }
0x18f: {  	[tilespmem:v10+s11+$0x0] =	vst.idx.msk $0xf, v6  }
0x190: {  	v11 =	vor.u32 $0x4060, v0;
	v6 =	vld [tilespmem:$0x13060];
	_ =	sdelay $0x4  }
0x191: {  	[tilespmem:v11+s11+$0x0] =	vst.idx.msk $0x3f, v6  }
0x192: {  	v12 =	vor.u32 $0x5080, v0;
	v6 =	vld [tilespmem:$0x14080];
	_ =	sdelay $0x4  }
0x193: {  	[tilespmem:v12+s11+$0x0] =	vst.idx.msk $0xff, v6  }
0x194: {  	v13 =	vor.u32 $0x60A0, v0;
	v6 =	vld [tilespmem:$0x150A0];
	_ =	sdelay $0x4  }
0x195: {  	[tilespmem:v13+s11+$0x0] =	vst.idx.msk $0x3ff, v6  }
0x196: {  	v14 =	vor.u32 $0x70C0, v0;
	v6 =	vld [tilespmem:$0x160C0];
	_ =	sdelay $0x4  }
0x197: {  	[tilespmem:v14+s11+$0x0] =	vst.idx.msk $0xfff, v6  }
0x198: {  	v15 =	vor.u32 $0x80E0, v0;
	v6 =	vld [tilespmem:$0x170E0];
	_ =	sdelay $0x4  }
0x199: {  	s0 =	simm.s32 $0x18140;
	[tilespmem:v15+s11+$0x0] =	vst.idx.msk $0x3fff, v6  }
0x19a: {  	[tilespmem:s0+$0xFFFFFFC0] =	vst v3  }
0x19b: {  	[tilespmem:s0+$0x30] =	vst v3  }
0x19c: {  	[tilespmem:s0+$0x20] =	vst v3  }
0x19d: {  	[tilespmem:s0+$0x10] =	vst v3  }
0x19e: {  	[tilespmem:s0+$0x0] =	vst v3  }
0x19f: {  	[tilespmem:s0+$0xFFFFFFF0] =	vst v3  }
0x1a0: {  	s20 =	simm.s32 $0x0;
	[tilespmem:s0+$0xFFFFFFE0] =	vst v3  }
.LBB2_19:
0x1a1: {  	s20 =	sadd.s32 $0x8, s20;
	[tilespmem:s0+$0xFFFFFFD0] =	vst v3;
	s0 =	sadd.s32 $0x80, s0  }
0x1a2: {  	[tilespmem:s0+$0xFFFFFFC0] =	vst v3;
	p0 =	slt.u32 s20, $0xF8  }
0x1a3: {  	[tilespmem:s0+$0x30] =	vst v3  }
.Ltmp8:
0x1a4: {  	[tilespmem:s0+$0x20] =	vst v3;
	(pc) =	sbr.rel @p0 .LBB2_19-.Ltmp8, $4  }
0x1a5: {  	[tilespmem:s0+$0x10] =	vst v3  }
0x1a6: {  	[tilespmem:s0+$0x0] =	vst v3  }
0x1a7: {  	[tilespmem:s0+$0xFFFFFFF0] =	vst v3  }
0x1a8: {  	[tilespmem:s0+$0xFFFFFFE0] =	vst v3  }
0x1a9: {  	s1 =	simm.s32 $0x0  }
0x1aa: {  	s29 =	simm.s32 $0x2;
	v6 =	vadd.s32 s1, v4  }
0x1ab: {  	s30 =	simm.s32 $0x4;
	v7 =	vadd.s32 s29, v4  }
0x1ac: {  	s31 =	simm.s32 $0x6;
	v8 =	vadd.s32 s30, v4  }
0x1ad: {  	[tilespmem:s0+$0xFFFFFFD0] =	vst v3;
	v17 =	vadd.s32 s31, v4  }
0x1ae: {  	[tilespmem:$0x19100] =	vst v3  }
0x1af: {  	v6 =	vld.idx.msk [tilespmem:v6+s11+$0x0], $0xffff  }
0x1b0: {  	s20 =	simm.s32 $0xA;
	v18 =	vld.idx.msk [tilespmem:v7+s11+$0x0], $0xffff  }
0x1b1: {  	s21 =	simm.s32 $0xE;
	v20 =	vadd.s32 s20, v4;
	v8 =	vld.idx.msk [tilespmem:v8+s11+$0x0], $0xffff  }
0x1b2: {  	s22 =	simm.s32 $0xC;
	v21 =	vadd.s32 s21, v4;
	v17 =	vld.idx.msk [tilespmem:v17+s11+$0x0], $0xffff  }
0x1b3: {  	s1 =	simm.s32 $0x8;
	v22 =	vadd.s32 s22, v4;
	v7 =	vmul.u32 $0x101, v0  }
0x1b4: {  	v19 =	vadd.s32 s1, v4;
	v6 =	vshrl.u32 v6, $0x18  }
0x1b5: {  	v18 =	vshrl.u32 v18, $0x18;
	v6 =	vadd.s32 v7, v6  }
0x1b6: {  	v20 =	vld.idx.msk [tilespmem:v20+s11+$0x0], $0xffff;
	v8 =	vshrl.u32 v8, $0x18;
	v18 =	vadd.s32 v7, v18  }
0x1b7: {  	v21 =	vld.idx.msk [tilespmem:v21+s11+$0x0], $0xffff;
	v17 =	vshrl.u32 v17, $0x18;
	v8 =	vadd.s32 v7, v8  }
0x1b8: {  	s23 =	simm.s32 $0x10;
	v22 =	vld.idx.msk [tilespmem:v22+s11+$0x0], $0xffff;
	v17 =	vadd.s32 v7, v17  }
0x1b9: {  	s24 =	simm.s32 $0x12;
	v23 =	vadd.s32 s23, v4;
	v19 =	vld.idx.msk [tilespmem:v19+s11+$0x0], $0xffff  }
0x1ba: {  	s25 =	simm.s32 $0x14;
	v24 =	vadd.s32 s24, v4;
	[tilespmem:v6+s12+$0x0] =	vst.idx.add.s32.msk $0xffff, v5  }
0x1bb: {  	s26 =	simm.s32 $0x16;
	v6 =	vadd.s32 s25, v4;
	[tilespmem:v18+s12+$0x0] =	vst.idx.add.s32.msk $0xffff, v5  }
0x1bc: {  	s28 =	simm.s32 $0x18;
	v18 =	vadd.s32 s26, v4;
	[tilespmem:v8+s12+$0x0] =	vst.idx.add.s32.msk $0xffff, v5  }
0x1bd: {  	s29 =	simm.s32 $0x1A;
	v8 =	vadd.s32 s28, v4;
	[tilespmem:v17+s12+$0x0] =	vst.idx.add.s32.msk $0xffff, v5  }
0x1be: {  	v17 =	vshrl.u32 v20, $0x18;
	v20 =	vld.idx.msk [tilespmem:v23+s11+$0x0], $0xffff;
	v23 =	vadd.s32 s29, v4  }
0x1bf: {  	v24 =	vld.idx.msk [tilespmem:v24+s11+$0x0], $0xffff;
	v19 =	vshrl.u32 v19, $0x18;
	v17 =	vadd.s32 v7, v17  }
0x1c0: {  	s30 =	simm.s32 $0x1E;
	v19 =	vadd.s32 v7, v19;
	v25 =	vld.idx.msk [tilespmem:v6+s11+$0x0], $0xffff  }
0x1c1: {  	v6 =	vshrl.u32 v22, $0x18;
	v26 =	vld.idx.msk [tilespmem:v18+s11+$0x0], $0xffff;
	v18 =	vadd.s32 s30, v4  }
0x1c2: {  	v21 =	vshrl.u32 v21, $0x18;
	v27 =	vadd.s32 v7, v6;
	v6 =	vld.idx.msk [tilespmem:v8+s11+$0x0], $0xffff  }
0x1c3: {  	s31 =	simm.s32 $0x1C;
	v21 =	vadd.s32 v7, v21;
	v8 =	vld.idx.msk [tilespmem:v23+s11+$0x0], $0xffff  }
0x1c4: {  	v22 =	vadd.s32 s31, v4;
	[tilespmem:v17+s12+$0x0] =	vst.idx.add.s32.msk $0xffff, v5;
	v17 =	vshrl.u32 v20, $0x18  }
0x1c5: {  	[tilespmem:v19+s12+$0x0] =	vst.idx.add.s32.msk $0xffff, v5;
	v20 =	vshrl.u32 v24, $0x18;
	v19 =	vadd.s32 v7, v17  }
0x1c6: {  	v20 =	vadd.s32 v7, v20;
	v23 =	vshrl.u32 v25, $0x18;
	v17 =	vld.idx.msk [tilespmem:v18+s11+$0x0], $0xffff  }
0x1c7: {  	s0 =	simm.s32 $0x8;
	s20 =	simm.s32 $0x2E;
	v18 =	vadd.s32 v7, v23;
	v23 =	vshrl.u32 v26, $0x18;
	[tilespmem:v27+s12+$0x0] =	vst.idx.add.s32.msk $0xffff, v5  }
.LBB2_21:
0x1c8: {  	s1 =	sadd.s32 $0xFFFFFFF2, s20;
	s0 =	sadd.s32 $0x8, s0;
	v23 =	vadd.s32 v7, v23;
	[tilespmem:v21+s12+$0x0] =	vst.idx.add.s32.msk $0xffff, v5  }
0x1c9: {  	v8 =	vshrl.u32 v8, $0x18;
	v21 =	vadd.s32 s1, v4;
	s1 =	sadd.s32 $0xFFFFFFF4, s20;
	p0 =	slt.u32 s0, $0x7F8;
	v22 =	vld.idx.msk [tilespmem:v22+s11+$0x0], $0xffff  }
0x1ca: {  	v24 =	vadd.s32 s1, v4;
	s1 =	sadd.s32 $0xFFFFFFF6, s20;
	[tilespmem:v19+s12+$0x0] =	vst.idx.add.s32.msk $0xffff, v5  }
0x1cb: {  	v19 =	vadd.s32 s1, v4;
	s1 =	sadd.s32 $0xFFFFFFF8, s20;
	[tilespmem:v20+s12+$0x0] =	vst.idx.add.s32.msk $0xffff, v5  }
0x1cc: {  	v17 =	vshrl.u32 v17, $0x18;
	v20 =	vadd.s32 s1, v4;
	s1 =	sadd.s32 $0xFFFFFFFA, s20;
	[tilespmem:v18+s12+$0x0] =	vst.idx.add.s32.msk $0xffff, v5  }
0x1cd: {  	v18 =	vadd.s32 s1, v4;
	s1 =	sadd.s32 $0xFFFFFFFC, s20;
	[tilespmem:v23+s12+$0x0] =	vst.idx.add.s32.msk $0xffff, v5  }
0x1ce: {  	v23 =	vld.idx.msk [tilespmem:v21+s11+$0x0], $0xffff;
	v21 =	vadd.s32 s1, v4  }
0x1cf: {  	v6 =	vshrl.u32 v6, $0x18;
	v25 =	vadd.s32 v7, v8;
	v8 =	vshrl.u32 v22, $0x18;
	v24 =	vld.idx.msk [tilespmem:v24+s11+$0x0], $0xffff  }
0x1d0: {  	v27 =	vadd.s32 v7, v6;
	v28 =	vadd.s32 v7, v8;
	v26 =	vld.idx.msk [tilespmem:v19+s11+$0x0], $0xffff  }
0x1d1: {  	v30 =	vadd.s32 s20, v4;
	v29 =	vld.idx.msk [tilespmem:v20+s11+$0x0], $0xffff  }
0x1d2: {  	v6 =	vld.idx.msk [tilespmem:v18+s11+$0x0], $0xffff  }
.Ltmp9:
0x1d3: {  	s1 =	sadd.s32 $0xFFFFFFFE, s20;
	v8 =	vld.idx.msk [tilespmem:v21+s11+$0x0], $0xffff;
	v21 =	vadd.s32 v7, v17;
	(pc) =	sbr.rel @p0 .LBB2_21-.Ltmp9, $4  }
0x1d4: {  	v22 =	vadd.s32 s1, v4;
	v17 =	vshrl.u32 v23, $0x18;
	[tilespmem:v25+s12+$0x0] =	vst.idx.add.s32.msk $0xffff, v5  }
0x1d5: {  	v19 =	vadd.s32 v7, v17;
	v17 =	vshrl.u32 v24, $0x18;
	[tilespmem:v27+s12+$0x0] =	vst.idx.add.s32.msk $0xffff, v5  }
0x1d6: {  	v20 =	vadd.s32 v7, v17;
	v18 =	vshrl.u32 v26, $0x18;
	v17 =	vld.idx.msk [tilespmem:v30+s11+$0x0], $0xffff  }
0x1d7: {  	s20 =	sadd.s32 $0x10, s20;
	v18 =	vadd.s32 v7, v18;
	v23 =	vshrl.u32 v29, $0x18;
	[tilespmem:v28+s12+$0x0] =	vst.idx.add.s32.msk $0xffff, v5  }
0x1d8: {  	_ =	sdelay $0x3  }
0x1d9: {  	v22 =	vld.idx.msk [tilespmem:v22+s11+$0x0], $0xffff;
	_ =	sdelay $0x1  }
0x1da: {  	v23 =	vadd.s32 v7, v23;
	v8 =	vshrl.u32 v8, $0x18  }
0x1db: {  	[tilespmem:v21+s12+$0x0] =	vst.idx.add.s32.msk $0xffff, v5;
	v6 =	vshrl.u32 v6, $0x18;
	v21 =	vadd.s32 v7, v8  }
0x1dc: {  	[tilespmem:v19+s12+$0x0] =	vst.idx.add.s32.msk $0xffff, v5;
	v19 =	vadd.s32 v7, v6;
	v17 =	vshrl.u32 v17, $0x18  }
0x1dd: {  	[tilespmem:v20+s12+$0x0] =	vst.idx.add.s32.msk $0xffff, v5;
	v6 =	vmul.u32 $0x101, v1;
	v17 =	vadd.s32 v7, v17;
	v8 =	vshrl.u32 v22, $0x18  }
0x1de: {  	[tilespmem:v18+s12+$0x0] =	vst.idx.add.s32.msk $0xffff, v5;
	s0 =	simm.s32 $0xFF;
	v20 =	vadd.s32 v7, v8  }
0x1df: {  	v18 =	vadd.s32 s0, v6;
	[tilespmem:v23+s12+$0x0] =	vst.idx.add.s32.msk $0xffff, v5;
	v8 =	vadd.s32 $0x808, v6  }
0x1e0: {  	s26 =	simm.s32 $0xFD;
	[tilespmem:v21+s12+$0x0] =	vst.idx.add.s32.msk $0xffff, v5;
	v21 =	vadd.s32 s0, v8  }
0x1e1: {  	s29 =	simm.s32 $0xFE;
	[tilespmem:v19+s12+$0x0] =	vst.idx.add.s32.msk $0xffff, v5;
	v19 =	vadd.s32 s26, v6  }
0x1e2: {  	s25 =	simm.s32 $0xFC;
	v22 =	vadd.s32 s29, v6;
	[tilespmem:v17+s12+$0x0] =	vst.idx.add.s32.msk $0xffff, v5  }
0x1e3: {  	v23 =	vadd.s32 s25, v8;
	[tilespmem:v20+s12+$0x0] =	vst.idx.add.s32.msk $0xffff, v5  }
0x1e4: {  	v24 =	vadd.s32 s25, v6;
	v18 =	vld.idx.msk [tilespmem:v18+s12+$0x0], $0xffff  }
0x1e5: {  	v17 =	vadd.s32 s29, v8;
	v21 =	vld.idx.msk [tilespmem:v21+s12+$0x0], $0xffff  }
0x1e6: {  	s20 =	simm.s32 $0xF9;
	v20 =	vadd.s32 s26, v8;
	v19 =	vld.idx.msk [tilespmem:v19+s12+$0x0], $0xffff  }
0x1e7: {  	s23 =	simm.s32 $0xFA;
	v26 =	vadd.s32 s20, v8;
	v22 =	vld.idx.msk [tilespmem:v22+s12+$0x0], $0xffff  }
0x1e8: {  	v27 =	vadd.s32 s23, v8;
	v23 =	vld.idx.msk [tilespmem:v23+s12+$0x0], $0xffff  }
0x1e9: {  	v29 =	vadd.s32 s23, v6;
	v24 =	vld.idx.msk [tilespmem:v24+s12+$0x0], $0xffff  }
0x1ea: {  	s28 =	simm.s32 $0xFB;
	v25 =	vadd.s32 s20, v6;
	v17 =	vld.idx.msk [tilespmem:v17+s12+$0x0], $0xffff  }
0x1eb: {  	v31 =	vadd.s32 s28, v6;
	v20 =	vld.idx.msk [tilespmem:v20+s12+$0x0], $0xffff  }
0x1ec: {  	v32 =	vadd.s32 s28, v8;
	v26 =	vld.idx.msk [tilespmem:v26+s12+$0x0], $0xffff  }
0x1ed: {  	v28 =	vimm.s32 $0x0;
	s21 =	simm.s32 $0xF8;
	vm1 =	vmneg vm0;
	s24 =	simm.s32 $0xF7;
	v35 =	vld.idx.msk [tilespmem:v27+s12+$0x0], $0xffff  }
0x1ee: {  	s31 =	simm.s32 $0xF6;
	v36 =	vadd.s32 s21, v6;
	v38 =	vld.idx.msk [tilespmem:v29+s12+$0x0], $0xffff;
	v29 =	vadd.s32 s24, v6;
	v18 =	vadd.s32 v28, v18  }
0x1ef: {  	v37 =	vadd.s32 v24, v23;
	v17 =	vadd.s32 v22, v17;
	v22 =	vld.idx.msk [tilespmem:v25+s12+$0x0], $0xffff;
	v25 =	vadd.s32 s31, v8  }
0x1f0: {  	s30 =	simm.s32 $0xF5;
	v34 =	vadd.s32 v19, v20;
	v19 =	vadd.s32 v21, v18;
	v18 =	vadd.s32 s21, v8;
	v20 =	vld.idx.msk [tilespmem:v31+s12+$0x0], $0xffff  }
0x1f1: {  	v21 =	vld.idx.msk [tilespmem:v32+s12+$0x0], $0xffff;
	v32 =	vadd.s32 s30, v8;
	v31 =	vadd.s32 s31, v6;
	vm2 =	vgt.s32 v19, $0x7F  }
0x1f2: {  	v24 =	vadd.s32 v19, v17;
	vm3 =	vmand vm2, vm1;
	vm4 =	vmor vm0, vm2  }
0x1f3: {  	v30 =	vsel vm3, v28, v28;
	v33 =	vsel vm3, s0, v28;
	v28 =	vadd.s32 s24, v8  }
0x1f4: {  	v27 =	vadd.s32 v24, v34;
	v34 =	vadd.s32 s30, v6;
	vm5 =	vgt.s32 v24, $0x7F  }
0x1f5: {  	v23 =	vld.idx.msk [tilespmem:v36+s12+$0x0], $0xffff;
	vm2 =	vmneg vm4;
	vm4 =	vmor vm4, vm5;
	vm3 =	vgt.s32 v27, $0x7F  }
0x1f6: {  	s22 =	simm.s32 $0xF4;
	s0 =	simm.s32 $0x8;
	v17 =	vld.idx.msk [tilespmem:v18+s12+$0x0], $0xffff;
	v18 =	vadd.s32 v22, v26;
	v22 =	vadd.s32 v38, v35;
	v26 =	vadd.s32 v27, v37  }
.LBB2_23:
0x1f7: {  	s0 =	sadd.s32 $0x4, s0;
	v29 =	vld.idx.msk [tilespmem:v29+s12+$0x0], $0xffff;
	v35 =	vadd.s32 s22, v8;
	vm2 =	vmand vm5, vm2;
	vm5 =	vmneg vm4  }
0x1f8: {  	vm4 =	vmor vm4, vm3;
	vm6 =	vgt.s32 v26, $0x7F;
	p0 =	slt.u32 s0, $0xFC;
	v28 =	vld.idx.msk [tilespmem:v28+s12+$0x0], $0xffff;
	v33 =	vsel vm2, s29, v33;
	s29 =	smov.u32 s23;
	s23 =	smov.u32 s31  }
0x1f9: {  	v19 =	vsel vm2, v19, v30;
	vm2 =	vmand vm3, vm5;
	vm3 =	vmneg vm4  }
0x1fa: {  	v30 =	vsel vm2, s26, v33;
	v19 =	vsel vm2, v24, v19;
	vm2 =	vmand vm6, vm3;
	s26 =	smov.u32 s20;
	s20 =	smov.u32 s30;
	v36 =	vld.idx.msk [tilespmem:v34+s12+$0x0], $0xffff  }
0x1fb: {  	v33 =	vadd.s32 v26, v20;
	v24 =	vsel vm2, v27, v19;
	v37 =	vld.idx.msk [tilespmem:v32+s12+$0x0], $0xffff;
	v32 =	vsel vm2, s25, v30;
	s25 =	smov.u32 s21;
	s21 =	smov.u32 s22  }
0x1fc: {  	v27 =	vadd.s32 s22, v6;
	v19 =	vadd.s32 v21, v33;
	vm2 =	vmor vm4, vm6;
	v38 =	vld.idx.msk [tilespmem:v25+s12+$0x0], $0xffff  }
0x1fd: {  	v40 =	vadd.s32 v23, v17;
	vm3 =	vgt.s32 v19, $0x7F;
	vm4 =	vmneg vm2;
	v20 =	vmovc v29;
	v39 =	vld.idx.msk [tilespmem:v31+s12+$0x0], $0xffff  }
0x1fe: {  	s22 =	sadd.s32 $0xFFFFFFFC, s22;
	vm4 =	vmand vm3, vm4;
	vm3 =	vmor vm2, vm3;
	v21 =	vmov v28;
	v17 =	vld.idx.msk [tilespmem:v35+s12+$0x0], $0xffff  }
0x1ff: {  	s1 =	sadd.s32 $0x3, s22;
	v30 =	vsel vm4, v26, v24;
	v24 =	vadd.s32 v19, v22;
	vm2 =	vmneg vm3  }
.Ltmp10:
0x200: {  	s31 =	sadd.s32 $0x2, s22;
	v29 =	vadd.s32 s1, v6;
	v33 =	vsel vm4, s28, v32;
	s28 =	smov.u32 s24;
	(pc) =	sbr.rel @p0 .LBB2_23-.Ltmp10, $4  }
0x201: {  	s30 =	sadd.s32 $0x1, s22;
	v28 =	vadd.s32 s1, v8;
	v25 =	vadd.s32 s31, v8;
	s24 =	smov.u32 s1;
	v23 =	vld.idx.msk [tilespmem:v27+s12+$0x0], $0xffff;
	v27 =	vadd.s32 v24, v18  }
0x202: {  	v34 =	vadd.s32 s30, v6;
	v32 =	vadd.s32 s30, v8;
	vm5 =	vgt.s32 v24, $0x7F  }
0x203: {  	v31 =	vadd.s32 s31, v6;
	vm4 =	vmor vm3, vm5;
	v18 =	vadd.s32 v36, v37  }
0x204: {  	v22 =	vadd.s32 v39, v38;
	vm3 =	vgt.s32 v27, $0x7F;
	v26 =	vadd.s32 v27, v40  }
0x205: {  	_ =	sdelay $0x1  }
0x206: {  	v35 =	vadd.s32 s22, v8;
	vm2 =	vmand vm5, vm2;
	vm10 =	vmneg vm4  }
0x207: {  	vm11 =	vmor vm4, vm3;
	vm6 =	vgt.s32 v26, $0x7F;
	v20 =	vadd.s32 v26, v20  }
0x208: {  	v55 =	vld.idx.msk [tilespmem:v34+s12+$0x0], $0xffff;
	v58 =	vadd.s32 s22, v6;
	v33 =	vsel vm2, s29, v33;
	v19 =	vsel vm2, v19, v30  }
0x209: {  	v56 =	vld.idx.msk [tilespmem:v32+s12+$0x0], $0xffff;
	vm2 =	vmand vm3, vm10;
	vm3 =	vmneg vm11;
	v20 =	vadd.s32 v21, v20  }
0x20a: {  	v25 =	vld.idx.msk [tilespmem:v25+s12+$0x0], $0xffff;
	v17 =	vadd.s32 v23, v17;
	v33 =	vsel vm2, s26, v33;
	v19 =	vsel vm2, v24, v19  }
0x20b: {  	v31 =	vld.idx.msk [tilespmem:v31+s12+$0x0], $0xffff;
	vm2 =	vmand vm6, vm3;
	vm3 =	vmor vm11, vm6;
	vm12 =	vgt.s32 v20, $0x7F  }
0x20c: {  	v22 =	vadd.s32 v20, v22;
	v57 =	vsel vm2, s25, v33;
	vm13 =	vmneg vm3  }
0x20d: {  	v59 =	vld.idx.msk [tilespmem:v29+s12+$0x0], $0xffff;
	v19 =	vsel vm2, v27, v19;
	vm3 =	vmor vm3, vm12;
	v18 =	vadd.s32 v22, v18  }
0x20e: {  	vm2 =	vmand vm12, vm13;
	vm4 =	vmneg vm3;
	vm14 =	vgt.s32 v18, $0x7F  }
0x20f: {  	v17 =	vadd.s32 v18, v17;
	v19 =	vsel vm2, v26, v19;
	v21 =	vsel vm2, s28, v57  }
0x210: {  	v60 =	vld.idx.msk [tilespmem:v28+s12+$0x0], $0xffff;
	vm2 =	vgt.s32 v22, $0x7F;
	v24 =	vadd.s32 v55, v56;
	v25 =	vadd.s32 v31, v25  }
0x211: {  	v61 =	vld.idx.msk [tilespmem:v35+s12+$0x0], $0xffff;
	vm9 =	vgt.s32 v17, $0x7F;
	vm3 =	vmor vm3, vm2;
	vm2 =	vmand vm2, vm4  }
0x212: {  	v27 =	vld.idx.msk [tilespmem:v58+s12+$0x0], $0xffff;
	v62 =	vadd.s32 v17, v59;
	vm15 =	vmneg vm3;
	v21 =	vsel vm2, s23, v21  }
0x213: {  	vm3 =	vmor vm3, vm14;
	v19 =	vsel vm2, v20, v19;
	vm2 =	vmand vm14, vm15  }
0x214: {  	vm10 =	vmneg vm3;
	vm3 =	vmor vm3, vm9;
	v20 =	vsel vm2, s20, v21  }
0x215: {  	v19 =	vsel vm2, v22, v19;
	vm2 =	vmand vm9, vm10;
	v21 =	vadd.s32 v60, v62  }
0x216: {  	vm12 =	vmneg vm3;
	v20 =	vsel vm2, s21, v20;
	vm11 =	vgt.s32 v21, $0x7F  }
0x217: {  	v18 =	vsel vm2, v18, v19;
	v19 =	vadd.s32 v27, v61;
	vm2 =	vmand vm11, vm12  }
0x218: {  	s0 =	simm.s32 $0x18140;
	vm3 =	vmor vm3, vm11;
	v17 =	vsel vm2, v17, v18;
	v18 =	vadd.s32 v21, v25  }
0x219: {  	[tilespmem:s0+$0xFFFFFFC0] =	vst v3;
	vm4 =	vmneg vm3;
	v63 =	vadd.s32 v18, v24;
	vm13 =	vgt.s32 v18, $0x7F  }
0x21a: {  	p0 =	por $0x1, $0x1;
	[tilespmem:s0+$0x30] =	vst v3;
	v20 =	vsel vm2, s24, v20;
	vm2 =	vmor vm3, vm13;
	vm3 =	vgt.s32 v63, $0x7F  }
.Ltmp11:
0x21b: {  	[tilespmem:s0+$0x20] =	vst v3;
	v19 =	vadd.s32 v63, v19;
	vm4 =	vmand vm13, vm4;
	vm14 =	vmneg vm2;
	(pc) =	sbr.rel @!p0 .LBB2_26-.Ltmp11, $4  }
0x21c: {  	[tilespmem:s0+$0x10] =	vst v3;
	v20 =	vsel vm4, s31, v20;
	vm2 =	vmor vm2, vm3;
	vm15 =	vgt.s32 v19, $0x7F  }
0x21d: {  	[tilespmem:s0+$0x0] =	vst v3;
	v17 =	vsel vm4, v21, v17;
	vm3 =	vmand vm3, vm14;
	vm2 =	vmneg vm2  }
0x21e: {  	[tilespmem:s0+$0xFFFFFFF0] =	vst v3;
	v19 =	vsel vm3, s30, v20;
	v18 =	vsel vm3, v18, v17;
	vm2 =	vmand vm15, vm2  }
0x21f: {  	[tilespmem:s0+$0xFFFFFFE0] =	vst v3;
	s20 =	simm.s32 $0x0;
	v17 =	vsel vm2, s22, v19;
	v18 =	vsel vm2, v63, v18  }
.LBB2_25:
0x220: {  	s20 =	sadd.s32 $0x8, s20;
	[tilespmem:s0+$0xFFFFFFD0] =	vst v3;
	s0 =	sadd.s32 $0x80, s0  }
0x221: {  	[tilespmem:s0+$0xFFFFFFC0] =	vst v3;
	p0 =	slt.u32 s20, $0xF8  }
0x222: {  	[tilespmem:s0+$0x30] =	vst v3  }
.Ltmp12:
0x223: {  	[tilespmem:s0+$0x20] =	vst v3;
	(pc) =	sbr.rel @p0 .LBB2_25-.Ltmp12, $4  }
0x224: {  	[tilespmem:s0+$0x10] =	vst v3  }
0x225: {  	[tilespmem:s0+$0x0] =	vst v3  }
0x226: {  	[tilespmem:s0+$0xFFFFFFF0] =	vst v3  }
0x227: {  	[tilespmem:s0+$0xFFFFFFE0] =	vst v3  }
.LBB2_26:
0x228: {  	s1 =	simm.s32 $0xE  }
0x229: {  	s20 =	simm.s32 $0xC;
	v19 =	vadd.s32 s1, v4  }
0x22a: {  	s29 =	simm.s32 $0x2;
	v20 =	vadd.s32 s20, v4  }
0x22b: {  	s22 =	simm.s32 $0xA;
	v21 =	vadd.s32 s29, v4  }
0x22c: {  	s30 =	simm.s32 $0x0;
	[tilespmem:s0+$0xFFFFFFD0] =	vst v3;
	v26 =	vadd.s32 s22, v4  }
0x22d: {  	v22 =	vadd.s32 s30, v4;
	[tilespmem:$0x19100] =	vst v3;
	s20 =	simm.s32 $0x6  }
0x22e: {  	s29 =	simm.s32 $0x10;
	v24 =	vadd.s32 s20, v4;
	v19 =	vld.idx.msk [tilespmem:v19+s11+$0x0], $0xffff  }
0x22f: {  	s21 =	simm.s32 $0x8;
	v39 =	vadd.s32 s29, v4;
	v20 =	vld.idx.msk [tilespmem:v20+s11+$0x0], $0xffff  }
0x230: {  	s31 =	simm.s32 $0x4;
	v25 =	vadd.s32 s21, v4;
	v21 =	vld.idx.msk [tilespmem:v21+s11+$0x0], $0xffff  }
0x231: {  	s23 =	simm.s32 $0x1E;
	v23 =	vadd.s32 s31, v4;
	v26 =	vld.idx.msk [tilespmem:v26+s11+$0x0], $0xffff  }
0x232: {  	v17 =	vshll.u32 v17, $0x18;
	s24 =	simm.s32 $0x12;
	s25 =	simm.s32 $0x1C;
	s26 =	simm.s32 $0x14;
	v29 =	vadd.s32 s23, v4;
	v22 =	vld.idx.msk [tilespmem:v22+s11+$0x0], $0xffff  }
0x233: {  	s28 =	simm.s32 $0x16;
	v33 =	vadd.s32 s24, v4;
	v34 =	vadd.s32 s25, v4;
	v36 =	vadd.s32 s26, v4;
	s30 =	simm.s32 $0x18;
	s31 =	simm.s32 $0x1A;
	v24 =	vld.idx.msk [tilespmem:v24+s11+$0x0], $0xffff  }
0x234: {  	v37 =	vadd.s32 s28, v4;
	v40 =	vadd.s32 s30, v4;
	v41 =	vadd.s32 s31, v4;
	v39 =	vld.idx.msk [tilespmem:v39+s11+$0x0], $0xffff  }
0x235: {  	v27 =	vshrl.u32 v19, $0x10;
	v30 =	vand.u32 $0xFF000000, v19;
	v19 =	vld.idx.msk [tilespmem:v25+s11+$0x0], $0xffff;
	v25 =	vshrl.u32 v20, $0x10  }
0x236: {  	v23 =	vld.idx.msk [tilespmem:v23+s11+$0x0], $0xffff;
	v20 =	vand.u32 $0xFF000000, v20;
	v38 =	vshrl.u32 v26, $0x10;
	v60 =	vand.u32 $0xFF000000, v26  }
0x237: {  	v31 =	vand.u32 $0xFF, v27;
	v27 =	vshrl.u32 v21, $0x10;
	v25 =	vand.u32 $0xFF, v25  }
0x238: {  	vm2 =	veq.s32 v20, v17;
	v20 =	vshrl.u32 v22, $0x10;
	v22 =	vand.u32 $0xFF000000, v22  }
0x239: {  	v34 =	vld.idx.msk [tilespmem:v34+s11+$0x0], $0xffff;
	v21 =	vand.u32 $0xFF000000, v21;
	v32 =	vshrl.u32 v24, $0x10;
	v43 =	vand.u32 $0xFF000000, v24  }
0x23a: {  	vm3 =	veq.s32 v60, v17;
	v63 =	vshrl.u32 v39, $0x10;
	v25 =	vadd.s32 v7, v25  }
0x23b: {  	v20 =	vand.u32 $0xFF, v20;
	v28 =	vand.u32 $0xFF, v27;
	v27 =	vshrl.u32 v23, $0x10  }
0x23c: {  	v23 =	vand.u32 $0xFF000000, v23;
	v32 =	vand.u32 $0xFF, v32;
	vm7 =	veq.s32 v22, v17  }
0x23d: {  	v42 =	vld.idx.msk [tilespmem:v29+s11+$0x0], $0xffff;
	vm8 =	veq.s32 v21, v17;
	vm5 =	veq.s32 v43, v17;
	v21 =	vadd.s32 v7, v31  }
0x23e: {  	v24 =	vld.idx.msk [tilespmem:v36+s11+$0x0], $0xffff;
	v31 =	vand.u32 $0xFF000000, v34;
	v44 =	vadd.s32 v7, v20;
	v61 =	vadd.s32 v7, v28  }
0x23f: {  	v20 =	vand.u32 $0xFF, v38;
	vm9 =	veq.s32 v23, v17;
	v29 =	vadd.s32 v7, v32;
	[tilespmem:v25+s12+$0x0] =	vst.idx.add.s32.msk vm2, v5  }
0x240: {  	vm6 =	veq.s32 v31, v17;
	v26 =	vadd.s32 v7, v20;
	v25 =	vand.u32 $0xFF, v27;
	v27 =	vld.idx.msk [tilespmem:v33+s11+$0x0], $0xffff  }
0x241: {  	v22 =	vld.idx.msk [tilespmem:v40+s11+$0x0], $0xffff;
	v35 =	vshrl.u32 v19, $0x10;
	v19 =	vand.u32 $0xFF000000, v19;
	v45 =	vadd.s32 v7, v25  }
0x242: {  	v20 =	vshrl.u32 v42, $0x10;
	v35 =	vand.u32 $0xFF, v35;
	vm4 =	veq.s32 v19, v17;
	v25 =	vld.idx.msk [tilespmem:v37+s11+$0x0], $0xffff  }
0x243: {  	v23 =	vld.idx.msk [tilespmem:v41+s11+$0x0], $0xffff;
	v28 =	vadd.s32 v7, v35;
	vm2 =	veq.s32 v30, v17;
	v30 =	vshrl.u32 v34, $0x10  }
0x244: {  	v31 =	vand.u32 $0xFF000000, v39;
	v20 =	vand.u32 $0xFF, v20;
	v30 =	vand.u32 $0xFF, v30;
	[tilespmem:v44+s12+$0x0] =	vst.idx.add.s32.msk vm7, v5  }
0x245: {  	v19 =	vand.u32 $0xFF000000, v42;
	[tilespmem:v61+s12+$0x0] =	vst.idx.add.s32.msk vm8, v5;
	v32 =	vadd.s32 v7, v30;
	v62 =	vshrl.u32 v27, $0x10  }
0x246: {  	s21 =	simm.s32 $0x2E;
	s20 =	simm.s32 $0x8;
	v33 =	vand.u32 $0xFF, v63;
	v34 =	vshrl.u32 v24, $0x10;
	v30 =	vand.u32 $0xFF, v62;
	[tilespmem:v45+s12+$0x0] =	vst.idx.add.s32.msk vm9, v5  }
.LBB2_27:
0x247: {  	s0 =	sadd.s32 $0xFFFFFFF4, s21;
	s1 =	sadd.s32 $0xFFFFFFFE, s21;
	v35 =	vadd.s32 s21, v4;
	s20 =	sadd.s32 $0x8, s20;
	v36 =	vand.u32 $0xFF000000, v27;
	v27 =	vshrl.u32 v25, $0x10;
	[tilespmem:v29+s12+$0x0] =	vst.idx.add.s32.msk vm5, v5  }
0x248: {  	s22 =	sadd.s32 $0xFFFFFFF8, s21;
	v38 =	vshrl.u32 v22, $0x10;
	v29 =	vadd.s32 s0, v4;
	s0 =	sadd.s32 $0xFFFFFFF6, s21;
	v37 =	vadd.s32 s1, v4;
	p0 =	slt.u32 s20, $0x7F8;
	[tilespmem:v28+s12+$0x0] =	vst.idx.add.s32.msk vm4, v5  }
0x249: {  	s1 =	sadd.s32 $0xFFFFFFF2, s21;
	v39 =	vadd.s32 s22, v4;
	s22 =	sadd.s32 $0xFFFFFFFC, s21;
	v40 =	vshrl.u32 v23, $0x10;
	v28 =	vadd.s32 s0, v4;
	s0 =	sadd.s32 $0xFFFFFFFA, s21;
	[tilespmem:v26+s12+$0x0] =	vst.idx.add.s32.msk vm3, v5  }
0x24a: {  	v26 =	vadd.s32 s1, v4;
	v42 =	vadd.s32 s22, v4;
	v41 =	vadd.s32 s0, v4;
	[tilespmem:v32+s12+$0x0] =	vst.idx.add.s32.msk vm6, v5  }
0x24b: {  	v24 =	vand.u32 $0xFF000000, v24;
	v32 =	vand.u32 $0xFF, v34;
	v34 =	vand.u32 $0xFF, v27;
	[tilespmem:v21+s12+$0x0] =	vst.idx.add.s32.msk vm2, v5  }
0x24c: {  	v22 =	vand.u32 $0xFF000000, v22;
	v21 =	vand.u32 $0xFF000000, v25;
	v25 =	vand.u32 $0xFF, v38;
	v35 =	vld.idx.msk [tilespmem:v35+s11+$0x0], $0xffff  }
0x24d: {  	v33 =	vadd.s32 v7, v33;
	v23 =	vand.u32 $0xFF000000, v23;
	v38 =	vand.u32 $0xFF, v40;
	v37 =	vld.idx.msk [tilespmem:v37+s11+$0x0], $0xffff  }
0x24e: {  	vm9 =	veq.s32 v31, v17;
	v30 =	vadd.s32 v7, v30;
	vm8 =	veq.s32 v36, v17;
	v27 =	vld.idx.msk [tilespmem:v29+s11+$0x0], $0xffff  }
0x24f: {  	vm7 =	veq.s32 v24, v17;
	v36 =	vadd.s32 v7, v32;
	v29 =	vadd.s32 v7, v34;
	v31 =	vld.idx.msk [tilespmem:v26+s11+$0x0], $0xffff  }
0x250: {  	vm4 =	veq.s32 v22, v17;
	vm5 =	veq.s32 v21, v17;
	v24 =	vld.idx.msk [tilespmem:v28+s11+$0x0], $0xffff;
	v28 =	vadd.s32 v7, v25  }
0x251: {  	vm3 =	veq.s32 v23, v17;
	v21 =	vadd.s32 v7, v20;
	v26 =	vadd.s32 v7, v38;
	v25 =	vld.idx.msk [tilespmem:v39+s11+$0x0], $0xffff  }
.Ltmp13:
0x252: {  	vm2 =	veq.s32 v19, v17;
	v20 =	vshrl.u32 v35, $0x10;
	v19 =	vand.u32 $0xFF000000, v35;
	v22 =	vld.idx.msk [tilespmem:v41+s11+$0x0], $0xffff;
	(pc) =	sbr.rel @p0 .LBB2_27-.Ltmp13, $4  }
0x253: {  	v32 =	vshrl.u32 v37, $0x10;
	v34 =	vand.u32 $0xFF000000, v37;
	v20 =	vand.u32 $0xFF, v20;
	v23 =	vld.idx.msk [tilespmem:v42+s11+$0x0], $0xffff  }
0x254: {  	v35 =	vshrl.u32 v27, $0x10;
	v32 =	vand.u32 $0xFF, v32;
	vm6 =	veq.s32 v34, v17;
	[tilespmem:v33+s12+$0x0] =	vst.idx.add.s32.msk vm9, v5  }
0x255: {  	v33 =	vshrl.u32 v31, $0x10;
	v31 =	vand.u32 $0xFF000000, v31;
	v32 =	vadd.s32 v7, v32;
	[tilespmem:v30+s12+$0x0] =	vst.idx.add.s32.msk vm8, v5  }
0x256: {  	s21 =	sadd.s32 $0x10, s21;
	v33 =	vand.u32 $0xFF, v33;
	v30 =	vand.u32 $0xFF, v35;
	v34 =	vshrl.u32 v24, $0x10;
	[tilespmem:v36+s12+$0x0] =	vst.idx.add.s32.msk vm7, v5  }
0x257: {  	_ =	sdelay $0x2  }
0x258: {  	v27 =	vand.u32 $0xFF000000, v27  }
0x259: {  	v35 =	vshrl.u32 v25, $0x10;
	v36 =	vshrl.u32 v22, $0x10;
	vm7 =	veq.s32 v31, v17  }
0x25a: {  	v34 =	vand.u32 $0xFF, v34;
	v24 =	vand.u32 $0xFF000000, v24;
	[tilespmem:v29+s12+$0x0] =	vst.idx.add.s32.msk vm5, v5;
	v29 =	vadd.s32 v7, v33  }
0x25b: {  	v25 =	vand.u32 $0xFF000000, v25;
	[tilespmem:v28+s12+$0x0] =	vst.idx.add.s32.msk vm4, v5;
	v28 =	vadd.s32 v7, v30;
	vm8 =	veq.s32 v19, v17  }
0x25c: {  	v22 =	vand.u32 $0xFF000000, v22;
	v19 =	vadd.s32 v7, v20;
	vm5 =	veq.s32 v27, v17  }
0x25d: {  	[tilespmem:v26+s12+$0x0] =	vst.idx.add.s32.msk vm3, v5;
	v31 =	vshrl.u32 v23, $0x10;
	v35 =	vand.u32 $0xFF, v35;
	vm4 =	veq.s32 v24, v17  }
0x25e: {  	[tilespmem:v32+s12+$0x0] =	vst.idx.add.s32.msk vm6, v5;
	v27 =	vand.u32 $0xFF, v36;
	v24 =	vadd.s32 v7, v34;
	vm3 =	veq.s32 v25, v17  }
0x25f: {  	[tilespmem:v21+s12+$0x0] =	vst.idx.add.s32.msk vm2, v5;
	v23 =	vand.u32 $0xFF000000, v23;
	vm6 =	veq.s32 v22, v17;
	v25 =	vadd.s32 v7, v35  }
0x260: {  	v21 =	vand.u32 $0xFF, v31;
	v22 =	vadd.s32 v7, v27;
	vm2 =	veq.s32 v23, v17;
	[tilespmem:v29+s12+$0x0] =	vst.idx.add.s32.msk vm7, v5  }
0x261: {  	s0 =	simm.s32 $0xFF;
	v21 =	vadd.s32 v7, v21;
	[tilespmem:v19+s12+$0x0] =	vst.idx.add.s32.msk vm8, v5  }
0x262: {  	v20 =	vadd.s32 s0, v6;
	[tilespmem:v28+s12+$0x0] =	vst.idx.add.s32.msk vm5, v5  }
0x263: {  	s22 =	simm.s32 $0xFC;
	v23 =	vadd.s32 s0, v8;
	[tilespmem:v24+s12+$0x0] =	vst.idx.add.s32.msk vm4, v5  }
0x264: {  	s1 =	simm.s32 $0xFE;
	v19 =	vadd.s32 s22, v6;
	[tilespmem:v25+s12+$0x0] =	vst.idx.add.s32.msk vm3, v5  }
0x265: {  	s25 =	simm.s32 $0xFD;
	[tilespmem:v22+s12+$0x0] =	vst.idx.add.s32.msk vm6, v5;
	v22 =	vadd.s32 s1, v6  }
0x266: {  	v24 =	vadd.s32 s25, v8;
	[tilespmem:v21+s12+$0x0] =	vst.idx.add.s32.msk vm2, v5  }
0x267: {  	v25 =	vadd.s32 s1, v8;
	v20 =	vld.idx.msk [tilespmem:v20+s12+$0x0], $0xffff  }
0x268: {  	v21 =	vadd.s32 s22, v8;
	v26 =	vld.idx.msk [tilespmem:v23+s12+$0x0], $0xffff  }
0x269: {  	v23 =	vadd.s32 s25, v6;
	v19 =	vld.idx.msk [tilespmem:v19+s12+$0x0], $0xffff  }
0x26a: {  	v27 =	vld.idx.msk [tilespmem:v22+s12+$0x0], $0xffff  }
0x26b: {  	v24 =	vld.idx.msk [tilespmem:v24+s12+$0x0], $0xffff  }
0x26c: {  	s24 =	simm.s32 $0xFB;
	v25 =	vld.idx.msk [tilespmem:v25+s12+$0x0], $0xffff  }
0x26d: {  	s23 =	simm.s32 $0xFA;
	v29 =	vadd.s32 s24, v6;
	v28 =	vimm.s32 $0x0;
	v21 =	vld.idx.msk [tilespmem:v21+s12+$0x0], $0xffff  }
0x26e: {  	v18 =	vsub.s32 $0x80, v18;
	s21 =	simm.s32 $0xF9;
	s20 =	simm.s32 $0xF8;
	v59 =	vadd.s32 s23, v6;
	v30 =	vld.idx.msk [tilespmem:v23+s12+$0x0], $0xffff;
	v20 =	vadd.s32 v28, v20  }
0x26f: {  	v60 =	vadd.s32 s21, v8;
	v62 =	vadd.s32 s20, v8;
	v26 =	vadd.s32 v26, v20  }
0x270: {  	v61 =	vadd.s32 s20, v6;
	v31 =	vadd.s32 s24, v8;
	vm2 =	vge.s32 v26, v18  }
0x271: {  	v22 =	vadd.s32 s23, v8;
	v23 =	vadd.s32 s21, v6;
	vm3 =	vmand vm2, vm1  }
0x272: {  	v63 =	vld.idx.msk [tilespmem:v29+s12+$0x0], $0xffff;
	vm2 =	vmor vm0, vm2;
	v21 =	vadd.s32 v19, v21;
	v19 =	vadd.s32 v27, v25  }
0x273: {  	v20 =	vld.idx.msk [tilespmem:v59+s12+$0x0], $0xffff;
	vm5 =	vmneg vm2;
	v27 =	vadd.s32 v30, v24;
	v24 =	vadd.s32 v26, v19  }
0x274: {  	v25 =	vld.idx.msk [tilespmem:v62+s12+$0x0], $0xffff;
	v32 =	vsel vm3, v28, v28;
	v30 =	vsel vm3, s0, v28;
	vm4 =	vge.s32 v24, v18  }
0x275: {  	v19 =	vld.idx.msk [tilespmem:v31+s12+$0x0], $0xffff;
	v29 =	vadd.s32 v24, v27;
	vm2 =	vmor vm2, vm4;
	vm3 =	vmand vm4, vm5  }
0x276: {  	v28 =	vld.idx.msk [tilespmem:v60+s12+$0x0], $0xffff;
	vm4 =	vge.s32 v29, v18;
	v21 =	vadd.s32 v29, v21;
	v31 =	vsel vm3, s1, v30  }
0x277: {  	s26 =	simm.s32 $0xF4;
	s0 =	simm.s32 $0x4;
	v27 =	vld.idx.msk [tilespmem:v61+s12+$0x0], $0xffff;
	v30 =	vadd.s32 v21, v63;
	vm5 =	vmneg vm2;
	vm2 =	vmor vm2, vm4  }
.LBB2_29:
0x278: {  	s1 =	sadd.s32 $0x3, s26;
	s28 =	sadd.s32 $0x2, s26;
	s0 =	sadd.s32 $0x4, s0;
	v33 =	vld.idx.msk [tilespmem:v22+s12+$0x0], $0xffff;
	v26 =	vsel vm3, v26, v32;
	vm3 =	vmand vm4, vm5;
	vm4 =	vge.s32 v21, v18  }
0x279: {  	vm5 =	vmneg vm2;
	v32 =	vadd.s32 s1, v6;
	v34 =	vadd.s32 s1, v8;
	p0 =	slt.u32 s0, $0xFC;
	v35 =	vld.idx.msk [tilespmem:v23+s12+$0x0], $0xffff  }
0x27a: {  	v36 =	vadd.s32 s28, v6;
	v22 =	vadd.s32 s28, v8;
	v31 =	vsel vm3, s25, v31;
	s25 =	smov.u32 s21  }
0x27b: {  	s21 =	sadd.s32 $0x1, s26;
	v24 =	vsel vm3, v24, v26;
	vm3 =	vmand vm4, vm5;
	vm2 =	vmor vm2, vm4  }
0x27c: {  	v23 =	vadd.s32 s21, v6;
	v31 =	vsel vm3, s22, v31;
	v29 =	vsel vm3, v29, v24;
	s22 =	smov.u32 s20;
	s20 =	smov.u32 s26  }
0x27d: {  	v37 =	vadd.s32 s21, v8  }
0x27e: {  	v39 =	vadd.s32 s26, v6;
	v40 =	vadd.s32 v27, v25;
	v38 =	vld.idx.msk [tilespmem:v32+s12+$0x0], $0xffff;
	v32 =	vadd.s32 s26, v8  }
0x27f: {  	v26 =	vadd.s32 v19, v30;
	v24 =	vadd.s32 v20, v33;
	v27 =	vadd.s32 v35, v28;
	v19 =	vld.idx.msk [tilespmem:v34+s12+$0x0], $0xffff  }
0x280: {  	vm3 =	vge.s32 v26, v18;
	vm4 =	vmneg vm2;
	v24 =	vadd.s32 v26, v24;
	v20 =	vld.idx.msk [tilespmem:v36+s12+$0x0], $0xffff  }
.Ltmp14:
0x281: {  	vm4 =	vmand vm3, vm4;
	vm2 =	vmor vm2, vm3;
	vm3 =	vge.s32 v24, v18;
	(pc) =	sbr.rel @p0 .LBB2_29-.Ltmp14, $4  }
0x282: {  	vm5 =	vmneg vm2;
	v28 =	vsel vm4, s24, v31;
	s24 =	smov.u32 s1;
	vm2 =	vmor vm2, vm3  }
0x283: {  	vm3 =	vmand vm3, vm5;
	v25 =	vld.idx.msk [tilespmem:v32+s12+$0x0], $0xffff;
	v32 =	vsel vm4, v21, v29;
	v29 =	vadd.s32 v24, v27  }
0x284: {  	v31 =	vsel vm3, s23, v28;
	s23 =	smov.u32 s28;
	v27 =	vld.idx.msk [tilespmem:v39+s12+$0x0], $0xffff;
	vm4 =	vge.s32 v29, v18;
	v21 =	vadd.s32 v29, v40  }
0x285: {  	s26 =	sadd.s32 $0xFFFFFFFC, s26;
	vm5 =	vmneg vm2;
	v30 =	vadd.s32 v21, v38;
	v28 =	vld.idx.msk [tilespmem:v37+s12+$0x0], $0xffff;
	vm2 =	vmor vm2, vm4  }
0x286: {  	_ =	sdelay $0x3  }
0x287: {  	v22 =	vld.idx.msk [tilespmem:v22+s12+$0x0], $0xffff;
	v26 =	vsel vm3, v26, v32;
	vm3 =	vmand vm4, vm5  }
0x288: {  	vm10 =	vge.s32 v21, v18;
	vm11 =	vmneg vm2;
	v19 =	vadd.s32 v19, v30  }
0x289: {  	v23 =	vld.idx.msk [tilespmem:v23+s12+$0x0], $0xffff;
	v31 =	vsel vm3, s25, v31;
	v24 =	vsel vm3, v24, v26;
	vm3 =	vmand vm10, vm11  }
0x28a: {  	vm2 =	vmor vm2, vm10;
	v62 =	vsel vm3, s22, v31;
	v24 =	vsel vm3, v29, v24  }
0x28b: {  	vm3 =	vge.s32 v19, v18;
	vm4 =	vmneg vm2;
	v25 =	vadd.s32 v27, v25  }
0x28c: {  	vm4 =	vmand vm3, vm4;
	vm2 =	vmor vm2, vm3;
	v20 =	vadd.s32 v20, v22  }
0x28d: {  	s0 =	simm.s32 $0x18140;
	vm12 =	vmneg vm2;
	v21 =	vsel vm4, v21, v24;
	v20 =	vadd.s32 v19, v20  }
0x28e: {  	[tilespmem:s0+$0xFFFFFFC0] =	vst v3;
	v22 =	vadd.s32 v23, v28;
	v23 =	vsel vm4, s24, v62;
	vm3 =	vge.s32 v20, v18  }
0x28f: {  	p0 =	por $0x1, $0x1;
	[tilespmem:s0+$0x30] =	vst v3;
	v22 =	vadd.s32 v20, v22;
	vm2 =	vmor vm2, vm3;
	vm3 =	vmand vm3, vm12  }
.Ltmp15:
0x290: {  	[tilespmem:s0+$0x20] =	vst v3;
	vm13 =	vge.s32 v22, v18;
	v63 =	vadd.s32 v22, v25;
	v23 =	vsel vm3, s23, v23;
	(pc) =	sbr.rel @!p0 .LBB2_32-.Ltmp15, $4  }
0x291: {  	[tilespmem:s0+$0x10] =	vst v3;
	vm14 =	vmneg vm2;
	vm2 =	vmor vm2, vm13;
	v19 =	vsel vm3, v19, v21  }
0x292: {  	[tilespmem:s0+$0x0] =	vst v3;
	vm15 =	vge.s32 v63, v18;
	vm3 =	vmand vm13, vm14;
	vm2 =	vmneg vm2  }
0x293: {  	[tilespmem:s0+$0xFFFFFFF0] =	vst v3;
	v21 =	vsel vm3, s21, v23;
	v19 =	vsel vm3, v20, v19;
	vm2 =	vmand vm15, vm2  }
0x294: {  	[tilespmem:s0+$0xFFFFFFE0] =	vst v3;
	v20 =	vsel vm2, s20, v21;
	v19 =	vsel vm2, v22, v19;
	s20 =	simm.s32 $0x0  }
.LBB2_31:
0x295: {  	s20 =	sadd.s32 $0x8, s20;
	[tilespmem:s0+$0xFFFFFFD0] =	vst v3;
	s0 =	sadd.s32 $0x80, s0  }
0x296: {  	[tilespmem:s0+$0xFFFFFFC0] =	vst v3;
	p0 =	slt.u32 s20, $0xF8  }
0x297: {  	[tilespmem:s0+$0x30] =	vst v3  }
.Ltmp16:
0x298: {  	[tilespmem:s0+$0x20] =	vst v3;
	(pc) =	sbr.rel @p0 .LBB2_31-.Ltmp16, $4  }
0x299: {  	[tilespmem:s0+$0x10] =	vst v3  }
0x29a: {  	[tilespmem:s0+$0x0] =	vst v3  }
0x29b: {  	[tilespmem:s0+$0xFFFFFFF0] =	vst v3  }
0x29c: {  	[tilespmem:s0+$0xFFFFFFE0] =	vst v3  }
.LBB2_32:
0x29d: {  	s1 =	simm.s32 $0xE  }
0x29e: {  	s20 =	simm.s32 $0xC;
	v21 =	vadd.s32 s1, v4  }
0x29f: {  	s21 =	simm.s32 $0x8;
	v22 =	vadd.s32 s20, v4  }
0x2a0: {  	s25 =	simm.s32 $0x1C;
	v27 =	vadd.s32 s21, v4  }
0x2a1: {  	s29 =	simm.s32 $0x2;
	[tilespmem:s0+$0xFFFFFFD0] =	vst v3;
	v35 =	vadd.s32 s25, v4  }
0x2a2: {  	s30 =	simm.s32 $0x0;
	v23 =	vadd.s32 s29, v4;
	[tilespmem:$0x19100] =	vst v3  }
0x2a3: {  	v24 =	vadd.s32 s30, v4;
	s20 =	simm.s32 $0x6;
	v21 =	vld.idx.msk [tilespmem:v21+s11+$0x0], $0xffff  }
0x2a4: {  	s31 =	simm.s32 $0x4;
	v26 =	vadd.s32 s20, v4;
	v22 =	vld.idx.msk [tilespmem:v22+s11+$0x0], $0xffff  }
0x2a5: {  	s22 =	simm.s32 $0xA;
	v20 =	vshll.u32 v20, $0x10;
	v25 =	vadd.s32 s31, v4;
	s29 =	simm.s32 $0x10;
	v27 =	vld.idx.msk [tilespmem:v27+s11+$0x0], $0xffff  }
0x2a6: {  	s23 =	simm.s32 $0x1E;
	s24 =	simm.s32 $0x12;
	s26 =	simm.s32 $0x14;
	v28 =	vadd.s32 s22, v4;
	v17 =	vor.u32 v17, v20;
	v40 =	vadd.s32 s29, v4;
	v35 =	vld.idx.msk [tilespmem:v35+s11+$0x0], $0xffff  }
0x2a7: {  	s28 =	simm.s32 $0x16;
	v32 =	vadd.s32 s23, v4;
	v34 =	vadd.s32 s24, v4;
	v37 =	vadd.s32 s26, v4;
	s30 =	simm.s32 $0x18;
	s31 =	simm.s32 $0x1A;
	v23 =	vld.idx.msk [tilespmem:v23+s11+$0x0], $0xffff  }
0x2a8: {  	v38 =	vadd.s32 s28, v4;
	v41 =	vadd.s32 s30, v4;
	v42 =	vadd.s32 s31, v4;
	v24 =	vld.idx.msk [tilespmem:v24+s11+$0x0], $0xffff  }
0x2a9: {  	v20 =	vld.idx.msk [tilespmem:v26+s11+$0x0], $0xffff;
	v26 =	vshrl.u32 v21, $0x8;
	v21 =	vand.u32 $0xFFFF0000, v21;
	v29 =	vshrl.u32 v22, $0x8  }
0x2aa: {  	v25 =	vld.idx.msk [tilespmem:v25+s11+$0x0], $0xffff;
	v22 =	vand.u32 $0xFFFF0000, v22;
	v36 =	vshrl.u32 v27, $0x8;
	v27 =	vand.u32 $0xFFFF0000, v27  }
0x2ab: {  	v40 =	vld.idx.msk [tilespmem:v40+s11+$0x0], $0xffff;
	v60 =	vshrl.u32 v35, $0x8;
	v61 =	vand.u32 $0xFFFF0000, v35;
	v31 =	vand.u32 $0xFF, v26  }
0x2ac: {  	v26 =	vld.idx.msk [tilespmem:v28+s11+$0x0], $0xffff;
	v28 =	vshrl.u32 v23, $0x8;
	v29 =	vand.u32 $0xFF, v29;
	vm2 =	veq.s32 v22, v17  }
0x2ad: {  	v22 =	vshrl.u32 v24, $0x8;
	v24 =	vand.u32 $0xFFFF0000, v24;
	v23 =	vand.u32 $0xFFFF0000, v23  }
0x2ae: {  	v32 =	vld.idx.msk [tilespmem:v32+s11+$0x0], $0xffff;
	v33 =	vshrl.u32 v20, $0x8;
	v20 =	vand.u32 $0xFFFF0000, v20;
	v29 =	vadd.s32 v7, v29  }
0x2af: {  	v36 =	vand.u32 $0xFF, v36;
	vm4 =	veq.s32 v27, v17;
	v62 =	vand.u32 $0xFF, v60  }
0x2b0: {  	vm6 =	veq.s32 v61, v17;
	v63 =	vshrl.u32 v40, $0x8;
	v22 =	vand.u32 $0xFF, v22  }
0x2b1: {  	v30 =	vand.u32 $0xFF, v28;
	v28 =	vshrl.u32 v25, $0x8;
	v25 =	vand.u32 $0xFFFF0000, v25  }
0x2b2: {  	v33 =	vand.u32 $0xFF, v33;
	vm7 =	veq.s32 v24, v17;
	vm8 =	veq.s32 v23, v17;
	v23 =	vld.idx.msk [tilespmem:v41+s11+$0x0], $0xffff  }
0x2b3: {  	vm5 =	veq.s32 v20, v17;
	v20 =	vand.u32 $0xFFFF0000, v32;
	v43 =	vadd.s32 v7, v22;
	[tilespmem:v29+s12+$0x0] =	vst.idx.add.s32.msk vm2, v5  }
0x2b4: {  	v59 =	vadd.s32 v7, v30;
	vm9 =	veq.s32 v25, v17;
	v29 =	vand.u32 $0xFF, v28;
	v28 =	vld.idx.msk [tilespmem:v34+s11+$0x0], $0xffff  }
0x2b5: {  	v30 =	vadd.s32 v7, v33;
	v25 =	vld.idx.msk [tilespmem:v37+s11+$0x0], $0xffff;
	v39 =	vshrl.u32 v26, $0x8;
	v44 =	vadd.s32 v7, v29  }
0x2b6: {  	v33 =	vadd.s32 v7, v62;
	v58 =	vand.u32 $0xFFFF0000, v26;
	v26 =	vld.idx.msk [tilespmem:v38+s11+$0x0], $0xffff;
	v22 =	vand.u32 $0xFF, v39  }
0x2b7: {  	v24 =	vld.idx.msk [tilespmem:v42+s11+$0x0], $0xffff;
	vm3 =	veq.s32 v58, v17;
	vm2 =	veq.s32 v21, v17;
	v29 =	vadd.s32 v7, v36  }
0x2b8: {  	v27 =	vadd.s32 v7, v22;
	v22 =	vadd.s32 v7, v31;
	v31 =	vshrl.u32 v32, $0x8;
	[tilespmem:v43+s12+$0x0] =	vst.idx.add.s32.msk vm7, v5  }
0x2b9: {  	v34 =	vand.u32 $0xFF, v63;
	[tilespmem:v59+s12+$0x0] =	vst.idx.add.s32.msk vm8, v5;
	v21 =	vand.u32 $0xFF, v31;
	v31 =	vshrl.u32 v28, $0x8  }
0x2ba: {  	s21 =	simm.s32 $0x2E;
	s20 =	simm.s32 $0x8;
	v32 =	vand.u32 $0xFFFF0000, v40;
	v35 =	vshrl.u32 v25, $0x8;
	v31 =	vand.u32 $0xFF, v31;
	[tilespmem:v44+s12+$0x0] =	vst.idx.add.s32.msk vm9, v5  }
.LBB2_33:
0x2bb: {  	s0 =	sadd.s32 $0xFFFFFFF4, s21;
	s1 =	sadd.s32 $0xFFFFFFFE, s21;
	v36 =	vadd.s32 s21, v4;
	s20 =	sadd.s32 $0x8, s20;
	v37 =	vand.u32 $0xFFFF0000, v28;
	v28 =	vshrl.u32 v26, $0x8;
	[tilespmem:v30+s12+$0x0] =	vst.idx.add.s32.msk vm5, v5  }
0x2bc: {  	s22 =	sadd.s32 $0xFFFFFFF8, s21;
	v39 =	vshrl.u32 v23, $0x8;
	v30 =	vadd.s32 s0, v4;
	s0 =	sadd.s32 $0xFFFFFFF6, s21;
	v38 =	vadd.s32 s1, v4;
	p0 =	slt.u32 s20, $0x7F8;
	[tilespmem:v29+s12+$0x0] =	vst.idx.add.s32.msk vm4, v5  }
0x2bd: {  	s1 =	sadd.s32 $0xFFFFFFF2, s21;
	v40 =	vadd.s32 s22, v4;
	s22 =	sadd.s32 $0xFFFFFFFC, s21;
	v41 =	vshrl.u32 v24, $0x8;
	v29 =	vadd.s32 s0, v4;
	s0 =	sadd.s32 $0xFFFFFFFA, s21;
	[tilespmem:v27+s12+$0x0] =	vst.idx.add.s32.msk vm3, v5  }
0x2be: {  	v27 =	vadd.s32 s1, v4;
	v43 =	vadd.s32 s22, v4;
	v42 =	vadd.s32 s0, v4;
	[tilespmem:v33+s12+$0x0] =	vst.idx.add.s32.msk vm6, v5  }
0x2bf: {  	v25 =	vand.u32 $0xFFFF0000, v25;
	v33 =	vand.u32 $0xFF, v35;
	v35 =	vand.u32 $0xFF, v28;
	[tilespmem:v22+s12+$0x0] =	vst.idx.add.s32.msk vm2, v5  }
0x2c0: {  	v23 =	vand.u32 $0xFFFF0000, v23;
	v22 =	vand.u32 $0xFFFF0000, v26;
	v26 =	vand.u32 $0xFF, v39;
	v36 =	vld.idx.msk [tilespmem:v36+s11+$0x0], $0xffff  }
0x2c1: {  	v34 =	vadd.s32 v7, v34;
	v24 =	vand.u32 $0xFFFF0000, v24;
	v39 =	vand.u32 $0xFF, v41;
	v38 =	vld.idx.msk [tilespmem:v38+s11+$0x0], $0xffff  }
0x2c2: {  	vm9 =	veq.s32 v32, v17;
	v31 =	vadd.s32 v7, v31;
	vm8 =	veq.s32 v37, v17;
	v28 =	vld.idx.msk [tilespmem:v30+s11+$0x0], $0xffff  }
0x2c3: {  	vm7 =	veq.s32 v25, v17;
	v37 =	vadd.s32 v7, v33;
	v30 =	vadd.s32 v7, v35;
	v32 =	vld.idx.msk [tilespmem:v27+s11+$0x0], $0xffff  }
0x2c4: {  	vm4 =	veq.s32 v23, v17;
	vm5 =	veq.s32 v22, v17;
	v25 =	vld.idx.msk [tilespmem:v29+s11+$0x0], $0xffff;
	v29 =	vadd.s32 v7, v26  }
0x2c5: {  	vm3 =	veq.s32 v24, v17;
	v22 =	vadd.s32 v7, v21;
	v27 =	vadd.s32 v7, v39;
	v26 =	vld.idx.msk [tilespmem:v40+s11+$0x0], $0xffff  }
.Ltmp17:
0x2c6: {  	vm2 =	veq.s32 v20, v17;
	v21 =	vshrl.u32 v36, $0x8;
	v20 =	vand.u32 $0xFFFF0000, v36;
	v23 =	vld.idx.msk [tilespmem:v42+s11+$0x0], $0xffff;
	(pc) =	sbr.rel @p0 .LBB2_33-.Ltmp17, $4  }
0x2c7: {  	v33 =	vshrl.u32 v38, $0x8;
	v35 =	vand.u32 $0xFFFF0000, v38;
	v21 =	vand.u32 $0xFF, v21;
	v24 =	vld.idx.msk [tilespmem:v43+s11+$0x0], $0xffff  }
0x2c8: {  	v36 =	vshrl.u32 v28, $0x8;
	v33 =	vand.u32 $0xFF, v33;
	vm6 =	veq.s32 v35, v17;
	[tilespmem:v34+s12+$0x0] =	vst.idx.add.s32.msk vm9, v5  }
0x2c9: {  	v34 =	vshrl.u32 v32, $0x8;
	v32 =	vand.u32 $0xFFFF0000, v32;
	v33 =	vadd.s32 v7, v33;
	[tilespmem:v31+s12+$0x0] =	vst.idx.add.s32.msk vm8, v5  }
0x2ca: {  	s21 =	sadd.s32 $0x10, s21;
	v34 =	vand.u32 $0xFF, v34;
	v31 =	vand.u32 $0xFF, v36;
	v35 =	vshrl.u32 v25, $0x8;
	[tilespmem:v37+s12+$0x0] =	vst.idx.add.s32.msk vm7, v5  }
0x2cb: {  	_ =	sdelay $0x2  }
0x2cc: {  	v28 =	vand.u32 $0xFFFF0000, v28  }
0x2cd: {  	v36 =	vshrl.u32 v26, $0x8;
	v37 =	vshrl.u32 v23, $0x8;
	vm7 =	veq.s32 v32, v17  }
0x2ce: {  	v35 =	vand.u32 $0xFF, v35;
	v25 =	vand.u32 $0xFFFF0000, v25;
	[tilespmem:v30+s12+$0x0] =	vst.idx.add.s32.msk vm5, v5;
	v30 =	vadd.s32 v7, v34  }
0x2cf: {  	v26 =	vand.u32 $0xFFFF0000, v26;
	[tilespmem:v29+s12+$0x0] =	vst.idx.add.s32.msk vm4, v5;
	v29 =	vadd.s32 v7, v31;
	vm8 =	veq.s32 v20, v17  }
0x2d0: {  	v23 =	vand.u32 $0xFFFF0000, v23;
	v20 =	vadd.s32 v7, v21;
	vm5 =	veq.s32 v28, v17  }
0x2d1: {  	[tilespmem:v27+s12+$0x0] =	vst.idx.add.s32.msk vm3, v5;
	v57 =	vshrl.u32 v24, $0x8;
	v36 =	vand.u32 $0xFF, v36;
	vm4 =	veq.s32 v25, v17  }
0x2d2: {  	[tilespmem:v33+s12+$0x0] =	vst.idx.add.s32.msk vm6, v5;
	v28 =	vand.u32 $0xFF, v37;
	v25 =	vadd.s32 v7, v35;
	vm3 =	veq.s32 v26, v17  }
0x2d3: {  	[tilespmem:v22+s12+$0x0] =	vst.idx.add.s32.msk vm2, v5;
	v24 =	vand.u32 $0xFFFF0000, v24;
	vm6 =	veq.s32 v23, v17;
	v26 =	vadd.s32 v7, v36  }
0x2d4: {  	v22 =	vand.u32 $0xFF, v57;
	v23 =	vadd.s32 v7, v28;
	vm2 =	veq.s32 v24, v17;
	[tilespmem:v30+s12+$0x0] =	vst.idx.add.s32.msk vm7, v5  }
0x2d5: {  	s0 =	simm.s32 $0xFF;
	v22 =	vadd.s32 v7, v22;
	[tilespmem:v20+s12+$0x0] =	vst.idx.add.s32.msk vm8, v5  }
0x2d6: {  	v21 =	vadd.s32 s0, v6;
	[tilespmem:v29+s12+$0x0] =	vst.idx.add.s32.msk vm5, v5  }
0x2d7: {  	s25 =	simm.s32 $0xFD;
	v24 =	vadd.s32 s0, v8;
	[tilespmem:v25+s12+$0x0] =	vst.idx.add.s32.msk vm4, v5  }
0x2d8: {  	s22 =	simm.s32 $0xFC;
	v27 =	vadd.s32 s25, v6;
	[tilespmem:v26+s12+$0x0] =	vst.idx.add.s32.msk vm3, v5  }
0x2d9: {  	s1 =	simm.s32 $0xFE;
	v20 =	vadd.s32 s22, v6;
	[tilespmem:v23+s12+$0x0] =	vst.idx.add.s32.msk vm6, v5  }
0x2da: {  	v23 =	vadd.s32 s1, v6;
	[tilespmem:v22+s12+$0x0] =	vst.idx.add.s32.msk vm2, v5  }
0x2db: {  	v26 =	vadd.s32 s1, v8;
	v21 =	vld.idx.msk [tilespmem:v21+s12+$0x0], $0xffff  }
0x2dc: {  	v25 =	vadd.s32 s25, v8;
	v24 =	vld.idx.msk [tilespmem:v24+s12+$0x0], $0xffff  }
0x2dd: {  	v22 =	vadd.s32 s22, v8;
	v27 =	vld.idx.msk [tilespmem:v27+s12+$0x0], $0xffff  }
0x2de: {  	v20 =	vld.idx.msk [tilespmem:v20+s12+$0x0], $0xffff  }
0x2df: {  	v28 =	vld.idx.msk [tilespmem:v23+s12+$0x0], $0xffff  }
0x2e0: {  	s24 =	simm.s32 $0xFB;
	v30 =	vld.idx.msk [tilespmem:v26+s12+$0x0], $0xffff  }
0x2e1: {  	v31 =	vimm.s32 $0x0;
	s23 =	simm.s32 $0xFA;
	s20 =	simm.s32 $0xF8;
	v58 =	vadd.s32 s24, v6;
	v25 =	vld.idx.msk [tilespmem:v25+s12+$0x0], $0xffff  }
0x2e2: {  	v18 =	vsub.s32 v18, v19;
	s21 =	simm.s32 $0xF9;
	v59 =	vadd.s32 s23, v6;
	v62 =	vadd.s32 s20, v8;
	v29 =	vld.idx.msk [tilespmem:v22+s12+$0x0], $0xffff  }
0x2e3: {  	v60 =	vadd.s32 s21, v8;
	v19 =	vadd.s32 v31, v21;
	v21 =	vadd.s32 s24, v8  }
0x2e4: {  	v61 =	vadd.s32 s20, v6;
	v23 =	vadd.s32 s21, v6;
	v26 =	vadd.s32 v24, v19  }
0x2e5: {  	v22 =	vadd.s32 s23, v8;
	vm2 =	vge.s32 v26, v18;
	v19 =	vadd.s32 v28, v30  }
0x2e6: {  	v28 =	vld.idx.msk [tilespmem:v58+s12+$0x0], $0xffff;
	v27 =	vadd.s32 v27, v25;
	vm3 =	vmand vm2, vm1;
	vm2 =	vmor vm0, vm2  }
0x2e7: {  	v25 =	vld.idx.msk [tilespmem:v62+s12+$0x0], $0xffff;
	v63 =	vadd.s32 v20, v29;
	v24 =	vadd.s32 v26, v19;
	vm5 =	vmneg vm2  }
0x2e8: {  	v32 =	vsel vm3, v31, v31;
	v19 =	vld.idx.msk [tilespmem:v21+s12+$0x0], $0xffff;
	vm4 =	vge.s32 v24, v18;
	v21 =	vsel vm3, s0, v31  }
0x2e9: {  	v20 =	vld.idx.msk [tilespmem:v59+s12+$0x0], $0xffff;
	v29 =	vadd.s32 v24, v27;
	vm2 =	vmor vm2, vm4;
	vm3 =	vmand vm4, vm5  }
0x2ea: {  	v27 =	vld.idx.msk [tilespmem:v61+s12+$0x0], $0xffff;
	vm4 =	vge.s32 v29, v18;
	v31 =	vsel vm3, s1, v21;
	v21 =	vadd.s32 v29, v63  }
0x2eb: {  	s26 =	simm.s32 $0xF4;
	s0 =	simm.s32 $0x4;
	vm5 =	vmneg vm2;
	vm2 =	vmor vm2, vm4;
	v30 =	vadd.s32 v21, v28;
	v28 =	vld.idx.msk [tilespmem:v60+s12+$0x0], $0xffff  }
.LBB2_35:
0x2ec: {  	s1 =	sadd.s32 $0x3, s26;
	s28 =	sadd.s32 $0x2, s26;
	s0 =	sadd.s32 $0x4, s0;
	v33 =	vld.idx.msk [tilespmem:v22+s12+$0x0], $0xffff;
	v26 =	vsel vm3, v26, v32;
	vm3 =	vmand vm4, vm5;
	vm4 =	vge.s32 v21, v18  }
0x2ed: {  	vm5 =	vmneg vm2;
	v32 =	vadd.s32 s1, v6;
	v34 =	vadd.s32 s1, v8;
	p0 =	slt.u32 s0, $0xFC;
	v35 =	vld.idx.msk [tilespmem:v23+s12+$0x0], $0xffff  }
0x2ee: {  	v36 =	vadd.s32 s28, v6;
	v22 =	vadd.s32 s28, v8;
	v31 =	vsel vm3, s25, v31;
	s25 =	smov.u32 s21  }
0x2ef: {  	s21 =	sadd.s32 $0x1, s26;
	v24 =	vsel vm3, v24, v26;
	vm3 =	vmand vm4, vm5;
	vm2 =	vmor vm2, vm4  }
0x2f0: {  	v23 =	vadd.s32 s21, v6;
	v31 =	vsel vm3, s22, v31;
	v29 =	vsel vm3, v29, v24;
	s22 =	smov.u32 s20;
	s20 =	smov.u32 s26  }
0x2f1: {  	v37 =	vadd.s32 s21, v8  }
0x2f2: {  	v39 =	vadd.s32 s26, v6;
	v40 =	vadd.s32 v27, v25;
	v38 =	vld.idx.msk [tilespmem:v32+s12+$0x0], $0xffff;
	v32 =	vadd.s32 s26, v8  }
0x2f3: {  	v26 =	vadd.s32 v19, v30;
	v24 =	vadd.s32 v20, v33;
	v27 =	vadd.s32 v35, v28;
	v19 =	vld.idx.msk [tilespmem:v34+s12+$0x0], $0xffff  }
0x2f4: {  	vm3 =	vge.s32 v26, v18;
	vm4 =	vmneg vm2;
	v24 =	vadd.s32 v26, v24;
	v20 =	vld.idx.msk [tilespmem:v36+s12+$0x0], $0xffff  }
.Ltmp18:
0x2f5: {  	vm4 =	vmand vm3, vm4;
	vm2 =	vmor vm2, vm3;
	vm3 =	vge.s32 v24, v18;
	(pc) =	sbr.rel @p0 .LBB2_35-.Ltmp18, $4  }
0x2f6: {  	vm5 =	vmneg vm2;
	v28 =	vsel vm4, s24, v31;
	s24 =	smov.u32 s1;
	vm2 =	vmor vm2, vm3  }
0x2f7: {  	vm3 =	vmand vm3, vm5;
	v25 =	vld.idx.msk [tilespmem:v32+s12+$0x0], $0xffff;
	v32 =	vsel vm4, v21, v29;
	v29 =	vadd.s32 v24, v27  }
0x2f8: {  	v31 =	vsel vm3, s23, v28;
	s23 =	smov.u32 s28;
	v27 =	vld.idx.msk [tilespmem:v39+s12+$0x0], $0xffff;
	vm4 =	vge.s32 v29, v18;
	v21 =	vadd.s32 v29, v40  }
0x2f9: {  	s26 =	sadd.s32 $0xFFFFFFFC, s26;
	vm5 =	vmneg vm2;
	v30 =	vadd.s32 v21, v38;
	v28 =	vld.idx.msk [tilespmem:v37+s12+$0x0], $0xffff;
	vm2 =	vmor vm2, vm4  }
0x2fa: {  	_ =	sdelay $0x3  }
0x2fb: {  	v22 =	vld.idx.msk [tilespmem:v22+s12+$0x0], $0xffff;
	v26 =	vsel vm3, v26, v32;
	vm3 =	vmand vm4, vm5  }
0x2fc: {  	vm10 =	vge.s32 v21, v18;
	vm11 =	vmneg vm2;
	v19 =	vadd.s32 v19, v30  }
0x2fd: {  	v23 =	vld.idx.msk [tilespmem:v23+s12+$0x0], $0xffff;
	v31 =	vsel vm3, s25, v31;
	v24 =	vsel vm3, v24, v26;
	vm3 =	vmand vm10, vm11  }
0x2fe: {  	vm2 =	vmor vm2, vm10;
	v62 =	vsel vm3, s22, v31;
	v24 =	vsel vm3, v29, v24  }
0x2ff: {  	vm3 =	vge.s32 v19, v18;
	vm4 =	vmneg vm2;
	v25 =	vadd.s32 v27, v25  }
0x300: {  	vm4 =	vmand vm3, vm4;
	vm2 =	vmor vm2, vm3;
	v20 =	vadd.s32 v20, v22  }
0x301: {  	s0 =	simm.s32 $0x18140;
	vm12 =	vmneg vm2;
	v21 =	vsel vm4, v21, v24;
	v20 =	vadd.s32 v19, v20  }
0x302: {  	[tilespmem:s0+$0xFFFFFFC0] =	vst v3;
	v22 =	vadd.s32 v23, v28;
	v23 =	vsel vm4, s24, v62;
	vm3 =	vge.s32 v20, v18  }
0x303: {  	p0 =	por $0x1, $0x1;
	[tilespmem:s0+$0x30] =	vst v3;
	v22 =	vadd.s32 v20, v22;
	vm2 =	vmor vm2, vm3;
	vm3 =	vmand vm3, vm12  }
.Ltmp19:
0x304: {  	[tilespmem:s0+$0x20] =	vst v3;
	vm13 =	vge.s32 v22, v18;
	v63 =	vadd.s32 v22, v25;
	v23 =	vsel vm3, s23, v23;
	(pc) =	sbr.rel @!p0 .LBB2_38-.Ltmp19, $4  }
0x305: {  	[tilespmem:s0+$0x10] =	vst v3;
	vm14 =	vmneg vm2;
	vm2 =	vmor vm2, vm13;
	v19 =	vsel vm3, v19, v21  }
0x306: {  	[tilespmem:s0+$0x0] =	vst v3;
	vm15 =	vge.s32 v63, v18;
	vm3 =	vmand vm13, vm14;
	vm2 =	vmneg vm2  }
0x307: {  	[tilespmem:s0+$0xFFFFFFF0] =	vst v3;
	v21 =	vsel vm3, s21, v23;
	v20 =	vsel vm3, v20, v19;
	vm2 =	vmand vm15, vm2  }
0x308: {  	[tilespmem:s0+$0xFFFFFFE0] =	vst v3;
	v19 =	vsel vm2, s20, v21;
	v20 =	vsel vm2, v22, v20;
	s20 =	simm.s32 $0x0  }
.LBB2_37:
0x309: {  	s20 =	sadd.s32 $0x8, s20;
	[tilespmem:s0+$0xFFFFFFD0] =	vst v3;
	s0 =	sadd.s32 $0x80, s0  }
0x30a: {  	[tilespmem:s0+$0xFFFFFFC0] =	vst v3;
	p0 =	slt.u32 s20, $0xF8  }
0x30b: {  	[tilespmem:s0+$0x30] =	vst v3  }
.Ltmp20:
0x30c: {  	[tilespmem:s0+$0x20] =	vst v3;
	(pc) =	sbr.rel @p0 .LBB2_37-.Ltmp20, $4  }
0x30d: {  	[tilespmem:s0+$0x10] =	vst v3  }
0x30e: {  	[tilespmem:s0+$0x0] =	vst v3  }
0x30f: {  	[tilespmem:s0+$0xFFFFFFF0] =	vst v3  }
0x310: {  	[tilespmem:s0+$0xFFFFFFE0] =	vst v3  }
.LBB2_38:
0x311: {  	s1 =	simm.s32 $0xC  }
0x312: {  	s20 =	simm.s32 $0xE;
	v21 =	vadd.s32 s1, v4  }
0x313: {  	s29 =	simm.s32 $0x2;
	v22 =	vadd.s32 s20, v4  }
0x314: {  	s30 =	simm.s32 $0x0;
	v23 =	vadd.s32 s29, v4  }
0x315: {  	[tilespmem:s0+$0xFFFFFFD0] =	vst v3;
	s31 =	simm.s32 $0x4;
	v24 =	vadd.s32 s30, v4  }
0x316: {  	s24 =	simm.s32 $0x1C;
	[tilespmem:$0x19100] =	vst v3;
	v25 =	vadd.s32 s31, v4  }
0x317: {  	s20 =	simm.s32 $0x6;
	v31 =	vadd.s32 s24, v4;
	v21 =	vld.idx.msk [tilespmem:v21+s11+$0x0], $0xffff  }
0x318: {  	s21 =	simm.s32 $0x8;
	v26 =	vadd.s32 s20, v4;
	v22 =	vld.idx.msk [tilespmem:v22+s11+$0x0], $0xffff  }
0x319: {  	s22 =	simm.s32 $0xA;
	v19 =	vshll.u32 v19, $0x8;
	v27 =	vadd.s32 s21, v4;
	v23 =	vld.idx.msk [tilespmem:v23+s11+$0x0], $0xffff  }
0x31a: {  	v28 =	vadd.s32 s22, v4;
	v19 =	vor.u32 v17, v19;
	v17 =	vld.idx.msk [tilespmem:v24+s11+$0x0], $0xffff  }
0x31b: {  	s25 =	simm.s32 $0x12;
	v25 =	vld.idx.msk [tilespmem:v25+s11+$0x0], $0xffff  }
0x31c: {  	s26 =	simm.s32 $0x10;
	s28 =	simm.s32 $0x14;
	v32 =	vadd.s32 s25, v4;
	v40 =	vld.idx.msk [tilespmem:v31+s11+$0x0], $0xffff;
	v24 =	vand.u32 $0xFFFFFF00, v21  }
0x31d: {  	v34 =	vadd.s32 s26, v4;
	s29 =	simm.s32 $0x16;
	v35 =	vadd.s32 s28, v4;
	s30 =	simm.s32 $0x18;
	s31 =	simm.s32 $0x1A;
	vm2 =	veq.s32 v24, v19;
	v24 =	vld.idx.msk [tilespmem:v26+s11+$0x0], $0xffff  }
0x31e: {  	s23 =	simm.s32 $0x1E;
	v36 =	vadd.s32 s29, v4;
	v38 =	vadd.s32 s30, v4;
	v39 =	vadd.s32 s31, v4;
	v26 =	vld.idx.msk [tilespmem:v27+s11+$0x0], $0xffff  }
0x31f: {  	v29 =	vand.u32 $0xFFFFFF00, v22;
	v21 =	vand.u32 $0xFF, v21;
	v27 =	vld.idx.msk [tilespmem:v28+s11+$0x0], $0xffff;
	v28 =	vadd.s32 s23, v4  }
0x320: {  	v22 =	vand.u32 $0xFF, v22;
	vm3 =	veq.s32 v29, v19;
	v21 =	vadd.s32 v7, v21  }
0x321: {  	v30 =	vand.u32 $0xFF, v17;
	v17 =	vand.u32 $0xFFFFFF00, v17;
	v22 =	vadd.s32 v7, v22  }
0x322: {  	v61 =	vld.idx.msk [tilespmem:v35+s11+$0x0], $0xffff;
	v33 =	vand.u32 $0xFF, v25;
	v29 =	vand.u32 $0xFFFFFF00, v23;
	vm8 =	veq.s32 v17, v19  }
0x323: {  	v25 =	vand.u32 $0xFFFFFF00, v25;
	vm9 =	veq.s32 v29, v19;
	v29 =	vadd.s32 v7, v30;
	v30 =	vld.idx.msk [tilespmem:v34+s11+$0x0], $0xffff  }
0x324: {  	v63 =	vand.u32 $0xFF, v40;
	v23 =	vand.u32 $0xFF, v23;
	vm7 =	veq.s32 v25, v19;
	v28 =	vld.idx.msk [tilespmem:v28+s11+$0x0], $0xffff  }
0x325: {  	v62 =	vadd.s32 v7, v33;
	v60 =	vadd.s32 v7, v23;
	v37 =	vand.u32 $0xFFFFFF00, v27;
	[tilespmem:v21+s12+$0x0] =	vst.idx.add.s32.msk vm2, v5  }
0x326: {  	v17 =	vand.u32 $0xFF, v26;
	v21 =	vand.u32 $0xFF, v24;
	v24 =	vand.u32 $0xFFFFFF00, v24;
	[tilespmem:v22+s12+$0x0] =	vst.idx.add.s32.msk vm3, v5  }
0x327: {  	v22 =	vand.u32 $0xFFFFFF00, v26;
	v26 =	vand.u32 $0xFF, v27;
	v27 =	vld.idx.msk [tilespmem:v32+s11+$0x0], $0xffff;
	vm2 =	veq.s32 v37, v19  }
0x328: {  	[tilespmem:v29+s12+$0x0] =	vst.idx.add.s32.msk vm8, v5;
	v33 =	vand.u32 $0xFFFFFF00, v30;
	vm4 =	veq.s32 v24, v19;
	vm3 =	veq.s32 v22, v19  }
0x329: {  	v31 =	vld.idx.msk [tilespmem:v36+s11+$0x0], $0xffff;
	v25 =	vadd.s32 v7, v21;
	v24 =	vadd.s32 v7, v17;
	v22 =	vadd.s32 v7, v26  }
0x32a: {  	v17 =	vld.idx.msk [tilespmem:v38+s11+$0x0], $0xffff;
	v23 =	vand.u32 $0xFF, v28;
	v26 =	vand.u32 $0xFFFFFF00, v28;
	v28 =	vand.u32 $0xFFFFFF00, v40  }
0x32b: {  	v32 =	vand.u32 $0xFFFFFF00, v61;
	v21 =	vld.idx.msk [tilespmem:v39+s11+$0x0], $0xffff;
	v23 =	vadd.s32 v7, v23;
	vm6 =	veq.s32 v28, v19  }
0x32c: {  	[tilespmem:v62+s12+$0x0] =	vst.idx.add.s32.msk vm7, v5;
	vm5 =	veq.s32 v26, v19;
	v28 =	vand.u32 $0xFF, v30;
	v30 =	vadd.s32 v7, v63  }
0x32d: {  	s0 =	simm.s32 $0x2E;
	s20 =	simm.s32 $0x8;
	[tilespmem:v60+s12+$0x0] =	vst.idx.add.s32.msk vm9, v5;
	v26 =	vand.u32 $0xFFFFFF00, v27;
	v29 =	vand.u32 $0xFF, v27;
	v27 =	vand.u32 $0xFF, v61  }
.LBB2_39:
0x32e: {  	s1 =	sadd.s32 $0xFFFFFFF4, s0;
	s21 =	sadd.s32 $0xFFFFFFFE, s0;
	v34 =	vadd.s32 s0, v4;
	s20 =	sadd.s32 $0x8, s20;
	v35 =	vand.u32 $0xFF, v31;
	v31 =	vand.u32 $0xFFFFFF00, v31;
	[tilespmem:v25+s12+$0x0] =	vst.idx.add.s32.msk vm4, v5  }
0x32f: {  	s22 =	sadd.s32 $0xFFFFFFF8, s0;
	v37 =	vand.u32 $0xFFFFFF00, v17;
	v25 =	vadd.s32 s1, v4;
	s1 =	sadd.s32 $0xFFFFFFF6, s0;
	v36 =	vadd.s32 s21, v4;
	p0 =	slt.u32 s20, $0x7F8;
	[tilespmem:v24+s12+$0x0] =	vst.idx.add.s32.msk vm3, v5  }
0x330: {  	s21 =	sadd.s32 $0xFFFFFFF2, s0;
	v39 =	vadd.s32 s22, v4;
	s22 =	sadd.s32 $0xFFFFFFFC, s0;
	v24 =	vand.u32 $0xFFFFFF00, v21;
	v38 =	vadd.s32 s1, v4;
	s1 =	sadd.s32 $0xFFFFFFFA, s0;
	[tilespmem:v22+s12+$0x0] =	vst.idx.add.s32.msk vm2, v5  }
0x331: {  	v22 =	vadd.s32 s21, v4;
	v41 =	vadd.s32 s22, v4;
	v40 =	vadd.s32 s1, v4;
	[tilespmem:v30+s12+$0x0] =	vst.idx.add.s32.msk vm6, v5  }
0x332: {  	vm8 =	veq.s32 v33, v19;
	v17 =	vand.u32 $0xFF, v17;
	v21 =	vand.u32 $0xFF, v21;
	[tilespmem:v23+s12+$0x0] =	vst.idx.add.s32.msk vm5, v5  }
0x333: {  	vm9 =	veq.s32 v26, v19;
	vm7 =	veq.s32 v32, v19;
	vm4 =	veq.s32 v31, v19;
	v23 =	vld.idx.msk [tilespmem:v34+s11+$0x0], $0xffff  }
0x334: {  	v28 =	vadd.s32 v7, v28;
	vm3 =	veq.s32 v37, v19;
	vm2 =	veq.s32 v24, v19;
	v30 =	vld.idx.msk [tilespmem:v36+s11+$0x0], $0xffff  }
0x335: {  	v29 =	vadd.s32 v7, v29;
	v34 =	vadd.s32 v7, v27;
	v32 =	vld.idx.msk [tilespmem:v25+s11+$0x0], $0xffff;
	v25 =	vadd.s32 v7, v35  }
0x336: {  	v24 =	vadd.s32 v7, v17;
	v27 =	vld.idx.msk [tilespmem:v22+s11+$0x0], $0xffff;
	v22 =	vadd.s32 v7, v21  }
0x337: {  	v35 =	vld.idx.msk [tilespmem:v38+s11+$0x0], $0xffff  }
0x338: {  	v31 =	vld.idx.msk [tilespmem:v39+s11+$0x0], $0xffff  }
.Ltmp21:
0x339: {  	v26 =	vand.u32 $0xFF, v23;
	v33 =	vand.u32 $0xFFFFFF00, v23;
	v17 =	vld.idx.msk [tilespmem:v40+s11+$0x0], $0xffff;
	(pc) =	sbr.rel @p0 .LBB2_39-.Ltmp21, $4  }
0x33a: {  	v36 =	vand.u32 $0xFFFFFF00, v30;
	v23 =	vadd.s32 v7, v26;
	vm5 =	veq.s32 v33, v19;
	v21 =	vld.idx.msk [tilespmem:v41+s11+$0x0], $0xffff  }
0x33b: {  	v30 =	vand.u32 $0xFF, v30;
	v26 =	vand.u32 $0xFFFFFF00, v32;
	vm6 =	veq.s32 v36, v19;
	[tilespmem:v28+s12+$0x0] =	vst.idx.add.s32.msk vm8, v5  }
0x33c: {  	v30 =	vadd.s32 v7, v30;
	v28 =	vand.u32 $0xFF, v27;
	v33 =	vand.u32 $0xFFFFFF00, v27;
	[tilespmem:v29+s12+$0x0] =	vst.idx.add.s32.msk vm9, v5  }
0x33d: {  	s0 =	sadd.s32 $0x10, s0;
	v29 =	vand.u32 $0xFF, v32;
	v27 =	vand.u32 $0xFF, v35;
	v32 =	vand.u32 $0xFFFFFF00, v35;
	[tilespmem:v34+s12+$0x0] =	vst.idx.add.s32.msk vm7, v5  }
0x33e: {  	_ =	sdelay $0x3  }
0x33f: {  	v34 =	vand.u32 $0xFF, v31;
	vm7 =	veq.s32 v33, v19  }
0x340: {  	v31 =	vand.u32 $0xFFFFFF00, v31;
	[tilespmem:v25+s12+$0x0] =	vst.idx.add.s32.msk vm4, v5;
	vm4 =	veq.s32 v26, v19;
	v25 =	vadd.s32 v7, v28  }
0x341: {  	v26 =	vand.u32 $0xFFFFFF00, v17;
	[tilespmem:v24+s12+$0x0] =	vst.idx.add.s32.msk vm3, v5;
	vm3 =	veq.s32 v32, v19;
	v24 =	vadd.s32 v7, v29  }
0x342: {  	[tilespmem:v22+s12+$0x0] =	vst.idx.add.s32.msk vm2, v5;
	v22 =	vadd.s32 v7, v27;
	v17 =	vand.u32 $0xFF, v17;
	vm2 =	veq.s32 v31, v19  }
0x343: {  	[tilespmem:v30+s12+$0x0] =	vst.idx.add.s32.msk vm6, v5;
	v28 =	vand.u32 $0xFFFFFF00, v21;
	vm6 =	veq.s32 v26, v19;
	v26 =	vadd.s32 v7, v34  }
0x344: {  	[tilespmem:v23+s12+$0x0] =	vst.idx.add.s32.msk vm5, v5;
	v21 =	vand.u32 $0xFF, v21;
	v17 =	vadd.s32 v7, v17;
	vm5 =	veq.s32 v28, v19  }
0x345: {  	s0 =	simm.s32 $0xFF;
	v21 =	vadd.s32 v7, v21;
	[tilespmem:v25+s12+$0x0] =	vst.idx.add.s32.msk vm7, v5  }
0x346: {  	v23 =	vadd.s32 s0, v6;
	[tilespmem:v24+s12+$0x0] =	vst.idx.add.s32.msk vm4, v5  }
0x347: {  	s1 =	simm.s32 $0xFE;
	[tilespmem:v22+s12+$0x0] =	vst.idx.add.s32.msk vm3, v5;
	v22 =	vadd.s32 s0, v8  }
0x348: {  	v24 =	vadd.s32 s1, v8;
	[tilespmem:v26+s12+$0x0] =	vst.idx.add.s32.msk vm2, v5  }
0x349: {  	s22 =	simm.s32 $0xFC;
	v25 =	vadd.s32 s1, v6;
	[tilespmem:v17+s12+$0x0] =	vst.idx.add.s32.msk vm6, v5  }
0x34a: {  	s25 =	simm.s32 $0xFD;
	v17 =	vadd.s32 s22, v6;
	[tilespmem:v21+s12+$0x0] =	vst.idx.add.s32.msk vm5, v5  }
0x34b: {  	v26 =	vadd.s32 s25, v6;
	v23 =	vld.idx.msk [tilespmem:v23+s12+$0x0], $0xffff  }
0x34c: {  	v21 =	vadd.s32 s22, v8;
	v27 =	vld.idx.msk [tilespmem:v22+s12+$0x0], $0xffff  }
0x34d: {  	v22 =	vadd.s32 s25, v8;
	v24 =	vld.idx.msk [tilespmem:v24+s12+$0x0], $0xffff  }
0x34e: {  	v25 =	vld.idx.msk [tilespmem:v25+s12+$0x0], $0xffff  }
0x34f: {  	s24 =	simm.s32 $0xFB;
	v28 =	vld.idx.msk [tilespmem:v17+s12+$0x0], $0xffff  }
0x350: {  	v30 =	vimm.s32 $0x0;
	s23 =	simm.s32 $0xFA;
	s20 =	simm.s32 $0xF8;
	v31 =	vadd.s32 s24, v6;
	v29 =	vld.idx.msk [tilespmem:v26+s12+$0x0], $0xffff  }
0x351: {  	v62 =	vadd.s32 s23, v6;
	v63 =	vadd.s32 s23, v8;
	v35 =	vadd.s32 s20, v6;
	v21 =	vld.idx.msk [tilespmem:v21+s12+$0x0], $0xffff  }
0x352: {  	s21 =	simm.s32 $0xF9;
	v17 =	vsub.s32 v18, v20;
	v20 =	vadd.s32 s24, v8;
	v18 =	vadd.s32 v30, v23;
	v61 =	vld.idx.msk [tilespmem:v22+s12+$0x0], $0xffff  }
0x353: {  	v36 =	vadd.s32 s20, v8;
	v23 =	vadd.s32 s21, v6;
	v26 =	vadd.s32 v27, v18  }
0x354: {  	v22 =	vadd.s32 s21, v8;
	v18 =	vadd.s32 v25, v24;
	vm2 =	vge.s32 v26, v17  }
0x355: {  	v37 =	vld.idx.msk [tilespmem:v31+s12+$0x0], $0xffff;
	v24 =	vadd.s32 v26, v18;
	vm3 =	vmand vm2, vm1;
	vm2 =	vmor vm0, vm2  }
0x356: {  	v25 =	vld.idx.msk [tilespmem:v35+s12+$0x0], $0xffff;
	v21 =	vadd.s32 v28, v21;
	vm4 =	vge.s32 v24, v17;
	vm5 =	vmneg vm2  }
0x357: {  	v18 =	vld.idx.msk [tilespmem:v20+s12+$0x0], $0xffff;
	vm6 =	vmor vm2, vm4;
	v32 =	vsel vm3, v30, v30;
	v27 =	vadd.s32 v29, v61  }
0x358: {  	v20 =	vld.idx.msk [tilespmem:v63+s12+$0x0], $0xffff;
	vm2 =	vmand vm4, vm5;
	vm5 =	vmneg vm6;
	v28 =	vadd.s32 v24, v27  }
0x359: {  	v29 =	vsel vm3, s0, v30;
	v27 =	vld.idx.msk [tilespmem:v36+s12+$0x0], $0xffff;
	vm4 =	vge.s32 v28, v17;
	v21 =	vadd.s32 v28, v21  }
0x35a: {  	s26 =	simm.s32 $0xF4;
	s0 =	simm.s32 $0x4;
	v31 =	vsel vm2, s1, v29;
	v29 =	vld.idx.msk [tilespmem:v62+s12+$0x0], $0xffff;
	v30 =	vadd.s32 v21, v37;
	vm3 =	vmor vm6, vm4  }
.LBB2_41:
0x35b: {  	s1 =	sadd.s32 $0x3, s26;
	s28 =	sadd.s32 $0x2, s26;
	s0 =	sadd.s32 $0x4, s0;
	v33 =	vld.idx.msk [tilespmem:v23+s12+$0x0], $0xffff;
	v23 =	vsel vm2, v26, v32;
	vm2 =	vmand vm4, vm5;
	vm4 =	vge.s32 v21, v17  }
0x35c: {  	vm5 =	vmneg vm3;
	v26 =	vadd.s32 s1, v6;
	v32 =	vadd.s32 s1, v8;
	p0 =	slt.u32 s0, $0xFC;
	v34 =	vld.idx.msk [tilespmem:v22+s12+$0x0], $0xffff  }
0x35d: {  	v35 =	vadd.s32 s28, v6;
	v36 =	vadd.s32 s28, v8;
	v22 =	vsel vm2, s25, v31;
	s25 =	smov.u32 s21  }
0x35e: {  	s21 =	sadd.s32 $0x1, s26;
	v24 =	vsel vm2, v24, v23;
	vm2 =	vmand vm4, vm5;
	vm3 =	vmor vm3, vm4  }
0x35f: {  	v23 =	vadd.s32 s21, v6;
	v31 =	vsel vm2, s22, v22;
	v28 =	vsel vm2, v28, v24;
	s22 =	smov.u32 s20;
	s20 =	smov.u32 s26  }
0x360: {  	v22 =	vadd.s32 s21, v8  }
0x361: {  	v38 =	vadd.s32 s26, v6;
	v39 =	vadd.s32 s26, v8;
	v40 =	vadd.s32 v25, v27;
	v37 =	vld.idx.msk [tilespmem:v26+s12+$0x0], $0xffff  }
0x362: {  	v24 =	vadd.s32 v29, v20;
	v26 =	vadd.s32 v18, v30;
	v27 =	vadd.s32 v33, v34;
	v18 =	vld.idx.msk [tilespmem:v32+s12+$0x0], $0xffff  }
0x363: {  	vm4 =	vmneg vm3;
	vm2 =	vge.s32 v26, v17;
	v24 =	vadd.s32 v26, v24;
	v20 =	vld.idx.msk [tilespmem:v36+s12+$0x0], $0xffff  }
.Ltmp22:
0x364: {  	vm4 =	vmand vm2, vm4;
	vm2 =	vmor vm3, vm2;
	vm3 =	vge.s32 v24, v17;
	(pc) =	sbr.rel @p0 .LBB2_41-.Ltmp22, $4  }
0x365: {  	v29 =	vsel vm4, s24, v31;
	vm5 =	vmneg vm2;
	vm6 =	vmor vm2, vm3;
	s24 =	smov.u32 s1  }
0x366: {  	v32 =	vsel vm4, v21, v28;
	v28 =	vadd.s32 v24, v27;
	vm2 =	vmand vm3, vm5;
	v25 =	vld.idx.msk [tilespmem:v38+s12+$0x0], $0xffff  }
0x367: {  	vm4 =	vge.s32 v28, v17;
	v21 =	vadd.s32 v28, v40;
	v31 =	vsel vm2, s23, v29;
	s23 =	smov.u32 s28;
	v27 =	vld.idx.msk [tilespmem:v39+s12+$0x0], $0xffff  }
0x368: {  	s26 =	sadd.s32 $0xFFFFFFFC, s26;
	vm5 =	vmneg vm6;
	v30 =	vadd.s32 v21, v37;
	vm3 =	vmor vm6, vm4;
	v29 =	vld.idx.msk [tilespmem:v35+s12+$0x0], $0xffff  }
0x369: {  	_ =	sdelay $0x1  }
0x36a: {  	vm4 =	vmand vm4, vm5;
	vm15 =	vge.s32 v21, v17  }
0x36b: {  	vm6 =	vmneg vm3;
	v26 =	vsel vm2, v26, v32;
	v18 =	vadd.s32 v18, v30  }
0x36c: {  	v23 =	vld.idx.msk [tilespmem:v23+s12+$0x0], $0xffff;
	v30 =	vimm.f32 $0.0e+00;
	s29 =	simm.s32 $0xC;
	v31 =	vsel vm4, s25, v31;
	vm2 =	vmand vm15, vm6  }
0x36d: {  	v22 =	vld.idx.msk [tilespmem:v22+s12+$0x0], $0xffff;
	v24 =	vsel vm4, v24, v26;
	vm3 =	vmor vm3, vm15;
	v33 =	vadd.s32 s29, v4  }
0x36e: {  	s1 =	simm.s32 $0x2;
	s28 =	simm.s32 $0xA;
	v26 =	vsel vm2, s22, v31;
	v24 =	vsel vm2, v28, v24;
	vm2 =	vge.s32 v18, v17  }
0x36f: {  	vm9 =	vmneg vm3;
	v28 =	vadd.s32 s1, v4;
	v31 =	vadd.s32 s28, v4  }
0x370: {  	s22 =	simm.s32 $0x0;
	v25 =	vadd.s32 v25, v27;
	vm4 =	vmand vm2, vm9;
	vm2 =	vmor vm3, vm2  }
0x371: {  	v20 =	vadd.s32 v29, v20;
	v21 =	vsel vm4, v21, v24;
	v24 =	vadd.s32 s22, v4  }
0x372: {  	s0 =	simm.s32 $0xE;
	vm10 =	vmneg vm2;
	v22 =	vadd.s32 v23, v22;
	v23 =	vadd.s32 v18, v20  }
0x373: {  	v20 =	vsel vm4, s24, v26;
	v26 =	vadd.s32 s0, v4;
	vm3 =	vge.s32 v23, v17  }
0x374: {  	s24 =	simm.s32 $0x4;
	v22 =	vadd.s32 v23, v22;
	vm2 =	vmor vm2, vm3;
	vm3 =	vmand vm3, vm10  }
0x375: {  	s25 =	simm.s32 $0x6;
	v27 =	vsel vm3, s23, v20;
	v20 =	vadd.s32 v22, v25;
	v25 =	vadd.s32 s24, v4  }
0x376: {  	vm11 =	vge.s32 v22, v17;
	vm12 =	vmneg vm2;
	v29 =	vld.idx.msk [tilespmem:v24+s11+$0x0], $0xffff;
	v24 =	vadd.s32 s25, v4  }
0x377: {  	v28 =	vld.idx.msk [tilespmem:v28+s11+$0x0], $0xffff;
	vm2 =	vmor vm2, vm11;
	v18 =	vsel vm3, v18, v21;
	vm3 =	vmand vm11, vm12  }
0x378: {  	s26 =	simm.s32 $0x8;
	vm13 =	vge.s32 v20, v17;
	vm2 =	vmneg vm2;
	v21 =	vsel vm3, s21, v27  }
0x379: {  	s30 =	simm.s32 $0x12;
	v20 =	vld.idx.msk [tilespmem:v26+s11+$0x0], $0xffff;
	vm2 =	vmand vm13, vm2;
	v18 =	vsel vm3, v23, v18;
	v26 =	vadd.s32 s26, v4  }
0x37a: {  	v21 =	vsel vm2, s20, v21;
	v18 =	vsel vm2, v22, v18;
	v22 =	vadd.s32 s30, v4;
	v49 =	vld.idx.msk [tilespmem:v25+s11+$0x0], $0xffff  }
0x37b: {  	vm3 =	vlt.s32 v29, $0x0;
	v27 =	vld.idx.msk [tilespmem:v24+s11+$0x0], $0xffff;
	v24 =	vand.u32 $0x7FFFFFFF, v29;
	v25 =	vxor.u32 $0xFFFFFFFF, v29  }
0x37c: {  	v19 =	vor.u32 v19, v21;
	vm14 =	vlt.s32 v28, $0x0;
	v24 =	vsel vm3, v24, v25  }
0x37d: {  	s20 =	simm.s32 $0x1E;
	v34 =	vxor.u32 $0xFFFFFFFF, v28;
	v25 =	vand.u32 $0x7FFFFFFF, v28;
	v24 =	vmul.f32 $1.442695020e+00, v24  }
0x37e: {  	v21 =	vadd.s32 s20, v4;
	vm15 =	vlt.u32 v19, v29;
	v26 =	vld.idx.msk [tilespmem:v26+s11+$0x0], $0xffff;
	v34 =	vsel vm14, v25, v34  }
0x37f: {  	vm2 =	vlt.s32 v20, $0x0;
	v25 =	vld.idx.msk [tilespmem:v31+s11+$0x0], $0xffff;
	v31 =	vmul.f32 $1.442695020e+00, v34;
	(erf) = vpow2.f32 v24  }
0x380: {  	vm3 =	vlt.s32 v49, $0x0;
	v35 =	vand.u32 $0x7FFFFFFF, v49;
	v50 =	vxor.u32 $0xFFFFFFFF, v49  }
0x381: {  	v63 =	vxor.u32 $0xFFFFFFFF, v20;
	v34 =	vsel vm3, v35, v50;
	vm3 =	vlt.s32 v27, $0x0  }
0x382: {  	v51 =	vand.u32 $0x7FFFFFFF, v27;
	v53 =	vxor.u32 $0xFFFFFFFF, v27;
	(erf) = vpow2.f32 v31  }
0x383: {  	v24 =	vld.idx.msk [tilespmem:v33+s11+$0x0], $0xffff;
	v31 =	vand.u32 $0x7FFFFFFF, v20;
	v52 =	vmul.f32 $1.442695020e+00, v34;
	v34 =	vsel vm3, v51, v53  }
0x384: {  	vm3 =	vlt.s32 v26, $0x0;
	v54 =	vand.u32 $0x7FFFFFFF, v26;
	v36 =	vxor.u32 $0xFFFFFFFF, v26  }
0x385: {  	v55 =	vmul.f32 $1.442695020e+00, v34;
	v56 =	vsel vm3, v54, v36;
	(erf) = vpow2.f32 v52  }
0x386: {  	vm3 =	vlt.s32 v25, $0x0;
	v57 =	vand.u32 $0x7FFFFFFF, v25;
	v58 =	vxor.u32 $0xFFFFFFFF, v25  }
0x387: {  	v34 =	vmul.f32 $1.442695020e+00, v56;
	v59 =	vsel vm3, v57, v58;
	(erf) = vpow2.f32 v55  }
0x388: {  	vm3 =	vlt.s32 v24, $0x0;
	v60 =	vand.u32 $0x7FFFFFFF, v24;
	v33 =	vmul.f32 $1.442695020e+00, v59;
	v62 =	vpop (erf)  }
0x389: {  	v61 =	vxor.u32 $0xFFFFFFFF, v24;
	(erf) = vpow2.f32 v34;
	v34 =	vnsel vm15, $0x0, v62  }
0x38a: {  	v29 =	vsel vm3, v60, v61;
	vm3 =	vlt.u32 v19, v28;
	v30 =	vadd.f32 v34, v30  }
0x38b: {  	s31 =	simm.s32 $0x10;
	v28 =	vsel vm2, v31, v63;
	v29 =	vmul.f32 $1.442695020e+00, v29;
	v31 =	vpop (erf);
	(erf) = vpow2.f32 v33  }
0x38c: {  	v23 =	vadd.s32 s31, v4  }
0x38d: {  	v28 =	vmul.f32 $1.442695020e+00, v28;
	v31 =	vnsel vm3, $0x0, v31;
	(erf) = vpow2.f32 v29  }
0x38e: {  	s22 =	simm.s32 $0x2E;
	s21 =	simm.s32 $0x8;
	vm2 =	vlt.u32 v19, v49;
	v29 =	vadd.f32 v31, v30;
	v30 =	vpop (erf)  }
.LBB2_43:
0x38f: {  	s0 =	sadd.s32 $0xFFFFFFF6, s20;
	v31 =	vld.idx.msk [tilespmem:v21+s11+$0x0], $0xffff;
	v21 =	vadd.s32 s22, v4;
	v30 =	vnsel vm2, $0x0, v30;
	(erf) = vpow2.f32 v28  }
0x390: {  	s1 =	sadd.s32 $0xFFFFFFFE, s20;
	vm2 =	vlt.u32 v19, v27;
	v28 =	vld.idx.msk [tilespmem:v22+s11+$0x0], $0xffff;
	v32 =	vadd.s32 s0, v4;
	s0 =	sadd.s32 $0xFFFFFFFC, s20;
	v22 =	vadd.f32 v30, v29;
	v27 =	vpop (erf)  }
0x391: {  	s23 =	sadd.s32 $0xFFFFFFF8, s20;
	v33 =	vadd.s32 s1, v4;
	v29 =	vld.idx.msk [tilespmem:v23+s11+$0x0], $0xffff;
	v30 =	vadd.s32 s0, v4;
	v35 =	vnsel vm2, $0x0, v27  }
0x392: {  	s1 =	sadd.s32 $0xFFFFFFFA, s20;
	s20 =	smov.u32 s22;
	s0 =	sadd.s32 $0xFFFFFFF4, s22;
	v27 =	vadd.s32 s23, v4;
	vm2 =	vlt.u32 v19, v26;
	v34 =	vadd.f32 v35, v22;
	v23 =	vpop (erf)  }
0x393: {  	s23 =	sadd.s32 $0xFFFFFFF2, s22;
	v26 =	vadd.s32 s1, v4;
	v22 =	vadd.s32 s0, v4;
	v35 =	vnsel vm2, $0x0, v23  }
0x394: {  	vm3 =	vlt.u32 v19, v25;
	v23 =	vadd.s32 s23, v4;
	v34 =	vadd.f32 v35, v34;
	v25 =	vpop (erf)  }
0x395: {  	vm2 =	vlt.s32 v31, $0x0;
	v32 =	vld.idx.msk [tilespmem:v32+s11+$0x0], $0xffff;
	v25 =	vnsel vm3, $0x0, v25;
	vm3 =	vlt.u32 v19, v20;
	v20 =	vmovc v31  }
0x396: {  	vm4 =	vlt.u32 v19, v24;
	v31 =	vand.u32 $0x7FFFFFFF, v20;
	v36 =	vadd.f32 v25, v34;
	v24 =	vpop (erf)  }
0x397: {  	vm6 =	vlt.s32 v28, $0x0;
	vm5 =	vlt.s32 v29, $0x0;
	v27 =	vld.idx.msk [tilespmem:v27+s11+$0x0], $0xffff;
	v24 =	vnsel vm4, $0x0, v24  }
0x398: {  	v34 =	vand.u32 $0x7FFFFFFF, v29;
	v35 =	vxor.u32 $0xFFFFFFFF, v29;
	v24 =	vadd.f32 v24, v36;
	v25 =	vpop (erf)  }
0x399: {  	v34 =	vsel vm5, v34, v35;
	v35 =	vand.u32 $0x7FFFFFFF, v28;
	v26 =	vld.idx.msk [tilespmem:v26+s11+$0x0], $0xffff;
	v25 =	vnsel vm3, $0x0, v25  }
0x39a: {  	v34 =	vmul.f32 $1.442695020e+00, v34;
	v36 =	vxor.u32 $0xFFFFFFFF, v28;
	v37 =	vadd.f32 v25, v24  }
0x39b: {  	v24 =	vsel vm6, v35, v36;
	vm3 =	vlt.s32 v32, $0x0;
	v35 =	vand.u32 $0x7FFFFFFF, v32;
	v25 =	vld.idx.msk [tilespmem:v30+s11+$0x0], $0xffff  }
0x39c: {  	v30 =	vmul.f32 $1.442695020e+00, v24;
	v24 =	vxor.u32 $0xFFFFFFFF, v32;
	(erf) = vpow2.f32 v34  }
0x39d: {  	v34 =	vsel vm3, v35, v24;
	vm3 =	vlt.s32 v27, $0x0;
	v35 =	vand.u32 $0x7FFFFFFF, v27;
	v24 =	vld.idx.msk [tilespmem:v33+s11+$0x0], $0xffff  }
0x39e: {  	v33 =	vmul.f32 $1.442695020e+00, v34;
	v34 =	vxor.u32 $0xFFFFFFFF, v27;
	(erf) = vpow2.f32 v30  }
0x39f: {  	v30 =	vsel vm3, v35, v34;
	vm3 =	vlt.s32 v26, $0x0;
	v34 =	vand.u32 $0x7FFFFFFF, v26  }
0x3a0: {  	v35 =	vxor.u32 $0xFFFFFFFF, v26;
	v30 =	vmul.f32 $1.442695020e+00, v30;
	(erf) = vpow2.f32 v33  }
0x3a1: {  	v33 =	vsel vm3, v34, v35;
	vm3 =	vlt.s32 v25, $0x0;
	v34 =	vand.u32 $0x7FFFFFFF, v25  }
0x3a2: {  	v35 =	vxor.u32 $0xFFFFFFFF, v25;
	v33 =	vmul.f32 $1.442695020e+00, v33;
	(erf) = vpow2.f32 v30  }
0x3a3: {  	s21 =	sadd.s32 $0x8, s21;
	v30 =	vsel vm3, v34, v35;
	vm3 =	vlt.s32 v24, $0x0;
	v36 =	vand.u32 $0x7FFFFFFF, v24  }
0x3a4: {  	p0 =	slt.u32 s21, $0x7F8;
	v35 =	vxor.u32 $0xFFFFFFFF, v24;
	v30 =	vmul.f32 $1.442695020e+00, v30;
	(erf) = vpow2.f32 v33  }
.Ltmp23:
0x3a5: {  	vm4 =	vlt.u32 v19, v29;
	v29 =	vsel vm3, v36, v35;
	v33 =	vxor.u32 $0xFFFFFFFF, v20;
	v34 =	vpop (erf);
	(pc) =	sbr.rel @p0 .LBB2_43-.Ltmp23, $4  }
0x3a6: {  	v29 =	vmul.f32 $1.442695020e+00, v29;
	v34 =	vnsel vm4, $0x0, v34;
	(erf) = vpow2.f32 v30  }
0x3a7: {  	vm3 =	vlt.u32 v19, v28;
	v28 =	vsel vm2, v31, v33;
	v34 =	vadd.f32 v34, v37;
	v31 =	vpop (erf)  }
0x3a8: {  	v28 =	vmul.f32 $1.442695020e+00, v28;
	v31 =	vnsel vm3, $0x0, v31;
	(erf) = vpow2.f32 v29  }
0x3a9: {  	s22 =	sadd.s32 $0x10, s22;
	vm2 =	vlt.u32 v19, v32;
	v29 =	vadd.f32 v31, v34;
	v30 =	vpop (erf)  }
0x3aa: {  	_ =	sdelay $0x3  }
0x3ab: {  	v30 =	vnsel vm2, $0x0, v30;
	v23 =	vld.idx.msk [tilespmem:v23+s11+$0x0], $0xffff  }
0x3ac: {  	s0 =	sadd.s32 $0xFFFFFFF6, s20;
	vm2 =	vlt.u32 v19, v27;
	v22 =	vld.idx.msk [tilespmem:v22+s11+$0x0], $0xffff;
	v29 =	vadd.f32 v30, v29;
	v27 =	vpop (erf)  }
0x3ad: {  	(erf) = vpow2.f32 v28;
	s23 =	sadd.s32 $0xFFFFFFF8, s20;
	v31 =	vadd.s32 s0, v4;
	v27 =	vnsel vm2, $0x0, v27  }
0x3ae: {  	v28 =	vadd.s32 s23, v4;
	vm2 =	vlt.u32 v19, v26;
	v27 =	vadd.f32 v27, v29;
	v26 =	vpop (erf)  }
0x3af: {  	s24 =	sadd.s32 $0xFFFFFFFA, s20;
	vm3 =	vlt.u32 v19, v25;
	v26 =	vnsel vm2, $0x0, v26  }
0x3b0: {  	vm4 =	vlt.u32 v19, v24;
	v32 =	vadd.s32 s24, v4;
	v26 =	vadd.f32 v26, v27;
	v25 =	vpop (erf)  }
0x3b1: {  	vm5 =	vlt.s32 v23, $0x0;
	vm15 =	vlt.s32 v22, $0x0;
	v25 =	vnsel vm3, $0x0, v25  }
0x3b2: {  	v27 =	vld.idx.msk [tilespmem:v31+s11+$0x0], $0xffff;
	vm3 =	vlt.u32 v19, v20;
	v31 =	vxor.u32 $0xFFFFFFFF, v22;
	v20 =	vadd.f32 v25, v26;
	v24 =	vpop (erf)  }
0x3b3: {  	v25 =	vld.idx.msk [tilespmem:v28+s11+$0x0], $0xffff;
	v26 =	vand.u32 $0x7FFFFFFF, v23;
	v28 =	vxor.u32 $0xFFFFFFFF, v23;
	v24 =	vnsel vm4, $0x0, v24  }
0x3b4: {  	s21 =	sadd.s32 $0xFFFFFFFE, s20;
	v20 =	vadd.f32 v24, v20;
	v24 =	vsel vm5, v26, v28;
	v26 =	vand.u32 $0x7FFFFFFF, v22  }
0x3b5: {  	v30 =	vadd.s32 s21, v4;
	v24 =	vmul.f32 $1.442695020e+00, v24;
	v26 =	vsel vm15, v26, v31  }
0x3b6: {  	s1 =	sadd.s32 $0xFFFFFFFC, s20;
	v28 =	vld.idx.msk [tilespmem:v32+s11+$0x0], $0xffff;
	v26 =	vmul.f32 $1.442695020e+00, v26  }
0x3b7: {  	v29 =	vadd.s32 s1, v4;
	vm8 =	vlt.s32 v27, $0x0;
	(erf) = vpow2.f32 v24  }
0x3b8: {  	v31 =	vand.u32 $0x7FFFFFFF, v27;
	v57 =	vxor.u32 $0xFFFFFFFF, v27;
	(erf) = vpow2.f32 v26  }
0x3b9: {  	v21 =	vld.idx.msk [tilespmem:v21+s11+$0x0], $0xffff;
	v24 =	vsel vm8, v31, v57;
	vm9 =	vlt.s32 v25, $0x0  }
0x3ba: {  	v30 =	vld.idx.msk [tilespmem:v30+s11+$0x0], $0xffff;
	v31 =	vand.u32 $0x7FFFFFFF, v25;
	v58 =	vxor.u32 $0xFFFFFFFF, v25;
	v24 =	vmul.f32 $1.442695020e+00, v24  }
0x3bb: {  	v26 =	vsel vm9, v31, v58;
	vm10 =	vlt.s32 v28, $0x0  }
0x3bc: {  	v31 =	vand.u32 $0x7FFFFFFF, v28;
	v59 =	vxor.u32 $0xFFFFFFFF, v28;
	(erf) = vpow2.f32 v24  }
0x3bd: {  	v29 =	vld.idx.msk [tilespmem:v29+s11+$0x0], $0xffff;
	v26 =	vmul.f32 $1.442695020e+00, v26;
	v24 =	vsel vm10, v31, v59  }
0x3be: {  	vm2 =	vlt.s32 v21, $0x0;
	vm12 =	vlt.u32 v19, v23;
	v60 =	vpop (erf);
	v24 =	vmul.f32 $1.442695020e+00, v24  }
0x3bf: {  	v32 =	vnsel vm3, $0x0, v60;
	vm3 =	vlt.s32 v30, $0x0;
	(erf) = vpow2.f32 v26  }
0x3c0: {  	v61 =	vxor.u32 $0xFFFFFFFF, v30;
	(erf) = vpow2.f32 v24;
	v24 =	vand.u32 $0x7FFFFFFF, v30;
	v23 =	vpop (erf)  }
0x3c1: {  	v20 =	vadd.f32 v32, v20;
	v24 =	vsel vm3, v24, v61;
	vm3 =	vlt.u32 v19, v22;
	v22 =	vpop (erf)  }
0x3c2: {  	vm11 =	vlt.s32 v29, $0x0;
	v23 =	vnsel vm12, $0x0, v23;
	v22 =	vnsel vm3, $0x0, v22  }
0x3c3: {  	v33 =	vxor.u32 $0xFFFFFFFF, v29;
	v31 =	vand.u32 $0x7FFFFFFF, v29;
	v20 =	vadd.f32 v23, v20  }
0x3c4: {  	v26 =	vand.u32 $0x7FFFFFFF, v21;
	v31 =	vsel vm11, v31, v33;
	v23 =	vxor.u32 $0xFFFFFFFF, v21  }
0x3c5: {  	v23 =	vsel vm2, v26, v23;
	vm2 =	vlt.u32 v19, v27;
	v20 =	vadd.f32 v22, v20;
	v22 =	vpop (erf)  }
0x3c6: {  	v31 =	vmul.f32 $1.442695020e+00, v31;
	v22 =	vnsel vm2, $0x0, v22;
	_ =	sdelay $0x1  }
0x3c7: {  	(erf) = vpow2.f32 v31  }
0x3c8: {  	vm2 =	vlt.u32 v19, v25;
	v20 =	vadd.f32 v22, v20;
	v22 =	vpop (erf)  }
0x3c9: {  	v24 =	vmul.f32 $1.442695020e+00, v24;
	v22 =	vnsel vm2, $0x0, v22;
	_ =	sdelay $0x1  }
0x3ca: {  	(erf) = vpow2.f32 v24;
	v23 =	vmul.f32 $1.442695020e+00, v23  }
0x3cb: {  	vm2 =	vlt.u32 v19, v28;
	v20 =	vadd.f32 v22, v20;
	v22 =	vpop (erf)  }
0x3cc: {  	(erf) = vpow2.f32 v23;
	v22 =	vnsel vm2, $0x0, v22;
	_ =	sdelay $0x2  }
0x3cd: {  	vm2 =	vlt.u32 v19, v29;
	v20 =	vadd.f32 v22, v20;
	v22 =	vpop (erf)  }
0x3ce: {  	v22 =	vnsel vm2, $0x0, v22  }
0x3cf: {  	v20 =	vadd.f32 v22, v20  }
0x3d0: {  	v23 =	vxor.u32 $0xFFFFFFFF, v19;
	vm2 =	vlt.s32 v19, $0x0;
	v22 =	vand.u32 $0x7FFFFFFF, v19  }
0x3d1: {  	vm3 =	vlt.u32 v19, v30;
	v25 =	vmul.f32 $1.442695020e+00, v16;
	v24 =	vpop (erf);
	v22 =	vsel vm2, v22, v23  }
0x3d2: {  	v23 =	vnsel vm3, $0x0, v24;
	v22 =	vmul.f32 $1.442695020e+00, v22  }
0x3d3: {  	(erf) = vpow2.f32 v25;
	vm2 =	vlt.u32 v19, v21;
	v19 =	vadd.f32 v23, v20;
	v20 =	vpop (erf)  }
0x3d4: {  	v21 =	vor.u32 $0x8, v1;
	(erf) = vpow2.f32 v22;
	v20 =	vnsel vm2, $0x0, v20  }
0x3d5: {  	v19 =	vadd.f32 v20, v19;
	_ =	sdelay $0x1  }
0x3d6: {  	[tilespmem:$0x19180] =	vst v19  }
0x3d7: {  	v19 =	vld.idx.msk [tilespmem:v1+s13+$0x0], $0xffff  }
0x3d8: {  	v20 =	vld.idx.msk [tilespmem:v21+s13+$0x0], $0xffff;
	_ =	sdelay $0x1  }
0x3d9: {  	v17 =	vsub.s32 v17, v18  }
0x3da: {  	v17 =	vcvt.s32.f32 v17;
	v18 =	vpop (erf)  }
0x3db: {  	v21 =	vpop (erf)  }
0x3dc: {  	v19 =	vadd.f32 v20, v19;
	v17 =	vmul.f32 v17, v21  }
0x3dd: {  	v20 =	vor.u32 s19, v1  }
0x3de: {  	v17 =	vadd.f32 v19, v17;
	_ =	sdelay $0x1  }
0x3df: {  	v17 =	vadd.f32 v17, v18;
	_ =	sdelay $0x1  }
0x3e0: {  	s19 =	sor.u32 $0x8, s19;
	[tilespmem:v20+s14+$0x0] =	vst.idx.msk $0xff, v17  }
0x3e1: {  	s20 =	sor.u32 s3, s19;
	[tilespmem:v20+s15+$0x0] =	vst.idx.msk $0xff, v16  }
0x3e2: {  	s25 =	smin.u32 s20, $0xFF0;
	_ =	swait.ge [sflag:s9], $0x8000  }
0x3e3: {  	s0 =	sshll.u32 s25, $0x9;
	[sflag:s9] =	ssyncset.done $0x0  }
0x3e4: {  	s26 =	simm.s32 $0x8070;
	s0 =	sadd.s32 s0, s5;
	[sflag:s9] =	ssyncadd.s32 $0xFFFF8000  }
0x3e5: {  	v17 =	vmov s20;
	[tilespmem:s2], [sflag:$0x1] =	stream.linear.gather [hbm4b:s0+s2], $0x8000, $0x38;
	[tilespmem:$0x19300] =	vst v63  }
0x3e6: {  	v18 =	vor.u32 s20, v1;
	v19 =	vshll.u32 v17, $0x3;
	v16 =	vld [tilespmem:s26+$0x0]  }
0x3e7: {  	v18 =	vand.u32 $0x7F, v18;
	v19 =	vand.u32 $0x7FFFFC00, v19;
	v20 =	vld [tilespmem:s26+$0xFFFFFF90]  }
0x3e8: {  	v18 =	vor.u32 v18, v19;
	v19 =	vor.u32 $0x8000, v2;
	v21 =	vld [tilespmem:s26+$0xFFFFFFA0]  }
0x3e9: {  	s21 =	simm.s32 $0x70;
	v18 =	vadd.s32 v19, v18;
	v19 =	vld [tilespmem:s26+$0xFFFFFFB0]  }
0x3ea: {  	s22 =	simm.s32 $0x0;
	s23 =	simm.s32 $0x30;
	v22 =	vor.u32 s21, v0;
	v23 =	vld [tilespmem:s26+$0xFFFFFFC0]  }
0x3eb: {  	v41 =	vor.u32 s22, v0;
	v26 =	vor.u32 s23, v0;
	vm13 =	veq.s32 v22, v17;
	v25 =	vld [tilespmem:s26+$0xFFFFFFD0]  }
0x3ec: {  	v22 =	vld [tilespmem:s26+$0xFFFFFFE0];
	vm3 =	vlt.s32 v16, $0x0;
	v24 =	vxor.u32 $0xFFFFFFFF, v16;
	v16 =	vor.u32 $0x80000000, v16  }
0x3ed: {  	vm2 =	vlt.s32 v20, $0x0;
	v27 =	vor.u32 $0x80000000, v20;
	vm14 =	vlt.s32 v21, $0x0  }
0x3ee: {  	v29 =	vxor.u32 $0xFFFFFFFF, v21;
	v21 =	vor.u32 $0x80000000, v21;
	v30 =	vxor.u32 $0xFFFFFFFF, v19  }
0x3ef: {  	v62 =	vor.u32 $0x80000000, v19;
	vm15 =	vlt.s32 v23, $0x0;
	v63 =	vxor.u32 $0xFFFFFFFF, v23  }
0x3f0: {  	v34 =	vor.u32 $0x80000000, v23;
	vm6 =	vlt.s32 v25, $0x0;
	v35 =	vxor.u32 $0xFFFFFFFF, v25  }
0x3f1: {  	v36 =	vor.u32 $0x80000000, v25;
	vm7 =	vlt.s32 v22, $0x0;
	v16 =	vsel vm3, v24, v16  }
0x3f2: {  	s28 =	simm.s32 $0x10;
	s29 =	simm.s32 $0x20;
	v37 =	vxor.u32 $0xFFFFFFFF, v22;
	v38 =	vor.u32 $0x80000000, v22;
	v31 =	vsel vm13, $0x0, v16;
	v16 =	vld [tilespmem:s26+$0xFFFFFFF0]  }
0x3f3: {  	s30 =	simm.s32 $0x50;
	s24 =	simm.s32 $0x40;
	v25 =	vor.u32 s28, v0;
	v23 =	vor.u32 s29, v0;
	v24 =	vxor.u32 $0xFFFFFFFF, v20  }
0x3f4: {  	vm3 =	vlt.s32 v19, $0x0;
	v20 =	vor.u32 s24, v0;
	v19 =	vor.u32 s30, v0  }
0x3f5: {  	v29 =	vsel vm14, v29, v21;
	v22 =	vsel vm6, v35, v36;
	v28 =	vsel vm2, v24, v27  }
0x3f6: {  	v30 =	vsel vm3, v30, v62;
	v24 =	vsel vm15, v63, v34;
	vm2 =	veq.s32 v41, v17  }
0x3f7: {  	s31 =	simm.s32 $0x60;
	s22 =	simm.s32 $0x10040;
	vm8 =	vlt.s32 v16, $0x0;
	v39 =	vxor.u32 $0xFFFFFFFF, v16;
	v40 =	vor.u32 $0x80000000, v16  }
0x3f8: {  	s23 =	simm.s32 $0x10040;
	s25 =	simm.s32 $0x8470;
	v21 =	vor.u32 s31, v0;
	s24 =	simm.s32 $0x0;
	v27 =	vsel vm7, v37, v38;
	v16 =	vld.idx.msk [tilespmem:v18+s2+$0x0], $0xffff;
	[tilespmem:s22+$0x30] =	vst v31;
	v18 =	vsel vm8, v39, v40  }
.LBB2_45:
0x3f9: {  	v31 =	vld [tilespmem:s25+$0x0];
	s24 =	sadd.s32 $0x8, s24;
	vm3 =	veq.s32 v25, v17;
	vm4 =	veq.s32 v23, v17;
	vm5 =	veq.s32 v26, v17  }
0x3fa: {  	vm6 =	veq.s32 v20, v17;
	vm7 =	veq.s32 v19, v17;
	vm8 =	veq.s32 v21, v17;
	v23 =	vld [tilespmem:s25+$0xFFFFFF90];
	p0 =	slt.u32 s24, $0xF8  }
0x3fb: {  	v20 =	vsel vm2, $0x0, v28;
	v21 =	vsel vm3, $0x0, v29;
	v25 =	vsel vm4, $0x0, v30;
	v19 =	vld [tilespmem:s25+$0xFFFFFFA0]  }
0x3fc: {  	s21 =	sadd.s32 $0x80, s21;
	v22 =	vsel vm6, $0x0, v22;
	v26 =	vld [tilespmem:s25+$0xFFFFFFB0];
	[tilespmem:s22+$0xFFFFFFC0] =	vst v20;
	v20 =	vsel vm5, $0x0, v24;
	v24 =	vsel vm7, $0x0, v27  }
0x3fd: {  	s0 =	sadd.s32 $0xFFFFFFA0, s21;
	s1 =	sadd.s32 $0xFFFFFFB0, s21;
	s26 =	sadd.s32 $0xFFFFFFC0, s21;
	v28 =	vor.u32 s21, v0;
	v18 =	vsel vm8, $0x0, v18;
	v27 =	vld [tilespmem:s25+$0xFFFFFFC0];
	[tilespmem:s22+$0xFFFFFFD0] =	vst v21  }
0x3fe: {  	s28 =	sadd.s32 $0xFFFFFFD0, s21;
	s29 =	sadd.s32 $0xFFFFFFE0, s21;
	s30 =	sadd.s32 $0xFFFFFFF0, s21;
	v21 =	vld [tilespmem:s25+$0xFFFFFFD0];
	vm3 =	vlt.s32 v31, $0x0;
	v29 =	vxor.u32 $0xFFFFFFFF, v31;
	v30 =	vor.u32 $0x80000000, v31;
	[tilespmem:s22+$0xFFFFFFE0] =	vst v25  }
0x3ff: {  	s31 =	sadd.s32 $0xFFFFFF90, s21;
	vm4 =	veq.s32 v28, v17;
	vm2 =	vlt.s32 v23, $0x0;
	v25 =	vld [tilespmem:s25+$0xFFFFFFE0];
	v28 =	vsel vm3, v29, v30;
	[tilespmem:s22+$0xFFFFFFF0] =	vst v20  }
0x400: {  	v29 =	vxor.u32 $0xFFFFFFFF, v23;
	v30 =	vor.u32 $0x80000000, v23;
	s22 =	sadd.s32 $0x80, s22;
	v20 =	vld [tilespmem:s25+$0xFFFFFFF0];
	v23 =	vsel vm4, $0x0, v28;
	[tilespmem:s23+$0x0] =	vst v22  }
0x401: {  	vm3 =	vlt.s32 v19, $0x0;
	v22 =	vxor.u32 $0xFFFFFFFF, v19;
	v31 =	vor.u32 $0x80000000, v19;
	[tilespmem:s22+$0x30] =	vst v23  }
0x402: {  	vm4 =	vlt.s32 v26, $0x0;
	v32 =	vxor.u32 $0xFFFFFFFF, v26;
	v33 =	vor.u32 $0x80000000, v26;
	[tilespmem:s23+$0x10] =	vst v24  }
0x403: {  	vm5 =	vlt.s32 v27, $0x0;
	v24 =	vxor.u32 $0xFFFFFFFF, v27;
	v27 =	vor.u32 $0x80000000, v27;
	[tilespmem:s23+$0x20] =	vst v18;
	s23 =	smov.u32 s22  }
0x404: {  	vm6 =	vlt.s32 v21, $0x0;
	v18 =	vxor.u32 $0xFFFFFFFF, v21;
	v34 =	vor.u32 $0x80000000, v21  }
0x405: {  	vm7 =	vlt.s32 v25, $0x0;
	v35 =	vxor.u32 $0xFFFFFFFF, v25;
	v36 =	vor.u32 $0x80000000, v25  }
0x406: {  	vm8 =	vlt.s32 v20, $0x0;
	v37 =	vxor.u32 $0xFFFFFFFF, v20;
	v38 =	vor.u32 $0x80000000, v20  }
.Ltmp24:
0x407: {  	v39 =	vor.u32 s31, v0;
	v23 =	vor.u32 s1, v0;
	v25 =	vor.u32 s0, v0;
	(pc) =	sbr.rel @p0 .LBB2_45-.Ltmp24, $4  }
0x408: {  	v19 =	vor.u32 s29, v0;
	v26 =	vor.u32 s26, v0;
	v20 =	vor.u32 s28, v0  }
0x409: {  	v28 =	vsel vm2, v29, v30;
	v29 =	vsel vm3, v22, v31;
	v21 =	vor.u32 s30, v0  }
0x40a: {  	v30 =	vsel vm4, v32, v33;
	v24 =	vsel vm5, v24, v27;
	v22 =	vsel vm6, v18, v34  }
0x40b: {  	vm2 =	veq.s32 v39, v17;
	s25 =	sadd.s32 $0x400, s25;
	v27 =	vsel vm7, v35, v36;
	v18 =	vsel vm8, v37, v38  }
0x40c: {  	vm3 =	veq.s32 v25, v17;
	v25 =	vsel vm2, $0x0, v28  }
0x40d: {  	vm2 =	veq.s32 v23, v17;
	v23 =	vsel vm3, $0x0, v29;
	[tilespmem:s22+$0xFFFFFFC0] =	vst v25  }
0x40e: {  	vm3 =	veq.s32 v26, v17;
	v25 =	vsel vm2, $0x0, v30;
	[tilespmem:s22+$0xFFFFFFD0] =	vst v23  }
0x40f: {  	vm2 =	veq.s32 v20, v17;
	v20 =	vsel vm3, $0x0, v24;
	[tilespmem:s22+$0xFFFFFFE0] =	vst v25  }
0x410: {  	vm3 =	veq.s32 v19, v17;
	v19 =	vsel vm2, $0x0, v22;
	[tilespmem:s22+$0xFFFFFFF0] =	vst v20  }
0x411: {  	vm2 =	veq.s32 v21, v17;
	v17 =	vsel vm3, $0x0, v27;
	[tilespmem:s23+$0x0] =	vst v19  }
0x412: {  	v18 =	vsel vm2, $0x0, v18;
	[tilespmem:s23+$0x10] =	vst v17  }
0x413: {  	s0 =	simm.s32 $0x80F0;
	[tilespmem:s23+$0x20] =	vst v18  }
0x414: {  	v18 =	vld [tilespmem:s0+$0x0]  }
0x415: {  	v19 =	vld [tilespmem:s0+$0xFFFFFF90]  }
0x416: {  	s25 =	simm.s32 $0x10;
	s28 =	simm.s32 $0x0;
	v20 =	vld [tilespmem:s0+$0xFFFFFFA0]  }
0x417: {  	s1 =	sor.u32 $0x1, s20;
	s21 =	simm.s32 $0x70;
	s29 =	simm.s32 $0x30;
	v39 =	vor.u32 s28, v0;
	v26 =	vor.u32 s25, v0;
	v21 =	vld [tilespmem:s0+$0xFFFFFFB0]  }
0x418: {  	v22 =	vor.u32 s21, v0;
	v27 =	vor.u32 s29, v0;
	v17 =	vmov s1;
	v23 =	vld [tilespmem:s0+$0xFFFFFFC0]  }
0x419: {  	v25 =	vld [tilespmem:s0+$0xFFFFFFD0];
	vm4 =	veq.s32 v22, v17;
	vm3 =	vlt.s32 v18, $0x0;
	v24 =	vxor.u32 $0xFFFFFFFF, v18  }
0x41a: {  	v22 =	vld [tilespmem:s0+$0xFFFFFFE0];
	v18 =	vor.u32 $0x80000000, v18;
	vm2 =	vlt.s32 v19, $0x0;
	v28 =	vxor.u32 $0xFFFFFFFF, v19  }
0x41b: {  	v19 =	vor.u32 $0x80000000, v19;
	v29 =	vxor.u32 $0xFFFFFFFF, v20;
	v30 =	vor.u32 $0x80000000, v20  }
0x41c: {  	vm15 =	vlt.s32 v21, $0x0;
	v31 =	vxor.u32 $0xFFFFFFFF, v21;
	v32 =	vor.u32 $0x80000000, v21  }
0x41d: {  	vm5 =	vlt.s32 v23, $0x0;
	v33 =	vxor.u32 $0xFFFFFFFF, v23;
	v23 =	vor.u32 $0x80000000, v23  }
0x41e: {  	vm6 =	vlt.s32 v25, $0x0;
	v34 =	vxor.u32 $0xFFFFFFFF, v25;
	v25 =	vor.u32 $0x80000000, v25  }
0x41f: {  	s31 =	simm.s32 $0x60;
	vm7 =	vlt.s32 v22, $0x0;
	v35 =	vxor.u32 $0xFFFFFFFF, v22;
	v18 =	vsel vm3, v24, v18;
	v24 =	vld [tilespmem:s0+$0xFFFFFFF0]  }
0x420: {  	s24 =	simm.s32 $0x40;
	s30 =	simm.s32 $0x50;
	v36 =	vor.u32 $0x80000000, v22;
	v21 =	vor.u32 s31, v0;
	vm3 =	vlt.s32 v20, $0x0  }
0x421: {  	v20 =	vor.u32 s24, v0;
	v28 =	vsel vm2, v28, v19;
	v19 =	vor.u32 s30, v0  }
0x422: {  	v23 =	vsel vm5, v33, v23;
	v22 =	vsel vm6, v34, v25;
	vm2 =	veq.s32 v39, v17  }
0x423: {  	v25 =	vsel vm7, v35, v36;
	v18 =	vsel vm4, $0x0, v18;
	v29 =	vsel vm3, v29, v30  }
0x424: {  	s26 =	simm.s32 $0x20;
	s22 =	simm.s32 $0x11090;
	vm8 =	vlt.s32 v24, $0x0;
	v37 =	vxor.u32 $0xFFFFFFFF, v24;
	v38 =	vor.u32 $0x80000000, v24  }
0x425: {  	s25 =	simm.s32 $0x84F0;
	s23 =	simm.s32 $0x11090;
	s24 =	simm.s32 $0x0;
	v30 =	vsel vm15, v31, v32;
	[tilespmem:s22+$0x0] =	vst v18;
	v24 =	vor.u32 s26, v0;
	v18 =	vsel vm8, v37, v38  }
.LBB2_47:
0x426: {  	v31 =	vld [tilespmem:s25+$0x0];
	s24 =	sadd.s32 $0x8, s24;
	vm3 =	veq.s32 v26, v17;
	vm4 =	veq.s32 v24, v17;
	vm5 =	veq.s32 v27, v17  }
0x427: {  	vm6 =	veq.s32 v20, v17;
	vm7 =	veq.s32 v19, v17;
	vm8 =	veq.s32 v21, v17;
	v24 =	vld [tilespmem:s25+$0xFFFFFF90];
	p0 =	slt.u32 s24, $0xF8  }
0x428: {  	v20 =	vsel vm2, $0x0, v28;
	v21 =	vsel vm3, $0x0, v29;
	v26 =	vsel vm4, $0x0, v30;
	v19 =	vld [tilespmem:s25+$0xFFFFFFA0]  }
0x429: {  	s21 =	sadd.s32 $0x80, s21;
	v22 =	vsel vm6, $0x0, v22;
	v27 =	vld [tilespmem:s25+$0xFFFFFFB0];
	[tilespmem:s22+$0xFFFFFF90] =	vst v20;
	v20 =	vsel vm5, $0x0, v23;
	v23 =	vsel vm7, $0x0, v25  }
0x42a: {  	s0 =	sadd.s32 $0xFFFFFFA0, s21;
	s1 =	sadd.s32 $0xFFFFFFB0, s21;
	s26 =	sadd.s32 $0xFFFFFFC0, s21;
	v28 =	vor.u32 s21, v0;
	v18 =	vsel vm8, $0x0, v18;
	v25 =	vld [tilespmem:s25+$0xFFFFFFC0];
	[tilespmem:s22+$0xFFFFFFA0] =	vst v21  }
0x42b: {  	s28 =	sadd.s32 $0xFFFFFFD0, s21;
	s29 =	sadd.s32 $0xFFFFFFE0, s21;
	s30 =	sadd.s32 $0xFFFFFFF0, s21;
	v21 =	vld [tilespmem:s25+$0xFFFFFFD0];
	vm3 =	vlt.s32 v31, $0x0;
	v29 =	vxor.u32 $0xFFFFFFFF, v31;
	v30 =	vor.u32 $0x80000000, v31;
	[tilespmem:s22+$0xFFFFFFB0] =	vst v26  }
0x42c: {  	s31 =	sadd.s32 $0xFFFFFF90, s21;
	vm4 =	veq.s32 v28, v17;
	vm2 =	vlt.s32 v24, $0x0;
	v26 =	vld [tilespmem:s25+$0xFFFFFFE0];
	v28 =	vsel vm3, v29, v30;
	[tilespmem:s22+$0xFFFFFFC0] =	vst v20  }
0x42d: {  	v29 =	vxor.u32 $0xFFFFFFFF, v24;
	v30 =	vor.u32 $0x80000000, v24;
	s22 =	sadd.s32 $0x80, s22;
	v20 =	vld [tilespmem:s25+$0xFFFFFFF0];
	v24 =	vsel vm4, $0x0, v28;
	[tilespmem:s23+$0xFFFFFFD0] =	vst v22  }
0x42e: {  	vm3 =	vlt.s32 v19, $0x0;
	v22 =	vxor.u32 $0xFFFFFFFF, v19;
	v31 =	vor.u32 $0x80000000, v19;
	[tilespmem:s22+$0x0] =	vst v24  }
0x42f: {  	vm4 =	vlt.s32 v27, $0x0;
	v32 =	vxor.u32 $0xFFFFFFFF, v27;
	v33 =	vor.u32 $0x80000000, v27;
	[tilespmem:s23+$0xFFFFFFE0] =	vst v23  }
0x430: {  	vm5 =	vlt.s32 v25, $0x0;
	v23 =	vxor.u32 $0xFFFFFFFF, v25;
	v25 =	vor.u32 $0x80000000, v25;
	[tilespmem:s23+$0xFFFFFFF0] =	vst v18;
	s23 =	smov.u32 s22  }
0x431: {  	vm6 =	vlt.s32 v21, $0x0;
	v18 =	vxor.u32 $0xFFFFFFFF, v21;
	v34 =	vor.u32 $0x80000000, v21  }
0x432: {  	vm7 =	vlt.s32 v26, $0x0;
	v35 =	vxor.u32 $0xFFFFFFFF, v26;
	v36 =	vor.u32 $0x80000000, v26  }
0x433: {  	vm8 =	vlt.s32 v20, $0x0;
	v37 =	vxor.u32 $0xFFFFFFFF, v20;
	v38 =	vor.u32 $0x80000000, v20  }
.Ltmp25:
0x434: {  	v39 =	vor.u32 s31, v0;
	v24 =	vor.u32 s1, v0;
	v26 =	vor.u32 s0, v0;
	(pc) =	sbr.rel @p0 .LBB2_47-.Ltmp25, $4  }
0x435: {  	v19 =	vor.u32 s29, v0;
	v27 =	vor.u32 s26, v0;
	v20 =	vor.u32 s28, v0  }
0x436: {  	v28 =	vsel vm2, v29, v30;
	v29 =	vsel vm3, v22, v31;
	v21 =	vor.u32 s30, v0  }
0x437: {  	v30 =	vsel vm4, v32, v33;
	v23 =	vsel vm5, v23, v25;
	v22 =	vsel vm6, v18, v34  }
0x438: {  	vm2 =	veq.s32 v39, v17;
	s25 =	sadd.s32 $0x400, s25;
	v25 =	vsel vm7, v35, v36;
	v18 =	vsel vm8, v37, v38  }
0x439: {  	vm3 =	veq.s32 v26, v17;
	v26 =	vsel vm2, $0x0, v28  }
0x43a: {  	vm2 =	veq.s32 v24, v17;
	v24 =	vsel vm3, $0x0, v29;
	[tilespmem:s22+$0xFFFFFF90] =	vst v26  }
0x43b: {  	vm3 =	veq.s32 v27, v17;
	v26 =	vsel vm2, $0x0, v30;
	[tilespmem:s22+$0xFFFFFFA0] =	vst v24  }
0x43c: {  	vm2 =	veq.s32 v20, v17;
	v20 =	vsel vm3, $0x0, v23;
	[tilespmem:s22+$0xFFFFFFB0] =	vst v26  }
0x43d: {  	vm3 =	veq.s32 v19, v17;
	v19 =	vsel vm2, $0x0, v22;
	[tilespmem:s22+$0xFFFFFFC0] =	vst v20  }
0x43e: {  	vm2 =	veq.s32 v21, v17;
	v17 =	vsel vm3, $0x0, v25;
	[tilespmem:s23+$0xFFFFFFD0] =	vst v19  }
0x43f: {  	v18 =	vsel vm2, $0x0, v18;
	[tilespmem:s23+$0xFFFFFFE0] =	vst v17  }
0x440: {  	s0 =	simm.s32 $0x8170;
	[tilespmem:s23+$0xFFFFFFF0] =	vst v18  }
0x441: {  	v18 =	vld [tilespmem:s0+$0x0]  }
0x442: {  	v19 =	vld [tilespmem:s0+$0xFFFFFF90]  }
0x443: {  	s28 =	simm.s32 $0x0;
	s29 =	simm.s32 $0x30;
	v20 =	vld [tilespmem:s0+$0xFFFFFFA0]  }
0x444: {  	s1 =	sor.u32 $0x2, s20;
	s21 =	simm.s32 $0x70;
	s25 =	simm.s32 $0x10;
	v39 =	vor.u32 s28, v0;
	v27 =	vor.u32 s29, v0;
	v21 =	vld [tilespmem:s0+$0xFFFFFFB0]  }
0x445: {  	v22 =	vor.u32 s21, v0;
	v26 =	vor.u32 s25, v0;
	v17 =	vmov s1;
	v23 =	vld [tilespmem:s0+$0xFFFFFFC0]  }
0x446: {  	v25 =	vld [tilespmem:s0+$0xFFFFFFD0];
	vm4 =	veq.s32 v22, v17;
	vm3 =	vlt.s32 v18, $0x0;
	v24 =	vxor.u32 $0xFFFFFFFF, v18  }
0x447: {  	v22 =	vld [tilespmem:s0+$0xFFFFFFE0];
	v18 =	vor.u32 $0x80000000, v18;
	vm2 =	vlt.s32 v19, $0x0;
	v28 =	vxor.u32 $0xFFFFFFFF, v19  }
0x448: {  	v19 =	vor.u32 $0x80000000, v19;
	v29 =	vxor.u32 $0xFFFFFFFF, v20;
	v30 =	vor.u32 $0x80000000, v20  }
0x449: {  	vm15 =	vlt.s32 v21, $0x0;
	v31 =	vxor.u32 $0xFFFFFFFF, v21;
	v32 =	vor.u32 $0x80000000, v21  }
0x44a: {  	vm5 =	vlt.s32 v23, $0x0;
	v33 =	vxor.u32 $0xFFFFFFFF, v23;
	v23 =	vor.u32 $0x80000000, v23  }
0x44b: {  	vm6 =	vlt.s32 v25, $0x0;
	v34 =	vxor.u32 $0xFFFFFFFF, v25;
	v25 =	vor.u32 $0x80000000, v25  }
0x44c: {  	s31 =	simm.s32 $0x60;
	vm7 =	vlt.s32 v22, $0x0;
	v35 =	vxor.u32 $0xFFFFFFFF, v22;
	v18 =	vsel vm3, v24, v18;
	v24 =	vld [tilespmem:s0+$0xFFFFFFF0]  }
0x44d: {  	s24 =	simm.s32 $0x40;
	s30 =	simm.s32 $0x50;
	v36 =	vor.u32 $0x80000000, v22;
	v21 =	vor.u32 s31, v0;
	vm3 =	vlt.s32 v20, $0x0  }
0x44e: {  	v20 =	vor.u32 s24, v0;
	v28 =	vsel vm2, v28, v19;
	v19 =	vor.u32 s30, v0  }
0x44f: {  	v23 =	vsel vm5, v33, v23;
	v22 =	vsel vm6, v34, v25;
	vm2 =	veq.s32 v39, v17  }
0x450: {  	v25 =	vsel vm7, v35, v36;
	v18 =	vsel vm4, $0x0, v18;
	v29 =	vsel vm3, v29, v30  }
0x451: {  	s26 =	simm.s32 $0x20;
	s22 =	simm.s32 $0x120B0;
	vm8 =	vlt.s32 v24, $0x0;
	v37 =	vxor.u32 $0xFFFFFFFF, v24;
	v38 =	vor.u32 $0x80000000, v24  }
0x452: {  	s25 =	simm.s32 $0x8570;
	s23 =	simm.s32 $0x120B0;
	s24 =	simm.s32 $0x0;
	v30 =	vsel vm15, v31, v32;
	[tilespmem:s22+$0x0] =	vst v18;
	v24 =	vor.u32 s26, v0;
	v18 =	vsel vm8, v37, v38  }
.LBB2_49:
0x453: {  	v31 =	vld [tilespmem:s25+$0x0];
	s24 =	sadd.s32 $0x8, s24;
	vm3 =	veq.s32 v26, v17;
	vm4 =	veq.s32 v24, v17;
	vm5 =	veq.s32 v27, v17  }
0x454: {  	vm6 =	veq.s32 v20, v17;
	vm7 =	veq.s32 v19, v17;
	vm8 =	veq.s32 v21, v17;
	v24 =	vld [tilespmem:s25+$0xFFFFFF90];
	p0 =	slt.u32 s24, $0xF8  }
0x455: {  	v20 =	vsel vm2, $0x0, v28;
	v21 =	vsel vm3, $0x0, v29;
	v26 =	vsel vm4, $0x0, v30;
	v19 =	vld [tilespmem:s25+$0xFFFFFFA0]  }
0x456: {  	s21 =	sadd.s32 $0x80, s21;
	v22 =	vsel vm6, $0x0, v22;
	v27 =	vld [tilespmem:s25+$0xFFFFFFB0];
	[tilespmem:s22+$0xFFFFFF90] =	vst v20;
	v20 =	vsel vm5, $0x0, v23;
	v23 =	vsel vm7, $0x0, v25  }
0x457: {  	s0 =	sadd.s32 $0xFFFFFFA0, s21;
	s1 =	sadd.s32 $0xFFFFFFB0, s21;
	s26 =	sadd.s32 $0xFFFFFFC0, s21;
	v28 =	vor.u32 s21, v0;
	v18 =	vsel vm8, $0x0, v18;
	v25 =	vld [tilespmem:s25+$0xFFFFFFC0];
	[tilespmem:s22+$0xFFFFFFA0] =	vst v21  }
0x458: {  	s28 =	sadd.s32 $0xFFFFFFD0, s21;
	s29 =	sadd.s32 $0xFFFFFFE0, s21;
	s30 =	sadd.s32 $0xFFFFFFF0, s21;
	v21 =	vld [tilespmem:s25+$0xFFFFFFD0];
	vm3 =	vlt.s32 v31, $0x0;
	v29 =	vxor.u32 $0xFFFFFFFF, v31;
	v30 =	vor.u32 $0x80000000, v31;
	[tilespmem:s22+$0xFFFFFFB0] =	vst v26  }
0x459: {  	s31 =	sadd.s32 $0xFFFFFF90, s21;
	vm4 =	veq.s32 v28, v17;
	vm2 =	vlt.s32 v24, $0x0;
	v26 =	vld [tilespmem:s25+$0xFFFFFFE0];
	v28 =	vsel vm3, v29, v30;
	[tilespmem:s22+$0xFFFFFFC0] =	vst v20  }
0x45a: {  	v29 =	vxor.u32 $0xFFFFFFFF, v24;
	v30 =	vor.u32 $0x80000000, v24;
	s22 =	sadd.s32 $0x80, s22;
	v20 =	vld [tilespmem:s25+$0xFFFFFFF0];
	v24 =	vsel vm4, $0x0, v28;
	[tilespmem:s23+$0xFFFFFFD0] =	vst v22  }
0x45b: {  	vm3 =	vlt.s32 v19, $0x0;
	v22 =	vxor.u32 $0xFFFFFFFF, v19;
	v31 =	vor.u32 $0x80000000, v19;
	[tilespmem:s22+$0x0] =	vst v24  }
0x45c: {  	vm4 =	vlt.s32 v27, $0x0;
	v32 =	vxor.u32 $0xFFFFFFFF, v27;
	v33 =	vor.u32 $0x80000000, v27;
	[tilespmem:s23+$0xFFFFFFE0] =	vst v23  }
0x45d: {  	vm5 =	vlt.s32 v25, $0x0;
	v23 =	vxor.u32 $0xFFFFFFFF, v25;
	v25 =	vor.u32 $0x80000000, v25;
	[tilespmem:s23+$0xFFFFFFF0] =	vst v18;
	s23 =	smov.u32 s22  }
0x45e: {  	vm6 =	vlt.s32 v21, $0x0;
	v18 =	vxor.u32 $0xFFFFFFFF, v21;
	v34 =	vor.u32 $0x80000000, v21  }
0x45f: {  	vm7 =	vlt.s32 v26, $0x0;
	v35 =	vxor.u32 $0xFFFFFFFF, v26;
	v36 =	vor.u32 $0x80000000, v26  }
0x460: {  	vm8 =	vlt.s32 v20, $0x0;
	v37 =	vxor.u32 $0xFFFFFFFF, v20;
	v38 =	vor.u32 $0x80000000, v20  }
.Ltmp26:
0x461: {  	v39 =	vor.u32 s31, v0;
	v24 =	vor.u32 s1, v0;
	v26 =	vor.u32 s0, v0;
	(pc) =	sbr.rel @p0 .LBB2_49-.Ltmp26, $4  }
0x462: {  	v19 =	vor.u32 s29, v0;
	v27 =	vor.u32 s26, v0;
	v20 =	vor.u32 s28, v0  }
0x463: {  	v28 =	vsel vm2, v29, v30;
	v29 =	vsel vm3, v22, v31;
	v21 =	vor.u32 s30, v0  }
0x464: {  	v30 =	vsel vm4, v32, v33;
	v23 =	vsel vm5, v23, v25;
	v22 =	vsel vm6, v18, v34  }
0x465: {  	vm2 =	veq.s32 v39, v17;
	s25 =	sadd.s32 $0x400, s25;
	v25 =	vsel vm7, v35, v36;
	v18 =	vsel vm8, v37, v38  }
0x466: {  	vm3 =	veq.s32 v26, v17;
	v26 =	vsel vm2, $0x0, v28  }
0x467: {  	vm2 =	veq.s32 v24, v17;
	v24 =	vsel vm3, $0x0, v29;
	[tilespmem:s22+$0xFFFFFF90] =	vst v26  }
0x468: {  	vm3 =	veq.s32 v27, v17;
	v26 =	vsel vm2, $0x0, v30;
	[tilespmem:s22+$0xFFFFFFA0] =	vst v24  }
0x469: {  	vm2 =	veq.s32 v20, v17;
	v20 =	vsel vm3, $0x0, v23;
	[tilespmem:s22+$0xFFFFFFB0] =	vst v26  }
0x46a: {  	vm3 =	veq.s32 v19, v17;
	v19 =	vsel vm2, $0x0, v22;
	[tilespmem:s22+$0xFFFFFFC0] =	vst v20  }
0x46b: {  	vm2 =	veq.s32 v21, v17;
	v17 =	vsel vm3, $0x0, v25;
	[tilespmem:s23+$0xFFFFFFD0] =	vst v19  }
0x46c: {  	v18 =	vsel vm2, $0x0, v18;
	[tilespmem:s23+$0xFFFFFFE0] =	vst v17  }
0x46d: {  	s0 =	simm.s32 $0x81F0;
	[tilespmem:s23+$0xFFFFFFF0] =	vst v18  }
0x46e: {  	v18 =	vld [tilespmem:s0+$0x0]  }
0x46f: {  	v19 =	vld [tilespmem:s0+$0xFFFFFF90]  }
0x470: {  	s28 =	simm.s32 $0x0;
	s29 =	simm.s32 $0x30;
	v20 =	vld [tilespmem:s0+$0xFFFFFFA0]  }
0x471: {  	s1 =	sor.u32 $0x3, s20;
	s21 =	simm.s32 $0x70;
	s25 =	simm.s32 $0x10;
	v39 =	vor.u32 s28, v0;
	v27 =	vor.u32 s29, v0;
	v21 =	vld [tilespmem:s0+$0xFFFFFFB0]  }
0x472: {  	v22 =	vor.u32 s21, v0;
	v26 =	vor.u32 s25, v0;
	v17 =	vmov s1;
	v23 =	vld [tilespmem:s0+$0xFFFFFFC0]  }
0x473: {  	v25 =	vld [tilespmem:s0+$0xFFFFFFD0];
	vm4 =	veq.s32 v22, v17;
	vm3 =	vlt.s32 v18, $0x0;
	v24 =	vxor.u32 $0xFFFFFFFF, v18  }
0x474: {  	v22 =	vld [tilespmem:s0+$0xFFFFFFE0];
	v18 =	vor.u32 $0x80000000, v18;
	vm2 =	vlt.s32 v19, $0x0;
	v28 =	vxor.u32 $0xFFFFFFFF, v19  }
0x475: {  	v19 =	vor.u32 $0x80000000, v19;
	v29 =	vxor.u32 $0xFFFFFFFF, v20;
	v30 =	vor.u32 $0x80000000, v20  }
0x476: {  	vm15 =	vlt.s32 v21, $0x0;
	v31 =	vxor.u32 $0xFFFFFFFF, v21;
	v32 =	vor.u32 $0x80000000, v21  }
0x477: {  	vm5 =	vlt.s32 v23, $0x0;
	v33 =	vxor.u32 $0xFFFFFFFF, v23;
	v23 =	vor.u32 $0x80000000, v23  }
0x478: {  	vm6 =	vlt.s32 v25, $0x0;
	v34 =	vxor.u32 $0xFFFFFFFF, v25;
	v25 =	vor.u32 $0x80000000, v25  }
0x479: {  	s31 =	simm.s32 $0x60;
	vm7 =	vlt.s32 v22, $0x0;
	v35 =	vxor.u32 $0xFFFFFFFF, v22;
	v18 =	vsel vm3, v24, v18;
	v24 =	vld [tilespmem:s0+$0xFFFFFFF0]  }
0x47a: {  	s24 =	simm.s32 $0x40;
	s30 =	simm.s32 $0x50;
	v36 =	vor.u32 $0x80000000, v22;
	v21 =	vor.u32 s31, v0;
	vm3 =	vlt.s32 v20, $0x0  }
0x47b: {  	v20 =	vor.u32 s24, v0;
	v28 =	vsel vm2, v28, v19;
	v19 =	vor.u32 s30, v0  }
0x47c: {  	v23 =	vsel vm5, v33, v23;
	v22 =	vsel vm6, v34, v25;
	vm2 =	veq.s32 v39, v17  }
0x47d: {  	v25 =	vsel vm7, v35, v36;
	v18 =	vsel vm4, $0x0, v18;
	v29 =	vsel vm3, v29, v30  }
0x47e: {  	s26 =	simm.s32 $0x20;
	s22 =	simm.s32 $0x130D0;
	vm8 =	vlt.s32 v24, $0x0;
	v37 =	vxor.u32 $0xFFFFFFFF, v24;
	v38 =	vor.u32 $0x80000000, v24  }
0x47f: {  	s25 =	simm.s32 $0x85F0;
	s23 =	simm.s32 $0x130D0;
	s24 =	simm.s32 $0x0;
	v30 =	vsel vm15, v31, v32;
	[tilespmem:s22+$0x0] =	vst v18;
	v24 =	vor.u32 s26, v0;
	v18 =	vsel vm8, v37, v38  }
.LBB2_51:
0x480: {  	v31 =	vld [tilespmem:s25+$0x0];
	s24 =	sadd.s32 $0x8, s24;
	vm3 =	veq.s32 v26, v17;
	vm4 =	veq.s32 v24, v17;
	vm5 =	veq.s32 v27, v17  }
0x481: {  	vm6 =	veq.s32 v20, v17;
	vm7 =	veq.s32 v19, v17;
	vm8 =	veq.s32 v21, v17;
	v24 =	vld [tilespmem:s25+$0xFFFFFF90];
	p0 =	slt.u32 s24, $0xF8  }
0x482: {  	v20 =	vsel vm2, $0x0, v28;
	v21 =	vsel vm3, $0x0, v29;
	v26 =	vsel vm4, $0x0, v30;
	v19 =	vld [tilespmem:s25+$0xFFFFFFA0]  }
0x483: {  	s21 =	sadd.s32 $0x80, s21;
	v22 =	vsel vm6, $0x0, v22;
	v27 =	vld [tilespmem:s25+$0xFFFFFFB0];
	[tilespmem:s22+$0xFFFFFF90] =	vst v20;
	v20 =	vsel vm5, $0x0, v23;
	v23 =	vsel vm7, $0x0, v25  }
0x484: {  	s0 =	sadd.s32 $0xFFFFFFA0, s21;
	s1 =	sadd.s32 $0xFFFFFFB0, s21;
	s26 =	sadd.s32 $0xFFFFFFC0, s21;
	v28 =	vor.u32 s21, v0;
	v18 =	vsel vm8, $0x0, v18;
	v25 =	vld [tilespmem:s25+$0xFFFFFFC0];
	[tilespmem:s22+$0xFFFFFFA0] =	vst v21  }
0x485: {  	s28 =	sadd.s32 $0xFFFFFFD0, s21;
	s29 =	sadd.s32 $0xFFFFFFE0, s21;
	s30 =	sadd.s32 $0xFFFFFFF0, s21;
	v21 =	vld [tilespmem:s25+$0xFFFFFFD0];
	vm3 =	vlt.s32 v31, $0x0;
	v29 =	vxor.u32 $0xFFFFFFFF, v31;
	v30 =	vor.u32 $0x80000000, v31;
	[tilespmem:s22+$0xFFFFFFB0] =	vst v26  }
0x486: {  	s31 =	sadd.s32 $0xFFFFFF90, s21;
	vm4 =	veq.s32 v28, v17;
	vm2 =	vlt.s32 v24, $0x0;
	v26 =	vld [tilespmem:s25+$0xFFFFFFE0];
	v28 =	vsel vm3, v29, v30;
	[tilespmem:s22+$0xFFFFFFC0] =	vst v20  }
0x487: {  	v29 =	vxor.u32 $0xFFFFFFFF, v24;
	v30 =	vor.u32 $0x80000000, v24;
	s22 =	sadd.s32 $0x80, s22;
	v20 =	vld [tilespmem:s25+$0xFFFFFFF0];
	v24 =	vsel vm4, $0x0, v28;
	[tilespmem:s23+$0xFFFFFFD0] =	vst v22  }
0x488: {  	vm3 =	vlt.s32 v19, $0x0;
	v22 =	vxor.u32 $0xFFFFFFFF, v19;
	v31 =	vor.u32 $0x80000000, v19;
	[tilespmem:s22+$0x0] =	vst v24  }
0x489: {  	vm4 =	vlt.s32 v27, $0x0;
	v32 =	vxor.u32 $0xFFFFFFFF, v27;
	v33 =	vor.u32 $0x80000000, v27;
	[tilespmem:s23+$0xFFFFFFE0] =	vst v23  }
0x48a: {  	vm5 =	vlt.s32 v25, $0x0;
	v23 =	vxor.u32 $0xFFFFFFFF, v25;
	v25 =	vor.u32 $0x80000000, v25;
	[tilespmem:s23+$0xFFFFFFF0] =	vst v18;
	s23 =	smov.u32 s22  }
0x48b: {  	vm6 =	vlt.s32 v21, $0x0;
	v18 =	vxor.u32 $0xFFFFFFFF, v21;
	v34 =	vor.u32 $0x80000000, v21  }
0x48c: {  	vm7 =	vlt.s32 v26, $0x0;
	v35 =	vxor.u32 $0xFFFFFFFF, v26;
	v36 =	vor.u32 $0x80000000, v26  }
0x48d: {  	vm8 =	vlt.s32 v20, $0x0;
	v37 =	vxor.u32 $0xFFFFFFFF, v20;
	v38 =	vor.u32 $0x80000000, v20  }
.Ltmp27:
0x48e: {  	v39 =	vor.u32 s31, v0;
	v24 =	vor.u32 s1, v0;
	v26 =	vor.u32 s0, v0;
	(pc) =	sbr.rel @p0 .LBB2_51-.Ltmp27, $4  }
0x48f: {  	v19 =	vor.u32 s29, v0;
	v27 =	vor.u32 s26, v0;
	v20 =	vor.u32 s28, v0  }
0x490: {  	v28 =	vsel vm2, v29, v30;
	v29 =	vsel vm3, v22, v31;
	v21 =	vor.u32 s30, v0  }
0x491: {  	v30 =	vsel vm4, v32, v33;
	v23 =	vsel vm5, v23, v25;
	v22 =	vsel vm6, v18, v34  }
0x492: {  	vm2 =	veq.s32 v39, v17;
	s25 =	sadd.s32 $0x400, s25;
	v25 =	vsel vm7, v35, v36;
	v18 =	vsel vm8, v37, v38  }
0x493: {  	vm3 =	veq.s32 v26, v17;
	v26 =	vsel vm2, $0x0, v28  }
0x494: {  	vm2 =	veq.s32 v24, v17;
	v24 =	vsel vm3, $0x0, v29;
	[tilespmem:s22+$0xFFFFFF90] =	vst v26  }
0x495: {  	vm3 =	veq.s32 v27, v17;
	v26 =	vsel vm2, $0x0, v30;
	[tilespmem:s22+$0xFFFFFFA0] =	vst v24  }
0x496: {  	vm2 =	veq.s32 v20, v17;
	v20 =	vsel vm3, $0x0, v23;
	[tilespmem:s22+$0xFFFFFFB0] =	vst v26  }
0x497: {  	vm3 =	veq.s32 v19, v17;
	v19 =	vsel vm2, $0x0, v22;
	[tilespmem:s22+$0xFFFFFFC0] =	vst v20  }
0x498: {  	vm2 =	veq.s32 v21, v17;
	v17 =	vsel vm3, $0x0, v25;
	[tilespmem:s23+$0xFFFFFFD0] =	vst v19  }
0x499: {  	v18 =	vsel vm2, $0x0, v18;
	[tilespmem:s23+$0xFFFFFFE0] =	vst v17  }
0x49a: {  	s0 =	simm.s32 $0x8270;
	[tilespmem:s23+$0xFFFFFFF0] =	vst v18  }
0x49b: {  	v18 =	vld [tilespmem:s0+$0x0]  }
0x49c: {  	v19 =	vld [tilespmem:s0+$0xFFFFFF90]  }
0x49d: {  	s28 =	simm.s32 $0x0;
	s29 =	simm.s32 $0x30;
	v20 =	vld [tilespmem:s0+$0xFFFFFFA0]  }
0x49e: {  	s1 =	sor.u32 $0x4, s20;
	s21 =	simm.s32 $0x70;
	s25 =	simm.s32 $0x10;
	v39 =	vor.u32 s28, v0;
	v27 =	vor.u32 s29, v0;
	v21 =	vld [tilespmem:s0+$0xFFFFFFB0]  }
0x49f: {  	v22 =	vor.u32 s21, v0;
	v26 =	vor.u32 s25, v0;
	v17 =	vmov s1;
	v23 =	vld [tilespmem:s0+$0xFFFFFFC0]  }
0x4a0: {  	v25 =	vld [tilespmem:s0+$0xFFFFFFD0];
	vm4 =	veq.s32 v22, v17;
	vm3 =	vlt.s32 v18, $0x0;
	v24 =	vxor.u32 $0xFFFFFFFF, v18  }
0x4a1: {  	v22 =	vld [tilespmem:s0+$0xFFFFFFE0];
	v18 =	vor.u32 $0x80000000, v18;
	vm2 =	vlt.s32 v19, $0x0;
	v28 =	vxor.u32 $0xFFFFFFFF, v19  }
0x4a2: {  	v19 =	vor.u32 $0x80000000, v19;
	v29 =	vxor.u32 $0xFFFFFFFF, v20;
	v30 =	vor.u32 $0x80000000, v20  }
0x4a3: {  	vm15 =	vlt.s32 v21, $0x0;
	v31 =	vxor.u32 $0xFFFFFFFF, v21;
	v32 =	vor.u32 $0x80000000, v21  }
0x4a4: {  	vm5 =	vlt.s32 v23, $0x0;
	v33 =	vxor.u32 $0xFFFFFFFF, v23;
	v23 =	vor.u32 $0x80000000, v23  }
0x4a5: {  	vm6 =	vlt.s32 v25, $0x0;
	v34 =	vxor.u32 $0xFFFFFFFF, v25;
	v25 =	vor.u32 $0x80000000, v25  }
0x4a6: {  	s31 =	simm.s32 $0x60;
	vm7 =	vlt.s32 v22, $0x0;
	v35 =	vxor.u32 $0xFFFFFFFF, v22;
	v18 =	vsel vm3, v24, v18;
	v24 =	vld [tilespmem:s0+$0xFFFFFFF0]  }
0x4a7: {  	s24 =	simm.s32 $0x40;
	s30 =	simm.s32 $0x50;
	v36 =	vor.u32 $0x80000000, v22;
	v21 =	vor.u32 s31, v0;
	vm3 =	vlt.s32 v20, $0x0  }
0x4a8: {  	v20 =	vor.u32 s24, v0;
	v28 =	vsel vm2, v28, v19;
	v19 =	vor.u32 s30, v0  }
0x4a9: {  	v23 =	vsel vm5, v33, v23;
	v22 =	vsel vm6, v34, v25;
	vm2 =	veq.s32 v39, v17  }
0x4aa: {  	v25 =	vsel vm7, v35, v36;
	v18 =	vsel vm4, $0x0, v18;
	v29 =	vsel vm3, v29, v30  }
0x4ab: {  	s26 =	simm.s32 $0x20;
	s22 =	simm.s32 $0x140F0;
	vm8 =	vlt.s32 v24, $0x0;
	v37 =	vxor.u32 $0xFFFFFFFF, v24;
	v38 =	vor.u32 $0x80000000, v24  }
0x4ac: {  	s25 =	simm.s32 $0x8670;
	s23 =	simm.s32 $0x140F0;
	s24 =	simm.s32 $0x0;
	v30 =	vsel vm15, v31, v32;
	[tilespmem:s22+$0x0] =	vst v18;
	v24 =	vor.u32 s26, v0;
	v18 =	vsel vm8, v37, v38  }
.LBB2_53:
0x4ad: {  	v31 =	vld [tilespmem:s25+$0x0];
	s24 =	sadd.s32 $0x8, s24;
	vm3 =	veq.s32 v26, v17;
	vm4 =	veq.s32 v24, v17;
	vm5 =	veq.s32 v27, v17  }
0x4ae: {  	vm6 =	veq.s32 v20, v17;
	vm7 =	veq.s32 v19, v17;
	vm8 =	veq.s32 v21, v17;
	v24 =	vld [tilespmem:s25+$0xFFFFFF90];
	p0 =	slt.u32 s24, $0xF8  }
0x4af: {  	v20 =	vsel vm2, $0x0, v28;
	v21 =	vsel vm3, $0x0, v29;
	v26 =	vsel vm4, $0x0, v30;
	v19 =	vld [tilespmem:s25+$0xFFFFFFA0]  }
0x4b0: {  	s21 =	sadd.s32 $0x80, s21;
	v22 =	vsel vm6, $0x0, v22;
	v27 =	vld [tilespmem:s25+$0xFFFFFFB0];
	[tilespmem:s22+$0xFFFFFF90] =	vst v20;
	v20 =	vsel vm5, $0x0, v23;
	v23 =	vsel vm7, $0x0, v25  }
0x4b1: {  	s0 =	sadd.s32 $0xFFFFFFA0, s21;
	s1 =	sadd.s32 $0xFFFFFFB0, s21;
	s26 =	sadd.s32 $0xFFFFFFC0, s21;
	v28 =	vor.u32 s21, v0;
	v18 =	vsel vm8, $0x0, v18;
	v25 =	vld [tilespmem:s25+$0xFFFFFFC0];
	[tilespmem:s22+$0xFFFFFFA0] =	vst v21  }
0x4b2: {  	s28 =	sadd.s32 $0xFFFFFFD0, s21;
	s29 =	sadd.s32 $0xFFFFFFE0, s21;
	s30 =	sadd.s32 $0xFFFFFFF0, s21;
	v21 =	vld [tilespmem:s25+$0xFFFFFFD0];
	vm3 =	vlt.s32 v31, $0x0;
	v29 =	vxor.u32 $0xFFFFFFFF, v31;
	v30 =	vor.u32 $0x80000000, v31;
	[tilespmem:s22+$0xFFFFFFB0] =	vst v26  }
0x4b3: {  	s31 =	sadd.s32 $0xFFFFFF90, s21;
	vm4 =	veq.s32 v28, v17;
	vm2 =	vlt.s32 v24, $0x0;
	v26 =	vld [tilespmem:s25+$0xFFFFFFE0];
	v28 =	vsel vm3, v29, v30;
	[tilespmem:s22+$0xFFFFFFC0] =	vst v20  }
0x4b4: {  	v29 =	vxor.u32 $0xFFFFFFFF, v24;
	v30 =	vor.u32 $0x80000000, v24;
	s22 =	sadd.s32 $0x80, s22;
	v20 =	vld [tilespmem:s25+$0xFFFFFFF0];
	v24 =	vsel vm4, $0x0, v28;
	[tilespmem:s23+$0xFFFFFFD0] =	vst v22  }
0x4b5: {  	vm3 =	vlt.s32 v19, $0x0;
	v22 =	vxor.u32 $0xFFFFFFFF, v19;
	v31 =	vor.u32 $0x80000000, v19;
	[tilespmem:s22+$0x0] =	vst v24  }
0x4b6: {  	vm4 =	vlt.s32 v27, $0x0;
	v32 =	vxor.u32 $0xFFFFFFFF, v27;
	v33 =	vor.u32 $0x80000000, v27;
	[tilespmem:s23+$0xFFFFFFE0] =	vst v23  }
0x4b7: {  	vm5 =	vlt.s32 v25, $0x0;
	v23 =	vxor.u32 $0xFFFFFFFF, v25;
	v25 =	vor.u32 $0x80000000, v25;
	[tilespmem:s23+$0xFFFFFFF0] =	vst v18;
	s23 =	smov.u32 s22  }
0x4b8: {  	vm6 =	vlt.s32 v21, $0x0;
	v18 =	vxor.u32 $0xFFFFFFFF, v21;
	v34 =	vor.u32 $0x80000000, v21  }
0x4b9: {  	vm7 =	vlt.s32 v26, $0x0;
	v35 =	vxor.u32 $0xFFFFFFFF, v26;
	v36 =	vor.u32 $0x80000000, v26  }
0x4ba: {  	vm8 =	vlt.s32 v20, $0x0;
	v37 =	vxor.u32 $0xFFFFFFFF, v20;
	v38 =	vor.u32 $0x80000000, v20  }
.Ltmp28:
0x4bb: {  	v39 =	vor.u32 s31, v0;
	v24 =	vor.u32 s1, v0;
	v26 =	vor.u32 s0, v0;
	(pc) =	sbr.rel @p0 .LBB2_53-.Ltmp28, $4  }
0x4bc: {  	v19 =	vor.u32 s29, v0;
	v27 =	vor.u32 s26, v0;
	v20 =	vor.u32 s28, v0  }
0x4bd: {  	v28 =	vsel vm2, v29, v30;
	v29 =	vsel vm3, v22, v31;
	v21 =	vor.u32 s30, v0  }
0x4be: {  	v30 =	vsel vm4, v32, v33;
	v23 =	vsel vm5, v23, v25;
	v22 =	vsel vm6, v18, v34  }
0x4bf: {  	vm2 =	veq.s32 v39, v17;
	s25 =	sadd.s32 $0x400, s25;
	v25 =	vsel vm7, v35, v36;
	v18 =	vsel vm8, v37, v38  }
0x4c0: {  	vm3 =	veq.s32 v26, v17;
	v26 =	vsel vm2, $0x0, v28  }
0x4c1: {  	vm2 =	veq.s32 v24, v17;
	v24 =	vsel vm3, $0x0, v29;
	[tilespmem:s22+$0xFFFFFF90] =	vst v26  }
0x4c2: {  	vm3 =	veq.s32 v27, v17;
	v26 =	vsel vm2, $0x0, v30;
	[tilespmem:s22+$0xFFFFFFA0] =	vst v24  }
0x4c3: {  	vm2 =	veq.s32 v20, v17;
	v20 =	vsel vm3, $0x0, v23;
	[tilespmem:s22+$0xFFFFFFB0] =	vst v26  }
0x4c4: {  	vm3 =	veq.s32 v19, v17;
	v19 =	vsel vm2, $0x0, v22;
	[tilespmem:s22+$0xFFFFFFC0] =	vst v20  }
0x4c5: {  	vm2 =	veq.s32 v21, v17;
	v17 =	vsel vm3, $0x0, v25;
	[tilespmem:s23+$0xFFFFFFD0] =	vst v19  }
0x4c6: {  	v18 =	vsel vm2, $0x0, v18;
	[tilespmem:s23+$0xFFFFFFE0] =	vst v17  }
0x4c7: {  	s0 =	simm.s32 $0x82F0;
	[tilespmem:s23+$0xFFFFFFF0] =	vst v18  }
0x4c8: {  	v18 =	vld [tilespmem:s0+$0x0]  }
0x4c9: {  	v19 =	vld [tilespmem:s0+$0xFFFFFF90]  }
0x4ca: {  	s28 =	simm.s32 $0x0;
	s29 =	simm.s32 $0x30;
	v20 =	vld [tilespmem:s0+$0xFFFFFFA0]  }
0x4cb: {  	s1 =	sor.u32 $0x5, s20;
	s21 =	simm.s32 $0x70;
	s25 =	simm.s32 $0x10;
	v39 =	vor.u32 s28, v0;
	v27 =	vor.u32 s29, v0;
	v21 =	vld [tilespmem:s0+$0xFFFFFFB0]  }
0x4cc: {  	v22 =	vor.u32 s21, v0;
	v26 =	vor.u32 s25, v0;
	v17 =	vmov s1;
	v23 =	vld [tilespmem:s0+$0xFFFFFFC0]  }
0x4cd: {  	v25 =	vld [tilespmem:s0+$0xFFFFFFD0];
	vm4 =	veq.s32 v22, v17;
	vm3 =	vlt.s32 v18, $0x0;
	v24 =	vxor.u32 $0xFFFFFFFF, v18  }
0x4ce: {  	v22 =	vld [tilespmem:s0+$0xFFFFFFE0];
	v18 =	vor.u32 $0x80000000, v18;
	vm2 =	vlt.s32 v19, $0x0;
	v28 =	vxor.u32 $0xFFFFFFFF, v19  }
0x4cf: {  	v19 =	vor.u32 $0x80000000, v19;
	v29 =	vxor.u32 $0xFFFFFFFF, v20;
	v30 =	vor.u32 $0x80000000, v20  }
0x4d0: {  	vm15 =	vlt.s32 v21, $0x0;
	v31 =	vxor.u32 $0xFFFFFFFF, v21;
	v32 =	vor.u32 $0x80000000, v21  }
0x4d1: {  	vm5 =	vlt.s32 v23, $0x0;
	v33 =	vxor.u32 $0xFFFFFFFF, v23;
	v23 =	vor.u32 $0x80000000, v23  }
0x4d2: {  	vm6 =	vlt.s32 v25, $0x0;
	v34 =	vxor.u32 $0xFFFFFFFF, v25;
	v25 =	vor.u32 $0x80000000, v25  }
0x4d3: {  	s31 =	simm.s32 $0x60;
	vm7 =	vlt.s32 v22, $0x0;
	v35 =	vxor.u32 $0xFFFFFFFF, v22;
	v18 =	vsel vm3, v24, v18;
	v24 =	vld [tilespmem:s0+$0xFFFFFFF0]  }
0x4d4: {  	s24 =	simm.s32 $0x40;
	s30 =	simm.s32 $0x50;
	v36 =	vor.u32 $0x80000000, v22;
	v21 =	vor.u32 s31, v0;
	vm3 =	vlt.s32 v20, $0x0  }
0x4d5: {  	v20 =	vor.u32 s24, v0;
	v28 =	vsel vm2, v28, v19;
	v19 =	vor.u32 s30, v0  }
0x4d6: {  	v23 =	vsel vm5, v33, v23;
	v22 =	vsel vm6, v34, v25;
	vm2 =	veq.s32 v39, v17  }
0x4d7: {  	v25 =	vsel vm7, v35, v36;
	v18 =	vsel vm4, $0x0, v18;
	v29 =	vsel vm3, v29, v30  }
0x4d8: {  	s26 =	simm.s32 $0x20;
	s22 =	simm.s32 $0x15110;
	vm8 =	vlt.s32 v24, $0x0;
	v37 =	vxor.u32 $0xFFFFFFFF, v24;
	v38 =	vor.u32 $0x80000000, v24  }
0x4d9: {  	s25 =	simm.s32 $0x86F0;
	s23 =	simm.s32 $0x15110;
	s24 =	simm.s32 $0x0;
	v30 =	vsel vm15, v31, v32;
	[tilespmem:s22+$0x0] =	vst v18;
	v24 =	vor.u32 s26, v0;
	v18 =	vsel vm8, v37, v38  }
.LBB2_55:
0x4da: {  	v31 =	vld [tilespmem:s25+$0x0];
	s24 =	sadd.s32 $0x8, s24;
	vm3 =	veq.s32 v26, v17;
	vm4 =	veq.s32 v24, v17;
	vm5 =	veq.s32 v27, v17  }
0x4db: {  	vm6 =	veq.s32 v20, v17;
	vm7 =	veq.s32 v19, v17;
	vm8 =	veq.s32 v21, v17;
	v24 =	vld [tilespmem:s25+$0xFFFFFF90];
	p0 =	slt.u32 s24, $0xF8  }
0x4dc: {  	v20 =	vsel vm2, $0x0, v28;
	v21 =	vsel vm3, $0x0, v29;
	v26 =	vsel vm4, $0x0, v30;
	v19 =	vld [tilespmem:s25+$0xFFFFFFA0]  }
0x4dd: {  	s21 =	sadd.s32 $0x80, s21;
	v22 =	vsel vm6, $0x0, v22;
	v27 =	vld [tilespmem:s25+$0xFFFFFFB0];
	[tilespmem:s22+$0xFFFFFF90] =	vst v20;
	v20 =	vsel vm5, $0x0, v23;
	v23 =	vsel vm7, $0x0, v25  }
0x4de: {  	s0 =	sadd.s32 $0xFFFFFFA0, s21;
	s1 =	sadd.s32 $0xFFFFFFB0, s21;
	s26 =	sadd.s32 $0xFFFFFFC0, s21;
	v28 =	vor.u32 s21, v0;
	v18 =	vsel vm8, $0x0, v18;
	v25 =	vld [tilespmem:s25+$0xFFFFFFC0];
	[tilespmem:s22+$0xFFFFFFA0] =	vst v21  }
0x4df: {  	s28 =	sadd.s32 $0xFFFFFFD0, s21;
	s29 =	sadd.s32 $0xFFFFFFE0, s21;
	s30 =	sadd.s32 $0xFFFFFFF0, s21;
	v21 =	vld [tilespmem:s25+$0xFFFFFFD0];
	vm3 =	vlt.s32 v31, $0x0;
	v29 =	vxor.u32 $0xFFFFFFFF, v31;
	v30 =	vor.u32 $0x80000000, v31;
	[tilespmem:s22+$0xFFFFFFB0] =	vst v26  }
0x4e0: {  	s31 =	sadd.s32 $0xFFFFFF90, s21;
	vm4 =	veq.s32 v28, v17;
	vm2 =	vlt.s32 v24, $0x0;
	v26 =	vld [tilespmem:s25+$0xFFFFFFE0];
	v28 =	vsel vm3, v29, v30;
	[tilespmem:s22+$0xFFFFFFC0] =	vst v20  }
0x4e1: {  	v29 =	vxor.u32 $0xFFFFFFFF, v24;
	v30 =	vor.u32 $0x80000000, v24;
	s22 =	sadd.s32 $0x80, s22;
	v20 =	vld [tilespmem:s25+$0xFFFFFFF0];
	v24 =	vsel vm4, $0x0, v28;
	[tilespmem:s23+$0xFFFFFFD0] =	vst v22  }
0x4e2: {  	vm3 =	vlt.s32 v19, $0x0;
	v22 =	vxor.u32 $0xFFFFFFFF, v19;
	v31 =	vor.u32 $0x80000000, v19;
	[tilespmem:s22+$0x0] =	vst v24  }
0x4e3: {  	vm4 =	vlt.s32 v27, $0x0;
	v32 =	vxor.u32 $0xFFFFFFFF, v27;
	v33 =	vor.u32 $0x80000000, v27;
	[tilespmem:s23+$0xFFFFFFE0] =	vst v23  }
0x4e4: {  	vm5 =	vlt.s32 v25, $0x0;
	v23 =	vxor.u32 $0xFFFFFFFF, v25;
	v25 =	vor.u32 $0x80000000, v25;
	[tilespmem:s23+$0xFFFFFFF0] =	vst v18;
	s23 =	smov.u32 s22  }
0x4e5: {  	vm6 =	vlt.s32 v21, $0x0;
	v18 =	vxor.u32 $0xFFFFFFFF, v21;
	v34 =	vor.u32 $0x80000000, v21  }
0x4e6: {  	vm7 =	vlt.s32 v26, $0x0;
	v35 =	vxor.u32 $0xFFFFFFFF, v26;
	v36 =	vor.u32 $0x80000000, v26  }
0x4e7: {  	vm8 =	vlt.s32 v20, $0x0;
	v37 =	vxor.u32 $0xFFFFFFFF, v20;
	v38 =	vor.u32 $0x80000000, v20  }
.Ltmp29:
0x4e8: {  	v39 =	vor.u32 s31, v0;
	v24 =	vor.u32 s1, v0;
	v26 =	vor.u32 s0, v0;
	(pc) =	sbr.rel @p0 .LBB2_55-.Ltmp29, $4  }
0x4e9: {  	v19 =	vor.u32 s29, v0;
	v27 =	vor.u32 s26, v0;
	v20 =	vor.u32 s28, v0  }
0x4ea: {  	v28 =	vsel vm2, v29, v30;
	v29 =	vsel vm3, v22, v31;
	v21 =	vor.u32 s30, v0  }
0x4eb: {  	v30 =	vsel vm4, v32, v33;
	v23 =	vsel vm5, v23, v25;
	v22 =	vsel vm6, v18, v34  }
0x4ec: {  	vm2 =	veq.s32 v39, v17;
	s25 =	sadd.s32 $0x400, s25;
	v25 =	vsel vm7, v35, v36;
	v18 =	vsel vm8, v37, v38  }
0x4ed: {  	vm3 =	veq.s32 v26, v17;
	v26 =	vsel vm2, $0x0, v28  }
0x4ee: {  	vm2 =	veq.s32 v24, v17;
	v24 =	vsel vm3, $0x0, v29;
	[tilespmem:s22+$0xFFFFFF90] =	vst v26  }
0x4ef: {  	vm3 =	veq.s32 v27, v17;
	v26 =	vsel vm2, $0x0, v30;
	[tilespmem:s22+$0xFFFFFFA0] =	vst v24  }
0x4f0: {  	vm2 =	veq.s32 v20, v17;
	v20 =	vsel vm3, $0x0, v23;
	[tilespmem:s22+$0xFFFFFFB0] =	vst v26  }
0x4f1: {  	vm3 =	veq.s32 v19, v17;
	v19 =	vsel vm2, $0x0, v22;
	[tilespmem:s22+$0xFFFFFFC0] =	vst v20  }
0x4f2: {  	vm2 =	veq.s32 v21, v17;
	v17 =	vsel vm3, $0x0, v25;
	[tilespmem:s23+$0xFFFFFFD0] =	vst v19  }
0x4f3: {  	v18 =	vsel vm2, $0x0, v18;
	[tilespmem:s23+$0xFFFFFFE0] =	vst v17  }
0x4f4: {  	s0 =	simm.s32 $0x8370;
	[tilespmem:s23+$0xFFFFFFF0] =	vst v18  }
0x4f5: {  	v18 =	vld [tilespmem:s0+$0x0]  }
0x4f6: {  	v19 =	vld [tilespmem:s0+$0xFFFFFF90]  }
0x4f7: {  	s28 =	simm.s32 $0x0;
	s29 =	simm.s32 $0x30;
	v20 =	vld [tilespmem:s0+$0xFFFFFFA0]  }
0x4f8: {  	s1 =	sor.u32 $0x6, s20;
	s21 =	simm.s32 $0x70;
	s25 =	simm.s32 $0x10;
	v39 =	vor.u32 s28, v0;
	v27 =	vor.u32 s29, v0;
	v21 =	vld [tilespmem:s0+$0xFFFFFFB0]  }
0x4f9: {  	v22 =	vor.u32 s21, v0;
	v26 =	vor.u32 s25, v0;
	v17 =	vmov s1;
	v23 =	vld [tilespmem:s0+$0xFFFFFFC0]  }
0x4fa: {  	v25 =	vld [tilespmem:s0+$0xFFFFFFD0];
	vm4 =	veq.s32 v22, v17;
	vm3 =	vlt.s32 v18, $0x0;
	v24 =	vxor.u32 $0xFFFFFFFF, v18  }
0x4fb: {  	v22 =	vld [tilespmem:s0+$0xFFFFFFE0];
	v18 =	vor.u32 $0x80000000, v18;
	vm2 =	vlt.s32 v19, $0x0;
	v28 =	vxor.u32 $0xFFFFFFFF, v19  }
0x4fc: {  	v19 =	vor.u32 $0x80000000, v19;
	v29 =	vxor.u32 $0xFFFFFFFF, v20;
	v30 =	vor.u32 $0x80000000, v20  }
0x4fd: {  	vm15 =	vlt.s32 v21, $0x0;
	v31 =	vxor.u32 $0xFFFFFFFF, v21;
	v32 =	vor.u32 $0x80000000, v21  }
0x4fe: {  	vm5 =	vlt.s32 v23, $0x0;
	v33 =	vxor.u32 $0xFFFFFFFF, v23;
	v23 =	vor.u32 $0x80000000, v23  }
0x4ff: {  	vm6 =	vlt.s32 v25, $0x0;
	v34 =	vxor.u32 $0xFFFFFFFF, v25;
	v25 =	vor.u32 $0x80000000, v25  }
0x500: {  	s31 =	simm.s32 $0x60;
	vm7 =	vlt.s32 v22, $0x0;
	v35 =	vxor.u32 $0xFFFFFFFF, v22;
	v18 =	vsel vm3, v24, v18;
	v24 =	vld [tilespmem:s0+$0xFFFFFFF0]  }
0x501: {  	s24 =	simm.s32 $0x40;
	s30 =	simm.s32 $0x50;
	v36 =	vor.u32 $0x80000000, v22;
	v21 =	vor.u32 s31, v0;
	vm3 =	vlt.s32 v20, $0x0  }
0x502: {  	v20 =	vor.u32 s24, v0;
	v28 =	vsel vm2, v28, v19;
	v19 =	vor.u32 s30, v0  }
0x503: {  	v23 =	vsel vm5, v33, v23;
	v22 =	vsel vm6, v34, v25;
	vm2 =	veq.s32 v39, v17  }
0x504: {  	v25 =	vsel vm7, v35, v36;
	v18 =	vsel vm4, $0x0, v18;
	v29 =	vsel vm3, v29, v30  }
0x505: {  	s26 =	simm.s32 $0x20;
	s22 =	simm.s32 $0x16130;
	vm8 =	vlt.s32 v24, $0x0;
	v37 =	vxor.u32 $0xFFFFFFFF, v24;
	v38 =	vor.u32 $0x80000000, v24  }
0x506: {  	s25 =	simm.s32 $0x8770;
	s23 =	simm.s32 $0x16130;
	s24 =	simm.s32 $0x0;
	v30 =	vsel vm15, v31, v32;
	[tilespmem:s22+$0x0] =	vst v18;
	v24 =	vor.u32 s26, v0;
	v18 =	vsel vm8, v37, v38  }
.LBB2_57:
0x507: {  	v31 =	vld [tilespmem:s25+$0x0];
	s24 =	sadd.s32 $0x8, s24;
	vm3 =	veq.s32 v26, v17;
	vm4 =	veq.s32 v24, v17;
	vm5 =	veq.s32 v27, v17  }
0x508: {  	vm6 =	veq.s32 v20, v17;
	vm7 =	veq.s32 v19, v17;
	vm8 =	veq.s32 v21, v17;
	v24 =	vld [tilespmem:s25+$0xFFFFFF90];
	p0 =	slt.u32 s24, $0xF8  }
0x509: {  	v20 =	vsel vm2, $0x0, v28;
	v21 =	vsel vm3, $0x0, v29;
	v26 =	vsel vm4, $0x0, v30;
	v19 =	vld [tilespmem:s25+$0xFFFFFFA0]  }
0x50a: {  	s21 =	sadd.s32 $0x80, s21;
	v22 =	vsel vm6, $0x0, v22;
	v27 =	vld [tilespmem:s25+$0xFFFFFFB0];
	[tilespmem:s22+$0xFFFFFF90] =	vst v20;
	v20 =	vsel vm5, $0x0, v23;
	v23 =	vsel vm7, $0x0, v25  }
0x50b: {  	s0 =	sadd.s32 $0xFFFFFFA0, s21;
	s1 =	sadd.s32 $0xFFFFFFB0, s21;
	s26 =	sadd.s32 $0xFFFFFFC0, s21;
	v28 =	vor.u32 s21, v0;
	v18 =	vsel vm8, $0x0, v18;
	v25 =	vld [tilespmem:s25+$0xFFFFFFC0];
	[tilespmem:s22+$0xFFFFFFA0] =	vst v21  }
0x50c: {  	s28 =	sadd.s32 $0xFFFFFFD0, s21;
	s29 =	sadd.s32 $0xFFFFFFE0, s21;
	s30 =	sadd.s32 $0xFFFFFFF0, s21;
	v21 =	vld [tilespmem:s25+$0xFFFFFFD0];
	vm3 =	vlt.s32 v31, $0x0;
	v29 =	vxor.u32 $0xFFFFFFFF, v31;
	v30 =	vor.u32 $0x80000000, v31;
	[tilespmem:s22+$0xFFFFFFB0] =	vst v26  }
0x50d: {  	s31 =	sadd.s32 $0xFFFFFF90, s21;
	vm4 =	veq.s32 v28, v17;
	vm2 =	vlt.s32 v24, $0x0;
	v26 =	vld [tilespmem:s25+$0xFFFFFFE0];
	v28 =	vsel vm3, v29, v30;
	[tilespmem:s22+$0xFFFFFFC0] =	vst v20  }
0x50e: {  	v29 =	vxor.u32 $0xFFFFFFFF, v24;
	v30 =	vor.u32 $0x80000000, v24;
	s22 =	sadd.s32 $0x80, s22;
	v20 =	vld [tilespmem:s25+$0xFFFFFFF0];
	v24 =	vsel vm4, $0x0, v28;
	[tilespmem:s23+$0xFFFFFFD0] =	vst v22  }
0x50f: {  	vm3 =	vlt.s32 v19, $0x0;
	v22 =	vxor.u32 $0xFFFFFFFF, v19;
	v31 =	vor.u32 $0x80000000, v19;
	[tilespmem:s22+$0x0] =	vst v24  }
0x510: {  	vm4 =	vlt.s32 v27, $0x0;
	v32 =	vxor.u32 $0xFFFFFFFF, v27;
	v33 =	vor.u32 $0x80000000, v27;
	[tilespmem:s23+$0xFFFFFFE0] =	vst v23  }
0x511: {  	vm5 =	vlt.s32 v25, $0x0;
	v23 =	vxor.u32 $0xFFFFFFFF, v25;
	v25 =	vor.u32 $0x80000000, v25;
	[tilespmem:s23+$0xFFFFFFF0] =	vst v18;
	s23 =	smov.u32 s22  }
0x512: {  	vm6 =	vlt.s32 v21, $0x0;
	v18 =	vxor.u32 $0xFFFFFFFF, v21;
	v34 =	vor.u32 $0x80000000, v21  }
0x513: {  	vm7 =	vlt.s32 v26, $0x0;
	v35 =	vxor.u32 $0xFFFFFFFF, v26;
	v36 =	vor.u32 $0x80000000, v26  }
0x514: {  	vm8 =	vlt.s32 v20, $0x0;
	v37 =	vxor.u32 $0xFFFFFFFF, v20;
	v38 =	vor.u32 $0x80000000, v20  }
.Ltmp30:
0x515: {  	v39 =	vor.u32 s31, v0;
	v24 =	vor.u32 s1, v0;
	v26 =	vor.u32 s0, v0;
	(pc) =	sbr.rel @p0 .LBB2_57-.Ltmp30, $4  }
0x516: {  	v19 =	vor.u32 s29, v0;
	v27 =	vor.u32 s26, v0;
	v20 =	vor.u32 s28, v0  }
0x517: {  	v28 =	vsel vm2, v29, v30;
	v29 =	vsel vm3, v22, v31;
	v21 =	vor.u32 s30, v0  }
0x518: {  	v30 =	vsel vm4, v32, v33;
	v23 =	vsel vm5, v23, v25;
	v22 =	vsel vm6, v18, v34  }
0x519: {  	vm2 =	veq.s32 v39, v17;
	s25 =	sadd.s32 $0x400, s25;
	v25 =	vsel vm7, v35, v36;
	v18 =	vsel vm8, v37, v38  }
0x51a: {  	vm3 =	veq.s32 v26, v17;
	v26 =	vsel vm2, $0x0, v28  }
0x51b: {  	vm2 =	veq.s32 v24, v17;
	v24 =	vsel vm3, $0x0, v29;
	[tilespmem:s22+$0xFFFFFF90] =	vst v26  }
0x51c: {  	vm3 =	veq.s32 v27, v17;
	v26 =	vsel vm2, $0x0, v30;
	[tilespmem:s22+$0xFFFFFFA0] =	vst v24  }
0x51d: {  	vm2 =	veq.s32 v20, v17;
	v20 =	vsel vm3, $0x0, v23;
	[tilespmem:s22+$0xFFFFFFB0] =	vst v26  }
0x51e: {  	vm3 =	veq.s32 v19, v17;
	v19 =	vsel vm2, $0x0, v22;
	[tilespmem:s22+$0xFFFFFFC0] =	vst v20  }
0x51f: {  	vm2 =	veq.s32 v21, v17;
	v17 =	vsel vm3, $0x0, v25;
	[tilespmem:s23+$0xFFFFFFD0] =	vst v19  }
0x520: {  	v18 =	vsel vm2, $0x0, v18;
	[tilespmem:s23+$0xFFFFFFE0] =	vst v17  }
0x521: {  	s0 =	simm.s32 $0x83F0;
	[tilespmem:s23+$0xFFFFFFF0] =	vst v18  }
0x522: {  	v18 =	vld [tilespmem:s0+$0x0]  }
0x523: {  	v19 =	vld [tilespmem:s0+$0xFFFFFF90]  }
0x524: {  	s21 =	simm.s32 $0x0;
	s28 =	simm.s32 $0x30;
	v17 =	vmul.u32 $0xFFFFFFFF, v0;
	v20 =	vld [tilespmem:s0+$0xFFFFFFA0]  }
0x525: {  	s1 =	sor.u32 $0x7, s20;
	s20 =	simm.s32 $0x70;
	s25 =	simm.s32 $0x10;
	v39 =	vmov s21;
	v27 =	vmov s28;
	v21 =	vld [tilespmem:s0+$0xFFFFFFB0]  }
0x526: {  	v22 =	vmov s20;
	v26 =	vmov s25;
	v23 =	vld [tilespmem:s0+$0xFFFFFFC0];
	v17 =	vadd.s32 s1, v17  }
0x527: {  	v25 =	vld [tilespmem:s0+$0xFFFFFFD0];
	vm4 =	veq.s32 v22, v17;
	vm3 =	vlt.s32 v18, $0x0;
	v24 =	vxor.u32 $0xFFFFFFFF, v18  }
0x528: {  	v18 =	vor.u32 $0x80000000, v18;
	vm2 =	vlt.s32 v19, $0x0;
	v28 =	vxor.u32 $0xFFFFFFFF, v19  }
0x529: {  	v19 =	vor.u32 $0x80000000, v19;
	v29 =	vxor.u32 $0xFFFFFFFF, v20;
	v30 =	vor.u32 $0x80000000, v20  }
0x52a: {  	vm15 =	vlt.s32 v21, $0x0;
	v31 =	vxor.u32 $0xFFFFFFFF, v21;
	v32 =	vor.u32 $0x80000000, v21  }
0x52b: {  	v22 =	vld [tilespmem:s0+$0xFFFFFFE0];
	vm5 =	vlt.s32 v23, $0x0;
	v33 =	vxor.u32 $0xFFFFFFFF, v23;
	v23 =	vor.u32 $0x80000000, v23  }
0x52c: {  	s31 =	simm.s32 $0x60;
	vm6 =	vlt.s32 v25, $0x0;
	v34 =	vxor.u32 $0xFFFFFFFF, v25;
	v25 =	vor.u32 $0x80000000, v25  }
0x52d: {  	s29 =	simm.s32 $0x40;
	s30 =	simm.s32 $0x50;
	v21 =	vmov s31;
	v18 =	vsel vm3, v24, v18;
	v24 =	vld [tilespmem:s0+$0xFFFFFFF0];
	vm3 =	vlt.s32 v20, $0x0  }
0x52e: {  	v20 =	vmov s29;
	v28 =	vsel vm2, v28, v19;
	v19 =	vmov s30  }
0x52f: {  	v23 =	vsel vm5, v33, v23;
	vm2 =	veq.s32 v39, v17;
	v18 =	vsel vm4, $0x0, v18  }
0x530: {  	vm7 =	vlt.s32 v22, $0x0;
	v35 =	vxor.u32 $0xFFFFFFFF, v22;
	v36 =	vor.u32 $0x80000000, v22  }
0x531: {  	v29 =	vsel vm3, v29, v30;
	v30 =	vsel vm15, v31, v32;
	v22 =	vsel vm6, v34, v25  }
0x532: {  	s26 =	simm.s32 $0x20;
	s21 =	simm.s32 $0x17150;
	vm8 =	vlt.s32 v24, $0x0;
	v37 =	vxor.u32 $0xFFFFFFFF, v24;
	v38 =	vor.u32 $0x80000000, v24  }
0x533: {  	s24 =	simm.s32 $0x87F0;
	s22 =	simm.s32 $0x17150;
	s23 =	simm.s32 $0x0;
	[tilespmem:s21+$0x0] =	vst v18;
	v25 =	vsel vm7, v35, v36;
	v24 =	vmov s26;
	v18 =	vsel vm8, v37, v38  }
.LBB2_59:
0x534: {  	v31 =	vld [tilespmem:s24+$0x0];
	s23 =	sadd.s32 $0x8, s23;
	vm3 =	veq.s32 v26, v17;
	vm4 =	veq.s32 v24, v17;
	vm5 =	veq.s32 v27, v17  }
0x535: {  	vm6 =	veq.s32 v20, v17;
	vm7 =	veq.s32 v19, v17;
	vm8 =	veq.s32 v21, v17;
	v24 =	vld [tilespmem:s24+$0xFFFFFF90];
	p0 =	slt.u32 s23, $0xF8  }
0x536: {  	v20 =	vsel vm2, $0x0, v28;
	v21 =	vsel vm3, $0x0, v29;
	v26 =	vsel vm4, $0x0, v30;
	v19 =	vld [tilespmem:s24+$0xFFFFFFA0]  }
0x537: {  	s20 =	sadd.s32 $0x80, s20;
	v22 =	vsel vm6, $0x0, v22;
	v27 =	vld [tilespmem:s24+$0xFFFFFFB0];
	[tilespmem:s21+$0xFFFFFF90] =	vst v20;
	v20 =	vsel vm5, $0x0, v23;
	v23 =	vsel vm7, $0x0, v25  }
0x538: {  	s0 =	sadd.s32 $0xFFFFFFA0, s20;
	s1 =	sadd.s32 $0xFFFFFFB0, s20;
	s25 =	sadd.s32 $0xFFFFFFC0, s20;
	v28 =	vmov s20;
	v18 =	vsel vm8, $0x0, v18;
	v25 =	vld [tilespmem:s24+$0xFFFFFFC0];
	[tilespmem:s21+$0xFFFFFFA0] =	vst v21  }
0x539: {  	s26 =	sadd.s32 $0xFFFFFFD0, s20;
	s28 =	sadd.s32 $0xFFFFFFE0, s20;
	s29 =	sadd.s32 $0xFFFFFFF0, s20;
	v21 =	vld [tilespmem:s24+$0xFFFFFFD0];
	vm3 =	vlt.s32 v31, $0x0;
	v29 =	vxor.u32 $0xFFFFFFFF, v31;
	v30 =	vor.u32 $0x80000000, v31;
	[tilespmem:s21+$0xFFFFFFB0] =	vst v26  }
0x53a: {  	s30 =	sadd.s32 $0xFFFFFF90, s20;
	vm4 =	veq.s32 v28, v17;
	vm2 =	vlt.s32 v24, $0x0;
	v26 =	vld [tilespmem:s24+$0xFFFFFFE0];
	v28 =	vsel vm3, v29, v30;
	[tilespmem:s21+$0xFFFFFFC0] =	vst v20  }
0x53b: {  	v29 =	vxor.u32 $0xFFFFFFFF, v24;
	v30 =	vor.u32 $0x80000000, v24;
	s21 =	sadd.s32 $0x80, s21;
	v20 =	vld [tilespmem:s24+$0xFFFFFFF0];
	v24 =	vsel vm4, $0x0, v28;
	[tilespmem:s22+$0xFFFFFFD0] =	vst v22  }
0x53c: {  	vm3 =	vlt.s32 v19, $0x0;
	v22 =	vxor.u32 $0xFFFFFFFF, v19;
	v31 =	vor.u32 $0x80000000, v19;
	[tilespmem:s21+$0x0] =	vst v24  }
0x53d: {  	vm4 =	vlt.s32 v27, $0x0;
	v32 =	vxor.u32 $0xFFFFFFFF, v27;
	v33 =	vor.u32 $0x80000000, v27;
	[tilespmem:s22+$0xFFFFFFE0] =	vst v23  }
0x53e: {  	vm5 =	vlt.s32 v25, $0x0;
	v23 =	vxor.u32 $0xFFFFFFFF, v25;
	v25 =	vor.u32 $0x80000000, v25;
	[tilespmem:s22+$0xFFFFFFF0] =	vst v18;
	s22 =	smov.u32 s21  }
0x53f: {  	vm6 =	vlt.s32 v21, $0x0;
	v18 =	vxor.u32 $0xFFFFFFFF, v21;
	v34 =	vor.u32 $0x80000000, v21  }
0x540: {  	vm7 =	vlt.s32 v26, $0x0;
	v35 =	vxor.u32 $0xFFFFFFFF, v26;
	v36 =	vor.u32 $0x80000000, v26  }
0x541: {  	vm8 =	vlt.s32 v20, $0x0;
	v37 =	vxor.u32 $0xFFFFFFFF, v20;
	v38 =	vor.u32 $0x80000000, v20  }
.Ltmp31:
0x542: {  	v39 =	vmov s30;
	v24 =	vmov s1;
	v26 =	vmov s0;
	(pc) =	sbr.rel @p0 .LBB2_59-.Ltmp31, $4  }
0x543: {  	v19 =	vmov s28;
	v27 =	vmov s25;
	v20 =	vmov s26  }
0x544: {  	v28 =	vsel vm2, v29, v30;
	v29 =	vsel vm3, v22, v31;
	v21 =	vmov s29  }
0x545: {  	v30 =	vsel vm4, v32, v33;
	v23 =	vsel vm5, v23, v25;
	v22 =	vsel vm6, v18, v34  }
0x546: {  	vm2 =	veq.s32 v39, v17;
	s24 =	sadd.s32 $0x400, s24;
	v25 =	vsel vm7, v35, v36;
	v18 =	vsel vm8, v37, v38  }
0x547: {  	vm3 =	veq.s32 v26, v17;
	v60 =	vsel vm2, $0x0, v28  }
0x548: {  	vm2 =	veq.s32 v24, v17;
	v61 =	vsel vm3, $0x0, v29;
	[tilespmem:s21+$0xFFFFFF90] =	vst v60  }
0x549: {  	vm3 =	veq.s32 v27, v17;
	v62 =	vsel vm2, $0x0, v30;
	[tilespmem:s21+$0xFFFFFFA0] =	vst v61  }
0x54a: {  	vm2 =	veq.s32 v20, v17;
	v63 =	vsel vm3, $0x0, v23;
	[tilespmem:s21+$0xFFFFFFB0] =	vst v62  }
0x54b: {  	vm3 =	veq.s32 v19, v17;
	v19 =	vsel vm2, $0x0, v22;
	[tilespmem:s21+$0xFFFFFFC0] =	vst v63  }
0x54c: {  	vm2 =	veq.s32 v21, v17;
	v17 =	vsel vm3, $0x0, v25;
	[tilespmem:s22+$0xFFFFFFD0] =	vst v19  }
0x54d: {  	v18 =	vsel vm2, $0x0, v18;
	[tilespmem:s22+$0xFFFFFFE0] =	vst v17  }
0x54e: {  	[tilespmem:s22+$0xFFFFFFF0] =	vst v18  }
0x54f: {  	v17 =	vld [tilespmem:$0x11020];
	_ =	sdelay $0x4  }
0x550: {  	[tilespmem:v9+s11+$0x0] =	vst.idx.msk $0x3, v17  }
0x551: {  	v9 =	vld [tilespmem:$0x12040];
	_ =	sdelay $0x4  }
0x552: {  	[tilespmem:v10+s11+$0x0] =	vst.idx.msk $0xf, v9  }
0x553: {  	v9 =	vld [tilespmem:$0x13060];
	_ =	sdelay $0x4  }
0x554: {  	[tilespmem:v11+s11+$0x0] =	vst.idx.msk $0x3f, v9  }
0x555: {  	v9 =	vld [tilespmem:$0x14080];
	_ =	sdelay $0x4  }
0x556: {  	[tilespmem:v12+s11+$0x0] =	vst.idx.msk $0xff, v9  }
0x557: {  	v9 =	vld [tilespmem:$0x150A0];
	_ =	sdelay $0x4  }
0x558: {  	[tilespmem:v13+s11+$0x0] =	vst.idx.msk $0x3ff, v9  }
0x559: {  	v9 =	vld [tilespmem:$0x160C0];
	_ =	sdelay $0x4  }
0x55a: {  	[tilespmem:v14+s11+$0x0] =	vst.idx.msk $0xfff, v9  }
0x55b: {  	v9 =	vld [tilespmem:$0x170E0];
	_ =	sdelay $0x4  }
0x55c: {  	s0 =	simm.s32 $0x18140;
	[tilespmem:v15+s11+$0x0] =	vst.idx.msk $0x3fff, v9  }
0x55d: {  	[tilespmem:s0+$0xFFFFFFC0] =	vst v3  }
0x55e: {  	[tilespmem:s0+$0x30] =	vst v3  }
0x55f: {  	[tilespmem:s0+$0x20] =	vst v3  }
0x560: {  	[tilespmem:s0+$0x10] =	vst v3  }
0x561: {  	[tilespmem:s0+$0x0] =	vst v3  }
0x562: {  	[tilespmem:s0+$0xFFFFFFF0] =	vst v3  }
0x563: {  	s20 =	simm.s32 $0x0;
	[tilespmem:s0+$0xFFFFFFE0] =	vst v3  }
.LBB2_61:
0x564: {  	s20 =	sadd.s32 $0x8, s20;
	[tilespmem:s0+$0xFFFFFFD0] =	vst v3;
	s0 =	sadd.s32 $0x80, s0  }
0x565: {  	[tilespmem:s0+$0xFFFFFFC0] =	vst v3;
	p0 =	slt.u32 s20, $0xF8  }
0x566: {  	[tilespmem:s0+$0x30] =	vst v3  }
.Ltmp32:
0x567: {  	[tilespmem:s0+$0x20] =	vst v3;
	(pc) =	sbr.rel @p0 .LBB2_61-.Ltmp32, $4  }
0x568: {  	[tilespmem:s0+$0x10] =	vst v3  }
0x569: {  	[tilespmem:s0+$0x0] =	vst v3  }
0x56a: {  	[tilespmem:s0+$0xFFFFFFF0] =	vst v3  }
0x56b: {  	[tilespmem:s0+$0xFFFFFFE0] =	vst v3  }
0x56c: {  	s1 =	simm.s32 $0x0  }
0x56d: {  	s29 =	simm.s32 $0x2;
	v9 =	vadd.s32 s1, v4  }
0x56e: {  	s30 =	simm.s32 $0x4;
	v10 =	vadd.s32 s29, v4  }
0x56f: {  	s31 =	simm.s32 $0x6;
	v11 =	vadd.s32 s30, v4  }
0x570: {  	[tilespmem:s0+$0xFFFFFFD0] =	vst v3;
	v12 =	vadd.s32 s31, v4  }
0x571: {  	[tilespmem:$0x19100] =	vst v3  }
0x572: {  	s20 =	simm.s32 $0xA;
	v9 =	vld.idx.msk [tilespmem:v9+s11+$0x0], $0xffff  }
0x573: {  	s21 =	simm.s32 $0xC;
	v14 =	vadd.s32 s20, v4;
	v10 =	vld.idx.msk [tilespmem:v10+s11+$0x0], $0xffff  }
0x574: {  	s22 =	simm.s32 $0xE;
	v15 =	vadd.s32 s21, v4;
	v11 =	vld.idx.msk [tilespmem:v11+s11+$0x0], $0xffff  }
0x575: {  	s24 =	simm.s32 $0x12;
	v17 =	vadd.s32 s22, v4;
	v12 =	vld.idx.msk [tilespmem:v12+s11+$0x0], $0xffff  }
0x576: {  	s1 =	simm.s32 $0x8;
	v19 =	vadd.s32 s24, v4  }
0x577: {  	v13 =	vadd.s32 s1, v4;
	v9 =	vshrl.u32 v9, $0x18  }
0x578: {  	v14 =	vld.idx.msk [tilespmem:v14+s11+$0x0], $0xffff;
	v10 =	vshrl.u32 v10, $0x18;
	v9 =	vadd.s32 v7, v9  }
0x579: {  	v15 =	vld.idx.msk [tilespmem:v15+s11+$0x0], $0xffff;
	v11 =	vshrl.u32 v11, $0x18;
	v10 =	vadd.s32 v7, v10  }
0x57a: {  	v17 =	vld.idx.msk [tilespmem:v17+s11+$0x0], $0xffff;
	v12 =	vshrl.u32 v12, $0x18;
	v11 =	vadd.s32 v7, v11  }
0x57b: {  	s23 =	simm.s32 $0x10;
	v19 =	vld.idx.msk [tilespmem:v19+s11+$0x0], $0xffff;
	v12 =	vadd.s32 v7, v12  }
0x57c: {  	s25 =	simm.s32 $0x14;
	v18 =	vadd.s32 s23, v4;
	v13 =	vld.idx.msk [tilespmem:v13+s11+$0x0], $0xffff  }
0x57d: {  	s26 =	simm.s32 $0x16;
	[tilespmem:v9+s12+$0x0] =	vst.idx.add.s32.msk $0xffff, v5;
	v9 =	vadd.s32 s25, v4  }
0x57e: {  	s30 =	simm.s32 $0x1C;
	[tilespmem:v10+s12+$0x0] =	vst.idx.add.s32.msk $0xffff, v5;
	v10 =	vadd.s32 s26, v4  }
0x57f: {  	s28 =	simm.s32 $0x18;
	v20 =	vadd.s32 s30, v4;
	[tilespmem:v11+s12+$0x0] =	vst.idx.add.s32.msk $0xffff, v5  }
0x580: {  	s29 =	simm.s32 $0x1A;
	v11 =	vadd.s32 s28, v4;
	[tilespmem:v12+s12+$0x0] =	vst.idx.add.s32.msk $0xffff, v5  }
0x581: {  	v14 =	vshrl.u32 v14, $0x18;
	v12 =	vld.idx.msk [tilespmem:v18+s11+$0x0], $0xffff;
	v18 =	vadd.s32 s29, v4  }
0x582: {  	v21 =	vld.idx.msk [tilespmem:v9+s11+$0x0], $0xffff;
	v9 =	vshrl.u32 v13, $0x18;
	v13 =	vadd.s32 v7, v14  }
0x583: {  	v14 =	vshrl.u32 v15, $0x18;
	v22 =	vld.idx.msk [tilespmem:v10+s11+$0x0], $0xffff;
	v23 =	vadd.s32 v7, v9  }
0x584: {  	v10 =	vld.idx.msk [tilespmem:v20+s11+$0x0], $0xffff;
	v24 =	vadd.s32 v7, v14;
	v14 =	vshrl.u32 v17, $0x18  }
0x585: {  	s31 =	simm.s32 $0x1E;
	v9 =	vld.idx.msk [tilespmem:v11+s11+$0x0], $0xffff;
	v15 =	vadd.s32 v7, v14  }
0x586: {  	v12 =	vshrl.u32 v12, $0x18;
	v11 =	vld.idx.msk [tilespmem:v18+s11+$0x0], $0xffff;
	v17 =	vadd.s32 s31, v4  }
0x587: {  	[tilespmem:v13+s12+$0x0] =	vst.idx.add.s32.msk $0xffff, v5;
	v13 =	vadd.s32 v7, v12;
	v12 =	vshrl.u32 v19, $0x18  }
0x588: {  	v18 =	vshrl.u32 v21, $0x18;
	[tilespmem:v23+s12+$0x0] =	vst.idx.add.s32.msk $0xffff, v5;
	v14 =	vadd.s32 v7, v12  }
0x589: {  	s0 =	simm.s32 $0x8;
	s20 =	simm.s32 $0x2E;
	v12 =	vadd.s32 v7, v18;
	v18 =	vshrl.u32 v22, $0x18;
	[tilespmem:v24+s12+$0x0] =	vst.idx.add.s32.msk $0xffff, v5  }
.LBB2_63:
0x58a: {  	s1 =	sadd.s32 $0xFFFFFFF2, s20;
	s0 =	sadd.s32 $0x8, s0;
	v18 =	vadd.s32 v7, v18;
	[tilespmem:v15+s12+$0x0] =	vst.idx.add.s32.msk $0xffff, v5  }
0x58b: {  	v11 =	vshrl.u32 v11, $0x18;
	v15 =	vadd.s32 s1, v4;
	s1 =	sadd.s32 $0xFFFFFFF4, s20;
	p0 =	slt.u32 s0, $0x7F8;
	v17 =	vld.idx.msk [tilespmem:v17+s11+$0x0], $0xffff  }
0x58c: {  	v10 =	vshrl.u32 v10, $0x18;
	v19 =	vadd.s32 s1, v4;
	s1 =	sadd.s32 $0xFFFFFFF6, s20;
	[tilespmem:v13+s12+$0x0] =	vst.idx.add.s32.msk $0xffff, v5  }
0x58d: {  	v13 =	vadd.s32 s1, v4;
	s1 =	sadd.s32 $0xFFFFFFF8, s20;
	[tilespmem:v14+s12+$0x0] =	vst.idx.add.s32.msk $0xffff, v5  }
0x58e: {  	v14 =	vadd.s32 s1, v4;
	s1 =	sadd.s32 $0xFFFFFFFA, s20;
	[tilespmem:v12+s12+$0x0] =	vst.idx.add.s32.msk $0xffff, v5  }
0x58f: {  	v12 =	vadd.s32 s1, v4;
	s1 =	sadd.s32 $0xFFFFFFFC, s20;
	[tilespmem:v18+s12+$0x0] =	vst.idx.add.s32.msk $0xffff, v5  }
0x590: {  	v18 =	vld.idx.msk [tilespmem:v15+s11+$0x0], $0xffff;
	v15 =	vadd.s32 s1, v4;
	s1 =	sadd.s32 $0xFFFFFFFE, s20  }
0x591: {  	v17 =	vshrl.u32 v17, $0x18;
	v19 =	vld.idx.msk [tilespmem:v19+s11+$0x0], $0xffff;
	v20 =	vadd.s32 s1, v4  }
0x592: {  	v9 =	vshrl.u32 v9, $0x18;
	v22 =	vadd.s32 v7, v11;
	v21 =	vld.idx.msk [tilespmem:v13+s11+$0x0], $0xffff  }
0x593: {  	v24 =	vadd.s32 v7, v9;
	v23 =	vld.idx.msk [tilespmem:v14+s11+$0x0], $0xffff  }
0x594: {  	v25 =	vadd.s32 v7, v10;
	v9 =	vld.idx.msk [tilespmem:v12+s11+$0x0], $0xffff  }
.Ltmp33:
0x595: {  	v11 =	vld.idx.msk [tilespmem:v15+s11+$0x0], $0xffff;
	v15 =	vadd.s32 v7, v17;
	(pc) =	sbr.rel @p0 .LBB2_63-.Ltmp33, $4  }
0x596: {  	v12 =	vshrl.u32 v18, $0x18;
	v17 =	vadd.s32 s20, v4;
	v10 =	vld.idx.msk [tilespmem:v20+s11+$0x0], $0xffff  }
0x597: {  	v13 =	vadd.s32 v7, v12;
	v12 =	vshrl.u32 v19, $0x18;
	[tilespmem:v22+s12+$0x0] =	vst.idx.add.s32.msk $0xffff, v5  }
0x598: {  	v14 =	vadd.s32 v7, v12;
	v12 =	vshrl.u32 v21, $0x18;
	[tilespmem:v24+s12+$0x0] =	vst.idx.add.s32.msk $0xffff, v5  }
0x599: {  	s20 =	sadd.s32 $0x10, s20;
	v12 =	vadd.s32 v7, v12;
	v18 =	vshrl.u32 v23, $0x18;
	[tilespmem:v25+s12+$0x0] =	vst.idx.add.s32.msk $0xffff, v5  }
0x59a: {  	_ =	sdelay $0x3  }
0x59b: {  	v17 =	vld.idx.msk [tilespmem:v17+s11+$0x0], $0xffff;
	_ =	sdelay $0x1  }
0x59c: {  	v18 =	vadd.s32 v7, v18;
	v11 =	vshrl.u32 v11, $0x18  }
0x59d: {  	[tilespmem:v15+s12+$0x0] =	vst.idx.add.s32.msk $0xffff, v5;
	v9 =	vshrl.u32 v9, $0x18;
	v11 =	vadd.s32 v7, v11  }
0x59e: {  	[tilespmem:v13+s12+$0x0] =	vst.idx.add.s32.msk $0xffff, v5;
	v10 =	vshrl.u32 v10, $0x18;
	v9 =	vadd.s32 v7, v9  }
0x59f: {  	[tilespmem:v14+s12+$0x0] =	vst.idx.add.s32.msk $0xffff, v5;
	v10 =	vadd.s32 v7, v10;
	v13 =	vshrl.u32 v17, $0x18  }
0x5a0: {  	[tilespmem:v12+s12+$0x0] =	vst.idx.add.s32.msk $0xffff, v5;
	s0 =	simm.s32 $0xFF;
	v12 =	vadd.s32 v7, v13  }
0x5a1: {  	[tilespmem:v18+s12+$0x0] =	vst.idx.add.s32.msk $0xffff, v5;
	v13 =	vadd.s32 s0, v6  }
0x5a2: {  	s1 =	simm.s32 $0xFE;
	[tilespmem:v11+s12+$0x0] =	vst.idx.add.s32.msk $0xffff, v5;
	v11 =	vadd.s32 s0, v8  }
0x5a3: {  	s25 =	simm.s32 $0xFD;
	[tilespmem:v9+s12+$0x0] =	vst.idx.add.s32.msk $0xffff, v5;
	v9 =	vadd.s32 s1, v6  }
0x5a4: {  	v14 =	vadd.s32 s25, v8;
	[tilespmem:v10+s12+$0x0] =	vst.idx.add.s32.msk $0xffff, v5  }
0x5a5: {  	v15 =	vadd.s32 s1, v8;
	[tilespmem:v12+s12+$0x0] =	vst.idx.add.s32.msk $0xffff, v5  }
0x5a6: {  	s22 =	simm.s32 $0xFC;
	v17 =	vadd.s32 s25, v6;
	v13 =	vld.idx.msk [tilespmem:v13+s12+$0x0], $0xffff  }
0x5a7: {  	v10 =	vadd.s32 s22, v8;
	v11 =	vld.idx.msk [tilespmem:v11+s12+$0x0], $0xffff  }
0x5a8: {  	v12 =	vadd.s32 s22, v6;
	v9 =	vld.idx.msk [tilespmem:v9+s12+$0x0], $0xffff  }
0x5a9: {  	v14 =	vld.idx.msk [tilespmem:v14+s12+$0x0], $0xffff  }
0x5aa: {  	s24 =	simm.s32 $0xFB;
	v15 =	vld.idx.msk [tilespmem:v15+s12+$0x0], $0xffff  }
0x5ab: {  	s20 =	simm.s32 $0xF8;
	v20 =	vadd.s32 s24, v6;
	v21 =	vld.idx.msk [tilespmem:v17+s12+$0x0], $0xffff  }
0x5ac: {  	v19 =	vimm.s32 $0x0;
	s23 =	simm.s32 $0xFA;
	s21 =	simm.s32 $0xF9;
	v22 =	vadd.s32 s24, v8;
	v26 =	vadd.s32 s20, v8;
	v10 =	vld.idx.msk [tilespmem:v10+s12+$0x0], $0xffff  }
0x5ad: {  	v23 =	vadd.s32 s23, v6;
	v24 =	vadd.s32 s21, v8;
	v18 =	vld.idx.msk [tilespmem:v12+s12+$0x0], $0xffff;
	v17 =	vadd.s32 v19, v13  }
0x5ae: {  	v25 =	vadd.s32 s20, v6;
	v12 =	vadd.s32 s23, v8;
	v17 =	vadd.s32 v11, v17  }
0x5af: {  	v13 =	vadd.s32 s21, v6;
	v9 =	vadd.s32 v9, v15;
	vm2 =	vgt.s32 v17, $0x7F  }
0x5b0: {  	v28 =	vld.idx.msk [tilespmem:v20+s12+$0x0], $0xffff;
	v11 =	vadd.s32 v21, v14;
	v14 =	vadd.s32 v17, v9;
	vm3 =	vmand vm2, vm1  }
0x5b1: {  	v15 =	vld.idx.msk [tilespmem:v26+s12+$0x0], $0xffff;
	vm2 =	vmor vm0, vm2;
	vm4 =	vgt.s32 v14, $0x7F;
	v20 =	vadd.s32 v14, v11  }
0x5b2: {  	v9 =	vld.idx.msk [tilespmem:v22+s12+$0x0], $0xffff;
	v27 =	vadd.s32 v18, v10;
	v21 =	vsel vm3, s0, v19;
	vm5 =	vmneg vm2  }
0x5b3: {  	v10 =	vld.idx.msk [tilespmem:v23+s12+$0x0], $0xffff;
	vm2 =	vmor vm2, vm4;
	v23 =	vsel vm3, v19, v19;
	vm3 =	vmand vm4, vm5  }
0x5b4: {  	v18 =	vld.idx.msk [tilespmem:v25+s12+$0x0], $0xffff;
	vm4 =	vgt.s32 v20, $0x7F;
	v11 =	vadd.s32 v20, v27;
	vm5 =	vmneg vm2  }
0x5b5: {  	s26 =	simm.s32 $0xF4;
	s0 =	simm.s32 $0x4;
	v19 =	vld.idx.msk [tilespmem:v24+s12+$0x0], $0xffff;
	v22 =	vsel vm3, s1, v21;
	v21 =	vadd.s32 v11, v28;
	vm2 =	vmor vm2, vm4  }
.LBB2_65:
0x5b6: {  	s1 =	sadd.s32 $0x3, s26;
	s28 =	sadd.s32 $0x2, s26;
	s0 =	sadd.s32 $0x4, s0;
	v24 =	vld.idx.msk [tilespmem:v12+s12+$0x0], $0xffff;
	v17 =	vsel vm3, v17, v23;
	vm3 =	vmand vm4, vm5;
	vm4 =	vgt.s32 v11, $0x7F  }
0x5b7: {  	vm5 =	vmneg vm2;
	v23 =	vadd.s32 s1, v6;
	v25 =	vadd.s32 s1, v8;
	p0 =	slt.u32 s0, $0xFC;
	v26 =	vld.idx.msk [tilespmem:v13+s12+$0x0], $0xffff  }
0x5b8: {  	v27 =	vadd.s32 s28, v6;
	v12 =	vadd.s32 s28, v8;
	v22 =	vsel vm3, s25, v22;
	s25 =	smov.u32 s21  }
0x5b9: {  	s21 =	sadd.s32 $0x1, s26;
	v14 =	vsel vm3, v14, v17;
	vm3 =	vmand vm4, vm5;
	vm2 =	vmor vm2, vm4  }
0x5ba: {  	v13 =	vadd.s32 s21, v6;
	v22 =	vsel vm3, s22, v22;
	v20 =	vsel vm3, v20, v14;
	s22 =	smov.u32 s20;
	s20 =	smov.u32 s26  }
0x5bb: {  	v28 =	vadd.s32 s21, v8  }
0x5bc: {  	v30 =	vadd.s32 s26, v6;
	v31 =	vadd.s32 v18, v15;
	v29 =	vld.idx.msk [tilespmem:v23+s12+$0x0], $0xffff;
	v23 =	vadd.s32 s26, v8  }
0x5bd: {  	v17 =	vadd.s32 v9, v21;
	v14 =	vadd.s32 v10, v24;
	v18 =	vadd.s32 v26, v19;
	v9 =	vld.idx.msk [tilespmem:v25+s12+$0x0], $0xffff  }
0x5be: {  	vm3 =	vgt.s32 v17, $0x7F;
	vm4 =	vmneg vm2;
	v14 =	vadd.s32 v17, v14;
	v10 =	vld.idx.msk [tilespmem:v27+s12+$0x0], $0xffff  }
.Ltmp34:
0x5bf: {  	vm4 =	vmand vm3, vm4;
	vm2 =	vmor vm2, vm3;
	vm3 =	vgt.s32 v14, $0x7F;
	(pc) =	sbr.rel @p0 .LBB2_65-.Ltmp34, $4  }
0x5c0: {  	vm5 =	vmneg vm2;
	v19 =	vsel vm4, s24, v22;
	s24 =	smov.u32 s1;
	vm2 =	vmor vm2, vm3  }
0x5c1: {  	vm3 =	vmand vm3, vm5;
	v15 =	vld.idx.msk [tilespmem:v23+s12+$0x0], $0xffff;
	v23 =	vsel vm4, v11, v20;
	v20 =	vadd.s32 v14, v18  }
0x5c2: {  	v22 =	vsel vm3, s23, v19;
	s23 =	smov.u32 s28;
	v18 =	vld.idx.msk [tilespmem:v30+s12+$0x0], $0xffff;
	vm4 =	vgt.s32 v20, $0x7F;
	v11 =	vadd.s32 v20, v31  }
0x5c3: {  	s26 =	sadd.s32 $0xFFFFFFFC, s26;
	vm5 =	vmneg vm2;
	v21 =	vadd.s32 v11, v29;
	v19 =	vld.idx.msk [tilespmem:v28+s12+$0x0], $0xffff;
	vm2 =	vmor vm2, vm4  }
0x5c4: {  	_ =	sdelay $0x3  }
0x5c5: {  	v12 =	vld.idx.msk [tilespmem:v12+s12+$0x0], $0xffff;
	v17 =	vsel vm3, v17, v23;
	vm3 =	vmand vm4, vm5  }
0x5c6: {  	vm10 =	vgt.s32 v11, $0x7F;
	vm11 =	vmneg vm2;
	v9 =	vadd.s32 v9, v21  }
0x5c7: {  	v13 =	vld.idx.msk [tilespmem:v13+s12+$0x0], $0xffff;
	v22 =	vsel vm3, s25, v22;
	v14 =	vsel vm3, v14, v17;
	vm3 =	vmand vm10, vm11  }
0x5c8: {  	vm2 =	vmor vm2, vm10;
	v17 =	vsel vm3, s22, v22;
	v14 =	vsel vm3, v20, v14  }
0x5c9: {  	vm3 =	vgt.s32 v9, $0x7F;
	vm4 =	vmneg vm2;
	v15 =	vadd.s32 v18, v15  }
0x5ca: {  	vm4 =	vmand vm3, vm4;
	vm2 =	vmor vm2, vm3;
	v10 =	vadd.s32 v10, v12  }
0x5cb: {  	s0 =	simm.s32 $0x18140;
	v62 =	vsel vm4, s24, v17;
	vm12 =	vmneg vm2;
	v10 =	vadd.s32 v9, v10  }
0x5cc: {  	[tilespmem:s0+$0xFFFFFFC0] =	vst v3;
	v11 =	vsel vm4, v11, v14;
	v61 =	vadd.s32 v13, v19;
	vm3 =	vgt.s32 v10, $0x7F  }
0x5cd: {  	p0 =	por $0x1, $0x1;
	[tilespmem:s0+$0x30] =	vst v3;
	v12 =	vadd.s32 v10, v61;
	vm2 =	vmor vm2, vm3;
	vm3 =	vmand vm3, vm12  }
.Ltmp35:
0x5ce: {  	[tilespmem:s0+$0x20] =	vst v3;
	vm13 =	vgt.s32 v12, $0x7F;
	v63 =	vadd.s32 v12, v15;
	v13 =	vsel vm3, s23, v62;
	(pc) =	sbr.rel @!p0 .LBB2_68-.Ltmp35, $4  }
0x5cf: {  	[tilespmem:s0+$0x10] =	vst v3;
	vm14 =	vmneg vm2;
	vm2 =	vmor vm2, vm13;
	v9 =	vsel vm3, v9, v11  }
0x5d0: {  	[tilespmem:s0+$0x0] =	vst v3;
	vm15 =	vgt.s32 v63, $0x7F;
	vm3 =	vmand vm13, vm14;
	vm2 =	vmneg vm2  }
0x5d1: {  	[tilespmem:s0+$0xFFFFFFF0] =	vst v3;
	v11 =	vsel vm3, s21, v13;
	v10 =	vsel vm3, v10, v9;
	vm2 =	vmand vm15, vm2  }
0x5d2: {  	[tilespmem:s0+$0xFFFFFFE0] =	vst v3;
	v9 =	vsel vm2, s20, v11;
	v10 =	vsel vm2, v12, v10;
	s20 =	simm.s32 $0x0  }
.LBB2_67:
0x5d3: {  	s20 =	sadd.s32 $0x8, s20;
	[tilespmem:s0+$0xFFFFFFD0] =	vst v3;
	s0 =	sadd.s32 $0x80, s0  }
0x5d4: {  	[tilespmem:s0+$0xFFFFFFC0] =	vst v3;
	p0 =	slt.u32 s20, $0xF8  }
0x5d5: {  	[tilespmem:s0+$0x30] =	vst v3  }
.Ltmp36:
0x5d6: {  	[tilespmem:s0+$0x20] =	vst v3;
	(pc) =	sbr.rel @p0 .LBB2_67-.Ltmp36, $4  }
0x5d7: {  	[tilespmem:s0+$0x10] =	vst v3  }
0x5d8: {  	[tilespmem:s0+$0x0] =	vst v3  }
0x5d9: {  	[tilespmem:s0+$0xFFFFFFF0] =	vst v3  }
0x5da: {  	[tilespmem:s0+$0xFFFFFFE0] =	vst v3  }
.LBB2_68:
0x5db: {  	s1 =	simm.s32 $0xE  }
0x5dc: {  	s20 =	simm.s32 $0xC;
	v11 =	vadd.s32 s1, v4  }
0x5dd: {  	s22 =	simm.s32 $0xA;
	v12 =	vadd.s32 s20, v4  }
0x5de: {  	s29 =	simm.s32 $0x2;
	v19 =	vadd.s32 s22, v4  }
0x5df: {  	s30 =	simm.s32 $0x0;
	[tilespmem:s0+$0xFFFFFFD0] =	vst v3;
	v13 =	vadd.s32 s29, v4  }
0x5e0: {  	v14 =	vadd.s32 s30, v4;
	[tilespmem:$0x19100] =	vst v3;
	s20 =	simm.s32 $0x6  }
0x5e1: {  	s21 =	simm.s32 $0x8;
	v17 =	vadd.s32 s20, v4;
	v11 =	vld.idx.msk [tilespmem:v11+s11+$0x0], $0xffff  }
0x5e2: {  	s31 =	simm.s32 $0x4;
	v18 =	vadd.s32 s21, v4;
	v12 =	vld.idx.msk [tilespmem:v12+s11+$0x0], $0xffff  }
0x5e3: {  	s23 =	simm.s32 $0x1E;
	s24 =	simm.s32 $0x12;
	v15 =	vadd.s32 s31, v4;
	v19 =	vld.idx.msk [tilespmem:v19+s11+$0x0], $0xffff  }
0x5e4: {  	v9 =	vshll.u32 v9, $0x18;
	s25 =	simm.s32 $0x1C;
	s26 =	simm.s32 $0x14;
	s28 =	simm.s32 $0x16;
	v22 =	vadd.s32 s23, v4;
	v26 =	vadd.s32 s24, v4;
	v13 =	vld.idx.msk [tilespmem:v13+s11+$0x0], $0xffff  }
0x5e5: {  	v27 =	vadd.s32 s25, v4;
	s29 =	simm.s32 $0x10;
	v29 =	vadd.s32 s26, v4;
	v30 =	vadd.s32 s28, v4;
	s30 =	simm.s32 $0x18;
	s31 =	simm.s32 $0x1A;
	v14 =	vld.idx.msk [tilespmem:v14+s11+$0x0], $0xffff  }
0x5e6: {  	v32 =	vadd.s32 s29, v4;
	v33 =	vadd.s32 s30, v4;
	v34 =	vadd.s32 s31, v4;
	v17 =	vld.idx.msk [tilespmem:v17+s11+$0x0], $0xffff  }
0x5e7: {  	v20 =	vshrl.u32 v11, $0x10;
	v23 =	vand.u32 $0xFF000000, v11;
	v11 =	vld.idx.msk [tilespmem:v18+s11+$0x0], $0xffff;
	v18 =	vshrl.u32 v12, $0x10  }
0x5e8: {  	v15 =	vld.idx.msk [tilespmem:v15+s11+$0x0], $0xffff;
	v12 =	vand.u32 $0xFF000000, v12;
	v31 =	vshrl.u32 v19, $0x10;
	v63 =	vand.u32 $0xFF000000, v19  }
0x5e9: {  	v24 =	vand.u32 $0xFF, v20;
	v20 =	vshrl.u32 v13, $0x10;
	v18 =	vand.u32 $0xFF, v18  }
0x5ea: {  	v27 =	vld.idx.msk [tilespmem:v27+s11+$0x0], $0xffff;
	vm2 =	veq.s32 v12, v9;
	v12 =	vshrl.u32 v14, $0x10;
	v14 =	vand.u32 $0xFF000000, v14  }
0x5eb: {  	v13 =	vand.u32 $0xFF000000, v13;
	v25 =	vshrl.u32 v17, $0x10;
	v36 =	vand.u32 $0xFF000000, v17  }
0x5ec: {  	v32 =	vld.idx.msk [tilespmem:v32+s11+$0x0], $0xffff;
	vm3 =	veq.s32 v63, v9;
	v18 =	vadd.s32 v7, v18;
	v12 =	vand.u32 $0xFF, v12  }
0x5ed: {  	v21 =	vand.u32 $0xFF, v20;
	v20 =	vshrl.u32 v15, $0x10;
	v15 =	vand.u32 $0xFF000000, v15  }
0x5ee: {  	v25 =	vand.u32 $0xFF, v25;
	vm7 =	veq.s32 v14, v9;
	vm8 =	veq.s32 v13, v9  }
0x5ef: {  	v35 =	vld.idx.msk [tilespmem:v22+s11+$0x0], $0xffff;
	vm5 =	veq.s32 v36, v9;
	v13 =	vadd.s32 v7, v24;
	v24 =	vand.u32 $0xFF000000, v27  }
0x5f0: {  	v17 =	vld.idx.msk [tilespmem:v29+s11+$0x0], $0xffff;
	v37 =	vadd.s32 v7, v12;
	v12 =	vand.u32 $0xFF, v31;
	vm9 =	veq.s32 v15, v9  }
0x5f1: {  	v22 =	vadd.s32 v7, v25;
	vm6 =	veq.s32 v24, v9;
	v24 =	vand.u32 $0xFF000000, v32;
	[tilespmem:v18+s12+$0x0] =	vst.idx.add.s32.msk vm2, v5  }
0x5f2: {  	v19 =	vadd.s32 v7, v12;
	v18 =	vand.u32 $0xFF, v20;
	v20 =	vld.idx.msk [tilespmem:v26+s11+$0x0], $0xffff;
	v26 =	vadd.s32 v7, v21  }
0x5f3: {  	v14 =	vld.idx.msk [tilespmem:v33+s11+$0x0], $0xffff;
	v28 =	vshrl.u32 v11, $0x10;
	v11 =	vand.u32 $0xFF000000, v11;
	v38 =	vadd.s32 v7, v18  }
0x5f4: {  	v12 =	vshrl.u32 v35, $0x10;
	v28 =	vand.u32 $0xFF, v28;
	vm4 =	veq.s32 v11, v9;
	v18 =	vld.idx.msk [tilespmem:v30+s11+$0x0], $0xffff  }
0x5f5: {  	v15 =	vld.idx.msk [tilespmem:v34+s11+$0x0], $0xffff;
	v21 =	vadd.s32 v7, v28;
	vm2 =	veq.s32 v23, v9;
	v23 =	vshrl.u32 v27, $0x10  }
0x5f6: {  	v12 =	vand.u32 $0xFF, v12;
	v11 =	vand.u32 $0xFF000000, v35;
	v23 =	vand.u32 $0xFF, v23;
	[tilespmem:v37+s12+$0x0] =	vst.idx.add.s32.msk vm7, v5  }
0x5f7: {  	v28 =	vshrl.u32 v32, $0x10;
	v25 =	vadd.s32 v7, v23;
	v27 =	vshrl.u32 v20, $0x10;
	[tilespmem:v26+s12+$0x0] =	vst.idx.add.s32.msk vm8, v5  }
0x5f8: {  	s21 =	simm.s32 $0x2E;
	s20 =	simm.s32 $0x8;
	v26 =	vand.u32 $0xFF, v28;
	v23 =	vand.u32 $0xFF, v27;
	v27 =	vshrl.u32 v17, $0x10;
	[tilespmem:v38+s12+$0x0] =	vst.idx.add.s32.msk vm9, v5  }
.LBB2_69:
0x5f9: {  	s0 =	sadd.s32 $0xFFFFFFF4, s21;
	s1 =	sadd.s32 $0xFFFFFFFE, s21;
	v28 =	vadd.s32 s21, v4;
	s20 =	sadd.s32 $0x8, s20;
	v29 =	vand.u32 $0xFF000000, v20;
	v20 =	vshrl.u32 v18, $0x10;
	[tilespmem:v22+s12+$0x0] =	vst.idx.add.s32.msk vm5, v5  }
0x5fa: {  	s22 =	sadd.s32 $0xFFFFFFF8, s21;
	v31 =	vshrl.u32 v14, $0x10;
	v22 =	vadd.s32 s0, v4;
	s0 =	sadd.s32 $0xFFFFFFF6, s21;
	v30 =	vadd.s32 s1, v4;
	p0 =	slt.u32 s20, $0x7F8;
	[tilespmem:v21+s12+$0x0] =	vst.idx.add.s32.msk vm4, v5  }
0x5fb: {  	s1 =	sadd.s32 $0xFFFFFFF2, s21;
	v32 =	vadd.s32 s22, v4;
	s22 =	sadd.s32 $0xFFFFFFFC, s21;
	v33 =	vshrl.u32 v15, $0x10;
	v21 =	vadd.s32 s0, v4;
	s0 =	sadd.s32 $0xFFFFFFFA, s21;
	[tilespmem:v19+s12+$0x0] =	vst.idx.add.s32.msk vm3, v5  }
0x5fc: {  	v19 =	vadd.s32 s1, v4;
	v35 =	vadd.s32 s22, v4;
	v34 =	vadd.s32 s0, v4;
	[tilespmem:v25+s12+$0x0] =	vst.idx.add.s32.msk vm6, v5  }
0x5fd: {  	v17 =	vand.u32 $0xFF000000, v17;
	v25 =	vand.u32 $0xFF, v27;
	v27 =	vand.u32 $0xFF, v20;
	[tilespmem:v13+s12+$0x0] =	vst.idx.add.s32.msk vm2, v5  }
0x5fe: {  	v14 =	vand.u32 $0xFF000000, v14;
	v13 =	vand.u32 $0xFF000000, v18;
	v18 =	vand.u32 $0xFF, v31;
	v28 =	vld.idx.msk [tilespmem:v28+s11+$0x0], $0xffff  }
0x5ff: {  	v26 =	vadd.s32 v7, v26;
	v15 =	vand.u32 $0xFF000000, v15;
	v31 =	vand.u32 $0xFF, v33;
	v30 =	vld.idx.msk [tilespmem:v30+s11+$0x0], $0xffff  }
0x600: {  	vm9 =	veq.s32 v24, v9;
	v23 =	vadd.s32 v7, v23;
	vm8 =	veq.s32 v29, v9;
	v20 =	vld.idx.msk [tilespmem:v22+s11+$0x0], $0xffff  }
0x601: {  	vm7 =	veq.s32 v17, v9;
	v29 =	vadd.s32 v7, v25;
	v22 =	vadd.s32 v7, v27;
	v24 =	vld.idx.msk [tilespmem:v19+s11+$0x0], $0xffff  }
0x602: {  	vm4 =	veq.s32 v14, v9;
	vm5 =	veq.s32 v13, v9;
	v17 =	vld.idx.msk [tilespmem:v21+s11+$0x0], $0xffff;
	v21 =	vadd.s32 v7, v18  }
0x603: {  	vm3 =	veq.s32 v15, v9;
	v13 =	vadd.s32 v7, v12;
	v19 =	vadd.s32 v7, v31;
	v18 =	vld.idx.msk [tilespmem:v32+s11+$0x0], $0xffff  }
.Ltmp37:
0x604: {  	vm2 =	veq.s32 v11, v9;
	v12 =	vshrl.u32 v28, $0x10;
	v11 =	vand.u32 $0xFF000000, v28;
	v14 =	vld.idx.msk [tilespmem:v34+s11+$0x0], $0xffff;
	(pc) =	sbr.rel @p0 .LBB2_69-.Ltmp37, $4  }
0x605: {  	v25 =	vshrl.u32 v30, $0x10;
	v27 =	vand.u32 $0xFF000000, v30;
	v12 =	vand.u32 $0xFF, v12;
	v15 =	vld.idx.msk [tilespmem:v35+s11+$0x0], $0xffff  }
0x606: {  	v28 =	vshrl.u32 v20, $0x10;
	v25 =	vand.u32 $0xFF, v25;
	vm6 =	veq.s32 v27, v9;
	[tilespmem:v26+s12+$0x0] =	vst.idx.add.s32.msk vm9, v5  }
0x607: {  	v26 =	vshrl.u32 v24, $0x10;
	v24 =	vand.u32 $0xFF000000, v24;
	v25 =	vadd.s32 v7, v25;
	[tilespmem:v23+s12+$0x0] =	vst.idx.add.s32.msk vm8, v5  }
0x608: {  	s21 =	sadd.s32 $0x10, s21;
	v26 =	vand.u32 $0xFF, v26;
	v23 =	vand.u32 $0xFF, v28;
	v27 =	vshrl.u32 v17, $0x10;
	[tilespmem:v29+s12+$0x0] =	vst.idx.add.s32.msk vm7, v5  }
0x609: {  	_ =	sdelay $0x2  }
0x60a: {  	v20 =	vand.u32 $0xFF000000, v20  }
0x60b: {  	v28 =	vshrl.u32 v18, $0x10;
	v29 =	vshrl.u32 v14, $0x10;
	vm7 =	veq.s32 v24, v9  }
0x60c: {  	v27 =	vand.u32 $0xFF, v27;
	v17 =	vand.u32 $0xFF000000, v17;
	[tilespmem:v22+s12+$0x0] =	vst.idx.add.s32.msk vm5, v5;
	v22 =	vadd.s32 v7, v26  }
0x60d: {  	v18 =	vand.u32 $0xFF000000, v18;
	[tilespmem:v21+s12+$0x0] =	vst.idx.add.s32.msk vm4, v5;
	v21 =	vadd.s32 v7, v23;
	vm8 =	veq.s32 v11, v9  }
0x60e: {  	v14 =	vand.u32 $0xFF000000, v14;
	v11 =	vadd.s32 v7, v12;
	vm5 =	veq.s32 v20, v9  }
0x60f: {  	[tilespmem:v19+s12+$0x0] =	vst.idx.add.s32.msk vm3, v5;
	v24 =	vshrl.u32 v15, $0x10;
	v28 =	vand.u32 $0xFF, v28;
	vm4 =	veq.s32 v17, v9  }
0x610: {  	[tilespmem:v25+s12+$0x0] =	vst.idx.add.s32.msk vm6, v5;
	v20 =	vand.u32 $0xFF, v29;
	v17 =	vadd.s32 v7, v27;
	vm3 =	veq.s32 v18, v9  }
0x611: {  	[tilespmem:v13+s12+$0x0] =	vst.idx.add.s32.msk vm2, v5;
	v15 =	vand.u32 $0xFF000000, v15;
	vm6 =	veq.s32 v14, v9;
	v18 =	vadd.s32 v7, v28  }
0x612: {  	v13 =	vand.u32 $0xFF, v24;
	v14 =	vadd.s32 v7, v20;
	vm2 =	veq.s32 v15, v9;
	[tilespmem:v22+s12+$0x0] =	vst.idx.add.s32.msk vm7, v5  }
0x613: {  	s0 =	simm.s32 $0xFF;
	v13 =	vadd.s32 v7, v13;
	[tilespmem:v11+s12+$0x0] =	vst.idx.add.s32.msk vm8, v5  }
0x614: {  	v12 =	vadd.s32 s0, v6;
	[tilespmem:v21+s12+$0x0] =	vst.idx.add.s32.msk vm5, v5  }
0x615: {  	s22 =	simm.s32 $0xFC;
	v15 =	vadd.s32 s0, v8;
	[tilespmem:v17+s12+$0x0] =	vst.idx.add.s32.msk vm4, v5  }
0x616: {  	s1 =	simm.s32 $0xFE;
	v11 =	vadd.s32 s22, v6;
	[tilespmem:v18+s12+$0x0] =	vst.idx.add.s32.msk vm3, v5  }
0x617: {  	s25 =	simm.s32 $0xFD;
	[tilespmem:v14+s12+$0x0] =	vst.idx.add.s32.msk vm6, v5;
	v14 =	vadd.s32 s1, v6  }
0x618: {  	v17 =	vadd.s32 s25, v8;
	[tilespmem:v13+s12+$0x0] =	vst.idx.add.s32.msk vm2, v5  }
0x619: {  	v18 =	vadd.s32 s1, v8;
	v12 =	vld.idx.msk [tilespmem:v12+s12+$0x0], $0xffff  }
0x61a: {  	v13 =	vadd.s32 s22, v8;
	v19 =	vld.idx.msk [tilespmem:v15+s12+$0x0], $0xffff  }
0x61b: {  	v15 =	vadd.s32 s25, v6;
	v11 =	vld.idx.msk [tilespmem:v11+s12+$0x0], $0xffff  }
0x61c: {  	v20 =	vld.idx.msk [tilespmem:v14+s12+$0x0], $0xffff  }
0x61d: {  	v17 =	vld.idx.msk [tilespmem:v17+s12+$0x0], $0xffff  }
0x61e: {  	s24 =	simm.s32 $0xFB;
	v18 =	vld.idx.msk [tilespmem:v18+s12+$0x0], $0xffff  }
0x61f: {  	s23 =	simm.s32 $0xFA;
	v22 =	vadd.s32 s24, v6;
	v21 =	vimm.s32 $0x0;
	v13 =	vld.idx.msk [tilespmem:v13+s12+$0x0], $0xffff  }
0x620: {  	v10 =	vsub.s32 $0x80, v10;
	s21 =	simm.s32 $0xF9;
	s20 =	simm.s32 $0xF8;
	v25 =	vadd.s32 s23, v6;
	v23 =	vld.idx.msk [tilespmem:v15+s12+$0x0], $0xffff;
	v12 =	vadd.s32 v21, v12  }
0x621: {  	v26 =	vadd.s32 s21, v8;
	v62 =	vadd.s32 s20, v8;
	v19 =	vadd.s32 v19, v12  }
0x622: {  	v27 =	vadd.s32 s20, v6;
	v24 =	vadd.s32 s24, v8;
	vm2 =	vge.s32 v19, v10  }
0x623: {  	v14 =	vadd.s32 s23, v8;
	v15 =	vadd.s32 s21, v6;
	vm3 =	vmand vm2, vm1  }
0x624: {  	v63 =	vld.idx.msk [tilespmem:v22+s12+$0x0], $0xffff;
	vm2 =	vmor vm0, vm2;
	v13 =	vadd.s32 v11, v13;
	v11 =	vadd.s32 v20, v18  }
0x625: {  	v12 =	vld.idx.msk [tilespmem:v25+s12+$0x0], $0xffff;
	vm5 =	vmneg vm2;
	v20 =	vadd.s32 v23, v17;
	v17 =	vadd.s32 v19, v11  }
0x626: {  	v18 =	vld.idx.msk [tilespmem:v62+s12+$0x0], $0xffff;
	v25 =	vsel vm3, v21, v21;
	v23 =	vsel vm3, s0, v21;
	vm4 =	vge.s32 v17, v10  }
0x627: {  	v11 =	vld.idx.msk [tilespmem:v24+s12+$0x0], $0xffff;
	v22 =	vadd.s32 v17, v20;
	vm2 =	vmor vm2, vm4;
	vm3 =	vmand vm4, vm5  }
0x628: {  	v21 =	vld.idx.msk [tilespmem:v26+s12+$0x0], $0xffff;
	vm4 =	vge.s32 v22, v10;
	v13 =	vadd.s32 v22, v13;
	v24 =	vsel vm3, s1, v23  }
0x629: {  	s26 =	simm.s32 $0xF4;
	s0 =	simm.s32 $0x4;
	v20 =	vld.idx.msk [tilespmem:v27+s12+$0x0], $0xffff;
	v23 =	vadd.s32 v13, v63;
	vm5 =	vmneg vm2;
	vm2 =	vmor vm2, vm4  }
.LBB2_71:
0x62a: {  	s1 =	sadd.s32 $0x3, s26;
	s28 =	sadd.s32 $0x2, s26;
	s0 =	sadd.s32 $0x4, s0;
	v26 =	vld.idx.msk [tilespmem:v14+s12+$0x0], $0xffff;
	v19 =	vsel vm3, v19, v25;
	vm3 =	vmand vm4, vm5;
	vm4 =	vge.s32 v13, v10  }
0x62b: {  	vm5 =	vmneg vm2;
	v25 =	vadd.s32 s1, v6;
	v27 =	vadd.s32 s1, v8;
	p0 =	slt.u32 s0, $0xFC;
	v28 =	vld.idx.msk [tilespmem:v15+s12+$0x0], $0xffff  }
0x62c: {  	v29 =	vadd.s32 s28, v6;
	v14 =	vadd.s32 s28, v8;
	v24 =	vsel vm3, s25, v24;
	s25 =	smov.u32 s21  }
0x62d: {  	s21 =	sadd.s32 $0x1, s26;
	v17 =	vsel vm3, v17, v19;
	vm3 =	vmand vm4, vm5;
	vm2 =	vmor vm2, vm4  }
0x62e: {  	v15 =	vadd.s32 s21, v6;
	v24 =	vsel vm3, s22, v24;
	v22 =	vsel vm3, v22, v17;
	s22 =	smov.u32 s20;
	s20 =	smov.u32 s26  }
0x62f: {  	v30 =	vadd.s32 s21, v8  }
0x630: {  	v32 =	vadd.s32 s26, v6;
	v33 =	vadd.s32 v20, v18;
	v31 =	vld.idx.msk [tilespmem:v25+s12+$0x0], $0xffff;
	v25 =	vadd.s32 s26, v8  }
0x631: {  	v19 =	vadd.s32 v11, v23;
	v17 =	vadd.s32 v12, v26;
	v20 =	vadd.s32 v28, v21;
	v11 =	vld.idx.msk [tilespmem:v27+s12+$0x0], $0xffff  }
0x632: {  	vm3 =	vge.s32 v19, v10;
	vm4 =	vmneg vm2;
	v17 =	vadd.s32 v19, v17;
	v12 =	vld.idx.msk [tilespmem:v29+s12+$0x0], $0xffff  }
.Ltmp38:
0x633: {  	vm4 =	vmand vm3, vm4;
	vm2 =	vmor vm2, vm3;
	vm3 =	vge.s32 v17, v10;
	(pc) =	sbr.rel @p0 .LBB2_71-.Ltmp38, $4  }
0x634: {  	vm5 =	vmneg vm2;
	v21 =	vsel vm4, s24, v24;
	s24 =	smov.u32 s1;
	vm2 =	vmor vm2, vm3  }
0x635: {  	vm3 =	vmand vm3, vm5;
	v18 =	vld.idx.msk [tilespmem:v25+s12+$0x0], $0xffff;
	v25 =	vsel vm4, v13, v22;
	v22 =	vadd.s32 v17, v20  }
0x636: {  	v24 =	vsel vm3, s23, v21;
	s23 =	smov.u32 s28;
	v20 =	vld.idx.msk [tilespmem:v32+s12+$0x0], $0xffff;
	vm4 =	vge.s32 v22, v10;
	v13 =	vadd.s32 v22, v33  }
0x637: {  	s26 =	sadd.s32 $0xFFFFFFFC, s26;
	vm5 =	vmneg vm2;
	v23 =	vadd.s32 v13, v31;
	v21 =	vld.idx.msk [tilespmem:v30+s12+$0x0], $0xffff;
	vm2 =	vmor vm2, vm4  }
0x638: {  	_ =	sdelay $0x3  }
0x639: {  	v14 =	vld.idx.msk [tilespmem:v14+s12+$0x0], $0xffff;
	v19 =	vsel vm3, v19, v25;
	vm3 =	vmand vm4, vm5  }
0x63a: {  	vm10 =	vge.s32 v13, v10;
	vm11 =	vmneg vm2;
	v11 =	vadd.s32 v11, v23  }
0x63b: {  	v15 =	vld.idx.msk [tilespmem:v15+s12+$0x0], $0xffff;
	v24 =	vsel vm3, s25, v24;
	v17 =	vsel vm3, v17, v19;
	vm3 =	vmand vm10, vm11  }
0x63c: {  	vm2 =	vmor vm2, vm10;
	v19 =	vsel vm3, s22, v24;
	v17 =	vsel vm3, v22, v17  }
0x63d: {  	vm3 =	vge.s32 v11, v10;
	vm4 =	vmneg vm2;
	v18 =	vadd.s32 v20, v18  }
0x63e: {  	vm4 =	vmand vm3, vm4;
	vm2 =	vmor vm2, vm3;
	v12 =	vadd.s32 v12, v14  }
0x63f: {  	s0 =	simm.s32 $0x18140;
	vm12 =	vmneg vm2;
	v13 =	vsel vm4, v13, v17;
	v12 =	vadd.s32 v11, v12  }
0x640: {  	[tilespmem:s0+$0xFFFFFFC0] =	vst v3;
	v14 =	vadd.s32 v15, v21;
	v15 =	vsel vm4, s24, v19;
	vm3 =	vge.s32 v12, v10  }
0x641: {  	p0 =	por $0x1, $0x1;
	[tilespmem:s0+$0x30] =	vst v3;
	v14 =	vadd.s32 v12, v14;
	vm2 =	vmor vm2, vm3;
	vm3 =	vmand vm3, vm12  }
.Ltmp39:
0x642: {  	[tilespmem:s0+$0x20] =	vst v3;
	vm13 =	vge.s32 v14, v10;
	v17 =	vadd.s32 v14, v18;
	v15 =	vsel vm3, s23, v15;
	(pc) =	sbr.rel @!p0 .LBB2_74-.Ltmp39, $4  }
0x643: {  	[tilespmem:s0+$0x10] =	vst v3;
	vm14 =	vmneg vm2;
	vm2 =	vmor vm2, vm13;
	v11 =	vsel vm3, v11, v13  }
0x644: {  	[tilespmem:s0+$0x0] =	vst v3;
	vm15 =	vge.s32 v17, v10;
	vm3 =	vmand vm13, vm14;
	vm2 =	vmneg vm2  }
0x645: {  	[tilespmem:s0+$0xFFFFFFF0] =	vst v3;
	v13 =	vsel vm3, s21, v15;
	v11 =	vsel vm3, v12, v11;
	vm2 =	vmand vm15, vm2  }
0x646: {  	[tilespmem:s0+$0xFFFFFFE0] =	vst v3;
	v12 =	vsel vm2, s20, v13;
	v11 =	vsel vm2, v14, v11;
	s20 =	simm.s32 $0x0  }
.LBB2_73:
0x647: {  	s20 =	sadd.s32 $0x8, s20;
	[tilespmem:s0+$0xFFFFFFD0] =	vst v3;
	s0 =	sadd.s32 $0x80, s0  }
0x648: {  	[tilespmem:s0+$0xFFFFFFC0] =	vst v3;
	p0 =	slt.u32 s20, $0xF8  }
0x649: {  	[tilespmem:s0+$0x30] =	vst v3  }
.Ltmp40:
0x64a: {  	[tilespmem:s0+$0x20] =	vst v3;
	(pc) =	sbr.rel @p0 .LBB2_73-.Ltmp40, $4  }
0x64b: {  	[tilespmem:s0+$0x10] =	vst v3  }
0x64c: {  	[tilespmem:s0+$0x0] =	vst v3  }
0x64d: {  	[tilespmem:s0+$0xFFFFFFF0] =	vst v3  }
0x64e: {  	[tilespmem:s0+$0xFFFFFFE0] =	vst v3  }
.LBB2_74:
0x64f: {  	s1 =	simm.s32 $0xE  }
0x650: {  	s20 =	simm.s32 $0xC;
	v13 =	vadd.s32 s1, v4  }
0x651: {  	s21 =	simm.s32 $0x8;
	v14 =	vadd.s32 s20, v4  }
0x652: {  	s29 =	simm.s32 $0x2;
	v20 =	vadd.s32 s21, v4  }
0x653: {  	s30 =	simm.s32 $0x0;
	[tilespmem:s0+$0xFFFFFFD0] =	vst v3;
	v15 =	vadd.s32 s29, v4  }
0x654: {  	v17 =	vadd.s32 s30, v4;
	[tilespmem:$0x19100] =	vst v3;
	s20 =	simm.s32 $0x6  }
0x655: {  	v19 =	vadd.s32 s20, v4;
	v13 =	vld.idx.msk [tilespmem:v13+s11+$0x0], $0xffff  }
0x656: {  	s31 =	simm.s32 $0x4;
	s22 =	simm.s32 $0xA;
	v14 =	vld.idx.msk [tilespmem:v14+s11+$0x0], $0xffff  }
0x657: {  	v12 =	vshll.u32 v12, $0x10;
	s23 =	simm.s32 $0x1E;
	s24 =	simm.s32 $0x12;
	v18 =	vadd.s32 s31, v4;
	v21 =	vadd.s32 s22, v4;
	v20 =	vld.idx.msk [tilespmem:v20+s11+$0x0], $0xffff  }
0x658: {  	s25 =	simm.s32 $0x1C;
	s26 =	simm.s32 $0x14;
	s28 =	simm.s32 $0x16;
	v9 =	vor.u32 v9, v12;
	v25 =	vadd.s32 s23, v4;
	v27 =	vadd.s32 s24, v4;
	v15 =	vld.idx.msk [tilespmem:v15+s11+$0x0], $0xffff  }
0x659: {  	v28 =	vadd.s32 s25, v4;
	s29 =	simm.s32 $0x10;
	v30 =	vadd.s32 s26, v4;
	v31 =	vadd.s32 s28, v4;
	s30 =	simm.s32 $0x18;
	s31 =	simm.s32 $0x1A;
	v17 =	vld.idx.msk [tilespmem:v17+s11+$0x0], $0xffff  }
0x65a: {  	v33 =	vadd.s32 s29, v4;
	v34 =	vadd.s32 s30, v4;
	v35 =	vadd.s32 s31, v4;
	v12 =	vld.idx.msk [tilespmem:v19+s11+$0x0], $0xffff  }
0x65b: {  	v19 =	vshrl.u32 v13, $0x8;
	v13 =	vand.u32 $0xFFFF0000, v13;
	v22 =	vshrl.u32 v14, $0x8  }
0x65c: {  	v18 =	vld.idx.msk [tilespmem:v18+s11+$0x0], $0xffff;
	v14 =	vand.u32 $0xFFFF0000, v14;
	v29 =	vshrl.u32 v20, $0x8;
	v20 =	vand.u32 $0xFFFF0000, v20  }
0x65d: {  	v24 =	vand.u32 $0xFF, v19;
	v19 =	vld.idx.msk [tilespmem:v21+s11+$0x0], $0xffff;
	v21 =	vshrl.u32 v15, $0x8;
	v22 =	vand.u32 $0xFF, v22  }
0x65e: {  	v25 =	vld.idx.msk [tilespmem:v25+s11+$0x0], $0xffff;
	vm2 =	veq.s32 v14, v9;
	v14 =	vshrl.u32 v17, $0x8;
	v17 =	vand.u32 $0xFFFF0000, v17  }
0x65f: {  	v15 =	vand.u32 $0xFFFF0000, v15;
	v26 =	vshrl.u32 v12, $0x8;
	v12 =	vand.u32 $0xFFFF0000, v12  }
0x660: {  	v29 =	vand.u32 $0xFF, v29;
	vm4 =	veq.s32 v20, v9;
	v22 =	vadd.s32 v7, v22  }
0x661: {  	v14 =	vand.u32 $0xFF, v14;
	v23 =	vand.u32 $0xFF, v21;
	v21 =	vshrl.u32 v18, $0x8  }
0x662: {  	v28 =	vld.idx.msk [tilespmem:v28+s11+$0x0], $0xffff;
	v18 =	vand.u32 $0xFFFF0000, v18;
	v26 =	vand.u32 $0xFF, v26;
	vm7 =	veq.s32 v17, v9  }
0x663: {  	v33 =	vld.idx.msk [tilespmem:v33+s11+$0x0], $0xffff;
	vm8 =	veq.s32 v15, v9;
	vm5 =	veq.s32 v12, v9;
	v12 =	vand.u32 $0xFFFF0000, v25  }
0x664: {  	v15 =	vld.idx.msk [tilespmem:v34+s11+$0x0], $0xffff;
	v36 =	vadd.s32 v7, v14;
	vm9 =	veq.s32 v18, v9;
	v32 =	vshrl.u32 v19, $0x8  }
0x665: {  	v63 =	vand.u32 $0xFFFF0000, v19;
	[tilespmem:v22+s12+$0x0] =	vst.idx.add.s32.msk vm2, v5;
	v22 =	vand.u32 $0xFF, v21;
	v14 =	vand.u32 $0xFF, v32  }
0x666: {  	v21 =	vld.idx.msk [tilespmem:v27+s11+$0x0], $0xffff;
	v27 =	vadd.s32 v7, v23;
	v23 =	vadd.s32 v7, v26;
	vm3 =	veq.s32 v63, v9  }
0x667: {  	v18 =	vld.idx.msk [tilespmem:v30+s11+$0x0], $0xffff;
	vm2 =	veq.s32 v13, v9;
	v26 =	vand.u32 $0xFFFF0000, v28;
	v37 =	vadd.s32 v7, v22  }
0x668: {  	v19 =	vld.idx.msk [tilespmem:v31+s11+$0x0], $0xffff;
	v22 =	vadd.s32 v7, v29;
	v20 =	vadd.s32 v7, v14;
	v14 =	vadd.s32 v7, v24  }
0x669: {  	v17 =	vld.idx.msk [tilespmem:v35+s11+$0x0], $0xffff;
	v24 =	vshrl.u32 v25, $0x8;
	v25 =	vshrl.u32 v28, $0x8;
	vm6 =	veq.s32 v26, v9  }
0x66a: {  	[tilespmem:v36+s12+$0x0] =	vst.idx.add.s32.msk vm7, v5;
	v29 =	vshrl.u32 v33, $0x8;
	v13 =	vand.u32 $0xFF, v24;
	v28 =	vand.u32 $0xFF, v25  }
0x66b: {  	v25 =	vand.u32 $0xFFFF0000, v33;
	v26 =	vadd.s32 v7, v28;
	v24 =	vshrl.u32 v21, $0x8;
	[tilespmem:v27+s12+$0x0] =	vst.idx.add.s32.msk vm8, v5  }
0x66c: {  	s21 =	simm.s32 $0x2E;
	s20 =	simm.s32 $0x8;
	v28 =	vshrl.u32 v18, $0x8;
	v27 =	vand.u32 $0xFF, v29;
	v24 =	vand.u32 $0xFF, v24;
	[tilespmem:v37+s12+$0x0] =	vst.idx.add.s32.msk vm9, v5  }
.LBB2_75:
0x66d: {  	s0 =	sadd.s32 $0xFFFFFFF4, s21;
	s1 =	sadd.s32 $0xFFFFFFFE, s21;
	v29 =	vadd.s32 s21, v4;
	s20 =	sadd.s32 $0x8, s20;
	v30 =	vand.u32 $0xFFFF0000, v21;
	v21 =	vshrl.u32 v19, $0x8;
	[tilespmem:v23+s12+$0x0] =	vst.idx.add.s32.msk vm5, v5  }
0x66e: {  	s22 =	sadd.s32 $0xFFFFFFF8, s21;
	v32 =	vshrl.u32 v15, $0x8;
	v23 =	vadd.s32 s0, v4;
	s0 =	sadd.s32 $0xFFFFFFF6, s21;
	v31 =	vadd.s32 s1, v4;
	p0 =	slt.u32 s20, $0x7F8;
	[tilespmem:v22+s12+$0x0] =	vst.idx.add.s32.msk vm4, v5  }
0x66f: {  	s1 =	sadd.s32 $0xFFFFFFF2, s21;
	v33 =	vadd.s32 s22, v4;
	s22 =	sadd.s32 $0xFFFFFFFC, s21;
	v34 =	vshrl.u32 v17, $0x8;
	v22 =	vadd.s32 s0, v4;
	s0 =	sadd.s32 $0xFFFFFFFA, s21;
	[tilespmem:v20+s12+$0x0] =	vst.idx.add.s32.msk vm3, v5  }
0x670: {  	v20 =	vadd.s32 s1, v4;
	v36 =	vadd.s32 s22, v4;
	v35 =	vadd.s32 s0, v4;
	[tilespmem:v26+s12+$0x0] =	vst.idx.add.s32.msk vm6, v5  }
0x671: {  	v18 =	vand.u32 $0xFFFF0000, v18;
	v26 =	vand.u32 $0xFF, v28;
	v28 =	vand.u32 $0xFF, v21;
	[tilespmem:v14+s12+$0x0] =	vst.idx.add.s32.msk vm2, v5  }
0x672: {  	v15 =	vand.u32 $0xFFFF0000, v15;
	v14 =	vand.u32 $0xFFFF0000, v19;
	v19 =	vand.u32 $0xFF, v32;
	v29 =	vld.idx.msk [tilespmem:v29+s11+$0x0], $0xffff  }
0x673: {  	v27 =	vadd.s32 v7, v27;
	v17 =	vand.u32 $0xFFFF0000, v17;
	v32 =	vand.u32 $0xFF, v34;
	v31 =	vld.idx.msk [tilespmem:v31+s11+$0x0], $0xffff  }
0x674: {  	vm9 =	veq.s32 v25, v9;
	v24 =	vadd.s32 v7, v24;
	vm8 =	veq.s32 v30, v9;
	v21 =	vld.idx.msk [tilespmem:v23+s11+$0x0], $0xffff  }
0x675: {  	vm7 =	veq.s32 v18, v9;
	v30 =	vadd.s32 v7, v26;
	v23 =	vadd.s32 v7, v28;
	v25 =	vld.idx.msk [tilespmem:v20+s11+$0x0], $0xffff  }
0x676: {  	vm4 =	veq.s32 v15, v9;
	vm5 =	veq.s32 v14, v9;
	v18 =	vld.idx.msk [tilespmem:v22+s11+$0x0], $0xffff;
	v22 =	vadd.s32 v7, v19  }
0x677: {  	vm3 =	veq.s32 v17, v9;
	v14 =	vadd.s32 v7, v13;
	v20 =	vadd.s32 v7, v32;
	v19 =	vld.idx.msk [tilespmem:v33+s11+$0x0], $0xffff  }
.Ltmp41:
0x678: {  	vm2 =	veq.s32 v12, v9;
	v13 =	vshrl.u32 v29, $0x8;
	v12 =	vand.u32 $0xFFFF0000, v29;
	v15 =	vld.idx.msk [tilespmem:v35+s11+$0x0], $0xffff;
	(pc) =	sbr.rel @p0 .LBB2_75-.Ltmp41, $4  }
0x679: {  	v26 =	vshrl.u32 v31, $0x8;
	v28 =	vand.u32 $0xFFFF0000, v31;
	v13 =	vand.u32 $0xFF, v13;
	v17 =	vld.idx.msk [tilespmem:v36+s11+$0x0], $0xffff  }
0x67a: {  	v29 =	vshrl.u32 v21, $0x8;
	v26 =	vand.u32 $0xFF, v26;
	vm6 =	veq.s32 v28, v9;
	[tilespmem:v27+s12+$0x0] =	vst.idx.add.s32.msk vm9, v5  }
0x67b: {  	v27 =	vshrl.u32 v25, $0x8;
	v25 =	vand.u32 $0xFFFF0000, v25;
	v26 =	vadd.s32 v7, v26;
	[tilespmem:v24+s12+$0x0] =	vst.idx.add.s32.msk vm8, v5  }
0x67c: {  	s21 =	sadd.s32 $0x10, s21;
	v27 =	vand.u32 $0xFF, v27;
	v24 =	vand.u32 $0xFF, v29;
	v28 =	vshrl.u32 v18, $0x8;
	[tilespmem:v30+s12+$0x0] =	vst.idx.add.s32.msk vm7, v5  }
0x67d: {  	_ =	sdelay $0x2  }
0x67e: {  	v21 =	vand.u32 $0xFFFF0000, v21  }
0x67f: {  	v29 =	vshrl.u32 v19, $0x8;
	v30 =	vshrl.u32 v15, $0x8;
	vm7 =	veq.s32 v25, v9  }
0x680: {  	v28 =	vand.u32 $0xFF, v28;
	v18 =	vand.u32 $0xFFFF0000, v18;
	[tilespmem:v23+s12+$0x0] =	vst.idx.add.s32.msk vm5, v5;
	v23 =	vadd.s32 v7, v27  }
0x681: {  	v19 =	vand.u32 $0xFFFF0000, v19;
	[tilespmem:v22+s12+$0x0] =	vst.idx.add.s32.msk vm4, v5;
	v22 =	vadd.s32 v7, v24;
	vm8 =	veq.s32 v12, v9  }
0x682: {  	v15 =	vand.u32 $0xFFFF0000, v15;
	v12 =	vadd.s32 v7, v13;
	vm5 =	veq.s32 v21, v9  }
0x683: {  	[tilespmem:v20+s12+$0x0] =	vst.idx.add.s32.msk vm3, v5;
	v25 =	vshrl.u32 v17, $0x8;
	v29 =	vand.u32 $0xFF, v29;
	vm4 =	veq.s32 v18, v9  }
0x684: {  	[tilespmem:v26+s12+$0x0] =	vst.idx.add.s32.msk vm6, v5;
	v21 =	vand.u32 $0xFF, v30;
	v18 =	vadd.s32 v7, v28;
	vm3 =	veq.s32 v19, v9  }
0x685: {  	[tilespmem:v14+s12+$0x0] =	vst.idx.add.s32.msk vm2, v5;
	v17 =	vand.u32 $0xFFFF0000, v17;
	vm6 =	veq.s32 v15, v9;
	v19 =	vadd.s32 v7, v29  }
0x686: {  	v14 =	vand.u32 $0xFF, v25;
	v15 =	vadd.s32 v7, v21;
	vm2 =	veq.s32 v17, v9;
	[tilespmem:v23+s12+$0x0] =	vst.idx.add.s32.msk vm7, v5  }
0x687: {  	s0 =	simm.s32 $0xFF;
	v14 =	vadd.s32 v7, v14;
	[tilespmem:v12+s12+$0x0] =	vst.idx.add.s32.msk vm8, v5  }
0x688: {  	v13 =	vadd.s32 s0, v6;
	[tilespmem:v22+s12+$0x0] =	vst.idx.add.s32.msk vm5, v5  }
0x689: {  	s25 =	simm.s32 $0xFD;
	v17 =	vadd.s32 s0, v8;
	[tilespmem:v18+s12+$0x0] =	vst.idx.add.s32.msk vm4, v5  }
0x68a: {  	s22 =	simm.s32 $0xFC;
	v20 =	vadd.s32 s25, v6;
	[tilespmem:v19+s12+$0x0] =	vst.idx.add.s32.msk vm3, v5  }
0x68b: {  	s1 =	simm.s32 $0xFE;
	v12 =	vadd.s32 s22, v6;
	[tilespmem:v15+s12+$0x0] =	vst.idx.add.s32.msk vm6, v5  }
0x68c: {  	v15 =	vadd.s32 s1, v6;
	[tilespmem:v14+s12+$0x0] =	vst.idx.add.s32.msk vm2, v5  }
0x68d: {  	v19 =	vadd.s32 s1, v8;
	v13 =	vld.idx.msk [tilespmem:v13+s12+$0x0], $0xffff  }
0x68e: {  	v18 =	vadd.s32 s25, v8;
	v17 =	vld.idx.msk [tilespmem:v17+s12+$0x0], $0xffff  }
0x68f: {  	v14 =	vadd.s32 s22, v8;
	v20 =	vld.idx.msk [tilespmem:v20+s12+$0x0], $0xffff  }
0x690: {  	v12 =	vld.idx.msk [tilespmem:v12+s12+$0x0], $0xffff  }
0x691: {  	v21 =	vld.idx.msk [tilespmem:v15+s12+$0x0], $0xffff  }
0x692: {  	s24 =	simm.s32 $0xFB;
	v23 =	vld.idx.msk [tilespmem:v19+s12+$0x0], $0xffff  }
0x693: {  	v24 =	vimm.s32 $0x0;
	s23 =	simm.s32 $0xFA;
	s20 =	simm.s32 $0xF8;
	v25 =	vadd.s32 s24, v6;
	v18 =	vld.idx.msk [tilespmem:v18+s12+$0x0], $0xffff  }
0x694: {  	v10 =	vsub.s32 v10, v11;
	s21 =	simm.s32 $0xF9;
	v26 =	vadd.s32 s23, v6;
	v62 =	vadd.s32 s20, v8;
	v22 =	vld.idx.msk [tilespmem:v14+s12+$0x0], $0xffff  }
0x695: {  	v27 =	vadd.s32 s21, v8;
	v11 =	vadd.s32 v24, v13;
	v13 =	vadd.s32 s24, v8  }
0x696: {  	v61 =	vadd.s32 s20, v6;
	v15 =	vadd.s32 s21, v6;
	v19 =	vadd.s32 v17, v11  }
0x697: {  	v14 =	vadd.s32 s23, v8;
	vm2 =	vge.s32 v19, v10;
	v11 =	vadd.s32 v21, v23  }
0x698: {  	v21 =	vld.idx.msk [tilespmem:v25+s12+$0x0], $0xffff;
	v20 =	vadd.s32 v20, v18;
	vm3 =	vmand vm2, vm1;
	vm2 =	vmor vm0, vm2  }
0x699: {  	v18 =	vld.idx.msk [tilespmem:v62+s12+$0x0], $0xffff;
	v63 =	vadd.s32 v12, v22;
	v17 =	vadd.s32 v19, v11;
	vm5 =	vmneg vm2  }
0x69a: {  	v25 =	vsel vm3, v24, v24;
	v11 =	vld.idx.msk [tilespmem:v13+s12+$0x0], $0xffff;
	vm4 =	vge.s32 v17, v10;
	v13 =	vsel vm3, s0, v24  }
0x69b: {  	v12 =	vld.idx.msk [tilespmem:v26+s12+$0x0], $0xffff;
	v22 =	vadd.s32 v17, v20;
	vm2 =	vmor vm2, vm4;
	vm3 =	vmand vm4, vm5  }
0x69c: {  	v20 =	vld.idx.msk [tilespmem:v61+s12+$0x0], $0xffff;
	vm4 =	vge.s32 v22, v10;
	v24 =	vsel vm3, s1, v13;
	v13 =	vadd.s32 v22, v63  }
0x69d: {  	s26 =	simm.s32 $0xF4;
	s0 =	simm.s32 $0x4;
	vm5 =	vmneg vm2;
	vm2 =	vmor vm2, vm4;
	v23 =	vadd.s32 v13, v21;
	v21 =	vld.idx.msk [tilespmem:v27+s12+$0x0], $0xffff  }
.LBB2_77:
0x69e: {  	s1 =	sadd.s32 $0x3, s26;
	s28 =	sadd.s32 $0x2, s26;
	s0 =	sadd.s32 $0x4, s0;
	v26 =	vld.idx.msk [tilespmem:v14+s12+$0x0], $0xffff;
	v19 =	vsel vm3, v19, v25;
	vm3 =	vmand vm4, vm5;
	vm4 =	vge.s32 v13, v10  }
0x69f: {  	vm5 =	vmneg vm2;
	v25 =	vadd.s32 s1, v6;
	v27 =	vadd.s32 s1, v8;
	p0 =	slt.u32 s0, $0xFC;
	v28 =	vld.idx.msk [tilespmem:v15+s12+$0x0], $0xffff  }
0x6a0: {  	v29 =	vadd.s32 s28, v6;
	v14 =	vadd.s32 s28, v8;
	v24 =	vsel vm3, s25, v24;
	s25 =	smov.u32 s21  }
0x6a1: {  	s21 =	sadd.s32 $0x1, s26;
	v17 =	vsel vm3, v17, v19;
	vm3 =	vmand vm4, vm5;
	vm2 =	vmor vm2, vm4  }
0x6a2: {  	v15 =	vadd.s32 s21, v6;
	v24 =	vsel vm3, s22, v24;
	v22 =	vsel vm3, v22, v17;
	s22 =	smov.u32 s20;
	s20 =	smov.u32 s26  }
0x6a3: {  	v30 =	vadd.s32 s21, v8  }
0x6a4: {  	v32 =	vadd.s32 s26, v6;
	v33 =	vadd.s32 v20, v18;
	v31 =	vld.idx.msk [tilespmem:v25+s12+$0x0], $0xffff;
	v25 =	vadd.s32 s26, v8  }
0x6a5: {  	v19 =	vadd.s32 v11, v23;
	v17 =	vadd.s32 v12, v26;
	v20 =	vadd.s32 v28, v21;
	v11 =	vld.idx.msk [tilespmem:v27+s12+$0x0], $0xffff  }
0x6a6: {  	vm3 =	vge.s32 v19, v10;
	vm4 =	vmneg vm2;
	v17 =	vadd.s32 v19, v17;
	v12 =	vld.idx.msk [tilespmem:v29+s12+$0x0], $0xffff  }
.Ltmp42:
0x6a7: {  	vm4 =	vmand vm3, vm4;
	vm2 =	vmor vm2, vm3;
	vm3 =	vge.s32 v17, v10;
	(pc) =	sbr.rel @p0 .LBB2_77-.Ltmp42, $4  }
0x6a8: {  	vm5 =	vmneg vm2;
	v21 =	vsel vm4, s24, v24;
	s24 =	smov.u32 s1;
	vm2 =	vmor vm2, vm3  }
0x6a9: {  	vm3 =	vmand vm3, vm5;
	v18 =	vld.idx.msk [tilespmem:v25+s12+$0x0], $0xffff;
	v25 =	vsel vm4, v13, v22;
	v22 =	vadd.s32 v17, v20  }
0x6aa: {  	v24 =	vsel vm3, s23, v21;
	s23 =	smov.u32 s28;
	v20 =	vld.idx.msk [tilespmem:v32+s12+$0x0], $0xffff;
	vm4 =	vge.s32 v22, v10;
	v13 =	vadd.s32 v22, v33  }
0x6ab: {  	s26 =	sadd.s32 $0xFFFFFFFC, s26;
	vm5 =	vmneg vm2;
	v23 =	vadd.s32 v13, v31;
	v21 =	vld.idx.msk [tilespmem:v30+s12+$0x0], $0xffff;
	vm2 =	vmor vm2, vm4  }
0x6ac: {  	_ =	sdelay $0x3  }
0x6ad: {  	v14 =	vld.idx.msk [tilespmem:v14+s12+$0x0], $0xffff;
	v19 =	vsel vm3, v19, v25;
	vm3 =	vmand vm4, vm5  }
0x6ae: {  	vm10 =	vge.s32 v13, v10;
	vm11 =	vmneg vm2;
	v11 =	vadd.s32 v11, v23  }
0x6af: {  	v15 =	vld.idx.msk [tilespmem:v15+s12+$0x0], $0xffff;
	v24 =	vsel vm3, s25, v24;
	v17 =	vsel vm3, v17, v19;
	vm3 =	vmand vm10, vm11  }
0x6b0: {  	vm2 =	vmor vm2, vm10;
	v19 =	vsel vm3, s22, v24;
	v17 =	vsel vm3, v22, v17  }
0x6b1: {  	vm3 =	vge.s32 v11, v10;
	vm4 =	vmneg vm2;
	v18 =	vadd.s32 v20, v18  }
0x6b2: {  	vm4 =	vmand vm3, vm4;
	vm2 =	vmor vm2, vm3;
	v12 =	vadd.s32 v12, v14  }
0x6b3: {  	s0 =	simm.s32 $0x18140;
	vm12 =	vmneg vm2;
	v13 =	vsel vm4, v13, v17;
	v12 =	vadd.s32 v11, v12  }
0x6b4: {  	[tilespmem:s0+$0xFFFFFFC0] =	vst v3;
	v14 =	vadd.s32 v15, v21;
	v15 =	vsel vm4, s24, v19;
	vm3 =	vge.s32 v12, v10  }
0x6b5: {  	p0 =	por $0x1, $0x1;
	[tilespmem:s0+$0x30] =	vst v3;
	v14 =	vadd.s32 v12, v14;
	vm2 =	vmor vm2, vm3;
	vm3 =	vmand vm3, vm12  }
.Ltmp43:
0x6b6: {  	[tilespmem:s0+$0x20] =	vst v3;
	vm13 =	vge.s32 v14, v10;
	v17 =	vadd.s32 v14, v18;
	v15 =	vsel vm3, s23, v15;
	(pc) =	sbr.rel @!p0 .LBB2_80-.Ltmp43, $4  }
0x6b7: {  	[tilespmem:s0+$0x10] =	vst v3;
	vm14 =	vmneg vm2;
	vm2 =	vmor vm2, vm13;
	v11 =	vsel vm3, v11, v13  }
0x6b8: {  	[tilespmem:s0+$0x0] =	vst v3;
	vm15 =	vge.s32 v17, v10;
	vm3 =	vmand vm13, vm14;
	vm2 =	vmneg vm2  }
0x6b9: {  	[tilespmem:s0+$0xFFFFFFF0] =	vst v3;
	v13 =	vsel vm3, s21, v15;
	v11 =	vsel vm3, v12, v11;
	vm2 =	vmand vm15, vm2  }
0x6ba: {  	[tilespmem:s0+$0xFFFFFFE0] =	vst v3;
	v12 =	vsel vm2, s20, v13;
	v11 =	vsel vm2, v14, v11;
	s20 =	simm.s32 $0x0  }
.LBB2_79:
0x6bb: {  	s20 =	sadd.s32 $0x8, s20;
	[tilespmem:s0+$0xFFFFFFD0] =	vst v3;
	s0 =	sadd.s32 $0x80, s0  }
0x6bc: {  	[tilespmem:s0+$0xFFFFFFC0] =	vst v3;
	p0 =	slt.u32 s20, $0xF8  }
0x6bd: {  	[tilespmem:s0+$0x30] =	vst v3  }
.Ltmp44:
0x6be: {  	[tilespmem:s0+$0x20] =	vst v3;
	(pc) =	sbr.rel @p0 .LBB2_79-.Ltmp44, $4  }
0x6bf: {  	[tilespmem:s0+$0x10] =	vst v3  }
0x6c0: {  	[tilespmem:s0+$0x0] =	vst v3  }
0x6c1: {  	[tilespmem:s0+$0xFFFFFFF0] =	vst v3  }
0x6c2: {  	[tilespmem:s0+$0xFFFFFFE0] =	vst v3  }
.LBB2_80:
0x6c3: {  	s1 =	simm.s32 $0xC  }
0x6c4: {  	s20 =	simm.s32 $0xE;
	v13 =	vadd.s32 s1, v4  }
0x6c5: {  	s29 =	simm.s32 $0x2;
	v14 =	vadd.s32 s20, v4  }
0x6c6: {  	s30 =	simm.s32 $0x0;
	v15 =	vadd.s32 s29, v4  }
0x6c7: {  	[tilespmem:s0+$0xFFFFFFD0] =	vst v3;
	s31 =	simm.s32 $0x4;
	v17 =	vadd.s32 s30, v4  }
0x6c8: {  	s24 =	simm.s32 $0x1C;
	[tilespmem:$0x19100] =	vst v3;
	v18 =	vadd.s32 s31, v4  }
0x6c9: {  	s20 =	simm.s32 $0x6;
	v24 =	vadd.s32 s24, v4;
	v13 =	vld.idx.msk [tilespmem:v13+s11+$0x0], $0xffff  }
0x6ca: {  	s21 =	simm.s32 $0x8;
	v19 =	vadd.s32 s20, v4;
	v14 =	vld.idx.msk [tilespmem:v14+s11+$0x0], $0xffff  }
0x6cb: {  	s22 =	simm.s32 $0xA;
	v12 =	vshll.u32 v12, $0x8;
	v20 =	vadd.s32 s21, v4;
	v15 =	vld.idx.msk [tilespmem:v15+s11+$0x0], $0xffff  }
0x6cc: {  	v21 =	vadd.s32 s22, v4;
	v9 =	vor.u32 v9, v12;
	v12 =	vld.idx.msk [tilespmem:v17+s11+$0x0], $0xffff  }
0x6cd: {  	s25 =	simm.s32 $0x12;
	v18 =	vld.idx.msk [tilespmem:v18+s11+$0x0], $0xffff  }
0x6ce: {  	s26 =	simm.s32 $0x10;
	s28 =	simm.s32 $0x14;
	v25 =	vadd.s32 s25, v4;
	v33 =	vld.idx.msk [tilespmem:v24+s11+$0x0], $0xffff;
	v17 =	vand.u32 $0xFFFFFF00, v13  }
0x6cf: {  	v27 =	vadd.s32 s26, v4;
	s29 =	simm.s32 $0x16;
	v28 =	vadd.s32 s28, v4;
	s30 =	simm.s32 $0x18;
	vm2 =	veq.s32 v17, v9;
	v17 =	vld.idx.msk [tilespmem:v19+s11+$0x0], $0xffff  }
0x6d0: {  	s23 =	simm.s32 $0x1E;
	v29 =	vadd.s32 s29, v4;
	v31 =	vadd.s32 s30, v4;
	v22 =	vand.u32 $0xFFFFFF00, v14;
	v19 =	vld.idx.msk [tilespmem:v20+s11+$0x0], $0xffff  }
0x6d1: {  	v13 =	vand.u32 $0xFF, v13;
	v14 =	vand.u32 $0xFF, v14;
	v20 =	vld.idx.msk [tilespmem:v21+s11+$0x0], $0xffff;
	v21 =	vadd.s32 s23, v4  }
0x6d2: {  	v23 =	vand.u32 $0xFF, v12;
	vm3 =	veq.s32 v22, v9;
	v13 =	vadd.s32 v7, v13  }
0x6d3: {  	v12 =	vand.u32 $0xFFFFFF00, v12;
	v14 =	vadd.s32 v7, v14;
	v22 =	vand.u32 $0xFFFFFF00, v15  }
0x6d4: {  	s31 =	simm.s32 $0x1A;
	vm8 =	veq.s32 v12, v9;
	vm9 =	veq.s32 v22, v9;
	v22 =	vadd.s32 v7, v23;
	v23 =	vld.idx.msk [tilespmem:v27+s11+$0x0], $0xffff  }
0x6d5: {  	v32 =	vadd.s32 s31, v4;
	v26 =	vand.u32 $0xFF, v18;
	v18 =	vand.u32 $0xFFFFFF00, v18;
	v27 =	vld.idx.msk [tilespmem:v28+s11+$0x0], $0xffff  }
0x6d6: {  	v63 =	vand.u32 $0xFF, v33;
	v15 =	vand.u32 $0xFF, v15;
	vm7 =	veq.s32 v18, v9;
	v21 =	vld.idx.msk [tilespmem:v21+s11+$0x0], $0xffff  }
0x6d7: {  	v62 =	vadd.s32 v7, v26;
	v30 =	vand.u32 $0xFFFFFF00, v20;
	v12 =	vand.u32 $0xFF, v19;
	[tilespmem:v13+s12+$0x0] =	vst.idx.add.s32.msk vm2, v5  }
0x6d8: {  	v13 =	vand.u32 $0xFF, v17;
	v17 =	vand.u32 $0xFFFFFF00, v17;
	[tilespmem:v14+s12+$0x0] =	vst.idx.add.s32.msk vm3, v5;
	v14 =	vand.u32 $0xFFFFFF00, v19  }
0x6d9: {  	v19 =	vand.u32 $0xFF, v20;
	v20 =	vld.idx.msk [tilespmem:v25+s11+$0x0], $0xffff;
	vm2 =	veq.s32 v30, v9;
	v25 =	vadd.s32 v7, v15  }
0x6da: {  	[tilespmem:v22+s12+$0x0] =	vst.idx.add.s32.msk vm8, v5;
	v26 =	vand.u32 $0xFFFFFF00, v23;
	vm4 =	veq.s32 v17, v9;
	vm3 =	veq.s32 v14, v9  }
0x6db: {  	v24 =	vld.idx.msk [tilespmem:v29+s11+$0x0], $0xffff;
	v18 =	vadd.s32 v7, v13;
	v17 =	vadd.s32 v7, v12;
	v14 =	vadd.s32 v7, v19  }
0x6dc: {  	v12 =	vld.idx.msk [tilespmem:v31+s11+$0x0], $0xffff;
	v15 =	vand.u32 $0xFF, v21;
	v19 =	vand.u32 $0xFFFFFF00, v21;
	v21 =	vand.u32 $0xFFFFFF00, v33  }
0x6dd: {  	v13 =	vld.idx.msk [tilespmem:v32+s11+$0x0], $0xffff;
	v15 =	vadd.s32 v7, v15;
	vm5 =	veq.s32 v19, v9;
	vm6 =	veq.s32 v21, v9  }
0x6de: {  	[tilespmem:v62+s12+$0x0] =	vst.idx.add.s32.msk vm7, v5;
	v19 =	vand.u32 $0xFFFFFF00, v20;
	v21 =	vand.u32 $0xFF, v23;
	v23 =	vadd.s32 v7, v63  }
0x6df: {  	s0 =	simm.s32 $0x2E;
	s20 =	simm.s32 $0x8;
	[tilespmem:v25+s12+$0x0] =	vst.idx.add.s32.msk vm9, v5;
	v22 =	vand.u32 $0xFF, v20;
	v20 =	vand.u32 $0xFF, v27;
	v25 =	vand.u32 $0xFFFFFF00, v27  }
.LBB2_81:
0x6e0: {  	s1 =	sadd.s32 $0xFFFFFFF4, s0;
	s21 =	sadd.s32 $0xFFFFFFFE, s0;
	v27 =	vadd.s32 s0, v4;
	s20 =	sadd.s32 $0x8, s20;
	v28 =	vand.u32 $0xFF, v24;
	v24 =	vand.u32 $0xFFFFFF00, v24;
	[tilespmem:v18+s12+$0x0] =	vst.idx.add.s32.msk vm4, v5  }
0x6e1: {  	s22 =	sadd.s32 $0xFFFFFFF8, s0;
	v30 =	vand.u32 $0xFFFFFF00, v12;
	v18 =	vadd.s32 s1, v4;
	s1 =	sadd.s32 $0xFFFFFFF6, s0;
	v29 =	vadd.s32 s21, v4;
	p0 =	slt.u32 s20, $0x7F8;
	[tilespmem:v17+s12+$0x0] =	vst.idx.add.s32.msk vm3, v5  }
0x6e2: {  	s21 =	sadd.s32 $0xFFFFFFF2, s0;
	v32 =	vadd.s32 s22, v4;
	s22 =	sadd.s32 $0xFFFFFFFC, s0;
	v17 =	vand.u32 $0xFFFFFF00, v13;
	v31 =	vadd.s32 s1, v4;
	s1 =	sadd.s32 $0xFFFFFFFA, s0;
	[tilespmem:v14+s12+$0x0] =	vst.idx.add.s32.msk vm2, v5  }
0x6e3: {  	v14 =	vadd.s32 s21, v4;
	v34 =	vadd.s32 s22, v4;
	v33 =	vadd.s32 s1, v4;
	[tilespmem:v23+s12+$0x0] =	vst.idx.add.s32.msk vm6, v5  }
0x6e4: {  	vm8 =	veq.s32 v26, v9;
	v12 =	vand.u32 $0xFF, v12;
	v13 =	vand.u32 $0xFF, v13;
	[tilespmem:v15+s12+$0x0] =	vst.idx.add.s32.msk vm5, v5  }
0x6e5: {  	vm9 =	veq.s32 v19, v9;
	vm7 =	veq.s32 v25, v9;
	vm4 =	veq.s32 v24, v9;
	v15 =	vld.idx.msk [tilespmem:v27+s11+$0x0], $0xffff  }
0x6e6: {  	v21 =	vadd.s32 v7, v21;
	vm3 =	veq.s32 v30, v9;
	vm2 =	veq.s32 v17, v9;
	v23 =	vld.idx.msk [tilespmem:v29+s11+$0x0], $0xffff  }
0x6e7: {  	v22 =	vadd.s32 v7, v22;
	v27 =	vadd.s32 v7, v20;
	v25 =	vld.idx.msk [tilespmem:v18+s11+$0x0], $0xffff;
	v18 =	vadd.s32 v7, v28  }
0x6e8: {  	v17 =	vadd.s32 v7, v12;
	v20 =	vld.idx.msk [tilespmem:v14+s11+$0x0], $0xffff;
	v14 =	vadd.s32 v7, v13  }
0x6e9: {  	v28 =	vld.idx.msk [tilespmem:v31+s11+$0x0], $0xffff  }
0x6ea: {  	v24 =	vld.idx.msk [tilespmem:v32+s11+$0x0], $0xffff  }
.Ltmp45:
0x6eb: {  	v19 =	vand.u32 $0xFF, v15;
	v26 =	vand.u32 $0xFFFFFF00, v15;
	v12 =	vld.idx.msk [tilespmem:v33+s11+$0x0], $0xffff;
	(pc) =	sbr.rel @p0 .LBB2_81-.Ltmp45, $4  }
0x6ec: {  	v29 =	vand.u32 $0xFFFFFF00, v23;
	v15 =	vadd.s32 v7, v19;
	vm5 =	veq.s32 v26, v9;
	v13 =	vld.idx.msk [tilespmem:v34+s11+$0x0], $0xffff  }
0x6ed: {  	v23 =	vand.u32 $0xFF, v23;
	v19 =	vand.u32 $0xFFFFFF00, v25;
	vm6 =	veq.s32 v29, v9;
	[tilespmem:v21+s12+$0x0] =	vst.idx.add.s32.msk vm8, v5  }
0x6ee: {  	v23 =	vadd.s32 v7, v23;
	v21 =	vand.u32 $0xFF, v20;
	v26 =	vand.u32 $0xFFFFFF00, v20;
	[tilespmem:v22+s12+$0x0] =	vst.idx.add.s32.msk vm9, v5  }
0x6ef: {  	s0 =	sadd.s32 $0x10, s0;
	v22 =	vand.u32 $0xFF, v25;
	v20 =	vand.u32 $0xFF, v28;
	v25 =	vand.u32 $0xFFFFFF00, v28;
	[tilespmem:v27+s12+$0x0] =	vst.idx.add.s32.msk vm7, v5  }
0x6f0: {  	_ =	sdelay $0x3  }
0x6f1: {  	v27 =	vand.u32 $0xFF, v24;
	vm7 =	veq.s32 v26, v9  }
0x6f2: {  	v24 =	vand.u32 $0xFFFFFF00, v24;
	[tilespmem:v18+s12+$0x0] =	vst.idx.add.s32.msk vm4, v5;
	vm4 =	veq.s32 v19, v9;
	v18 =	vadd.s32 v7, v21  }
0x6f3: {  	v19 =	vand.u32 $0xFFFFFF00, v12;
	[tilespmem:v17+s12+$0x0] =	vst.idx.add.s32.msk vm3, v5;
	vm3 =	veq.s32 v25, v9;
	v17 =	vadd.s32 v7, v22  }
0x6f4: {  	[tilespmem:v14+s12+$0x0] =	vst.idx.add.s32.msk vm2, v5;
	v14 =	vadd.s32 v7, v20;
	v12 =	vand.u32 $0xFF, v12;
	vm2 =	veq.s32 v24, v9  }
0x6f5: {  	[tilespmem:v23+s12+$0x0] =	vst.idx.add.s32.msk vm6, v5;
	v21 =	vand.u32 $0xFFFFFF00, v13;
	vm6 =	veq.s32 v19, v9;
	v19 =	vadd.s32 v7, v27  }
0x6f6: {  	[tilespmem:v15+s12+$0x0] =	vst.idx.add.s32.msk vm5, v5;
	v13 =	vand.u32 $0xFF, v13;
	v12 =	vadd.s32 v7, v12;
	vm5 =	veq.s32 v21, v9  }
0x6f7: {  	s0 =	simm.s32 $0xFF;
	v7 =	vadd.s32 v7, v13;
	[tilespmem:v18+s12+$0x0] =	vst.idx.add.s32.msk vm7, v5  }
0x6f8: {  	s1 =	simm.s32 $0xFE;
	v13 =	vadd.s32 s0, v6;
	[tilespmem:v17+s12+$0x0] =	vst.idx.add.s32.msk vm4, v5  }
0x6f9: {  	v15 =	vadd.s32 s1, v8;
	[tilespmem:v14+s12+$0x0] =	vst.idx.add.s32.msk vm3, v5  }
0x6fa: {  	v14 =	vadd.s32 s0, v8;
	[tilespmem:v19+s12+$0x0] =	vst.idx.add.s32.msk vm2, v5  }
0x6fb: {  	s25 =	simm.s32 $0xFD;
	v17 =	vadd.s32 s1, v6;
	[tilespmem:v12+s12+$0x0] =	vst.idx.add.s32.msk vm6, v5  }
0x6fc: {  	s22 =	simm.s32 $0xFC;
	v18 =	vadd.s32 s25, v6;
	[tilespmem:v7+s12+$0x0] =	vst.idx.add.s32.msk vm5, v5  }
0x6fd: {  	v12 =	vadd.s32 s22, v6;
	v13 =	vld.idx.msk [tilespmem:v13+s12+$0x0], $0xffff  }
0x6fe: {  	v7 =	vadd.s32 s22, v8;
	v15 =	vld.idx.msk [tilespmem:v15+s12+$0x0], $0xffff  }
0x6ff: {  	v19 =	vld.idx.msk [tilespmem:v14+s12+$0x0], $0xffff;
	v14 =	vadd.s32 s25, v8  }
0x700: {  	v17 =	vld.idx.msk [tilespmem:v17+s12+$0x0], $0xffff  }
0x701: {  	s24 =	simm.s32 $0xFB;
	v21 =	vld.idx.msk [tilespmem:v18+s12+$0x0], $0xffff  }
0x702: {  	v22 =	vimm.s32 $0x0;
	s23 =	simm.s32 $0xFA;
	s20 =	simm.s32 $0xF8;
	v23 =	vadd.s32 s24, v6;
	v12 =	vld.idx.msk [tilespmem:v12+s12+$0x0], $0xffff  }
0x703: {  	v25 =	vadd.s32 s23, v6;
	v26 =	vadd.s32 s23, v8;
	v27 =	vadd.s32 s20, v6;
	v20 =	vld.idx.msk [tilespmem:v7+s12+$0x0], $0xffff  }
0x704: {  	s21 =	simm.s32 $0xF9;
	v7 =	vsub.s32 v10, v11;
	v11 =	vadd.s32 s24, v8;
	v10 =	vadd.s32 v22, v13;
	v24 =	vld.idx.msk [tilespmem:v14+s12+$0x0], $0xffff  }
0x705: {  	v28 =	vadd.s32 s20, v8;
	v13 =	vadd.s32 s21, v8;
	v18 =	vadd.s32 v19, v10  }
0x706: {  	v14 =	vadd.s32 s21, v6;
	v10 =	vadd.s32 v17, v15;
	vm2 =	vge.s32 v18, v7  }
0x707: {  	v29 =	vld.idx.msk [tilespmem:v23+s12+$0x0], $0xffff;
	v15 =	vadd.s32 v18, v10;
	vm1 =	vmand vm2, vm1;
	vm2 =	vmor vm0, vm2  }
0x708: {  	v17 =	vld.idx.msk [tilespmem:v27+s12+$0x0], $0xffff;
	v12 =	vadd.s32 v12, v20;
	vm3 =	vge.s32 v15, v7;
	vm4 =	vmneg vm2  }
0x709: {  	v10 =	vld.idx.msk [tilespmem:v11+s12+$0x0], $0xffff;
	vm2 =	vmor vm2, vm3;
	v19 =	vadd.s32 v21, v24;
	v21 =	vsel vm1, s0, v22  }
0x70a: {  	v11 =	vld.idx.msk [tilespmem:v26+s12+$0x0], $0xffff;
	v24 =	vsel vm1, v22, v22;
	vm1 =	vmand vm3, vm4;
	v20 =	vadd.s32 v15, v19  }
0x70b: {  	vm4 =	vmneg vm2;
	v19 =	vld.idx.msk [tilespmem:v28+s12+$0x0], $0xffff;
	vm3 =	vge.s32 v20, v7;
	v12 =	vadd.s32 v20, v12  }
0x70c: {  	s26 =	simm.s32 $0xF4;
	s0 =	simm.s32 $0x4;
	v23 =	vsel vm1, s1, v21;
	v21 =	vld.idx.msk [tilespmem:v25+s12+$0x0], $0xffff;
	v22 =	vadd.s32 v12, v29;
	vm2 =	vmor vm2, vm3  }
.LBB2_83:
0x70d: {  	s1 =	sadd.s32 $0x3, s26;
	s28 =	sadd.s32 $0x2, s26;
	s0 =	sadd.s32 $0x4, s0;
	v25 =	vld.idx.msk [tilespmem:v14+s12+$0x0], $0xffff;
	v14 =	vsel vm1, v18, v24;
	vm1 =	vmand vm3, vm4;
	vm3 =	vge.s32 v12, v7  }
0x70e: {  	vm4 =	vmneg vm2;
	v18 =	vadd.s32 s1, v6;
	v24 =	vadd.s32 s1, v8;
	p0 =	slt.u32 s0, $0xFC;
	v26 =	vld.idx.msk [tilespmem:v13+s12+$0x0], $0xffff  }
0x70f: {  	v27 =	vadd.s32 s28, v6;
	v28 =	vadd.s32 s28, v8;
	v13 =	vsel vm1, s25, v23;
	s25 =	smov.u32 s21  }
0x710: {  	s21 =	sadd.s32 $0x1, s26;
	v15 =	vsel vm1, v15, v14;
	vm1 =	vmand vm3, vm4;
	vm2 =	vmor vm2, vm3  }
0x711: {  	v14 =	vadd.s32 s21, v6;
	v23 =	vsel vm1, s22, v13;
	v20 =	vsel vm1, v20, v15;
	s22 =	smov.u32 s20;
	s20 =	smov.u32 s26  }
0x712: {  	v13 =	vadd.s32 s21, v8  }
0x713: {  	v30 =	vadd.s32 s26, v6;
	v31 =	vadd.s32 s26, v8;
	v32 =	vadd.s32 v17, v19;
	v29 =	vld.idx.msk [tilespmem:v18+s12+$0x0], $0xffff  }
0x714: {  	v15 =	vadd.s32 v21, v11;
	v18 =	vadd.s32 v10, v22;
	v19 =	vadd.s32 v25, v26;
	v10 =	vld.idx.msk [tilespmem:v24+s12+$0x0], $0xffff  }
0x715: {  	vm3 =	vmneg vm2;
	vm1 =	vge.s32 v18, v7;
	v15 =	vadd.s32 v18, v15;
	v11 =	vld.idx.msk [tilespmem:v28+s12+$0x0], $0xffff  }
.Ltmp46:
0x716: {  	vm3 =	vmand vm1, vm3;
	vm1 =	vmor vm2, vm1;
	vm2 =	vge.s32 v15, v7;
	(pc) =	sbr.rel @p0 .LBB2_83-.Ltmp46, $4  }
0x717: {  	v21 =	vsel vm3, s24, v23;
	vm4 =	vmneg vm1;
	vm5 =	vmor vm1, vm2;
	s24 =	smov.u32 s1  }
0x718: {  	v24 =	vsel vm3, v12, v20;
	v20 =	vadd.s32 v15, v19;
	vm1 =	vmand vm2, vm4;
	v17 =	vld.idx.msk [tilespmem:v30+s12+$0x0], $0xffff  }
0x719: {  	vm3 =	vge.s32 v20, v7;
	v12 =	vadd.s32 v20, v32;
	v23 =	vsel vm1, s23, v21;
	s23 =	smov.u32 s28;
	v19 =	vld.idx.msk [tilespmem:v31+s12+$0x0], $0xffff  }
0x71a: {  	s26 =	sadd.s32 $0xFFFFFFFC, s26;
	vm4 =	vmneg vm5;
	v22 =	vadd.s32 v12, v29;
	vm2 =	vmor vm5, vm3;
	v21 =	vld.idx.msk [tilespmem:v27+s12+$0x0], $0xffff  }
0x71b: {  	_ =	sdelay $0x2  }
0x71c: {  	vm3 =	vmand vm3, vm4  }
0x71d: {  	vm13 =	vge.s32 v12, v7;
	v8 =	vld.idx.msk [tilespmem:v13+s12+$0x0], $0xffff;
	vm5 =	vmneg vm2;
	v13 =	vsel vm1, v18, v24  }
0x71e: {  	v6 =	vld.idx.msk [tilespmem:v14+s12+$0x0], $0xffff;
	v10 =	vadd.s32 v10, v22;
	v14 =	vsel vm3, s25, v23;
	vm1 =	vmand vm13, vm5  }
0x71f: {  	v13 =	vsel vm3, v15, v13;
	vm2 =	vmor vm2, vm13;
	v14 =	vsel vm1, s22, v14  }
0x720: {  	s28 =	simm.s32 $0xA;
	v13 =	vsel vm1, v20, v13;
	vm1 =	vge.s32 v10, v7;
	vm3 =	vmneg vm2  }
0x721: {  	s1 =	simm.s32 $0x2;
	v22 =	vadd.s32 s28, v4;
	v15 =	vadd.s32 v17, v19;
	vm3 =	vmand vm1, vm3  }
0x722: {  	s22 =	simm.s32 $0x0;
	vm1 =	vmor vm2, vm1;
	v17 =	vadd.s32 s1, v4;
	v11 =	vadd.s32 v21, v11  }
0x723: {  	vm14 =	vmneg vm1;
	v12 =	vsel vm3, v12, v13;
	v13 =	vadd.s32 s22, v4  }
0x724: {  	s0 =	simm.s32 $0xE;
	v21 =	vimm.f32 $0.0e+00;
	v6 =	vadd.s32 v6, v8;
	v8 =	vadd.s32 v10, v11  }
0x725: {  	v11 =	vsel vm3, s24, v14;
	v14 =	vadd.s32 s0, v4;
	s24 =	simm.s32 $0x4;
	vm2 =	vge.s32 v8, v7  }
0x726: {  	v6 =	vadd.s32 v8, v6;
	v18 =	vadd.s32 s24, v4;
	vm1 =	vmor vm1, vm2  }
0x727: {  	vm2 =	vmand vm2, vm14;
	vm3 =	vge.s32 v6, v7;
	v15 =	vadd.s32 v6, v15  }
0x728: {  	v11 =	vsel vm2, s23, v11;
	vm15 =	vmneg vm1;
	vm1 =	vmor vm1, vm3;
	v20 =	vld.idx.msk [tilespmem:v17+s11+$0x0], $0xffff  }
0x729: {  	s25 =	simm.s32 $0x6;
	v12 =	vsel vm2, v10, v12;
	vm2 =	vmand vm3, vm15;
	vm3 =	vge.s32 v15, v7;
	v19 =	vld.idx.msk [tilespmem:v13+s11+$0x0], $0xffff  }
0x72a: {  	s26 =	simm.s32 $0x8;
	vm1 =	vmneg vm1;
	v13 =	vadd.s32 s25, v4;
	v10 =	vld.idx.msk [tilespmem:v14+s11+$0x0], $0xffff;
	v11 =	vsel vm2, s21, v11  }
0x72b: {  	s29 =	simm.s32 $0xC;
	vm1 =	vmand vm3, vm1;
	v8 =	vsel vm2, v8, v12;
	v14 =	vadd.s32 s26, v4  }
0x72c: {  	s30 =	simm.s32 $0x12;
	v11 =	vsel vm1, s20, v11;
	v6 =	vsel vm1, v6, v8;
	s20 =	simm.s32 $0x1E;
	v23 =	vld.idx.msk [tilespmem:v18+s11+$0x0], $0xffff;
	v18 =	vadd.s32 s29, v4  }
0x72d: {  	v8 =	vor.u32 v9, v11;
	v9 =	vadd.s32 s20, v4;
	v11 =	vadd.s32 s30, v4  }
0x72e: {  	vm3 =	vlt.s32 v20, $0x0;
	v52 =	vand.u32 $0x7FFFFFFF, v20;
	vm2 =	vlt.s32 v19, $0x0  }
0x72f: {  	v17 =	vld.idx.msk [tilespmem:v13+s11+$0x0], $0xffff;
	v13 =	vand.u32 $0x7FFFFFFF, v19;
	v15 =	vxor.u32 $0xFFFFFFFF, v19;
	vm1 =	vlt.s32 v10, $0x0  }
0x730: {  	v13 =	vsel vm2, v13, v15;
	v15 =	vld.idx.msk [tilespmem:v14+s11+$0x0], $0xffff;
	v14 =	vxor.u32 $0xFFFFFFFF, v20;
	v63 =	vxor.u32 $0xFFFFFFFF, v10  }
0x731: {  	v13 =	vmul.f32 $1.442695020e+00, v13;
	v24 =	vsel vm3, v52, v14;
	vm2 =	vlt.s32 v23, $0x0  }
0x732: {  	v25 =	vand.u32 $0x7FFFFFFF, v23;
	v14 =	vld.idx.msk [tilespmem:v22+s11+$0x0], $0xffff;
	v53 =	vxor.u32 $0xFFFFFFFF, v23;
	v22 =	vmul.f32 $1.442695020e+00, v24  }
0x733: {  	vm3 =	vlt.u32 v8, v19;
	v24 =	vsel vm2, v25, v53;
	(erf) = vpow2.f32 v13  }
0x734: {  	v13 =	vld.idx.msk [tilespmem:v18+s11+$0x0], $0xffff;
	v18 =	vmul.f32 $1.442695020e+00, v24;
	vm2 =	vlt.s32 v17, $0x0;
	(erf) = vpow2.f32 v22  }
0x735: {  	v54 =	vand.u32 $0x7FFFFFFF, v17;
	v55 =	vxor.u32 $0xFFFFFFFF, v17;
	v22 =	vand.u32 $0x7FFFFFFF, v10  }
0x736: {  	v24 =	vsel vm2, v54, v55;
	vm2 =	vlt.s32 v15, $0x0;
	v56 =	vand.u32 $0x7FFFFFFF, v15  }
0x737: {  	v26 =	vxor.u32 $0xFFFFFFFF, v15;
	(erf) = vpow2.f32 v18;
	v18 =	vmul.f32 $1.442695020e+00, v24  }
0x738: {  	v57 =	vsel vm2, v56, v26;
	vm2 =	vlt.s32 v14, $0x0;
	v58 =	vand.u32 $0x7FFFFFFF, v14  }
0x739: {  	v59 =	vxor.u32 $0xFFFFFFFF, v14;
	v24 =	vmul.f32 $1.442695020e+00, v57;
	(erf) = vpow2.f32 v18  }
0x73a: {  	v18 =	vsel vm2, v58, v59;
	vm2 =	vlt.s32 v13, $0x0;
	v60 =	vand.u32 $0x7FFFFFFF, v13  }
0x73b: {  	v61 =	vxor.u32 $0xFFFFFFFF, v13;
	v18 =	vmul.f32 $1.442695020e+00, v18;
	(erf) = vpow2.f32 v24  }
0x73c: {  	v19 =	vsel vm2, v60, v61;
	vm2 =	vlt.u32 v8, v20;
	v20 =	vsel vm1, v22, v63;
	v62 =	vpop (erf)  }
0x73d: {  	s31 =	simm.s32 $0x10;
	v19 =	vmul.f32 $1.442695020e+00, v19;
	v24 =	vnsel vm3, $0x0, v62;
	v22 =	vpop (erf);
	(erf) = vpow2.f32 v18  }
0x73e: {  	v12 =	vadd.s32 s31, v4;
	v21 =	vadd.f32 v24, v21  }
0x73f: {  	v18 =	vmul.f32 $1.442695020e+00, v20;
	v22 =	vnsel vm2, $0x0, v22;
	(erf) = vpow2.f32 v19  }
0x740: {  	s22 =	simm.s32 $0x2E;
	s21 =	simm.s32 $0x8;
	vm1 =	vlt.u32 v8, v23;
	v20 =	vpop (erf);
	v19 =	vadd.f32 v22, v21  }
.LBB2_85:
0x741: {  	s0 =	sadd.s32 $0xFFFFFFF6, s20;
	v21 =	vld.idx.msk [tilespmem:v9+s11+$0x0], $0xffff;
	v9 =	vadd.s32 s22, v4;
	v20 =	vnsel vm1, $0x0, v20;
	(erf) = vpow2.f32 v18  }
0x742: {  	s1 =	sadd.s32 $0xFFFFFFFE, s20;
	vm1 =	vlt.u32 v8, v17;
	v18 =	vld.idx.msk [tilespmem:v11+s11+$0x0], $0xffff;
	v22 =	vadd.s32 s0, v4;
	s0 =	sadd.s32 $0xFFFFFFFC, s20;
	v11 =	vadd.f32 v20, v19;
	v17 =	vpop (erf)  }
0x743: {  	s23 =	sadd.s32 $0xFFFFFFF8, s20;
	v23 =	vadd.s32 s1, v4;
	v19 =	vld.idx.msk [tilespmem:v12+s11+$0x0], $0xffff;
	v20 =	vadd.s32 s0, v4;
	v25 =	vnsel vm1, $0x0, v17  }
0x744: {  	s1 =	sadd.s32 $0xFFFFFFFA, s20;
	s20 =	smov.u32 s22;
	s0 =	sadd.s32 $0xFFFFFFF4, s22;
	v17 =	vadd.s32 s23, v4;
	vm1 =	vlt.u32 v8, v15;
	v24 =	vadd.f32 v25, v11;
	v12 =	vpop (erf)  }
0x745: {  	s23 =	sadd.s32 $0xFFFFFFF2, s22;
	v15 =	vadd.s32 s1, v4;
	v11 =	vadd.s32 s0, v4;
	v25 =	vnsel vm1, $0x0, v12  }
0x746: {  	vm2 =	vlt.u32 v8, v14;
	v12 =	vadd.s32 s23, v4;
	v24 =	vadd.f32 v25, v24;
	v14 =	vpop (erf)  }
0x747: {  	vm1 =	vlt.s32 v21, $0x0;
	v22 =	vld.idx.msk [tilespmem:v22+s11+$0x0], $0xffff;
	v14 =	vnsel vm2, $0x0, v14;
	vm2 =	vlt.u32 v8, v10;
	v10 =	vmovc v21  }
0x748: {  	vm3 =	vlt.u32 v8, v13;
	v21 =	vand.u32 $0x7FFFFFFF, v10;
	v26 =	vadd.f32 v14, v24;
	v13 =	vpop (erf)  }
0x749: {  	vm5 =	vlt.s32 v18, $0x0;
	vm4 =	vlt.s32 v19, $0x0;
	v17 =	vld.idx.msk [tilespmem:v17+s11+$0x0], $0xffff;
	v13 =	vnsel vm3, $0x0, v13  }
0x74a: {  	v24 =	vand.u32 $0x7FFFFFFF, v19;
	v25 =	vxor.u32 $0xFFFFFFFF, v19;
	v13 =	vadd.f32 v13, v26;
	v14 =	vpop (erf)  }
0x74b: {  	v24 =	vsel vm4, v24, v25;
	v25 =	vand.u32 $0x7FFFFFFF, v18;
	v15 =	vld.idx.msk [tilespmem:v15+s11+$0x0], $0xffff;
	v14 =	vnsel vm2, $0x0, v14  }
0x74c: {  	v24 =	vmul.f32 $1.442695020e+00, v24;
	v26 =	vxor.u32 $0xFFFFFFFF, v18;
	v27 =	vadd.f32 v14, v13  }
0x74d: {  	v13 =	vsel vm5, v25, v26;
	vm2 =	vlt.s32 v22, $0x0;
	v25 =	vand.u32 $0x7FFFFFFF, v22;
	v14 =	vld.idx.msk [tilespmem:v20+s11+$0x0], $0xffff  }
0x74e: {  	v20 =	vmul.f32 $1.442695020e+00, v13;
	v13 =	vxor.u32 $0xFFFFFFFF, v22;
	(erf) = vpow2.f32 v24  }
0x74f: {  	v24 =	vsel vm2, v25, v13;
	vm2 =	vlt.s32 v17, $0x0;
	v25 =	vand.u32 $0x7FFFFFFF, v17;
	v13 =	vld.idx.msk [tilespmem:v23+s11+$0x0], $0xffff  }
0x750: {  	v23 =	vmul.f32 $1.442695020e+00, v24;
	v24 =	vxor.u32 $0xFFFFFFFF, v17;
	(erf) = vpow2.f32 v20  }
0x751: {  	v20 =	vsel vm2, v25, v24;
	vm2 =	vlt.s32 v15, $0x0;
	v24 =	vand.u32 $0x7FFFFFFF, v15  }
0x752: {  	v25 =	vxor.u32 $0xFFFFFFFF, v15;
	v20 =	vmul.f32 $1.442695020e+00, v20;
	(erf) = vpow2.f32 v23  }
0x753: {  	v23 =	vsel vm2, v24, v25;
	vm2 =	vlt.s32 v14, $0x0;
	v24 =	vand.u32 $0x7FFFFFFF, v14  }
0x754: {  	v25 =	vxor.u32 $0xFFFFFFFF, v14;
	v23 =	vmul.f32 $1.442695020e+00, v23;
	(erf) = vpow2.f32 v20  }
0x755: {  	s21 =	sadd.s32 $0x8, s21;
	v20 =	vsel vm2, v24, v25;
	vm2 =	vlt.s32 v13, $0x0;
	v26 =	vand.u32 $0x7FFFFFFF, v13  }
0x756: {  	p0 =	slt.u32 s21, $0x7F8;
	v25 =	vxor.u32 $0xFFFFFFFF, v13;
	v20 =	vmul.f32 $1.442695020e+00, v20;
	(erf) = vpow2.f32 v23  }
.Ltmp47:
0x757: {  	vm3 =	vlt.u32 v8, v19;
	v19 =	vsel vm2, v26, v25;
	v23 =	vxor.u32 $0xFFFFFFFF, v10;
	v24 =	vpop (erf);
	(pc) =	sbr.rel @p0 .LBB2_85-.Ltmp47, $4  }
0x758: {  	v19 =	vmul.f32 $1.442695020e+00, v19;
	v24 =	vnsel vm3, $0x0, v24;
	(erf) = vpow2.f32 v20  }
0x759: {  	vm2 =	vlt.u32 v8, v18;
	v18 =	vsel vm1, v21, v23;
	v24 =	vadd.f32 v24, v27;
	v21 =	vpop (erf)  }
0x75a: {  	v18 =	vmul.f32 $1.442695020e+00, v18;
	v21 =	vnsel vm2, $0x0, v21;
	(erf) = vpow2.f32 v19  }
0x75b: {  	s22 =	sadd.s32 $0x10, s22;
	vm1 =	vlt.u32 v8, v22;
	v19 =	vadd.f32 v21, v24;
	v20 =	vpop (erf)  }
0x75c: {  	_ =	sdelay $0x3  }
0x75d: {  	v9 =	vld.idx.msk [tilespmem:v9+s11+$0x0], $0xffff  }
0x75e: {  	s0 =	sadd.s32 $0xFFFFFFF6, s20;
	v20 =	vnsel vm1, $0x0, v20;
	vm1 =	vlt.u32 v8, v17;
	(erf) = vpow2.f32 v18;
	v12 =	vld.idx.msk [tilespmem:v12+s11+$0x0], $0xffff  }
0x75f: {  	s30 =	sadd.s32 $0xFFFFFFF8, s20;
	v11 =	vld.idx.msk [tilespmem:v11+s11+$0x0], $0xffff;
	vm2 =	vlt.u32 v8, v14;
	v21 =	vadd.s32 s0, v4;
	v19 =	vadd.f32 v20, v19;
	v57 =	vpop (erf)  }
0x760: {  	s1 =	sadd.s32 $0xFFFFFFFC, s20;
	vm3 =	vlt.u32 v8, v13;
	v58 =	vadd.s32 s30, v4;
	v17 =	vnsel vm1, $0x0, v57  }
0x761: {  	s21 =	sadd.s32 $0xFFFFFFFE, s20;
	s31 =	sadd.s32 $0xFFFFFFFA, s20;
	v60 =	vadd.s32 s1, v4;
	vm1 =	vlt.u32 v8, v15;
	v17 =	vadd.f32 v17, v19;
	v59 =	vpop (erf)  }
0x762: {  	v61 =	vadd.s32 s21, v4;
	v22 =	vadd.s32 s31, v4;
	v15 =	vnsel vm1, $0x0, v59  }
0x763: {  	v15 =	vadd.f32 v15, v17;
	vm1 =	vlt.s32 v9, $0x0;
	vm4 =	vlt.s32 v12, $0x0  }
0x764: {  	v62 =	vpop (erf);
	v27 =	vand.u32 $0x7FFFFFFF, v12;
	v28 =	vxor.u32 $0xFFFFFFFF, v12;
	v30 =	vand.u32 $0x7FFFFFFF, v11;
	v63 =	vld.idx.msk [tilespmem:v21+s11+$0x0], $0xffff  }
0x765: {  	v32 =	vxor.u32 $0xFFFFFFFF, v11;
	v44 =	vand.u32 $0x7FFFFFFF, v9;
	v14 =	vnsel vm2, $0x0, v62  }
0x766: {  	v49 =	vxor.u32 $0xFFFFFFFF, v9;
	vm2 =	vlt.u32 v8, v10;
	v26 =	vld.idx.msk [tilespmem:v58+s11+$0x0], $0xffff;
	v24 =	vadd.f32 v14, v15;
	v25 =	vpop (erf)  }
0x767: {  	v29 =	vsel vm4, v27, v28;
	v13 =	vnsel vm3, $0x0, v25;
	vm3 =	vlt.s32 v11, $0x0  }
0x768: {  	v31 =	vld.idx.msk [tilespmem:v22+s11+$0x0], $0xffff;
	v10 =	vadd.f32 v13, v24;
	v13 =	vmul.f32 $1.442695020e+00, v29;
	v15 =	vsel vm3, v30, v32;
	v43 =	vpop (erf)  }
0x769: {  	v15 =	vmul.f32 $1.442695020e+00, v15;
	v22 =	vnsel vm2, $0x0, v43;
	vm3 =	vlt.s32 v63, $0x0  }
0x76a: {  	v19 =	vld.idx.msk [tilespmem:v60+s11+$0x0], $0xffff;
	v33 =	vand.u32 $0x7FFFFFFF, v63;
	v34 =	vxor.u32 $0xFFFFFFFF, v63;
	(erf) = vpow2.f32 v13  }
0x76b: {  	v36 =	vand.u32 $0x7FFFFFFF, v26;
	v37 =	vxor.u32 $0xFFFFFFFF, v26;
	v35 =	vsel vm3, v33, v34  }
0x76c: {  	v20 =	vld.idx.msk [tilespmem:v61+s11+$0x0], $0xffff;
	vm3 =	vlt.s32 v26, $0x0;
	(erf) = vpow2.f32 v15;
	v13 =	vmul.f32 $1.442695020e+00, v35  }
0x76d: {  	v39 =	vand.u32 $0x7FFFFFFF, v31;
	v40 =	vxor.u32 $0xFFFFFFFF, v31;
	v38 =	vsel vm3, v36, v37  }
0x76e: {  	vm3 =	vlt.s32 v31, $0x0;
	v15 =	vmul.f32 $1.442695020e+00, v38;
	(erf) = vpow2.f32 v13  }
0x76f: {  	v42 =	vand.u32 $0x7FFFFFFF, v19;
	v23 =	vxor.u32 $0xFFFFFFFF, v19;
	v41 =	vsel vm3, v39, v40  }
0x770: {  	vm3 =	vlt.s32 v19, $0x0;
	v13 =	vmul.f32 $1.442695020e+00, v41;
	(erf) = vpow2.f32 v15  }
0x771: {  	vm2 =	vlt.s32 v20, $0x0;
	v45 =	vand.u32 $0x7FFFFFFF, v20;
	v21 =	vsel vm3, v42, v23  }
0x772: {  	v47 =	vxor.u32 $0xFFFFFFFF, v20;
	v21 =	vmul.f32 $1.442695020e+00, v21;
	(erf) = vpow2.f32 v13  }
0x773: {  	v10 =	vadd.f32 v22, v10;
	vm3 =	vlt.u32 v8, v12;
	v13 =	vsel vm2, v45, v47;
	v46 =	vpop (erf)  }
0x774: {  	v13 =	vmul.f32 $1.442695020e+00, v13;
	(erf) = vpow2.f32 v21;
	v12 =	vnsel vm3, $0x0, v46  }
0x775: {  	vm2 =	vlt.u32 v8, v11;
	v48 =	vpop (erf);
	v10 =	vadd.f32 v12, v10;
	v12 =	vsel vm1, v44, v49  }
0x776: {  	(erf) = vpow2.f32 v13;
	v11 =	vnsel vm2, $0x0, v48;
	v12 =	vmul.f32 $1.442695020e+00, v12  }
0x777: {  	vm1 =	vlt.u32 v8, v63;
	v10 =	vadd.f32 v11, v10;
	v50 =	vpop (erf)  }
0x778: {  	v11 =	vnsel vm1, $0x0, v50;
	(erf) = vpow2.f32 v12  }
0x779: {  	vm1 =	vlt.u32 v8, v26;
	v51 =	vpop (erf);
	v10 =	vadd.f32 v11, v10  }
0x77a: {  	v11 =	vnsel vm1, $0x0, v51  }
0x77b: {  	vm1 =	vlt.u32 v8, v31;
	v52 =	vpop (erf);
	v10 =	vadd.f32 v11, v10  }
0x77c: {  	v54 =	vand.u32 $0x7FFFFFFF, v8;
	v11 =	vnsel vm1, $0x0, v52  }
0x77d: {  	v55 =	vxor.u32 $0xFFFFFFFF, v8;
	vm1 =	vlt.u32 v8, v19;
	v53 =	vpop (erf);
	v10 =	vadd.f32 v11, v10  }
0x77e: {  	v56 =	vmul.f32 $1.442695020e+00, v16;
	v11 =	vnsel vm1, $0x0, v53;
	vm1 =	vlt.s32 v8, $0x0  }
0x77f: {  	vm2 =	vlt.u32 v8, v20;
	v13 =	vpop (erf);
	v10 =	vadd.f32 v11, v10;
	v11 =	vsel vm1, v54, v55  }
0x780: {  	v57 =	vnsel vm2, $0x0, v13;
	v11 =	vmul.f32 $1.442695020e+00, v11  }
0x781: {  	(erf) = vpow2.f32 v56;
	vm1 =	vlt.u32 v8, v9;
	v58 =	vadd.f32 v57, v10;
	v59 =	vpop (erf)  }
0x782: {  	v60 =	vor.u32 $0x8, v0;
	v9 =	vnsel vm1, $0x0, v59;
	(erf) = vpow2.f32 v11  }
0x783: {  	v8 =	vadd.f32 v9, v58;
	_ =	sdelay $0x1  }
0x784: {  	[tilespmem:$0x19180] =	vst v8  }
0x785: {  	v8 =	vld.idx.msk [tilespmem:v1+s13+$0x0], $0xffff  }
0x786: {  	v61 =	vld.idx.msk [tilespmem:v60+s13+$0x0], $0xffff;
	_ =	sdelay $0x1  }
0x787: {  	v6 =	vsub.s32 v7, v6  }
0x788: {  	v6 =	vcvt.s32.f32 v6;
	v7 =	vpop (erf)  }
0x789: {  	v62 =	vpop (erf)  }
0x78a: {  	v8 =	vadd.f32 v61, v8;
	v6 =	vmul.f32 v6, v62  }
0x78b: {  	s18 =	sadd.s32 $0x1, s18;
	v63 =	vor.u32 s19, v1  }
0x78c: {  	p0 =	sne.s32 s18, $0x8;
	v6 =	vadd.f32 v8, v6  }
.Ltmp48:
0x78d: {  	_ = 	snop;
	(pc) =	sbr.rel @p0 .LBB2_2-.Ltmp48, $3  }
0x78e: {  	v6 =	vadd.f32 v6, v7;
	_ =	sdelay $0x1  }
0x78f: {  	[tilespmem:v63+s14+$0x0] =	vst.idx.msk $0xff, v6  }
0x790: {  	[tilespmem:v63+s15+$0x0] =	vst.idx.msk $0xff, v16  }
0x791: {  	_ =	swait.ge [sflag:s9], $0x8000  }
0x792: {  	[sflag:s9] =	ssyncset.done $0x0  }
0x793: {  	[sflag:s9] =	ssyncadd.s32 $0xFFFF8000  }
0x794: {  	[hbm4b:s6+s2] =	stream.linear.scatter [tilespmem:s14], [sflag:$0x2], $0x80, $0x38;
	[tilespmem:$0x19300] =	vst v63  }
0x795: {  	s17 =	sadd.s32 $0x1, s17;
	_ =	swait.ge [sflag:s16], $0x80  }
0x796: {  	p0 =	sne.s32 s17, s8;
	[sflag:s16] =	ssyncset.done $0x0  }
.Ltmp49:
0x797: {  	[sflag:s16] =	ssyncadd.s32 $0xFFFFFF80;
	(pc) =	sbr.rel @p0 .LBB2_1-.Ltmp49, $4  }
0x798: {  	[hbm4b:s7+s2] =	stream.linear.scatter [tilespmem:s15], [sflag:$0x2], $0x80, $0x38;
	[tilespmem:$0x19300] =	vst v63  }
0x799: {  	_ =	swait.ge [sflag:s16], $0x80  }
0x79a: {  	[sflag:s16] =	ssyncset.done $0x0  }
0x79b: {  	[sflag:s16] =	ssyncadd.s32 $0xFFFFFF80  }
0x79c: {  	_ =	sfence.sel $0x180000  }
0x79d: {  	[bflag:$0x0] =	sbarrier.arrive $0xFFFF  }
0x79e: {  	_ =	strace $0x90000047  }
0x79f: {  	s0 =	stileid.u32;
	[bflag:$0x2] =	sbarrier.arrive $0xFFFF  }
0x7a0: {  	p0 =	sne.s32 s0, $0x0;
	s0 =	rddreg [dreg:$0x3]  }
0x7a1: {  	s0 =	sadd.s32 @!p0 $0x100000, s0  }
0x7a2: {  	[sflag:s0] =	ssyncadd.tile.s32 @!p0 $0x1;
	_ =	shalt  }
.Lfunc_end2:
_tile_overlayer_lowered:
.L_overlay_start_2:
0x7a3: {  	(tag) =	ssettag $0x2  }
0x7a4: {  	s0 =	rddreg [dreg:$0x0];
	s2 =	stileid.u32  }
0x7a5: {  	s1 =	rddreg [dreg:$0x1];
	p0 =	sne.s32 s2, $0x0  }
0x7a6: {  	s3 =	rddreg [dreg:$0x2];
	[bflag:$0x3] =	sbarrier.arrive $0xFFFF;
	s2 =	simm.s32 @!p0 $0x1C02  }
0x7a7: {  	[timem:s3], [sflag:s2] =	dma.local @!p0 [hbm:s0], s1  }
0x7a8: {  	s0 =	simm.s32 @!p0 $0x2  }
0x7a9: {  	_ =	swait.ge @!p0 [sflag:s0], s1  }
0x7aa: {  	s1 =	ssub.s32 @!p0 $0x0, s1;
	[sflag:s0] =	ssyncset.done @!p0 $0x0  }
0x7ab: {  	[sflag:s0] =	ssyncadd.s32 @!p0 s1  }
0x7ac: {  	[bflag:$0x3] =	sbarrier.arrive $0xFFFF  }
0x7ad: {  	_ =	shalt  }

</sc_bundles>
